<compile_context>
chip_gen: v7x
topology: tpu7x:2x2x1
jax: 0.10.2.dev20260603
libtpu: 0.0.44.dev20260713+nightly
codegen_flags: <defaults>
</compile_context>

<pallas_src>
import functools
import jax
import jax.numpy as jnp
from jax import lax
from jax.experimental import pallas as pl
from jax.experimental.pallas import tpu as pltpu
from jax.experimental.pallas import tpu_sc as plsc

NU = 50000
NI = 50000
E = 800000
D = 64
LAYERS = 3

HALF = 25000
ACC = 25088
RP = ACC // 16
K = 80
INNER = 25
GW = INNER * K
NG = -(-E // (16 * GW))
TECW = NG * GW
CAPW = 16 * TECW
PAD = CAPW - E

_mesh = plsc.VectorSubcoreMesh(core_axis_name="c", subcore_axis_name="s")


@functools.partial(
    pl.kernel,
    out_type=jax.ShapeDtypeStruct((2 * ACC, D), jnp.float32),
    mesh=_mesh,
    compiler_params=pltpu.CompilerParams(use_tc_tiling_on_sc=False),
    scratch_types=[
        pltpu.VMEM((GW,), jnp.int32),
        pltpu.VMEM((GW,), jnp.int32),
        pltpu.VMEM((K,), jnp.int32),
        pltpu.VMEM((K,), jnp.int32),
        pltpu.VMEM((K, D), jnp.float32),
        pltpu.VMEM((K, D), jnp.float32),
        pltpu.VMEM_SHARED((ACC, D), jnp.float32),
        pltpu.SemaphoreType.DMA,
        pltpu.SemaphoreType.DMA,
    ],
)
def _spmm(tab, gidx, dloc, zeros, out,
          gv, dv, dst0, dst1, rows0, rows1, acc, sem0, sem1):
    c = lax.axis_index("c")
    s = lax.axis_index("s")
    base_row = s * RP

    pltpu.sync_copy(zeros, acc.at[pl.ds(base_row, RP)])
    plsc.subcore_barrier()

    def gather_start(j, rows, sem):
        pltpu.async_copy(tab.at[gv.at[pl.ds(j * K, K)]], rows, sem)

    def gather_wait(j, rows, sem):
        pltpu.make_async_copy(tab.at[gv.at[pl.ds(j * K, K)]], rows,
                              sem).wait()

    def scatter(j, rows, dst):
        for m in range(K // 16):
            dst[pl.ds(m * 16, 16)] = dv[pl.ds(j * K + m * 16, 16)]
        pltpu.sync_copy(rows, acc.at[dst], add=True)

    def outer(o, carry):
        goff = s * TECW + o * GW
        pltpu.sync_copy(gidx.at[pl.ds(goff, GW)], gv)
        pltpu.sync_copy(dloc.at[pl.ds(c * CAPW + goff, GW)], dv)
        gather_start(0, rows0, sem0)

        def pair(p, carry2):
            j0 = 2 * p
            gather_start(j0 + 1, rows1, sem1)
            gather_wait(j0, rows0, sem0)
            scatter(j0, rows0, dst0)
            gather_start(j0 + 2, rows0, sem0)
            gather_wait(j0 + 1, rows1, sem1)
            scatter(j0 + 1, rows1, dst1)
            return carry2

        lax.fori_loop(0, (INNER - 1) // 2, pair, 0)
        gather_wait(INNER - 1, rows0, sem0)
        scatter(INNER - 1, rows0, dst0)
        return carry

    lax.fori_loop(0, NG, outer, 0)
    plsc.subcore_barrier()
    pltpu.sync_copy(acc.at[pl.ds(base_row, RP)],
                    out.at[pl.ds(c * ACC + base_row, RP)])


def _build_idx(gather_idx, dst_idx):
    gpad = jnp.concatenate([gather_idx, jnp.zeros((PAD,), jnp.int32)])
    dpad = jnp.concatenate([dst_idx, jnp.full((PAD,), 2 * HALF, jnp.int32)])
    locs = []
    for c in range(2):
        rel = dpad - c * HALF
        locs.append(jnp.where((rel >= 0) & (rel < HALF), rel, HALF))
    return gpad, jnp.concatenate(locs)


def _unpad(padded):
    return jnp.concatenate([padded[:HALF], padded[ACC:ACC + HALF]], axis=0)


def kernel(users, items, items_neg, edge_users, edge_items,
           user_embeds, item_embeds):
    eu = edge_users.astype(jnp.int32)
    ei = edge_items.astype(jnp.int32)

    u_deg = jnp.bincount(eu, length=NU)
    i_deg = jnp.bincount(ei, length=NI)
    u_norm = jnp.clip(u_deg, 1, None).astype(jnp.float32) ** -0.5
    i_norm = jnp.clip(i_deg, 1, None).astype(jnp.float32) ** -0.5

    gu, du = _build_idx(ei, eu)
    gi, di = _build_idx(eu, ei)
    zeros = jnp.zeros((RP, D), jnp.float32)

    ue = [user_embeds]
    ie = [item_embeds]
    for _ in range(LAYERS):
        nu = u_norm[:, None] * _unpad(_spmm(i_norm[:, None] * ie[-1],
                                            gu, du, zeros))
        ni = i_norm[:, None] * _unpad(_spmm(u_norm[:, None] * ue[-1],
                                            gi, di, zeros))
        ue.append(nu)
        ie.append(ni)

    final_u = sum(ue) / float(len(ue))
    final_i = sum(ie) / float(len(ie))

    u = final_u[users]
    it = final_i[items]
    it_neg = final_i[items_neg]
    pos = (u * it).sum(-1)
    neg = (u[:, None] * it_neg).sum(-1)
    return pos, neg

# --- scband reference (transcript-rebuilt; emitter-appended) ---
"""Pipeline reference for scband-light-gcn-41137196761285 (READ-ONLY COPY).

The authoritative reference and input builder live on the scoring server;
editing this copy changes nothing except your own understanding.
"""

import jax, jax.numpy as jnp
import numpy as np

NUM_USERS = 50000
NUM_ITEMS = 50000
NUM_EDGES = 800000
EMBED = 64
NUM_LAYERS = 3
BATCH = 4096
N_NEG = 8

def setup_inputs(seed: int = 0) -> dict:
    key = jax.random.key(seed)
    k = jax.random.split(key, 7)
    return {
        "users": jax.random.randint(k[0], (BATCH,), 0, NUM_USERS),
        "items": jax.random.randint(k[1], (BATCH,), 0, NUM_ITEMS),
        "items_neg": jax.random.randint(k[2], (BATCH, N_NEG), 0, NUM_ITEMS),
        "edge_users": jax.random.randint(k[3], (NUM_EDGES,), 0, NUM_USERS),
        "edge_items": jax.random.randint(k[4], (NUM_EDGES,), 0, NUM_ITEMS),
        "user_embeds": jax.random.normal(k[5], (NUM_USERS, EMBED), dtype=jnp.float32),
        "item_embeds": jax.random.normal(k[6], (NUM_ITEMS, EMBED), dtype=jnp.float32),
    }

def _propagate(user_embeds, item_embeds, edge_users, edge_items):
    # symmetric-normalized bipartite adjacency values: d_u^-0.5 * d_i^-0.5
    u_deg = jnp.bincount(edge_users, length=NUM_USERS)
    i_deg = jnp.bincount(edge_items, length=NUM_ITEMS)
    u_norm = jnp.clip(u_deg, 1, None).astype(jnp.float32) ** -0.5
    i_norm = jnp.clip(i_deg, 1, None).astype(jnp.float32) ** -0.5
    vals = u_norm[edge_users] * i_norm[edge_items]
    ue_list = [user_embeds]
    ie_list = [item_embeds]
    for l in range(NUM_LAYERS):
        # matrix @ item_embeds  (scatter-add to users)
        new_u = jax.ops.segment_sum(vals[:, None] * ie_list[l][edge_items], edge_users, num_segments=NUM_USERS)
        # matrix.T @ user_embeds (scatter-add to items)
        new_i = jax.ops.segment_sum(vals[:, None] * ue_list[l][edge_users], edge_items, num_segments=NUM_ITEMS)
        ue_list.append(new_u)
        ie_list.append(new_i)
    final_u = sum(ue_list) / float(len(ue_list))
    final_i = sum(ie_list) / float(len(ie_list))
    return final_u, final_i

def reference(users, items, items_neg, edge_users, edge_items, user_embeds, item_embeds):
    # items_neg is provided -> compute_final_embeds path; dropout p=0.0 is identity
    final_u, final_i = _propagate(user_embeds, item_embeds, edge_users, edge_items)
    u = final_u[users]
    it = final_i[items]
    it_neg = final_i[items_neg]
    pos = (u * it).sum(-1)
    neg = (u[:, None] * it_neg).sum(-1)
    return pos, neg

if __name__ == "__main__":
    import jax
    _d = setup_inputs()
    print(jax.jit(kernel)(*tuple(_d.values())))

</pallas_src>

<mosaic_0001>
#map = affine_map<(d0, d1) -> (0, 0)>
#map1 = affine_map<(d0, d1) -> (0)>
module attributes {stable_mosaic.version = 14 : i64} {
  func.func @_spmm(%arg0: i32, %arg1: i32, %arg2: memref<50000x64xf32, #tpu.memory_space<hbm>>, %arg3: memref<800000xi32, #tpu.memory_space<hbm>>, %arg4: memref<1600000xi32, #tpu.memory_space<hbm>>, %arg5: memref<1568x64xf32, #tpu.memory_space<hbm>>, %arg6: memref<50176x64xf32, #tpu.memory_space<hbm>>, %arg7: memref<2000xi32, #tpu.memory_space<vmem>>, %arg8: memref<2000xi32, #tpu.memory_space<vmem>>, %arg9: memref<80xi32, #tpu.memory_space<vmem>>, %arg10: memref<80xi32, #tpu.memory_space<vmem>>, %arg11: memref<80x64xf32, #tpu.memory_space<vmem>>, %arg12: memref<80x64xf32, #tpu.memory_space<vmem>>, %arg13: memref<25088x64xf32, #tpu.memory_space<vmem_shared>>, %arg14: memref<!tpu.dma_semaphore, #tpu.memory_space<semaphore_mem>>, %arg15: memref<!tpu.dma_semaphore, #tpu.memory_space<semaphore_mem>>) attributes {dimension_semantics = [#tpu.dimension_semantics<core_parallel>, #tpu.dimension_semantics<subcore_parallel>], iteration_bounds = array<i64: 2, 16>, scalar_prefetch = 0 : i64, scratch_operands = 9 : i64, tpu.core_type = #tpu.core_type<sc_vector_subcore>, window_params = [{transform_indices = #map}, {transform_indices = #map1}, {transform_indices = #map1}, {transform_indices = #map}, {transform_indices = #map}]} {
    %mul3A = arith.constant 1568 : i32
    %mul3A_0 = arith.muli %arg1, %mul3A : i32
    "tpu.region"() ({
      %run_scoped3A = tpu.sem_alloc : memref<!tpu.dma_semaphore, #tpu.memory_space<semaphore_mem>>
      %dma_start3A = arith.constant 0 : i32
      %dma_start3A_9 = tpu.memref_slice %arg13[%mul3A_0, %dma_start3A] : memref<25088x64xf32, #tpu.memory_space<vmem_shared>> -> memref<1568x64xf32, #tpu.memory_space<vmem_shared>>
      tpu.enqueue_dma source(%arg5 : memref<1568x64xf32, #tpu.memory_space<hbm>>) target(%dma_start3A_9 : memref<1568x64xf32, #tpu.memory_space<vmem_shared>>) target_semaphore(%run_scoped3A : memref<!tpu.dma_semaphore, #tpu.memory_space<semaphore_mem>>)
      %dma_wait3A = arith.constant 0 : i32
      %dma_wait3A_10 = tpu.memref_slice %arg13[%mul3A_0, %dma_wait3A] : memref<25088x64xf32, #tpu.memory_space<vmem_shared>> -> memref<1568x64xf32, #tpu.memory_space<vmem_shared>>
      tpu.wait_dma2 semaphore(%run_scoped3A : memref<!tpu.dma_semaphore, #tpu.memory_space<semaphore_mem>>) src(%arg5 : memref<1568x64xf32, #tpu.memory_space<hbm>>) dst(%dma_wait3A_10 : memref<1568x64xf32, #tpu.memory_space<vmem_shared>>)
      tpu.yield
    }) : () -> ()
    %barrier3A = arith.constant 0 : index
    tpu.barrier barrier_id(%barrier3A)
    %scan3A = arith.constant 0 : i32
    %scan3A_1 = arith.constant 0 : i32
    %scan3A_2 = arith.constant 25 : i32
    %scan3A_3 = arith.addi %scan3A_1, %scan3A_2 : i32
    %scan3A_4 = arith.constant 1 : i32
    scf.for %scan3A_9 = %scan3A_1 to %scan3A_3 step %scan3A_4  : i32 {
      %mul3A_10 = arith.constant 50000 : i32
      %mul3A_11 = arith.muli %arg1, %mul3A_10 : i32
      %mul3A_12 = arith.constant 2000 : i32
      %mul3A_13 = arith.muli %scan3A_9, %mul3A_12 : i32
      %add3A_14 = arith.addi %mul3A_11, %mul3A_13 : i32
      "tpu.region"() ({
        %run_scoped3A = tpu.sem_alloc : memref<!tpu.dma_semaphore, #tpu.memory_space<semaphore_mem>>
        %dma_start3A_65 = tpu.memref_slice %arg3[%add3A_14] : memref<800000xi32, #tpu.memory_space<hbm>> -> memref<2000xi32, #tpu.memory_space<hbm>>
        %dma_start3A_66 = tpu.memref_slice %arg3[%add3A_14] : memref<800000xi32, #tpu.memory_space<hbm>> -> memref<2000xi32, #tpu.memory_space<hbm>>
        tpu.enqueue_dma source(%dma_start3A_66 : memref<2000xi32, #tpu.memory_space<hbm>>) target(%arg7 : memref<2000xi32, #tpu.memory_space<vmem>>) target_semaphore(%run_scoped3A : memref<!tpu.dma_semaphore, #tpu.memory_space<semaphore_mem>>)
        %dma_wait3A_67 = tpu.memref_slice %arg3[%add3A_14] : memref<800000xi32, #tpu.memory_space<hbm>> -> memref<2000xi32, #tpu.memory_space<hbm>>
        %dma_wait3A_68 = tpu.memref_slice %arg3[%add3A_14] : memref<800000xi32, #tpu.memory_space<hbm>> -> memref<2000xi32, #tpu.memory_space<hbm>>
        tpu.wait_dma2 semaphore(%run_scoped3A : memref<!tpu.dma_semaphore, #tpu.memory_space<semaphore_mem>>) src(%dma_wait3A_68 : memref<2000xi32, #tpu.memory_space<hbm>>) dst(%arg7 : memref<2000xi32, #tpu.memory_space<vmem>>)
        tpu.yield
      }) : () -> ()
      %mul3A_15 = arith.constant 800000 : i32
      %mul3A_16 = arith.muli %arg0, %mul3A_15 : i32
      %add3A_17 = arith.addi %mul3A_16, %add3A_14 : i32
      "tpu.region"() ({
        %run_scoped3A = tpu.sem_alloc : memref<!tpu.dma_semaphore, #tpu.memory_space<semaphore_mem>>
        %dma_start3A_65 = tpu.memref_slice %arg4[%add3A_17] : memref<1600000xi32, #tpu.memory_space<hbm>> -> memref<2000xi32, #tpu.memory_space<hbm>>
        %dma_start3A_66 = tpu.memref_slice %arg4[%add3A_17] : memref<1600000xi32, #tpu.memory_space<hbm>> -> memref<2000xi32, #tpu.memory_space<hbm>>
        tpu.enqueue_dma source(%dma_start3A_66 : memref<2000xi32, #tpu.memory_space<hbm>>) target(%arg8 : memref<2000xi32, #tpu.memory_space<vmem>>) target_semaphore(%run_scoped3A : memref<!tpu.dma_semaphore, #tpu.memory_space<semaphore_mem>>)
        %dma_wait3A_67 = tpu.memref_slice %arg4[%add3A_17] : memref<1600000xi32, #tpu.memory_space<hbm>> -> memref<2000xi32, #tpu.memory_space<hbm>>
        %dma_wait3A_68 = tpu.memref_slice %arg4[%add3A_17] : memref<1600000xi32, #tpu.memory_space<hbm>> -> memref<2000xi32, #tpu.memory_space<hbm>>
        tpu.wait_dma2 semaphore(%run_scoped3A : memref<!tpu.dma_semaphore, #tpu.memory_space<semaphore_mem>>) src(%dma_wait3A_68 : memref<2000xi32, #tpu.memory_space<hbm>>) dst(%arg8 : memref<2000xi32, #tpu.memory_space<vmem>>)
        tpu.yield
      }) : () -> ()
      %dma_start3A = arith.constant 0 : i32
      %dma_start3A_18 = tpu.memref_slice %arg7[%dma_start3A] : memref<2000xi32, #tpu.memory_space<vmem>> -> memref<80xi32, #tpu.memory_space<vmem>>
      %dma_start3A_19 = arith.constant 0 : i32
      %dma_start3A_20 = arith.constant 0 : i32
      %dma_start3A_21 = tpu.memref_slice %arg2[%dma_start3A_19, %dma_start3A_20] : memref<50000x64xf32, #tpu.memory_space<hbm>> -> memref<50000x64xf32, #tpu.memory_space<hbm>>
      tpu.enqueue_indirect_dma source(%dma_start3A_21 : memref<50000x64xf32, #tpu.memory_space<hbm>>) target(%arg11 : memref<80x64xf32, #tpu.memory_space<vmem>>) offsets(%dma_start3A_18 : memref<80xi32, #tpu.memory_space<vmem>>) semaphore(%arg14 : memref<!tpu.dma_semaphore, #tpu.memory_space<semaphore_mem>>)
      %scan3A_22 = arith.constant 0 : i32
      %scan3A_23 = arith.constant 0 : i32
      %scan3A_24 = arith.constant 12 : i32
      %scan3A_25 = arith.addi %scan3A_23, %scan3A_24 : i32
      %scan3A_26 = arith.constant 1 : i32
      scf.for %scan3A_65 = %scan3A_23 to %scan3A_25 step %scan3A_26  : i32 {
        %mul3A_66 = arith.constant 2 : i32
        %mul3A_67 = arith.muli %mul3A_66, %scan3A_65 : i32
        %add3A_68 = arith.constant 1 : i32
        %add3A_69 = arith.addi %mul3A_67, %add3A_68 : i32
        %mul3A_70 = arith.constant 80 : i32
        %mul3A_71 = arith.muli %add3A_69, %mul3A_70 : i32
        %dma_start3A_72 = tpu.memref_slice %arg7[%mul3A_71] : memref<2000xi32, #tpu.memory_space<vmem>> -> memref<80xi32, #tpu.memory_space<vmem>>
        %dma_start3A_73 = arith.constant 0 : i32
        %dma_start3A_74 = arith.constant 0 : i32
        %dma_start3A_75 = tpu.memref_slice %arg2[%dma_start3A_73, %dma_start3A_74] : memref<50000x64xf32, #tpu.memory_space<hbm>> -> memref<50000x64xf32, #tpu.memory_space<hbm>>
        tpu.enqueue_indirect_dma source(%dma_start3A_75 : memref<50000x64xf32, #tpu.memory_space<hbm>>) target(%arg12 : memref<80x64xf32, #tpu.memory_space<vmem>>) offsets(%dma_start3A_72 : memref<80xi32, #tpu.memory_space<vmem>>) semaphore(%arg15 : memref<!tpu.dma_semaphore, #tpu.memory_space<semaphore_mem>>)
        %mul3A_76 = arith.constant 80 : i32
        %mul3A_77 = arith.muli %mul3A_67, %mul3A_76 : i32
        %dma_wait3A_78 = tpu.memref_slice %arg7[%mul3A_77] : memref<2000xi32, #tpu.memory_space<vmem>> -> memref<80xi32, #tpu.memory_space<vmem>>
        %dma_wait3A_79 = arith.constant 0 : i32
        %dma_wait3A_80 = arith.constant 0 : i32
        %dma_wait3A_81 = tpu.memref_slice %arg2[%dma_wait3A_79, %dma_wait3A_80] : memref<50000x64xf32, #tpu.memory_space<hbm>> -> memref<50000x64xf32, #tpu.memory_space<hbm>>
        tpu.wait_indirect_dma semaphore(%arg14 : memref<!tpu.dma_semaphore, #tpu.memory_space<semaphore_mem>>) src(%dma_wait3A_81 : memref<50000x64xf32, #tpu.memory_space<hbm>>) dst(%arg11 : memref<80x64xf32, #tpu.memory_space<vmem>>)
        %mul3A_82 = arith.constant 80 : i32
        %mul3A_83 = arith.muli %mul3A_67, %mul3A_82 : i32
        %add3A_84 = arith.constant 0 : i32
        %add3A_85 = arith.addi %mul3A_83, %add3A_84 : i32
        %get3A_86 = arith.index_cast %add3A_85 : i32 to index
        %get3A_87 = tpu.vector_load %arg8[%get3A_86] {strides = array<i32>} : memref<2000xi32, #tpu.memory_space<vmem>>, vector<16xi32>,
        %get3A_88 = vector.shape_cast %get3A_87 : vector<16xi32> to vector<16xi32>
        %swap3A_89 = arith.constant 0 : index
        %swap3A_90 = tpu.vector_load %arg9[%swap3A_89] {strides = array<i32>} : memref<80xi32, #tpu.memory_space<vmem>>, vector<16xi32>,
        %swap3A_91 = vector.shape_cast %swap3A_90 : vector<16xi32> to vector<16xi32>
        %swap3A_92 = vector.shape_cast %get3A_88 : vector<16xi32> to vector<16xi32>
        tpu.vector_store %arg9[%swap3A_89], %swap3A_92 {strides = array<i32>} : memref<80xi32, #tpu.memory_space<vmem>>, vector<16xi32>,
        %mul3A_93 = arith.constant 80 : i32
        %mul3A_94 = arith.muli %mul3A_67, %mul3A_93 : i32
        %add3A_95 = arith.constant 16 : i32
        %add3A_96 = arith.addi %mul3A_94, %add3A_95 : i32
        %get3A_97 = arith.index_cast %add3A_96 : i32 to index
        %get3A_98 = tpu.vector_load %arg8[%get3A_97] {strides = array<i32>} : memref<2000xi32, #tpu.memory_space<vmem>>, vector<16xi32>,
        %get3A_99 = vector.shape_cast %get3A_98 : vector<16xi32> to vector<16xi32>
        %swap3A_100 = arith.constant 16 : index
        %swap3A_101 = tpu.vector_load %arg9[%swap3A_100] {strides = array<i32>} : memref<80xi32, #tpu.memory_space<vmem>>, vector<16xi32>,
        %swap3A_102 = vector.shape_cast %swap3A_101 : vector<16xi32> to vector<16xi32>
        %swap3A_103 = vector.shape_cast %get3A_99 : vector<16xi32> to vector<16xi32>
        tpu.vector_store %arg9[%swap3A_100], %swap3A_103 {strides = array<i32>} : memref<80xi32, #tpu.memory_space<vmem>>, vector<16xi32>,
        %mul3A_104 = arith.constant 80 : i32
        %mul3A_105 = arith.muli %mul3A_67, %mul3A_104 : i32
        %add3A_106 = arith.constant 32 : i32
        %add3A_107 = arith.addi %mul3A_105, %add3A_106 : i32
        %get3A_108 = arith.index_cast %add3A_107 : i32 to index
        %get3A_109 = tpu.vector_load %arg8[%get3A_108] {strides = array<i32>} : memref<2000xi32, #tpu.memory_space<vmem>>, vector<16xi32>,
        %get3A_110 = vector.shape_cast %get3A_109 : vector<16xi32> to vector<16xi32>
        %swap3A_111 = arith.constant 32 : index
        %swap3A_112 = tpu.vector_load %arg9[%swap3A_111] {strides = array<i32>} : memref<80xi32, #tpu.memory_space<vmem>>, vector<16xi32>,
        %swap3A_113 = vector.shape_cast %swap3A_112 : vector<16xi32> to vector<16xi32>
        %swap3A_114 = vector.shape_cast %get3A_110 : vector<16xi32> to vector<16xi32>
        tpu.vector_store %arg9[%swap3A_111], %swap3A_114 {strides = array<i32>} : memref<80xi32, #tpu.memory_space<vmem>>, vector<16xi32>,
        %mul3A_115 = arith.constant 80 : i32
        %mul3A_116 = arith.muli %mul3A_67, %mul3A_115 : i32
        %add3A_117 = arith.constant 48 : i32
        %add3A_118 = arith.addi %mul3A_116, %add3A_117 : i32
        %get3A_119 = arith.index_cast %add3A_118 : i32 to index
        %get3A_120 = tpu.vector_load %arg8[%get3A_119] {strides = array<i32>} : memref<2000xi32, #tpu.memory_space<vmem>>, vector<16xi32>,
        %get3A_121 = vector.shape_cast %get3A_120 : vector<16xi32> to vector<16xi32>
        %swap3A_122 = arith.constant 48 : index
        %swap3A_123 = tpu.vector_load %arg9[%swap3A_122] {strides = array<i32>} : memref<80xi32, #tpu.memory_space<vmem>>, vector<16xi32>,
        %swap3A_124 = vector.shape_cast %swap3A_123 : vector<16xi32> to vector<16xi32>
        %swap3A_125 = vector.shape_cast %get3A_121 : vector<16xi32> to vector<16xi32>
        tpu.vector_store %arg9[%swap3A_122], %swap3A_125 {strides = array<i32>} : memref<80xi32, #tpu.memory_space<vmem>>, vector<16xi32>,
        %mul3A_126 = arith.constant 80 : i32
        %mul3A_127 = arith.muli %mul3A_67, %mul3A_126 : i32
        %add3A_128 = arith.constant 64 : i32
        %add3A_129 = arith.addi %mul3A_127, %add3A_128 : i32
        %get3A_130 = arith.index_cast %add3A_129 : i32 to index
        %get3A_131 = tpu.vector_load %arg8[%get3A_130] {strides = array<i32>} : memref<2000xi32, #tpu.memory_space<vmem>>, vector<16xi32>,
        %get3A_132 = vector.shape_cast %get3A_131 : vector<16xi32> to vector<16xi32>
        %swap3A_133 = arith.constant 64 : index
        %swap3A_134 = tpu.vector_load %arg9[%swap3A_133] {strides = array<i32>} : memref<80xi32, #tpu.memory_space<vmem>>, vector<16xi32>,
        %swap3A_135 = vector.shape_cast %swap3A_134 : vector<16xi32> to vector<16xi32>
        %swap3A_136 = vector.shape_cast %get3A_132 : vector<16xi32> to vector<16xi32>
        tpu.vector_store %arg9[%swap3A_133], %swap3A_136 {strides = array<i32>} : memref<80xi32, #tpu.memory_space<vmem>>, vector<16xi32>,
        "tpu.region"() ({
          %run_scoped3A = tpu.sem_alloc : memref<!tpu.dma_semaphore, #tpu.memory_space<semaphore_mem>>
          %dma_start3A_210 = arith.constant 0 : i32
          %dma_start3A_211 = arith.constant 0 : i32
          %dma_start3A_212 = tpu.memref_slice %arg13[%dma_start3A_210, %dma_start3A_211] : memref<25088x64xf32, #tpu.memory_space<vmem_shared>> -> memref<25088x64xf32, #tpu.memory_space<vmem_shared>>
          tpu.enqueue_indirect_dma source(%arg11 : memref<80x64xf32, #tpu.memory_space<vmem>>) target(%dma_start3A_212 : memref<25088x64xf32, #tpu.memory_space<vmem_shared>>) offsets(%arg9 : memref<80xi32, #tpu.memory_space<vmem>>) semaphore(%run_scoped3A : memref<!tpu.dma_semaphore, #tpu.memory_space<semaphore_mem>>) {add = true}
          %dma_wait3A_213 = arith.constant 0 : i32
          %dma_wait3A_214 = arith.constant 0 : i32
          %dma_wait3A_215 = tpu.memref_slice %arg13[%dma_wait3A_213, %dma_wait3A_214] : memref<25088x64xf32, #tpu.memory_space<vmem_shared>> -> memref<25088x64xf32, #tpu.memory_space<vmem_shared>>
          tpu.wait_indirect_dma semaphore(%run_scoped3A : memref<!tpu.dma_semaphore, #tpu.memory_space<semaphore_mem>>) src(%arg11 : memref<80x64xf32, #tpu.memory_space<vmem>>) dst(%dma_wait3A_215 : memref<25088x64xf32, #tpu.memory_space<vmem_shared>>)
          tpu.yield
        }) : () -> ()
        %add3A_137 = arith.constant 2 : i32
        %add3A_138 = arith.addi %mul3A_67, %add3A_137 : i32
        %mul3A_139 = arith.constant 80 : i32
        %mul3A_140 = arith.muli %add3A_138, %mul3A_139 : i32
        %dma_start3A_141 = tpu.memref_slice %arg7[%mul3A_140] : memref<2000xi32, #tpu.memory_space<vmem>> -> memref<80xi32, #tpu.memory_space<vmem>>
        %dma_start3A_142 = arith.constant 0 : i32
        %dma_start3A_143 = arith.constant 0 : i32
        %dma_start3A_144 = tpu.memref_slice %arg2[%dma_start3A_142, %dma_start3A_143] : memref<50000x64xf32, #tpu.memory_space<hbm>> -> memref<50000x64xf32, #tpu.memory_space<hbm>>
        tpu.enqueue_indirect_dma source(%dma_start3A_144 : memref<50000x64xf32, #tpu.memory_space<hbm>>) target(%arg11 : memref<80x64xf32, #tpu.memory_space<vmem>>) offsets(%dma_start3A_141 : memref<80xi32, #tpu.memory_space<vmem>>) semaphore(%arg14 : memref<!tpu.dma_semaphore, #tpu.memory_space<semaphore_mem>>)
        %add3A_145 = arith.constant 1 : i32
        %add3A_146 = arith.addi %mul3A_67, %add3A_145 : i32
        %mul3A_147 = arith.constant 80 : i32
        %mul3A_148 = arith.muli %add3A_146, %mul3A_147 : i32
        %dma_wait3A_149 = tpu.memref_slice %arg7[%mul3A_148] : memref<2000xi32, #tpu.memory_space<vmem>> -> memref<80xi32, #tpu.memory_space<vmem>>
        %dma_wait3A_150 = arith.constant 0 : i32
        %dma_wait3A_151 = arith.constant 0 : i32
        %dma_wait3A_152 = tpu.memref_slice %arg2[%dma_wait3A_150, %dma_wait3A_151] : memref<50000x64xf32, #tpu.memory_space<hbm>> -> memref<50000x64xf32, #tpu.memory_space<hbm>>
        tpu.wait_indirect_dma semaphore(%arg15 : memref<!tpu.dma_semaphore, #tpu.memory_space<semaphore_mem>>) src(%dma_wait3A_152 : memref<50000x64xf32, #tpu.memory_space<hbm>>) dst(%arg12 : memref<80x64xf32, #tpu.memory_space<vmem>>)
        %add3A_153 = arith.constant 1 : i32
        %add3A_154 = arith.addi %mul3A_67, %add3A_153 : i32
        %mul3A_155 = arith.constant 80 : i32
        %mul3A_156 = arith.muli %add3A_154, %mul3A_155 : i32
        %add3A_157 = arith.constant 0 : i32
        %add3A_158 = arith.addi %mul3A_156, %add3A_157 : i32
        %get3A_159 = arith.index_cast %add3A_158 : i32 to index
        %get3A_160 = tpu.vector_load %arg8[%get3A_159] {strides = array<i32>} : memref<2000xi32, #tpu.memory_space<vmem>>, vector<16xi32>,
        %get3A_161 = vector.shape_cast %get3A_160 : vector<16xi32> to vector<16xi32>
        %swap3A_162 = arith.constant 0 : index
        %swap3A_163 = tpu.vector_load %arg10[%swap3A_162] {strides = array<i32>} : memref<80xi32, #tpu.memory_space<vmem>>, vector<16xi32>,
        %swap3A_164 = vector.shape_cast %swap3A_163 : vector<16xi32> to vector<16xi32>
        %swap3A_165 = vector.shape_cast %get3A_161 : vector<16xi32> to vector<16xi32>
        tpu.vector_store %arg10[%swap3A_162], %swap3A_165 {strides = array<i32>} : memref<80xi32, #tpu.memory_space<vmem>>, vector<16xi32>,
        %mul3A_166 = arith.constant 80 : i32
        %mul3A_167 = arith.muli %add3A_154, %mul3A_166 : i32
        %add3A_168 = arith.constant 16 : i32
        %add3A_169 = arith.addi %mul3A_167, %add3A_168 : i32
        %get3A_170 = arith.index_cast %add3A_169 : i32 to index
        %get3A_171 = tpu.vector_load %arg8[%get3A_170] {strides = array<i32>} : memref<2000xi32, #tpu.memory_space<vmem>>, vector<16xi32>,
        %get3A_172 = vector.shape_cast %get3A_171 : vector<16xi32> to vector<16xi32>
        %swap3A_173 = arith.constant 16 : index
        %swap3A_174 = tpu.vector_load %arg10[%swap3A_173] {strides = array<i32>} : memref<80xi32, #tpu.memory_space<vmem>>, vector<16xi32>,
        %swap3A_175 = vector.shape_cast %swap3A_174 : vector<16xi32> to vector<16xi32>
        %swap3A_176 = vector.shape_cast %get3A_172 : vector<16xi32> to vector<16xi32>
        tpu.vector_store %arg10[%swap3A_173], %swap3A_176 {strides = array<i32>} : memref<80xi32, #tpu.memory_space<vmem>>, vector<16xi32>,
        %mul3A_177 = arith.constant 80 : i32
        %mul3A_178 = arith.muli %add3A_154, %mul3A_177 : i32
        %add3A_179 = arith.constant 32 : i32
        %add3A_180 = arith.addi %mul3A_178, %add3A_179 : i32
        %get3A_181 = arith.index_cast %add3A_180 : i32 to index
        %get3A_182 = tpu.vector_load %arg8[%get3A_181] {strides = array<i32>} : memref<2000xi32, #tpu.memory_space<vmem>>, vector<16xi32>,
        %get3A_183 = vector.shape_cast %get3A_182 : vector<16xi32> to vector<16xi32>
        %swap3A_184 = arith.constant 32 : index
        %swap3A_185 = tpu.vector_load %arg10[%swap3A_184] {strides = array<i32>} : memref<80xi32, #tpu.memory_space<vmem>>, vector<16xi32>,
        %swap3A_186 = vector.shape_cast %swap3A_185 : vector<16xi32> to vector<16xi32>
        %swap3A_187 = vector.shape_cast %get3A_183 : vector<16xi32> to vector<16xi32>
        tpu.vector_store %arg10[%swap3A_184], %swap3A_187 {strides = array<i32>} : memref<80xi32, #tpu.memory_space<vmem>>, vector<16xi32>,
        %mul3A_188 = arith.constant 80 : i32
        %mul3A_189 = arith.muli %add3A_154, %mul3A_188 : i32
        %add3A_190 = arith.constant 48 : i32
        %add3A_191 = arith.addi %mul3A_189, %add3A_190 : i32
        %get3A_192 = arith.index_cast %add3A_191 : i32 to index
        %get3A_193 = tpu.vector_load %arg8[%get3A_192] {strides = array<i32>} : memref<2000xi32, #tpu.memory_space<vmem>>, vector<16xi32>,
        %get3A_194 = vector.shape_cast %get3A_193 : vector<16xi32> to vector<16xi32>
        %swap3A_195 = arith.constant 48 : index
        %swap3A_196 = tpu.vector_load %arg10[%swap3A_195] {strides = array<i32>} : memref<80xi32, #tpu.memory_space<vmem>>, vector<16xi32>,
        %swap3A_197 = vector.shape_cast %swap3A_196 : vector<16xi32> to vector<16xi32>
        %swap3A_198 = vector.shape_cast %get3A_194 : vector<16xi32> to vector<16xi32>
        tpu.vector_store %arg10[%swap3A_195], %swap3A_198 {strides = array<i32>} : memref<80xi32, #tpu.memory_space<vmem>>, vector<16xi32>,
        %mul3A_199 = arith.constant 80 : i32
        %mul3A_200 = arith.muli %add3A_154, %mul3A_199 : i32
        %add3A_201 = arith.constant 64 : i32
        %add3A_202 = arith.addi %mul3A_200, %add3A_201 : i32
        %get3A_203 = arith.index_cast %add3A_202 : i32 to index
        %get3A_204 = tpu.vector_load %arg8[%get3A_203] {strides = array<i32>} : memref<2000xi32, #tpu.memory_space<vmem>>, vector<16xi32>,
        %get3A_205 = vector.shape_cast %get3A_204 : vector<16xi32> to vector<16xi32>
        %swap3A_206 = arith.constant 64 : index
        %swap3A_207 = tpu.vector_load %arg10[%swap3A_206] {strides = array<i32>} : memref<80xi32, #tpu.memory_space<vmem>>, vector<16xi32>,
        %swap3A_208 = vector.shape_cast %swap3A_207 : vector<16xi32> to vector<16xi32>
        %swap3A_209 = vector.shape_cast %get3A_205 : vector<16xi32> to vector<16xi32>
        tpu.vector_store %arg10[%swap3A_206], %swap3A_209 {strides = array<i32>} : memref<80xi32, #tpu.memory_space<vmem>>, vector<16xi32>,
        "tpu.region"() ({
          %run_scoped3A = tpu.sem_alloc : memref<!tpu.dma_semaphore, #tpu.memory_space<semaphore_mem>>
          %dma_start3A_210 = arith.constant 0 : i32
          %dma_start3A_211 = arith.constant 0 : i32
          %dma_start3A_212 = tpu.memref_slice %arg13[%dma_start3A_210, %dma_start3A_211] : memref<25088x64xf32, #tpu.memory_space<vmem_shared>> -> memref<25088x64xf32, #tpu.memory_space<vmem_shared>>
          tpu.enqueue_indirect_dma source(%arg12 : memref<80x64xf32, #tpu.memory_space<vmem>>) target(%dma_start3A_212 : memref<25088x64xf32, #tpu.memory_space<vmem_shared>>) offsets(%arg10 : memref<80xi32, #tpu.memory_space<vmem>>) semaphore(%run_scoped3A : memref<!tpu.dma_semaphore, #tpu.memory_space<semaphore_mem>>) {add = true}
          %dma_wait3A_213 = arith.constant 0 : i32
          %dma_wait3A_214 = arith.constant 0 : i32
          %dma_wait3A_215 = tpu.memref_slice %arg13[%dma_wait3A_213, %dma_wait3A_214] : memref<25088x64xf32, #tpu.memory_space<vmem_shared>> -> memref<25088x64xf32, #tpu.memory_space<vmem_shared>>
          tpu.wait_indirect_dma semaphore(%run_scoped3A : memref<!tpu.dma_semaphore, #tpu.memory_space<semaphore_mem>>) src(%arg12 : memref<80x64xf32, #tpu.memory_space<vmem>>) dst(%dma_wait3A_215 : memref<25088x64xf32, #tpu.memory_space<vmem_shared>>)
          tpu.yield
        }) : () -> ()
      }
      %scan3A_27 = arith.constant 12 : i32
      %dma_wait3A = arith.constant 1920 : i32
      %dma_wait3A_28 = tpu.memref_slice %arg7[%dma_wait3A] : memref<2000xi32, #tpu.memory_space<vmem>> -> memref<80xi32, #tpu.memory_space<vmem>>
      %dma_wait3A_29 = arith.constant 0 : i32
      %dma_wait3A_30 = arith.constant 0 : i32
      %dma_wait3A_31 = tpu.memref_slice %arg2[%dma_wait3A_29, %dma_wait3A_30] : memref<50000x64xf32, #tpu.memory_space<hbm>> -> memref<50000x64xf32, #tpu.memory_space<hbm>>
      tpu.wait_indirect_dma semaphore(%arg14 : memref<!tpu.dma_semaphore, #tpu.memory_space<semaphore_mem>>) src(%dma_wait3A_31 : memref<50000x64xf32, #tpu.memory_space<hbm>>) dst(%arg11 : memref<80x64xf32, #tpu.memory_space<vmem>>)
      %get3A = arith.constant 1920 : index
      %get3A_32 = tpu.vector_load %arg8[%get3A] {strides = array<i32>} : memref<2000xi32, #tpu.memory_space<vmem>>, vector<16xi32>,
      %get3A_33 = vector.shape_cast %get3A_32 : vector<16xi32> to vector<16xi32>
      %swap3A = arith.constant 0 : index
      %swap3A_34 = tpu.vector_load %arg9[%swap3A] {strides = array<i32>} : memref<80xi32, #tpu.memory_space<vmem>>, vector<16xi32>,
      %swap3A_35 = vector.shape_cast %swap3A_34 : vector<16xi32> to vector<16xi32>
      %swap3A_36 = vector.shape_cast %get3A_33 : vector<16xi32> to vector<16xi32>
      tpu.vector_store %arg9[%swap3A], %swap3A_36 {strides = array<i32>} : memref<80xi32, #tpu.memory_space<vmem>>, vector<16xi32>,
      %get3A_37 = arith.constant 1936 : index
      %get3A_38 = tpu.vector_load %arg8[%get3A_37] {strides = array<i32>} : memref<2000xi32, #tpu.memory_space<vmem>>, vector<16xi32>,
      %get3A_39 = vector.shape_cast %get3A_38 : vector<16xi32> to vector<16xi32>
      %swap3A_40 = arith.constant 16 : index
      %swap3A_41 = tpu.vector_load %arg9[%swap3A_40] {strides = array<i32>} : memref<80xi32, #tpu.memory_space<vmem>>, vector<16xi32>,
      %swap3A_42 = vector.shape_cast %swap3A_41 : vector<16xi32> to vector<16xi32>
      %swap3A_43 = vector.shape_cast %get3A_39 : vector<16xi32> to vector<16xi32>
      tpu.vector_store %arg9[%swap3A_40], %swap3A_43 {strides = array<i32>} : memref<80xi32, #tpu.memory_space<vmem>>, vector<16xi32>,
      %get3A_44 = arith.constant 1952 : index
      %get3A_45 = tpu.vector_load %arg8[%get3A_44] {strides = array<i32>} : memref<2000xi32, #tpu.memory_space<vmem>>, vector<16xi32>,
      %get3A_46 = vector.shape_cast %get3A_45 : vector<16xi32> to vector<16xi32>
      %swap3A_47 = arith.constant 32 : index
      %swap3A_48 = tpu.vector_load %arg9[%swap3A_47] {strides = array<i32>} : memref<80xi32, #tpu.memory_space<vmem>>, vector<16xi32>,
      %swap3A_49 = vector.shape_cast %swap3A_48 : vector<16xi32> to vector<16xi32>
      %swap3A_50 = vector.shape_cast %get3A_46 : vector<16xi32> to vector<16xi32>
      tpu.vector_store %arg9[%swap3A_47], %swap3A_50 {strides = array<i32>} : memref<80xi32, #tpu.memory_space<vmem>>, vector<16xi32>,
      %get3A_51 = arith.constant 1968 : index
      %get3A_52 = tpu.vector_load %arg8[%get3A_51] {strides = array<i32>} : memref<2000xi32, #tpu.memory_space<vmem>>, vector<16xi32>,
      %get3A_53 = vector.shape_cast %get3A_52 : vector<16xi32> to vector<16xi32>
      %swap3A_54 = arith.constant 48 : index
      %swap3A_55 = tpu.vector_load %arg9[%swap3A_54] {strides = array<i32>} : memref<80xi32, #tpu.memory_space<vmem>>, vector<16xi32>,
      %swap3A_56 = vector.shape_cast %swap3A_55 : vector<16xi32> to vector<16xi32>
      %swap3A_57 = vector.shape_cast %get3A_53 : vector<16xi32> to vector<16xi32>
      tpu.vector_store %arg9[%swap3A_54], %swap3A_57 {strides = array<i32>} : memref<80xi32, #tpu.memory_space<vmem>>, vector<16xi32>,
      %get3A_58 = arith.constant 1984 : index
      %get3A_59 = tpu.vector_load %arg8[%get3A_58] {strides = array<i32>} : memref<2000xi32, #tpu.memory_space<vmem>>, vector<16xi32>,
      %get3A_60 = vector.shape_cast %get3A_59 : vector<16xi32> to vector<16xi32>
      %swap3A_61 = arith.constant 64 : index
      %swap3A_62 = tpu.vector_load %arg9[%swap3A_61] {strides = array<i32>} : memref<80xi32, #tpu.memory_space<vmem>>, vector<16xi32>,
      %swap3A_63 = vector.shape_cast %swap3A_62 : vector<16xi32> to vector<16xi32>
      %swap3A_64 = vector.shape_cast %get3A_60 : vector<16xi32> to vector<16xi32>
      tpu.vector_store %arg9[%swap3A_61], %swap3A_64 {strides = array<i32>} : memref<80xi32, #tpu.memory_space<vmem>>, vector<16xi32>,
      "tpu.region"() ({
        %run_scoped3A = tpu.sem_alloc : memref<!tpu.dma_semaphore, #tpu.memory_space<semaphore_mem>>
        %dma_start3A_65 = arith.constant 0 : i32
        %dma_start3A_66 = arith.constant 0 : i32
        %dma_start3A_67 = tpu.memref_slice %arg13[%dma_start3A_65, %dma_start3A_66] : memref<25088x64xf32, #tpu.memory_space<vmem_shared>> -> memref<25088x64xf32, #tpu.memory_space<vmem_shared>>
        tpu.enqueue_indirect_dma source(%arg11 : memref<80x64xf32, #tpu.memory_space<vmem>>) target(%dma_start3A_67 : memref<25088x64xf32, #tpu.memory_space<vmem_shared>>) offsets(%arg9 : memref<80xi32, #tpu.memory_space<vmem>>) semaphore(%run_scoped3A : memref<!tpu.dma_semaphore, #tpu.memory_space<semaphore_mem>>) {add = true}
        %dma_wait3A_68 = arith.constant 0 : i32
        %dma_wait3A_69 = arith.constant 0 : i32
        %dma_wait3A_70 = tpu.memref_slice %arg13[%dma_wait3A_68, %dma_wait3A_69] : memref<25088x64xf32, #tpu.memory_space<vmem_shared>> -> memref<25088x64xf32, #tpu.memory_space<vmem_shared>>
        tpu.wait_indirect_dma semaphore(%run_scoped3A : memref<!tpu.dma_semaphore, #tpu.memory_space<semaphore_mem>>) src(%arg11 : memref<80x64xf32, #tpu.memory_space<vmem>>) dst(%dma_wait3A_70 : memref<25088x64xf32, #tpu.memory_space<vmem_shared>>)
        tpu.yield
      }) : () -> ()
    }
    %scan3A_5 = arith.constant 25 : i32
    %barrier3A_6 = arith.constant 0 : index
    tpu.barrier barrier_id(%barrier3A_6)
    %mul3A_7 = arith.constant 25088 : i32
    %mul3A_8 = arith.muli %arg0, %mul3A_7 : i32
    %add3A = arith.addi %mul3A_8, %mul3A_0 : i32
    "tpu.region"() ({
      %run_scoped3A = tpu.sem_alloc : memref<!tpu.dma_semaphore, #tpu.memory_space<semaphore_mem>>
      %dma_start3A = arith.constant 0 : i32
      %dma_start3A_9 = tpu.memref_slice %arg6[%add3A, %dma_start3A] : memref<50176x64xf32, #tpu.memory_space<hbm>> -> memref<1568x64xf32, #tpu.memory_space<hbm>>
      %dma_start3A_10 = arith.constant 0 : i32
      %dma_start3A_11 = tpu.memref_slice %arg13[%mul3A_0, %dma_start3A_10] : memref<25088x64xf32, #tpu.memory_space<vmem_shared>> -> memref<1568x64xf32, #tpu.memory_space<vmem_shared>>
      tpu.enqueue_dma source(%dma_start3A_11 : memref<1568x64xf32, #tpu.memory_space<vmem_shared>>) target(%dma_start3A_9 : memref<1568x64xf32, #tpu.memory_space<hbm>>) target_semaphore(%run_scoped3A : memref<!tpu.dma_semaphore, #tpu.memory_space<semaphore_mem>>)
      %dma_wait3A = arith.constant 0 : i32
      %dma_wait3A_12 = tpu.memref_slice %arg6[%add3A, %dma_wait3A] : memref<50176x64xf32, #tpu.memory_space<hbm>> -> memref<1568x64xf32, #tpu.memory_space<hbm>>
      %dma_wait3A_13 = arith.constant 0 : i32
      %dma_wait3A_14 = tpu.memref_slice %arg13[%mul3A_0, %dma_wait3A_13] : memref<25088x64xf32, #tpu.memory_space<vmem_shared>> -> memref<1568x64xf32, #tpu.memory_space<vmem_shared>>
      tpu.wait_dma2 semaphore(%run_scoped3A : memref<!tpu.dma_semaphore, #tpu.memory_space<semaphore_mem>>) src(%dma_wait3A_14 : memref<1568x64xf32, #tpu.memory_space<vmem_shared>>) dst(%dma_wait3A_12 : memref<1568x64xf32, #tpu.memory_space<hbm>>)
      tpu.yield
    }) : () -> ()
    return
  }
}

#map = affine_map<(d0, d1) -> (0, 0)>
#map1 = affine_map<(d0, d1) -> (0)>
module attributes {stable_mosaic.version = 14 : i64} {
  func.func @_spmm(%arg0: i32, %arg1: i32, %arg2: memref<50000x64xf32, #tpu.memory_space<hbm>>, %arg3: memref<800000xi32, #tpu.memory_space<hbm>>, %arg4: memref<1600000xi32, #tpu.memory_space<hbm>>, %arg5: memref<1568x64xf32, #tpu.memory_space<hbm>>, %arg6: memref<50176x64xf32, #tpu.memory_space<hbm>>, %arg7: memref<2000xi32, #tpu.memory_space<vmem>>, %arg8: memref<2000xi32, #tpu.memory_space<vmem>>, %arg9: memref<80xi32, #tpu.memory_space<vmem>>, %arg10: memref<80xi32, #tpu.memory_space<vmem>>, %arg11: memref<80x64xf32, #tpu.memory_space<vmem>>, %arg12: memref<80x64xf32, #tpu.memory_space<vmem>>, %arg13: memref<25088x64xf32, #tpu.memory_space<vmem_shared>>, %arg14: memref<!tpu.dma_semaphore, #tpu.memory_space<semaphore_mem>>, %arg15: memref<!tpu.dma_semaphore, #tpu.memory_space<semaphore_mem>>) attributes {dimension_semantics = [#tpu.dimension_semantics<core_parallel>, #tpu.dimension_semantics<subcore_parallel>], iteration_bounds = array<i64: 2, 16>, scalar_prefetch = 0 : i64, scratch_operands = 9 : i64, tpu.core_type = #tpu.core_type<sc_vector_subcore>, window_params = [{transform_indices = #map}, {transform_indices = #map1}, {transform_indices = #map1}, {transform_indices = #map}, {transform_indices = #map}]} {
    %mul3A = arith.constant 1568 : i32
    %mul3A_0 = arith.muli %arg1, %mul3A : i32
    "tpu.region"() ({
      %run_scoped3A = tpu.sem_alloc : memref<!tpu.dma_semaphore, #tpu.memory_space<semaphore_mem>>
      %dma_start3A = arith.constant 0 : i32
      %dma_start3A_9 = tpu.memref_slice %arg13[%mul3A_0, %dma_start3A] : memref<25088x64xf32, #tpu.memory_space<vmem_shared>> -> memref<1568x64xf32, #tpu.memory_space<vmem_shared>>
      tpu.enqueue_dma source(%arg5 : memref<1568x64xf32, #tpu.memory_space<hbm>>) target(%dma_start3A_9 : memref<1568x64xf32, #tpu.memory_space<vmem_shared>>) target_semaphore(%run_scoped3A : memref<!tpu.dma_semaphore, #tpu.memory_space<semaphore_mem>>)
      %dma_wait3A = arith.constant 0 : i32
      %dma_wait3A_10 = tpu.memref_slice %arg13[%mul3A_0, %dma_wait3A] : memref<25088x64xf32, #tpu.memory_space<vmem_shared>> -> memref<1568x64xf32, #tpu.memory_space<vmem_shared>>
      tpu.wait_dma2 semaphore(%run_scoped3A : memref<!tpu.dma_semaphore, #tpu.memory_space<semaphore_mem>>) src(%arg5 : memref<1568x64xf32, #tpu.memory_space<hbm>>) dst(%dma_wait3A_10 : memref<1568x64xf32, #tpu.memory_space<vmem_shared>>)
      tpu.yield
    }) : () -> ()
    %barrier3A = arith.constant 0 : index
    tpu.barrier barrier_id(%barrier3A)
    %scan3A = arith.constant 0 : i32
    %scan3A_1 = arith.constant 0 : i32
    %scan3A_2 = arith.constant 25 : i32
    %scan3A_3 = arith.addi %scan3A_1, %scan3A_2 : i32
    %scan3A_4 = arith.constant 1 : i32
    scf.for %scan3A_9 = %scan3A_1 to %scan3A_3 step %scan3A_4  : i32 {
      %mul3A_10 = arith.constant 50000 : i32
      %mul3A_11 = arith.muli %arg1, %mul3A_10 : i32
      %mul3A_12 = arith.constant 2000 : i32
      %mul3A_13 = arith.muli %scan3A_9, %mul3A_12 : i32
      %add3A_14 = arith.addi %mul3A_11, %mul3A_13 : i32
      "tpu.region"() ({
        %run_scoped3A = tpu.sem_alloc : memref<!tpu.dma_semaphore, #tpu.memory_space<semaphore_mem>>
        %dma_start3A_65 = tpu.memref_slice %arg3[%add3A_14] : memref<800000xi32, #tpu.memory_space<hbm>> -> memref<2000xi32, #tpu.memory_space<hbm>>
        %dma_start3A_66 = tpu.memref_slice %arg3[%add3A_14] : memref<800000xi32, #tpu.memory_space<hbm>> -> memref<2000xi32, #tpu.memory_space<hbm>>
        tpu.enqueue_dma source(%dma_start3A_66 : memref<2000xi32, #tpu.memory_space<hbm>>) target(%arg7 : memref<2000xi32, #tpu.memory_space<vmem>>) target_semaphore(%run_scoped3A : memref<!tpu.dma_semaphore, #tpu.memory_space<semaphore_mem>>)
        %dma_wait3A_67 = tpu.memref_slice %arg3[%add3A_14] : memref<800000xi32, #tpu.memory_space<hbm>> -> memref<2000xi32, #tpu.memory_space<hbm>>
        %dma_wait3A_68 = tpu.memref_slice %arg3[%add3A_14] : memref<800000xi32, #tpu.memory_space<hbm>> -> memref<2000xi32, #tpu.memory_space<hbm>>
        tpu.wait_dma2 semaphore(%run_scoped3A : memref<!tpu.dma_semaphore, #tpu.memory_space<semaphore_mem>>) src(%dma_wait3A_68 : memref<2000xi32, #tpu.memory_space<hbm>>) dst(%arg7 : memref<2000xi32, #tpu.memory_space<vmem>>)
        tpu.yield
      }) : () -> ()
      %mul3A_15 = arith.constant 800000 : i32
      %mul3A_16 = arith.muli %arg0, %mul3A_15 : i32
      %add3A_17 = arith.addi %mul3A_16, %add3A_14 : i32
      "tpu.region"() ({
        %run_scoped3A = tpu.sem_alloc : memref<!tpu.dma_semaphore, #tpu.memory_space<semaphore_mem>>
        %dma_start3A_65 = tpu.memref_slice %arg4[%add3A_17] : memref<1600000xi32, #tpu.memory_space<hbm>> -> memref<2000xi32, #tpu.memory_space<hbm>>
        %dma_start3A_66 = tpu.memref_slice %arg4[%add3A_17] : memref<1600000xi32, #tpu.memory_space<hbm>> -> memref<2000xi32, #tpu.memory_space<hbm>>
        tpu.enqueue_dma source(%dma_start3A_66 : memref<2000xi32, #tpu.memory_space<hbm>>) target(%arg8 : memref<2000xi32, #tpu.memory_space<vmem>>) target_semaphore(%run_scoped3A : memref<!tpu.dma_semaphore, #tpu.memory_space<semaphore_mem>>)
        %dma_wait3A_67 = tpu.memref_slice %arg4[%add3A_17] : memref<1600000xi32, #tpu.memory_space<hbm>> -> memref<2000xi32, #tpu.memory_space<hbm>>
        %dma_wait3A_68 = tpu.memref_slice %arg4[%add3A_17] : memref<1600000xi32, #tpu.memory_space<hbm>> -> memref<2000xi32, #tpu.memory_space<hbm>>
        tpu.wait_dma2 semaphore(%run_scoped3A : memref<!tpu.dma_semaphore, #tpu.memory_space<semaphore_mem>>) src(%dma_wait3A_68 : memref<2000xi32, #tpu.memory_space<hbm>>) dst(%arg8 : memref<2000xi32, #tpu.memory_space<vmem>>)
        tpu.yield
      }) : () -> ()
      %dma_start3A = arith.constant 0 : i32
      %dma_start3A_18 = tpu.memref_slice %arg7[%dma_start3A] : memref<2000xi32, #tpu.memory_space<vmem>> -> memref<80xi32, #tpu.memory_space<vmem>>
      %dma_start3A_19 = arith.constant 0 : i32
      %dma_start3A_20 = arith.constant 0 : i32
      %dma_start3A_21 = tpu.memref_slice %arg2[%dma_start3A_19, %dma_start3A_20] : memref<50000x64xf32, #tpu.memory_space<hbm>> -> memref<50000x64xf32, #tpu.memory_space<hbm>>
      tpu.enqueue_indirect_dma source(%dma_start3A_21 : memref<50000x64xf32, #tpu.memory_space<hbm>>) target(%arg11 : memref<80x64xf32, #tpu.memory_space<vmem>>) offsets(%dma_start3A_18 : memref<80xi32, #tpu.memory_space<vmem>>) semaphore(%arg14 : memref<!tpu.dma_semaphore, #tpu.memory_space<semaphore_mem>>)
      %scan3A_22 = arith.constant 0 : i32
      %scan3A_23 = arith.constant 0 : i32
      %scan3A_24 = arith.constant 12 : i32
      %scan3A_25 = arith.addi %scan3A_23, %scan3A_24 : i32
      %scan3A_26 = arith.constant 1 : i32
      scf.for %scan3A_65 = %scan3A_23 to %scan3A_25 step %scan3A_26  : i32 {
        %mul3A_66 = arith.constant 2 : i32
        %mul3A_67 = arith.muli %mul3A_66, %scan3A_65 : i32
        %add3A_68 = arith.constant 1 : i32
        %add3A_69 = arith.addi %mul3A_67, %add3A_68 : i32
        %mul3A_70 = arith.constant 80 : i32
        %mul3A_71 = arith.muli %add3A_69, %mul3A_70 : i32
        %dma_start3A_72 = tpu.memref_slice %arg7[%mul3A_71] : memref<2000xi32, #tpu.memory_space<vmem>> -> memref<80xi32, #tpu.memory_space<vmem>>
        %dma_start3A_73 = arith.constant 0 : i32
        %dma_start3A_74 = arith.constant 0 : i32
        %dma_start3A_75 = tpu.memref_slice %arg2[%dma_start3A_73, %dma_start3A_74] : memref<50000x64xf32, #tpu.memory_space<hbm>> -> memref<50000x64xf32, #tpu.memory_space<hbm>>
        tpu.enqueue_indirect_dma source(%dma_start3A_75 : memref<50000x64xf32, #tpu.memory_space<hbm>>) target(%arg12 : memref<80x64xf32, #tpu.memory_space<vmem>>) offsets(%dma_start3A_72 : memref<80xi32, #tpu.memory_space<vmem>>) semaphore(%arg15 : memref<!tpu.dma_semaphore, #tpu.memory_space<semaphore_mem>>)
        %mul3A_76 = arith.constant 80 : i32
        %mul3A_77 = arith.muli %mul3A_67, %mul3A_76 : i32
        %dma_wait3A_78 = tpu.memref_slice %arg7[%mul3A_77] : memref<2000xi32, #tpu.memory_space<vmem>> -> memref<80xi32, #tpu.memory_space<vmem>>
        %dma_wait3A_79 = arith.constant 0 : i32
        %dma_wait3A_80 = arith.constant 0 : i32
        %dma_wait3A_81 = tpu.memref_slice %arg2[%dma_wait3A_79, %dma_wait3A_80] : memref<50000x64xf32, #tpu.memory_space<hbm>> -> memref<50000x64xf32, #tpu.memory_space<hbm>>
        tpu.wait_indirect_dma semaphore(%arg14 : memref<!tpu.dma_semaphore, #tpu.memory_space<semaphore_mem>>) src(%dma_wait3A_81 : memref<50000x64xf32, #tpu.memory_space<hbm>>) dst(%arg11 : memref<80x64xf32, #tpu.memory_space<vmem>>)
        %mul3A_82 = arith.constant 80 : i32
        %mul3A_83 = arith.muli %mul3A_67, %mul3A_82 : i32
        %add3A_84 = arith.constant 0 : i32
        %add3A_85 = arith.addi %mul3A_83, %add3A_84 : i32
        %get3A_86 = arith.index_cast %add3A_85 : i32 to index
        %get3A_87 = tpu.vector_load %arg8[%get3A_86] {strides = array<i32>} : memref<2000xi32, #tpu.memory_space<vmem>>, vector<16xi32>,
        %get3A_88 = vector.shape_cast %get3A_87 : vector<16xi32> to vector<16xi32>
        %swap3A_89 = arith.constant 0 : index
        %swap3A_90 = tpu.vector_load %arg9[%swap3A_89] {strides = array<i32>} : memref<80xi32, #tpu.memory_space<vmem>>, vector<16xi32>,
        %swap3A_91 = vector.shape_cast %swap3A_90 : vector<16xi32> to vector<16xi32>
        %swap3A_92 = vector.shape_cast %get3A_88 : vector<16xi32> to vector<16xi32>
        tpu.vector_store %arg9[%swap3A_89], %swap3A_92 {strides = array<i32>} : memref<80xi32, #tpu.memory_space<vmem>>, vector<16xi32>,
        %mul3A_93 = arith.constant 80 : i32
        %mul3A_94 = arith.muli %mul3A_67, %mul3A_93 : i32
        %add3A_95 = arith.constant 16 : i32
        %add3A_96 = arith.addi %mul3A_94, %add3A_95 : i32
        %get3A_97 = arith.index_cast %add3A_96 : i32 to index
        %get3A_98 = tpu.vector_load %arg8[%get3A_97] {strides = array<i32>} : memref<2000xi32, #tpu.memory_space<vmem>>, vector<16xi32>,
        %get3A_99 = vector.shape_cast %get3A_98 : vector<16xi32> to vector<16xi32>
        %swap3A_100 = arith.constant 16 : index
        %swap3A_101 = tpu.vector_load %arg9[%swap3A_100] {strides = array<i32>} : memref<80xi32, #tpu.memory_space<vmem>>, vector<16xi32>,
        %swap3A_102 = vector.shape_cast %swap3A_101 : vector<16xi32> to vector<16xi32>
        %swap3A_103 = vector.shape_cast %get3A_99 : vector<16xi32> to vector<16xi32>
        tpu.vector_store %arg9[%swap3A_100], %swap3A_103 {strides = array<i32>} : memref<80xi32, #tpu.memory_space<vmem>>, vector<16xi32>,
        %mul3A_104 = arith.constant 80 : i32
        %mul3A_105 = arith.muli %mul3A_67, %mul3A_104 : i32
        %add3A_106 = arith.constant 32 : i32
        %add3A_107 = arith.addi %mul3A_105, %add3A_106 : i32
        %get3A_108 = arith.index_cast %add3A_107 : i32 to index
        %get3A_109 = tpu.vector_load %arg8[%get3A_108] {strides = array<i32>} : memref<2000xi32, #tpu.memory_space<vmem>>, vector<16xi32>,
        %get3A_110 = vector.shape_cast %get3A_109 : vector<16xi32> to vector<16xi32>
        %swap3A_111 = arith.constant 32 : index
        %swap3A_112 = tpu.vector_load %arg9[%swap3A_111] {strides = array<i32>} : memref<80xi32, #tpu.memory_space<vmem>>, vector<16xi32>,
        %swap3A_113 = vector.shape_cast %swap3A_112 : vector<16xi32> to vector<16xi32>
        %swap3A_114 = vector.shape_cast %get3A_110 : vector<16xi32> to vector<16xi32>
        tpu.vector_store %arg9[%swap3A_111], %swap3A_114 {strides = array<i32>} : memref<80xi32, #tpu.memory_space<vmem>>, vector<16xi32>,
        %mul3A_115 = arith.constant 80 : i32
        %mul3A_116 = arith.muli %mul3A_67, %mul3A_115 : i32
        %add3A_117 = arith.constant 48 : i32
        %add3A_118 = arith.addi %mul3A_116, %add3A_117 : i32
        %get3A_119 = arith.index_cast %add3A_118 : i32 to index
        %get3A_120 = tpu.vector_load %arg8[%get3A_119] {strides = array<i32>} : memref<2000xi32, #tpu.memory_space<vmem>>, vector<16xi32>,
        %get3A_121 = vector.shape_cast %get3A_120 : vector<16xi32> to vector<16xi32>
        %swap3A_122 = arith.constant 48 : index
        %swap3A_123 = tpu.vector_load %arg9[%swap3A_122] {strides = array<i32>} : memref<80xi32, #tpu.memory_space<vmem>>, vector<16xi32>,
        %swap3A_124 = vector.shape_cast %swap3A_123 : vector<16xi32> to vector<16xi32>
        %swap3A_125 = vector.shape_cast %get3A_121 : vector<16xi32> to vector<16xi32>
        tpu.vector_store %arg9[%swap3A_122], %swap3A_125 {strides = array<i32>} : memref<80xi32, #tpu.memory_space<vmem>>, vector<16xi32>,
        %mul3A_126 = arith.constant 80 : i32
        %mul3A_127 = arith.muli %mul3A_67, %mul3A_126 : i32
        %add3A_128 = arith.constant 64 : i32
        %add3A_129 = arith.addi %mul3A_127, %add3A_128 : i32
        %get3A_130 = arith.index_cast %add3A_129 : i32 to index
        %get3A_131 = tpu.vector_load %arg8[%get3A_130] {strides = array<i32>} : memref<2000xi32, #tpu.memory_space<vmem>>, vector<16xi32>,
        %get3A_132 = vector.shape_cast %get3A_131 : vector<16xi32> to vector<16xi32>
        %swap3A_133 = arith.constant 64 : index
        %swap3A_134 = tpu.vector_load %arg9[%swap3A_133] {strides = array<i32>} : memref<80xi32, #tpu.memory_space<vmem>>, vector<16xi32>,
        %swap3A_135 = vector.shape_cast %swap3A_134 : vector<16xi32> to vector<16xi32>
        %swap3A_136 = vector.shape_cast %get3A_132 : vector<16xi32> to vector<16xi32>
        tpu.vector_store %arg9[%swap3A_133], %swap3A_136 {strides = array<i32>} : memref<80xi32, #tpu.memory_space<vmem>>, vector<16xi32>,
        "tpu.region"() ({
          %run_scoped3A = tpu.sem_alloc : memref<!tpu.dma_semaphore, #tpu.memory_space<semaphore_mem>>
          %dma_start3A_210 = arith.constant 0 : i32
          %dma_start3A_211 = arith.constant 0 : i32
          %dma_start3A_212 = tpu.memref_slice %arg13[%dma_start3A_210, %dma_start3A_211] : memref<25088x64xf32, #tpu.memory_space<vmem_shared>> -> memref<25088x64xf32, #tpu.memory_space<vmem_shared>>
          tpu.enqueue_indirect_dma source(%arg11 : memref<80x64xf32, #tpu.memory_space<vmem>>) target(%dma_start3A_212 : memref<25088x64xf32, #tpu.memory_space<vmem_shared>>) offsets(%arg9 : memref<80xi32, #tpu.memory_space<vmem>>) semaphore(%run_scoped3A : memref<!tpu.dma_semaphore, #tpu.memory_space<semaphore_mem>>) {add = true}
          %dma_wait3A_213 = arith.constant 0 : i32
          %dma_wait3A_214 = arith.constant 0 : i32
          %dma_wait3A_215 = tpu.memref_slice %arg13[%dma_wait3A_213, %dma_wait3A_214] : memref<25088x64xf32, #tpu.memory_space<vmem_shared>> -> memref<25088x64xf32, #tpu.memory_space<vmem_shared>>
          tpu.wait_indirect_dma semaphore(%run_scoped3A : memref<!tpu.dma_semaphore, #tpu.memory_space<semaphore_mem>>) src(%arg11 : memref<80x64xf32, #tpu.memory_space<vmem>>) dst(%dma_wait3A_215 : memref<25088x64xf32, #tpu.memory_space<vmem_shared>>)
          tpu.yield
        }) : () -> ()
        %add3A_137 = arith.constant 2 : i32
        %add3A_138 = arith.addi %mul3A_67, %add3A_137 : i32
        %mul3A_139 = arith.constant 80 : i32
        %mul3A_140 = arith.muli %add3A_138, %mul3A_139 : i32
        %dma_start3A_141 = tpu.memref_slice %arg7[%mul3A_140] : memref<2000xi32, #tpu.memory_space<vmem>> -> memref<80xi32, #tpu.memory_space<vmem>>
        %dma_start3A_142 = arith.constant 0 : i32
        %dma_start3A_143 = arith.constant 0 : i32
        %dma_start3A_144 = tpu.memref_slice %arg2[%dma_start3A_142, %dma_start3A_143] : memref<50000x64xf32, #tpu.memory_space<hbm>> -> memref<50000x64xf32, #tpu.memory_space<hbm>>
        tpu.enqueue_indirect_dma source(%dma_start3A_144 : memref<50000x64xf32, #tpu.memory_space<hbm>>) target(%arg11 : memref<80x64xf32, #tpu.memory_space<vmem>>) offsets(%dma_start3A_141 : memref<80xi32, #tpu.memory_space<vmem>>) semaphore(%arg14 : memref<!tpu.dma_semaphore, #tpu.memory_space<semaphore_mem>>)
        %add3A_145 = arith.constant 1 : i32
        %add3A_146 = arith.addi %mul3A_67, %add3A_145 : i32
        %mul3A_147 = arith.constant 80 : i32
        %mul3A_148 = arith.muli %add3A_146, %mul3A_147 : i32
        %dma_wait3A_149 = tpu.memref_slice %arg7[%mul3A_148] : memref<2000xi32, #tpu.memory_space<vmem>> -> memref<80xi32, #tpu.memory_space<vmem>>
        %dma_wait3A_150 = arith.constant 0 : i32
        %dma_wait3A_151 = arith.constant 0 : i32
        %dma_wait3A_152 = tpu.memref_slice %arg2[%dma_wait3A_150, %dma_wait3A_151] : memref<50000x64xf32, #tpu.memory_space<hbm>> -> memref<50000x64xf32, #tpu.memory_space<hbm>>
        tpu.wait_indirect_dma semaphore(%arg15 : memref<!tpu.dma_semaphore, #tpu.memory_space<semaphore_mem>>) src(%dma_wait3A_152 : memref<50000x64xf32, #tpu.memory_space<hbm>>) dst(%arg12 : memref<80x64xf32, #tpu.memory_space<vmem>>)
        %add3A_153 = arith.constant 1 : i32
        %add3A_154 = arith.addi %mul3A_67, %add3A_153 : i32
        %mul3A_155 = arith.constant 80 : i32
        %mul3A_156 = arith.muli %add3A_154, %mul3A_155 : i32
        %add3A_157 = arith.constant 0 : i32
        %add3A_158 = arith.addi %mul3A_156, %add3A_157 : i32
        %get3A_159 = arith.index_cast %add3A_158 : i32 to index
        %get3A_160 = tpu.vector_load %arg8[%get3A_159] {strides = array<i32>} : memref<2000xi32, #tpu.memory_space<vmem>>, vector<16xi32>,
        %get3A_161 = vector.shape_cast %get3A_160 : vector<16xi32> to vector<16xi32>
        %swap3A_162 = arith.constant 0 : index
        %swap3A_163 = tpu.vector_load %arg10[%swap3A_162] {strides = array<i32>} : memref<80xi32, #tpu.memory_space<vmem>>, vector<16xi32>,
        %swap3A_164 = vector.shape_cast %swap3A_163 : vector<16xi32> to vector<16xi32>
        %swap3A_165 = vector.shape_cast %get3A_161 : vector<16xi32> to vector<16xi32>
        tpu.vector_store %arg10[%swap3A_162], %swap3A_165 {strides = array<i32>} : memref<80xi32, #tpu.memory_space<vmem>>, vector<16xi32>,
        %mul3A_166 = arith.constant 80 : i32
        %mul3A_167 = arith.muli %add3A_154, %mul3A_166 : i32
        %add3A_168 = arith.constant 16 : i32
        %add3A_169 = arith.addi %mul3A_167, %add3A_168 : i32
        %get3A_170 = arith.index_cast %add3A_169 : i32 to index
        %get3A_171 = tpu.vector_load %arg8[%get3A_170] {strides = array<i32>} : memref<2000xi32, #tpu.memory_space<vmem>>, vector<16xi32>,
        %get3A_172 = vector.shape_cast %get3A_171 : vector<16xi32> to vector<16xi32>
        %swap3A_173 = arith.constant 16 : index
        %swap3A_174 = tpu.vector_load %arg10[%swap3A_173] {strides = array<i32>} : memref<80xi32, #tpu.memory_space<vmem>>, vector<16xi32>,
        %swap3A_175 = vector.shape_cast %swap3A_174 : vector<16xi32> to vector<16xi32>
        %swap3A_176 = vector.shape_cast %get3A_172 : vector<16xi32> to vector<16xi32>
        tpu.vector_store %arg10[%swap3A_173], %swap3A_176 {strides = array<i32>} : memref<80xi32, #tpu.memory_space<vmem>>, vector<16xi32>,
        %mul3A_177 = arith.constant 80 : i32
        %mul3A_178 = arith.muli %add3A_154, %mul3A_177 : i32
        %add3A_179 = arith.constant 32 : i32
        %add3A_180 = arith.addi %mul3A_178, %add3A_179 : i32
        %get3A_181 = arith.index_cast %add3A_180 : i32 to index
        %get3A_182 = tpu.vector_load %arg8[%get3A_181] {strides = array<i32>} : memref<2000xi32, #tpu.memory_space<vmem>>, vector<16xi32>,
        %get3A_183 = vector.shape_cast %get3A_182 : vector<16xi32> to vector<16xi32>
        %swap3A_184 = arith.constant 32 : index
        %swap3A_185 = tpu.vector_load %arg10[%swap3A_184] {strides = array<i32>} : memref<80xi32, #tpu.memory_space<vmem>>, vector<16xi32>,
        %swap3A_186 = vector.shape_cast %swap3A_185 : vector<16xi32> to vector<16xi32>
        %swap3A_187 = vector.shape_cast %get3A_183 : vector<16xi32> to vector<16xi32>
        tpu.vector_store %arg10[%swap3A_184], %swap3A_187 {strides = array<i32>} : memref<80xi32, #tpu.memory_space<vmem>>, vector<16xi32>,
        %mul3A_188 = arith.constant 80 : i32
        %mul3A_189 = arith.muli %add3A_154, %mul3A_188 : i32
        %add3A_190 = arith.constant 48 : i32
        %add3A_191 = arith.addi %mul3A_189, %add3A_190 : i32
        %get3A_192 = arith.index_cast %add3A_191 : i32 to index
        %get3A_193 = tpu.vector_load %arg8[%get3A_192] {strides = array<i32>} : memref<2000xi32, #tpu.memory_space<vmem>>, vector<16xi32>,
        %get3A_194 = vector.shape_cast %get3A_193 : vector<16xi32> to vector<16xi32>
        %swap3A_195 = arith.constant 48 : index
        %swap3A_196 = tpu.vector_load %arg10[%swap3A_195] {strides = array<i32>} : memref<80xi32, #tpu.memory_space<vmem>>, vector<16xi32>,
        %swap3A_197 = vector.shape_cast %swap3A_196 : vector<16xi32> to vector<16xi32>
        %swap3A_198 = vector.shape_cast %get3A_194 : vector<16xi32> to vector<16xi32>
        tpu.vector_store %arg10[%swap3A_195], %swap3A_198 {strides = array<i32>} : memref<80xi32, #tpu.memory_space<vmem>>, vector<16xi32>,
        %mul3A_199 = arith.constant 80 : i32
        %mul3A_200 = arith.muli %add3A_154, %mul3A_199 : i32
        %add3A_201 = arith.constant 64 : i32
        %add3A_202 = arith.addi %mul3A_200, %add3A_201 : i32
        %get3A_203 = arith.index_cast %add3A_202 : i32 to index
        %get3A_204 = tpu.vector_load %arg8[%get3A_203] {strides = array<i32>} : memref<2000xi32, #tpu.memory_space<vmem>>, vector<16xi32>,
        %get3A_205 = vector.shape_cast %get3A_204 : vector<16xi32> to vector<16xi32>
        %swap3A_206 = arith.constant 64 : index
        %swap3A_207 = tpu.vector_load %arg10[%swap3A_206] {strides = array<i32>} : memref<80xi32, #tpu.memory_space<vmem>>, vector<16xi32>,
        %swap3A_208 = vector.shape_cast %swap3A_207 : vector<16xi32> to vector<16xi32>
        %swap3A_209 = vector.shape_cast %get3A_205 : vector<16xi32> to vector<16xi32>
        tpu.vector_store %arg10[%swap3A_206], %swap3A_209 {strides = array<i32>} : memref<80xi32, #tpu.memory_space<vmem>>, vector<16xi32>,
        "tpu.region"() ({
          %run_scoped3A = tpu.sem_alloc : memref<!tpu.dma_semaphore, #tpu.memory_space<semaphore_mem>>
          %dma_start3A_210 = arith.constant 0 : i32
          %dma_start3A_211 = arith.constant 0 : i32
          %dma_start3A_212 = tpu.memref_slice %arg13[%dma_start3A_210, %dma_start3A_211] : memref<25088x64xf32, #tpu.memory_space<vmem_shared>> -> memref<25088x64xf32, #tpu.memory_space<vmem_shared>>
          tpu.enqueue_indirect_dma source(%arg12 : memref<80x64xf32, #tpu.memory_space<vmem>>) target(%dma_start3A_212 : memref<25088x64xf32, #tpu.memory_space<vmem_shared>>) offsets(%arg10 : memref<80xi32, #tpu.memory_space<vmem>>) semaphore(%run_scoped3A : memref<!tpu.dma_semaphore, #tpu.memory_space<semaphore_mem>>) {add = true}
          %dma_wait3A_213 = arith.constant 0 : i32
          %dma_wait3A_214 = arith.constant 0 : i32
          %dma_wait3A_215 = tpu.memref_slice %arg13[%dma_wait3A_213, %dma_wait3A_214] : memref<25088x64xf32, #tpu.memory_space<vmem_shared>> -> memref<25088x64xf32, #tpu.memory_space<vmem_shared>>
          tpu.wait_indirect_dma semaphore(%run_scoped3A : memref<!tpu.dma_semaphore, #tpu.memory_space<semaphore_mem>>) src(%arg12 : memref<80x64xf32, #tpu.memory_space<vmem>>) dst(%dma_wait3A_215 : memref<25088x64xf32, #tpu.memory_space<vmem_shared>>)
          tpu.yield
        }) : () -> ()
      }
      %scan3A_27 = arith.constant 12 : i32
      %dma_wait3A = arith.constant 1920 : i32
      %dma_wait3A_28 = tpu.memref_slice %arg7[%dma_wait3A] : memref<2000xi32, #tpu.memory_space<vmem>> -> memref<80xi32, #tpu.memory_space<vmem>>
      %dma_wait3A_29 = arith.constant 0 : i32
      %dma_wait3A_30 = arith.constant 0 : i32
      %dma_wait3A_31 = tpu.memref_slice %arg2[%dma_wait3A_29, %dma_wait3A_30] : memref<50000x64xf32, #tpu.memory_space<hbm>> -> memref<50000x64xf32, #tpu.memory_space<hbm>>
      tpu.wait_indirect_dma semaphore(%arg14 : memref<!tpu.dma_semaphore, #tpu.memory_space<semaphore_mem>>) src(%dma_wait3A_31 : memref<50000x64xf32, #tpu.memory_space<hbm>>) dst(%arg11 : memref<80x64xf32, #tpu.memory_space<vmem>>)
      %get3A = arith.constant 1920 : index
      %get3A_32 = tpu.vector_load %arg8[%get3A] {strides = array<i32>} : memref<2000xi32, #tpu.memory_space<vmem>>, vector<16xi32>,
      %get3A_33 = vector.shape_cast %get3A_32 : vector<16xi32> to vector<16xi32>
      %swap3A = arith.constant 0 : index
      %swap3A_34 = tpu.vector_load %arg9[%swap3A] {strides = array<i32>} : memref<80xi32, #tpu.memory_space<vmem>>, vector<16xi32>,
      %swap3A_35 = vector.shape_cast %swap3A_34 : vector<16xi32> to vector<16xi32>
      %swap3A_36 = vector.shape_cast %get3A_33 : vector<16xi32> to vector<16xi32>
      tpu.vector_store %arg9[%swap3A], %swap3A_36 {strides = array<i32>} : memref<80xi32, #tpu.memory_space<vmem>>, vector<16xi32>,
      %get3A_37 = arith.constant 1936 : index
      %get3A_38 = tpu.vector_load %arg8[%get3A_37] {strides = array<i32>} : memref<2000xi32, #tpu.memory_space<vmem>>, vector<16xi32>,
      %get3A_39 = vector.shape_cast %get3A_38 : vector<16xi32> to vector<16xi32>
      %swap3A_40 = arith.constant 16 : index
      %swap3A_41 = tpu.vector_load %arg9[%swap3A_40] {strides = array<i32>} : memref<80xi32, #tpu.memory_space<vmem>>, vector<16xi32>,
      %swap3A_42 = vector.shape_cast %swap3A_41 : vector<16xi32> to vector<16xi32>
      %swap3A_43 = vector.shape_cast %get3A_39 : vector<16xi32> to vector<16xi32>
      tpu.vector_store %arg9[%swap3A_40], %swap3A_43 {strides = array<i32>} : memref<80xi32, #tpu.memory_space<vmem>>, vector<16xi32>,
      %get3A_44 = arith.constant 1952 : index
      %get3A_45 = tpu.vector_load %arg8[%get3A_44] {strides = array<i32>} : memref<2000xi32, #tpu.memory_space<vmem>>, vector<16xi32>,
      %get3A_46 = vector.shape_cast %get3A_45 : vector<16xi32> to vector<16xi32>
      %swap3A_47 = arith.constant 32 : index
      %swap3A_48 = tpu.vector_load %arg9[%swap3A_47] {strides = array<i32>} : memref<80xi32, #tpu.memory_space<vmem>>, vector<16xi32>,
      %swap3A_49 = vector.shape_cast %swap3A_48 : vector<16xi32> to vector<16xi32>
      %swap3A_50 = vector.shape_cast %get3A_46 : vector<16xi32> to vector<16xi32>
      tpu.vector_store %arg9[%swap3A_47], %swap3A_50 {strides = array<i32>} : memref<80xi32, #tpu.memory_space<vmem>>, vector<16xi32>,
      %get3A_51 = arith.constant 1968 : index
      %get3A_52 = tpu.vector_load %arg8[%get3A_51] {strides = array<i32>} : memref<2000xi32, #tpu.memory_space<vmem>>, vector<16xi32>,
      %get3A_53 = vector.shape_cast %get3A_52 : vector<16xi32> to vector<16xi32>
      %swap3A_54 = arith.constant 48 : index
      %swap3A_55 = tpu.vector_load %arg9[%swap3A_54] {strides = array<i32>} : memref<80xi32, #tpu.memory_space<vmem>>, vector<16xi32>,
      %swap3A_56 = vector.shape_cast %swap3A_55 : vector<16xi32> to vector<16xi32>
      %swap3A_57 = vector.shape_cast %get3A_53 : vector<16xi32> to vector<16xi32>
      tpu.vector_store %arg9[%swap3A_54], %swap3A_57 {strides = array<i32>} : memref<80xi32, #tpu.memory_space<vmem>>, vector<16xi32>,
      %get3A_58 = arith.constant 1984 : index
      %get3A_59 = tpu.vector_load %arg8[%get3A_58] {strides = array<i32>} : memref<2000xi32, #tpu.memory_space<vmem>>, vector<16xi32>,
      %get3A_60 = vector.shape_cast %get3A_59 : vector<16xi32> to vector<16xi32>
      %swap3A_61 = arith.constant 64 : index
      %swap3A_62 = tpu.vector_load %arg9[%swap3A_61] {strides = array<i32>} : memref<80xi32, #tpu.memory_space<vmem>>, vector<16xi32>,
      %swap3A_63 = vector.shape_cast %swap3A_62 : vector<16xi32> to vector<16xi32>
      %swap3A_64 = vector.shape_cast %get3A_60 : vector<16xi32> to vector<16xi32>
      tpu.vector_store %arg9[%swap3A_61], %swap3A_64 {strides = array<i32>} : memref<80xi32, #tpu.memory_space<vmem>>, vector<16xi32>,
      "tpu.region"() ({
        %run_scoped3A = tpu.sem_alloc : memref<!tpu.dma_semaphore, #tpu.memory_space<semaphore_mem>>
        %dma_start3A_65 = arith.constant 0 : i32
        %dma_start3A_66 = arith.constant 0 : i32
        %dma_start3A_67 = tpu.memref_slice %arg13[%dma_start3A_65, %dma_start3A_66] : memref<25088x64xf32, #tpu.memory_space<vmem_shared>> -> memref<25088x64xf32, #tpu.memory_space<vmem_shared>>
        tpu.enqueue_indirect_dma source(%arg11 : memref<80x64xf32, #tpu.memory_space<vmem>>) target(%dma_start3A_67 : memref<25088x64xf32, #tpu.memory_space<vmem_shared>>) offsets(%arg9 : memref<80xi32, #tpu.memory_space<vmem>>) semaphore(%run_scoped3A : memref<!tpu.dma_semaphore, #tpu.memory_space<semaphore_mem>>) {add = true}
        %dma_wait3A_68 = arith.constant 0 : i32
        %dma_wait3A_69 = arith.constant 0 : i32
        %dma_wait3A_70 = tpu.memref_slice %arg13[%dma_wait3A_68, %dma_wait3A_69] : memref<25088x64xf32, #tpu.memory_space<vmem_shared>> -> memref<25088x64xf32, #tpu.memory_space<vmem_shared>>
        tpu.wait_indirect_dma semaphore(%run_scoped3A : memref<!tpu.dma_semaphore, #tpu.memory_space<semaphore_mem>>) src(%arg11 : memref<80x64xf32, #tpu.memory_space<vmem>>) dst(%dma_wait3A_70 : memref<25088x64xf32, #tpu.memory_space<vmem_shared>>)
        tpu.yield
      }) : () -> ()
    }
    %scan3A_5 = arith.constant 25 : i32
    %barrier3A_6 = arith.constant 0 : index
    tpu.barrier barrier_id(%barrier3A_6)
    %mul3A_7 = arith.constant 25088 : i32
    %mul3A_8 = arith.muli %arg0, %mul3A_7 : i32
    %add3A = arith.addi %mul3A_8, %mul3A_0 : i32
    "tpu.region"() ({
      %run_scoped3A = tpu.sem_alloc : memref<!tpu.dma_semaphore, #tpu.memory_space<semaphore_mem>>
      %dma_start3A = arith.constant 0 : i32
      %dma_start3A_9 = tpu.memref_slice %arg6[%add3A, %dma_start3A] : memref<50176x64xf32, #tpu.memory_space<hbm>> -> memref<1568x64xf32, #tpu.memory_space<hbm>>
      %dma_start3A_10 = arith.constant 0 : i32
      %dma_start3A_11 = tpu.memref_slice %arg13[%mul3A_0, %dma_start3A_10] : memref<25088x64xf32, #tpu.memory_space<vmem_shared>> -> memref<1568x64xf32, #tpu.memory_space<vmem_shared>>
      tpu.enqueue_dma source(%dma_start3A_11 : memref<1568x64xf32, #tpu.memory_space<vmem_shared>>) target(%dma_start3A_9 : memref<1568x64xf32, #tpu.memory_space<hbm>>) target_semaphore(%run_scoped3A : memref<!tpu.dma_semaphore, #tpu.memory_space<semaphore_mem>>)
      %dma_wait3A = arith.constant 0 : i32
      %dma_wait3A_12 = tpu.memref_slice %arg6[%add3A, %dma_wait3A] : memref<50176x64xf32, #tpu.memory_space<hbm>> -> memref<1568x64xf32, #tpu.memory_space<hbm>>
      %dma_wait3A_13 = arith.constant 0 : i32
      %dma_wait3A_14 = tpu.memref_slice %arg13[%mul3A_0, %dma_wait3A_13] : memref<25088x64xf32, #tpu.memory_space<vmem_shared>> -> memref<1568x64xf32, #tpu.memory_space<vmem_shared>>
      tpu.wait_dma2 semaphore(%run_scoped3A : memref<!tpu.dma_semaphore, #tpu.memory_space<semaphore_mem>>) src(%dma_wait3A_14 : memref<1568x64xf32, #tpu.memory_space<vmem_shared>>) dst(%dma_wait3A_12 : memref<1568x64xf32, #tpu.memory_space<hbm>>)
      tpu.yield
    }) : () -> ()
    return
  }
}

#map = affine_map<(d0, d1) -> (0, 0)>
#map1 = affine_map<(d0, d1) -> (0)>
module attributes {stable_mosaic.version = 14 : i64} {
  func.func @_spmm(%arg0: i32, %arg1: i32, %arg2: memref<50000x64xf32, #tpu.memory_space<hbm>>, %arg3: memref<800000xi32, #tpu.memory_space<hbm>>, %arg4: memref<1600000xi32, #tpu.memory_space<hbm>>, %arg5: memref<1568x64xf32, #tpu.memory_space<hbm>>, %arg6: memref<50176x64xf32, #tpu.memory_space<hbm>>, %arg7: memref<2000xi32, #tpu.memory_space<vmem>>, %arg8: memref<2000xi32, #tpu.memory_space<vmem>>, %arg9: memref<80xi32, #tpu.memory_space<vmem>>, %arg10: memref<80xi32, #tpu.memory_space<vmem>>, %arg11: memref<80x64xf32, #tpu.memory_space<vmem>>, %arg12: memref<80x64xf32, #tpu.memory_space<vmem>>, %arg13: memref<25088x64xf32, #tpu.memory_space<vmem_shared>>, %arg14: memref<!tpu.dma_semaphore, #tpu.memory_space<semaphore_mem>>, %arg15: memref<!tpu.dma_semaphore, #tpu.memory_space<semaphore_mem>>) attributes {dimension_semantics = [#tpu.dimension_semantics<core_parallel>, #tpu.dimension_semantics<subcore_parallel>], iteration_bounds = array<i64: 2, 16>, scalar_prefetch = 0 : i64, scratch_operands = 9 : i64, tpu.core_type = #tpu.core_type<sc_vector_subcore>, window_params = [{transform_indices = #map}, {transform_indices = #map1}, {transform_indices = #map1}, {transform_indices = #map}, {transform_indices = #map}]} {
    %mul3A = arith.constant 1568 : i32
    %mul3A_0 = arith.muli %arg1, %mul3A : i32
    "tpu.region"() ({
      %run_scoped3A = tpu.sem_alloc : memref<!tpu.dma_semaphore, #tpu.memory_space<semaphore_mem>>
      %dma_start3A = arith.constant 0 : i32
      %dma_start3A_9 = tpu.memref_slice %arg13[%mul3A_0, %dma_start3A] : memref<25088x64xf32, #tpu.memory_space<vmem_shared>> -> memref<1568x64xf32, #tpu.memory_space<vmem_shared>>
      tpu.enqueue_dma source(%arg5 : memref<1568x64xf32, #tpu.memory_space<hbm>>) target(%dma_start3A_9 : memref<1568x64xf32, #tpu.memory_space<vmem_shared>>) target_semaphore(%run_scoped3A : memref<!tpu.dma_semaphore, #tpu.memory_space<semaphore_mem>>)
      %dma_wait3A = arith.constant 0 : i32
      %dma_wait3A_10 = tpu.memref_slice %arg13[%mul3A_0, %dma_wait3A] : memref<25088x64xf32, #tpu.memory_space<vmem_shared>> -> memref<1568x64xf32, #tpu.memory_space<vmem_shared>>
      tpu.wait_dma2 semaphore(%run_scoped3A : memref<!tpu.dma_semaphore, #tpu.memory_space<semaphore_mem>>) src(%arg5 : memref<1568x64xf32, #tpu.memory_space<hbm>>) dst(%dma_wait3A_10 : memref<1568x64xf32, #tpu.memory_space<vmem_shared>>)
      tpu.yield
    }) : () -> ()
    %barrier3A = arith.constant 0 : index
    tpu.barrier barrier_id(%barrier3A)
    %scan3A = arith.constant 0 : i32
    %scan3A_1 = arith.constant 0 : i32
    %scan3A_2 = arith.constant 25 : i32
    %scan3A_3 = arith.addi %scan3A_1, %scan3A_2 : i32
    %scan3A_4 = arith.constant 1 : i32
    scf.for %scan3A_9 = %scan3A_1 to %scan3A_3 step %scan3A_4  : i32 {
      %mul3A_10 = arith.constant 50000 : i32
      %mul3A_11 = arith.muli %arg1, %mul3A_10 : i32
      %mul3A_12 = arith.constant 2000 : i32
      %mul3A_13 = arith.muli %scan3A_9, %mul3A_12 : i32
      %add3A_14 = arith.addi %mul3A_11, %mul3A_13 : i32
      "tpu.region"() ({
        %run_scoped3A = tpu.sem_alloc : memref<!tpu.dma_semaphore, #tpu.memory_space<semaphore_mem>>
        %dma_start3A_65 = tpu.memref_slice %arg3[%add3A_14] : memref<800000xi32, #tpu.memory_space<hbm>> -> memref<2000xi32, #tpu.memory_space<hbm>>
        %dma_start3A_66 = tpu.memref_slice %arg3[%add3A_14] : memref<800000xi32, #tpu.memory_space<hbm>> -> memref<2000xi32, #tpu.memory_space<hbm>>
        tpu.enqueue_dma source(%dma_start3A_66 : memref<2000xi32, #tpu.memory_space<hbm>>) target(%arg7 : memref<2000xi32, #tpu.memory_space<vmem>>) target_semaphore(%run_scoped3A : memref<!tpu.dma_semaphore, #tpu.memory_space<semaphore_mem>>)
        %dma_wait3A_67 = tpu.memref_slice %arg3[%add3A_14] : memref<800000xi32, #tpu.memory_space<hbm>> -> memref<2000xi32, #tpu.memory_space<hbm>>
        %dma_wait3A_68 = tpu.memref_slice %arg3[%add3A_14] : memref<800000xi32, #tpu.memory_space<hbm>> -> memref<2000xi32, #tpu.memory_space<hbm>>
        tpu.wait_dma2 semaphore(%run_scoped3A : memref<!tpu.dma_semaphore, #tpu.memory_space<semaphore_mem>>) src(%dma_wait3A_68 : memref<2000xi32, #tpu.memory_space<hbm>>) dst(%arg7 : memref<2000xi32, #tpu.memory_space<vmem>>)
        tpu.yield
      }) : () -> ()
      %mul3A_15 = arith.constant 800000 : i32
      %mul3A_16 = arith.muli %arg0, %mul3A_15 : i32
      %add3A_17 = arith.addi %mul3A_16, %add3A_14 : i32
      "tpu.region"() ({
        %run_scoped3A = tpu.sem_alloc : memref<!tpu.dma_semaphore, #tpu.memory_space<semaphore_mem>>
        %dma_start3A_65 = tpu.memref_slice %arg4[%add3A_17] : memref<1600000xi32, #tpu.memory_space<hbm>> -> memref<2000xi32, #tpu.memory_space<hbm>>
        %dma_start3A_66 = tpu.memref_slice %arg4[%add3A_17] : memref<1600000xi32, #tpu.memory_space<hbm>> -> memref<2000xi32, #tpu.memory_space<hbm>>
        tpu.enqueue_dma source(%dma_start3A_66 : memref<2000xi32, #tpu.memory_space<hbm>>) target(%arg8 : memref<2000xi32, #tpu.memory_space<vmem>>) target_semaphore(%run_scoped3A : memref<!tpu.dma_semaphore, #tpu.memory_space<semaphore_mem>>)
        %dma_wait3A_67 = tpu.memref_slice %arg4[%add3A_17] : memref<1600000xi32, #tpu.memory_space<hbm>> -> memref<2000xi32, #tpu.memory_space<hbm>>
        %dma_wait3A_68 = tpu.memref_slice %arg4[%add3A_17] : memref<1600000xi32, #tpu.memory_space<hbm>> -> memref<2000xi32, #tpu.memory_space<hbm>>
        tpu.wait_dma2 semaphore(%run_scoped3A : memref<!tpu.dma_semaphore, #tpu.memory_space<semaphore_mem>>) src(%dma_wait3A_68 : memref<2000xi32, #tpu.memory_space<hbm>>) dst(%arg8 : memref<2000xi32, #tpu.memory_space<vmem>>)
        tpu.yield
      }) : () -> ()
      %dma_start3A = arith.constant 0 : i32
      %dma_start3A_18 = tpu.memref_slice %arg7[%dma_start3A] : memref<2000xi32, #tpu.memory_space<vmem>> -> memref<80xi32, #tpu.memory_space<vmem>>
      %dma_start3A_19 = arith.constant 0 : i32
      %dma_start3A_20 = arith.constant 0 : i32
      %dma_start3A_21 = tpu.memref_slice %arg2[%dma_start3A_19, %dma_start3A_20] : memref<50000x64xf32, #tpu.memory_space<hbm>> -> memref<50000x64xf32, #tpu.memory_space<hbm>>
      tpu.enqueue_indirect_dma source(%dma_start3A_21 : memref<50000x64xf32, #tpu.memory_space<hbm>>) target(%arg11 : memref<80x64xf32, #tpu.memory_space<vmem>>) offsets(%dma_start3A_18 : memref<80xi32, #tpu.memory_space<vmem>>) semaphore(%arg14 : memref<!tpu.dma_semaphore, #tpu.memory_space<semaphore_mem>>)
      %scan3A_22 = arith.constant 0 : i32
      %scan3A_23 = arith.constant 0 : i32
      %scan3A_24 = arith.constant 12 : i32
      %scan3A_25 = arith.addi %scan3A_23, %scan3A_24 : i32
      %scan3A_26 = arith.constant 1 : i32
      scf.for %scan3A_65 = %scan3A_23 to %scan3A_25 step %scan3A_26  : i32 {
        %mul3A_66 = arith.constant 2 : i32
        %mul3A_67 = arith.muli %mul3A_66, %scan3A_65 : i32
        %add3A_68 = arith.constant 1 : i32
        %add3A_69 = arith.addi %mul3A_67, %add3A_68 : i32
        %mul3A_70 = arith.constant 80 : i32
        %mul3A_71 = arith.muli %add3A_69, %mul3A_70 : i32
        %dma_start3A_72 = tpu.memref_slice %arg7[%mul3A_71] : memref<2000xi32, #tpu.memory_space<vmem>> -> memref<80xi32, #tpu.memory_space<vmem>>
        %dma_start3A_73 = arith.constant 0 : i32
        %dma_start3A_74 = arith.constant 0 : i32
        %dma_start3A_75 = tpu.memref_slice %arg2[%dma_start3A_73, %dma_start3A_74] : memref<50000x64xf32, #tpu.memory_space<hbm>> -> memref<50000x64xf32, #tpu.memory_space<hbm>>
        tpu.enqueue_indirect_dma source(%dma_start3A_75 : memref<50000x64xf32, #tpu.memory_space<hbm>>) target(%arg12 : memref<80x64xf32, #tpu.memory_space<vmem>>) offsets(%dma_start3A_72 : memref<80xi32, #tpu.memory_space<vmem>>) semaphore(%arg15 : memref<!tpu.dma_semaphore, #tpu.memory_space<semaphore_mem>>)
        %mul3A_76 = arith.constant 80 : i32
        %mul3A_77 = arith.muli %mul3A_67, %mul3A_76 : i32
        %dma_wait3A_78 = tpu.memref_slice %arg7[%mul3A_77] : memref<2000xi32, #tpu.memory_space<vmem>> -> memref<80xi32, #tpu.memory_space<vmem>>
        %dma_wait3A_79 = arith.constant 0 : i32
        %dma_wait3A_80 = arith.constant 0 : i32
        %dma_wait3A_81 = tpu.memref_slice %arg2[%dma_wait3A_79, %dma_wait3A_80] : memref<50000x64xf32, #tpu.memory_space<hbm>> -> memref<50000x64xf32, #tpu.memory_space<hbm>>
        tpu.wait_indirect_dma semaphore(%arg14 : memref<!tpu.dma_semaphore, #tpu.memory_space<semaphore_mem>>) src(%dma_wait3A_81 : memref<50000x64xf32, #tpu.memory_space<hbm>>) dst(%arg11 : memref<80x64xf32, #tpu.memory_space<vmem>>)
        %mul3A_82 = arith.constant 80 : i32
        %mul3A_83 = arith.muli %mul3A_67, %mul3A_82 : i32
        %add3A_84 = arith.constant 0 : i32
        %add3A_85 = arith.addi %mul3A_83, %add3A_84 : i32
        %get3A_86 = arith.index_cast %add3A_85 : i32 to index
        %get3A_87 = tpu.vector_load %arg8[%get3A_86] {strides = array<i32>} : memref<2000xi32, #tpu.memory_space<vmem>>, vector<16xi32>,
        %get3A_88 = vector.shape_cast %get3A_87 : vector<16xi32> to vector<16xi32>
        %swap3A_89 = arith.constant 0 : index
        %swap3A_90 = tpu.vector_load %arg9[%swap3A_89] {strides = array<i32>} : memref<80xi32, #tpu.memory_space<vmem>>, vector<16xi32>,
        %swap3A_91 = vector.shape_cast %swap3A_90 : vector<16xi32> to vector<16xi32>
        %swap3A_92 = vector.shape_cast %get3A_88 : vector<16xi32> to vector<16xi32>
        tpu.vector_store %arg9[%swap3A_89], %swap3A_92 {strides = array<i32>} : memref<80xi32, #tpu.memory_space<vmem>>, vector<16xi32>,
        %mul3A_93 = arith.constant 80 : i32
        %mul3A_94 = arith.muli %mul3A_67, %mul3A_93 : i32
        %add3A_95 = arith.constant 16 : i32
        %add3A_96 = arith.addi %mul3A_94, %add3A_95 : i32
        %get3A_97 = arith.index_cast %add3A_96 : i32 to index
        %get3A_98 = tpu.vector_load %arg8[%get3A_97] {strides = array<i32>} : memref<2000xi32, #tpu.memory_space<vmem>>, vector<16xi32>,
        %get3A_99 = vector.shape_cast %get3A_98 : vector<16xi32> to vector<16xi32>
        %swap3A_100 = arith.constant 16 : index
        %swap3A_101 = tpu.vector_load %arg9[%swap3A_100] {strides = array<i32>} : memref<80xi32, #tpu.memory_space<vmem>>, vector<16xi32>,
        %swap3A_102 = vector.shape_cast %swap3A_101 : vector<16xi32> to vector<16xi32>
        %swap3A_103 = vector.shape_cast %get3A_99 : vector<16xi32> to vector<16xi32>
        tpu.vector_store %arg9[%swap3A_100], %swap3A_103 {strides = array<i32>} : memref<80xi32, #tpu.memory_space<vmem>>, vector<16xi32>,
        %mul3A_104 = arith.constant 80 : i32
        %mul3A_105 = arith.muli %mul3A_67, %mul3A_104 : i32
        %add3A_106 = arith.constant 32 : i32
        %add3A_107 = arith.addi %mul3A_105, %add3A_106 : i32
        %get3A_108 = arith.index_cast %add3A_107 : i32 to index
        %get3A_109 = tpu.vector_load %arg8[%get3A_108] {strides = array<i32>} : memref<2000xi32, #tpu.memory_space<vmem>>, vector<16xi32>,
        %get3A_110 = vector.shape_cast %get3A_109 : vector<16xi32> to vector<16xi32>
        %swap3A_111 = arith.constant 32 : index
        %swap3A_112 = tpu.vector_load %arg9[%swap3A_111] {strides = array<i32>} : memref<80xi32, #tpu.memory_space<vmem>>, vector<16xi32>,
        %swap3A_113 = vector.shape_cast %swap3A_112 : vector<16xi32> to vector<16xi32>
        %swap3A_114 = vector.shape_cast %get3A_110 : vector<16xi32> to vector<16xi32>
        tpu.vector_store %arg9[%swap3A_111], %swap3A_114 {strides = array<i32>} : memref<80xi32, #tpu.memory_space<vmem>>, vector<16xi32>,
        %mul3A_115 = arith.constant 80 : i32
        %mul3A_116 = arith.muli %mul3A_67, %mul3A_115 : i32
        %add3A_117 = arith.constant 48 : i32
        %add3A_118 = arith.addi %mul3A_116, %add3A_117 : i32
        %get3A_119 = arith.index_cast %add3A_118 : i32 to index
        %get3A_120 = tpu.vector_load %arg8[%get3A_119] {strides = array<i32>} : memref<2000xi32, #tpu.memory_space<vmem>>, vector<16xi32>,
        %get3A_121 = vector.shape_cast %get3A_120 : vector<16xi32> to vector<16xi32>
        %swap3A_122 = arith.constant 48 : index
        %swap3A_123 = tpu.vector_load %arg9[%swap3A_122] {strides = array<i32>} : memref<80xi32, #tpu.memory_space<vmem>>, vector<16xi32>,
        %swap3A_124 = vector.shape_cast %swap3A_123 : vector<16xi32> to vector<16xi32>
        %swap3A_125 = vector.shape_cast %get3A_121 : vector<16xi32> to vector<16xi32>
        tpu.vector_store %arg9[%swap3A_122], %swap3A_125 {strides = array<i32>} : memref<80xi32, #tpu.memory_space<vmem>>, vector<16xi32>,
        %mul3A_126 = arith.constant 80 : i32
        %mul3A_127 = arith.muli %mul3A_67, %mul3A_126 : i32
        %add3A_128 = arith.constant 64 : i32
        %add3A_129 = arith.addi %mul3A_127, %add3A_128 : i32
        %get3A_130 = arith.index_cast %add3A_129 : i32 to index
        %get3A_131 = tpu.vector_load %arg8[%get3A_130] {strides = array<i32>} : memref<2000xi32, #tpu.memory_space<vmem>>, vector<16xi32>,
        %get3A_132 = vector.shape_cast %get3A_131 : vector<16xi32> to vector<16xi32>
        %swap3A_133 = arith.constant 64 : index
        %swap3A_134 = tpu.vector_load %arg9[%swap3A_133] {strides = array<i32>} : memref<80xi32, #tpu.memory_space<vmem>>, vector<16xi32>,
        %swap3A_135 = vector.shape_cast %swap3A_134 : vector<16xi32> to vector<16xi32>
        %swap3A_136 = vector.shape_cast %get3A_132 : vector<16xi32> to vector<16xi32>
        tpu.vector_store %arg9[%swap3A_133], %swap3A_136 {strides = array<i32>} : memref<80xi32, #tpu.memory_space<vmem>>, vector<16xi32>,
        "tpu.region"() ({
          %run_scoped3A = tpu.sem_alloc : memref<!tpu.dma_semaphore, #tpu.memory_space<semaphore_mem>>
          %dma_start3A_210 = arith.constant 0 : i32
          %dma_start3A_211 = arith.constant 0 : i32
          %dma_start3A_212 = tpu.memref_slice %arg13[%dma_start3A_210, %dma_start3A_211] : memref<25088x64xf32, #tpu.memory_space<vmem_shared>> -> memref<25088x64xf32, #tpu.memory_space<vmem_shared>>
          tpu.enqueue_indirect_dma source(%arg11 : memref<80x64xf32, #tpu.memory_space<vmem>>) target(%dma_start3A_212 : memref<25088x64xf32, #tpu.memory_space<vmem_shared>>) offsets(%arg9 : memref<80xi32, #tpu.memory_space<vmem>>) semaphore(%run_scoped3A : memref<!tpu.dma_semaphore, #tpu.memory_space<semaphore_mem>>) {add = true}
          %dma_wait3A_213 = arith.constant 0 : i32
          %dma_wait3A_214 = arith.constant 0 : i32
          %dma_wait3A_215 = tpu.memref_slice %arg13[%dma_wait3A_213, %dma_wait3A_214] : memref<25088x64xf32, #tpu.memory_space<vmem_shared>> -> memref<25088x64xf32, #tpu.memory_space<vmem_shared>>
          tpu.wait_indirect_dma semaphore(%run_scoped3A : memref<!tpu.dma_semaphore, #tpu.memory_space<semaphore_mem>>) src(%arg11 : memref<80x64xf32, #tpu.memory_space<vmem>>) dst(%dma_wait3A_215 : memref<25088x64xf32, #tpu.memory_space<vmem_shared>>)
          tpu.yield
        }) : () -> ()
        %add3A_137 = arith.constant 2 : i32
        %add3A_138 = arith.addi %mul3A_67, %add3A_137 : i32
        %mul3A_139 = arith.constant 80 : i32
        %mul3A_140 = arith.muli %add3A_138, %mul3A_139 : i32
        %dma_start3A_141 = tpu.memref_slice %arg7[%mul3A_140] : memref<2000xi32, #tpu.memory_space<vmem>> -> memref<80xi32, #tpu.memory_space<vmem>>
        %dma_start3A_142 = arith.constant 0 : i32
        %dma_start3A_143 = arith.constant 0 : i32
        %dma_start3A_144 = tpu.memref_slice %arg2[%dma_start3A_142, %dma_start3A_143] : memref<50000x64xf32, #tpu.memory_space<hbm>> -> memref<50000x64xf32, #tpu.memory_space<hbm>>
        tpu.enqueue_indirect_dma source(%dma_start3A_144 : memref<50000x64xf32, #tpu.memory_space<hbm>>) target(%arg11 : memref<80x64xf32, #tpu.memory_space<vmem>>) offsets(%dma_start3A_141 : memref<80xi32, #tpu.memory_space<vmem>>) semaphore(%arg14 : memref<!tpu.dma_semaphore, #tpu.memory_space<semaphore_mem>>)
        %add3A_145 = arith.constant 1 : i32
        %add3A_146 = arith.addi %mul3A_67, %add3A_145 : i32
        %mul3A_147 = arith.constant 80 : i32
        %mul3A_148 = arith.muli %add3A_146, %mul3A_147 : i32
        %dma_wait3A_149 = tpu.memref_slice %arg7[%mul3A_148] : memref<2000xi32, #tpu.memory_space<vmem>> -> memref<80xi32, #tpu.memory_space<vmem>>
        %dma_wait3A_150 = arith.constant 0 : i32
        %dma_wait3A_151 = arith.constant 0 : i32
        %dma_wait3A_152 = tpu.memref_slice %arg2[%dma_wait3A_150, %dma_wait3A_151] : memref<50000x64xf32, #tpu.memory_space<hbm>> -> memref<50000x64xf32, #tpu.memory_space<hbm>>
        tpu.wait_indirect_dma semaphore(%arg15 : memref<!tpu.dma_semaphore, #tpu.memory_space<semaphore_mem>>) src(%dma_wait3A_152 : memref<50000x64xf32, #tpu.memory_space<hbm>>) dst(%arg12 : memref<80x64xf32, #tpu.memory_space<vmem>>)
        %add3A_153 = arith.constant 1 : i32
        %add3A_154 = arith.addi %mul3A_67, %add3A_153 : i32
        %mul3A_155 = arith.constant 80 : i32
        %mul3A_156 = arith.muli %add3A_154, %mul3A_155 : i32
        %add3A_157 = arith.constant 0 : i32
        %add3A_158 = arith.addi %mul3A_156, %add3A_157 : i32
        %get3A_159 = arith.index_cast %add3A_158 : i32 to index
        %get3A_160 = tpu.vector_load %arg8[%get3A_159] {strides = array<i32>} : memref<2000xi32, #tpu.memory_space<vmem>>, vector<16xi32>,
        %get3A_161 = vector.shape_cast %get3A_160 : vector<16xi32> to vector<16xi32>
        %swap3A_162 = arith.constant 0 : index
        %swap3A_163 = tpu.vector_load %arg10[%swap3A_162] {strides = array<i32>} : memref<80xi32, #tpu.memory_space<vmem>>, vector<16xi32>,
        %swap3A_164 = vector.shape_cast %swap3A_163 : vector<16xi32> to vector<16xi32>
        %swap3A_165 = vector.shape_cast %get3A_161 : vector<16xi32> to vector<16xi32>
        tpu.vector_store %arg10[%swap3A_162], %swap3A_165 {strides = array<i32>} : memref<80xi32, #tpu.memory_space<vmem>>, vector<16xi32>,
        %mul3A_166 = arith.constant 80 : i32
        %mul3A_167 = arith.muli %add3A_154, %mul3A_166 : i32
        %add3A_168 = arith.constant 16 : i32
        %add3A_169 = arith.addi %mul3A_167, %add3A_168 : i32
        %get3A_170 = arith.index_cast %add3A_169 : i32 to index
        %get3A_171 = tpu.vector_load %arg8[%get3A_170] {strides = array<i32>} : memref<2000xi32, #tpu.memory_space<vmem>>, vector<16xi32>,
        %get3A_172 = vector.shape_cast %get3A_171 : vector<16xi32> to vector<16xi32>
        %swap3A_173 = arith.constant 16 : index
        %swap3A_174 = tpu.vector_load %arg10[%swap3A_173] {strides = array<i32>} : memref<80xi32, #tpu.memory_space<vmem>>, vector<16xi32>,
        %swap3A_175 = vector.shape_cast %swap3A_174 : vector<16xi32> to vector<16xi32>
        %swap3A_176 = vector.shape_cast %get3A_172 : vector<16xi32> to vector<16xi32>
        tpu.vector_store %arg10[%swap3A_173], %swap3A_176 {strides = array<i32>} : memref<80xi32, #tpu.memory_space<vmem>>, vector<16xi32>,
        %mul3A_177 = arith.constant 80 : i32
        %mul3A_178 = arith.muli %add3A_154, %mul3A_177 : i32
        %add3A_179 = arith.constant 32 : i32
        %add3A_180 = arith.addi %mul3A_178, %add3A_179 : i32
        %get3A_181 = arith.index_cast %add3A_180 : i32 to index
        %get3A_182 = tpu.vector_load %arg8[%get3A_181] {strides = array<i32>} : memref<2000xi32, #tpu.memory_space<vmem>>, vector<16xi32>,
        %get3A_183 = vector.shape_cast %get3A_182 : vector<16xi32> to vector<16xi32>
        %swap3A_184 = arith.constant 32 : index
        %swap3A_185 = tpu.vector_load %arg10[%swap3A_184] {strides = array<i32>} : memref<80xi32, #tpu.memory_space<vmem>>, vector<16xi32>,
        %swap3A_186 = vector.shape_cast %swap3A_185 : vector<16xi32> to vector<16xi32>
        %swap3A_187 = vector.shape_cast %get3A_183 : vector<16xi32> to vector<16xi32>
        tpu.vector_store %arg10[%swap3A_184], %swap3A_187 {strides = array<i32>} : memref<80xi32, #tpu.memory_space<vmem>>, vector<16xi32>,
        %mul3A_188 = arith.constant 80 : i32
        %mul3A_189 = arith.muli %add3A_154, %mul3A_188 : i32
        %add3A_190 = arith.constant 48 : i32
        %add3A_191 = arith.addi %mul3A_189, %add3A_190 : i32
        %get3A_192 = arith.index_cast %add3A_191 : i32 to index
        %get3A_193 = tpu.vector_load %arg8[%get3A_192] {strides = array<i32>} : memref<2000xi32, #tpu.memory_space<vmem>>, vector<16xi32>,
        %get3A_194 = vector.shape_cast %get3A_193 : vector<16xi32> to vector<16xi32>
        %swap3A_195 = arith.constant 48 : index
        %swap3A_196 = tpu.vector_load %arg10[%swap3A_195] {strides = array<i32>} : memref<80xi32, #tpu.memory_space<vmem>>, vector<16xi32>,
        %swap3A_197 = vector.shape_cast %swap3A_196 : vector<16xi32> to vector<16xi32>
        %swap3A_198 = vector.shape_cast %get3A_194 : vector<16xi32> to vector<16xi32>
        tpu.vector_store %arg10[%swap3A_195], %swap3A_198 {strides = array<i32>} : memref<80xi32, #tpu.memory_space<vmem>>, vector<16xi32>,
        %mul3A_199 = arith.constant 80 : i32
        %mul3A_200 = arith.muli %add3A_154, %mul3A_199 : i32
        %add3A_201 = arith.constant 64 : i32
        %add3A_202 = arith.addi %mul3A_200, %add3A_201 : i32
        %get3A_203 = arith.index_cast %add3A_202 : i32 to index
        %get3A_204 = tpu.vector_load %arg8[%get3A_203] {strides = array<i32>} : memref<2000xi32, #tpu.memory_space<vmem>>, vector<16xi32>,
        %get3A_205 = vector.shape_cast %get3A_204 : vector<16xi32> to vector<16xi32>
        %swap3A_206 = arith.constant 64 : index
        %swap3A_207 = tpu.vector_load %arg10[%swap3A_206] {strides = array<i32>} : memref<80xi32, #tpu.memory_space<vmem>>, vector<16xi32>,
        %swap3A_208 = vector.shape_cast %swap3A_207 : vector<16xi32> to vector<16xi32>
        %swap3A_209 = vector.shape_cast %get3A_205 : vector<16xi32> to vector<16xi32>
        tpu.vector_store %arg10[%swap3A_206], %swap3A_209 {strides = array<i32>} : memref<80xi32, #tpu.memory_space<vmem>>, vector<16xi32>,
        "tpu.region"() ({
          %run_scoped3A = tpu.sem_alloc : memref<!tpu.dma_semaphore, #tpu.memory_space<semaphore_mem>>
          %dma_start3A_210 = arith.constant 0 : i32
          %dma_start3A_211 = arith.constant 0 : i32
          %dma_start3A_212 = tpu.memref_slice %arg13[%dma_start3A_210, %dma_start3A_211] : memref<25088x64xf32, #tpu.memory_space<vmem_shared>> -> memref<25088x64xf32, #tpu.memory_space<vmem_shared>>
          tpu.enqueue_indirect_dma source(%arg12 : memref<80x64xf32, #tpu.memory_space<vmem>>) target(%dma_start3A_212 : memref<25088x64xf32, #tpu.memory_space<vmem_shared>>) offsets(%arg10 : memref<80xi32, #tpu.memory_space<vmem>>) semaphore(%run_scoped3A : memref<!tpu.dma_semaphore, #tpu.memory_space<semaphore_mem>>) {add = true}
          %dma_wait3A_213 = arith.constant 0 : i32
          %dma_wait3A_214 = arith.constant 0 : i32
          %dma_wait3A_215 = tpu.memref_slice %arg13[%dma_wait3A_213, %dma_wait3A_214] : memref<25088x64xf32, #tpu.memory_space<vmem_shared>> -> memref<25088x64xf32, #tpu.memory_space<vmem_shared>>
          tpu.wait_indirect_dma semaphore(%run_scoped3A : memref<!tpu.dma_semaphore, #tpu.memory_space<semaphore_mem>>) src(%arg12 : memref<80x64xf32, #tpu.memory_space<vmem>>) dst(%dma_wait3A_215 : memref<25088x64xf32, #tpu.memory_space<vmem_shared>>)
          tpu.yield
        }) : () -> ()
      }
      %scan3A_27 = arith.constant 12 : i32
      %dma_wait3A = arith.constant 1920 : i32
      %dma_wait3A_28 = tpu.memref_slice %arg7[%dma_wait3A] : memref<2000xi32, #tpu.memory_space<vmem>> -> memref<80xi32, #tpu.memory_space<vmem>>
      %dma_wait3A_29 = arith.constant 0 : i32
      %dma_wait3A_30 = arith.constant 0 : i32
      %dma_wait3A_31 = tpu.memref_slice %arg2[%dma_wait3A_29, %dma_wait3A_30] : memref<50000x64xf32, #tpu.memory_space<hbm>> -> memref<50000x64xf32, #tpu.memory_space<hbm>>
      tpu.wait_indirect_dma semaphore(%arg14 : memref<!tpu.dma_semaphore, #tpu.memory_space<semaphore_mem>>) src(%dma_wait3A_31 : memref<50000x64xf32, #tpu.memory_space<hbm>>) dst(%arg11 : memref<80x64xf32, #tpu.memory_space<vmem>>)
      %get3A = arith.constant 1920 : index
      %get3A_32 = tpu.vector_load %arg8[%get3A] {strides = array<i32>} : memref<2000xi32, #tpu.memory_space<vmem>>, vector<16xi32>,
      %get3A_33 = vector.shape_cast %get3A_32 : vector<16xi32> to vector<16xi32>
      %swap3A = arith.constant 0 : index
      %swap3A_34 = tpu.vector_load %arg9[%swap3A] {strides = array<i32>} : memref<80xi32, #tpu.memory_space<vmem>>, vector<16xi32>,
      %swap3A_35 = vector.shape_cast %swap3A_34 : vector<16xi32> to vector<16xi32>
      %swap3A_36 = vector.shape_cast %get3A_33 : vector<16xi32> to vector<16xi32>
      tpu.vector_store %arg9[%swap3A], %swap3A_36 {strides = array<i32>} : memref<80xi32, #tpu.memory_space<vmem>>, vector<16xi32>,
      %get3A_37 = arith.constant 1936 : index
      %get3A_38 = tpu.vector_load %arg8[%get3A_37] {strides = array<i32>} : memref<2000xi32, #tpu.memory_space<vmem>>, vector<16xi32>,
      %get3A_39 = vector.shape_cast %get3A_38 : vector<16xi32> to vector<16xi32>
      %swap3A_40 = arith.constant 16 : index
      %swap3A_41 = tpu.vector_load %arg9[%swap3A_40] {strides = array<i32>} : memref<80xi32, #tpu.memory_space<vmem>>, vector<16xi32>,
      %swap3A_42 = vector.shape_cast %swap3A_41 : vector<16xi32> to vector<16xi32>
      %swap3A_43 = vector.shape_cast %get3A_39 : vector<16xi32> to vector<16xi32>
      tpu.vector_store %arg9[%swap3A_40], %swap3A_43 {strides = array<i32>} : memref<80xi32, #tpu.memory_space<vmem>>, vector<16xi32>,
      %get3A_44 = arith.constant 1952 : index
      %get3A_45 = tpu.vector_load %arg8[%get3A_44] {strides = array<i32>} : memref<2000xi32, #tpu.memory_space<vmem>>, vector<16xi32>,
      %get3A_46 = vector.shape_cast %get3A_45 : vector<16xi32> to vector<16xi32>
      %swap3A_47 = arith.constant 32 : index
      %swap3A_48 = tpu.vector_load %arg9[%swap3A_47] {strides = array<i32>} : memref<80xi32, #tpu.memory_space<vmem>>, vector<16xi32>,
      %swap3A_49 = vector.shape_cast %swap3A_48 : vector<16xi32> to vector<16xi32>
      %swap3A_50 = vector.shape_cast %get3A_46 : vector<16xi32> to vector<16xi32>
      tpu.vector_store %arg9[%swap3A_47], %swap3A_50 {strides = array<i32>} : memref<80xi32, #tpu.memory_space<vmem>>, vector<16xi32>,
      %get3A_51 = arith.constant 1968 : index
      %get3A_52 = tpu.vector_load %arg8[%get3A_51] {strides = array<i32>} : memref<2000xi32, #tpu.memory_space<vmem>>, vector<16xi32>,
      %get3A_53 = vector.shape_cast %get3A_52 : vector<16xi32> to vector<16xi32>
      %swap3A_54 = arith.constant 48 : index
      %swap3A_55 = tpu.vector_load %arg9[%swap3A_54] {strides = array<i32>} : memref<80xi32, #tpu.memory_space<vmem>>, vector<16xi32>,
      %swap3A_56 = vector.shape_cast %swap3A_55 : vector<16xi32> to vector<16xi32>
      %swap3A_57 = vector.shape_cast %get3A_53 : vector<16xi32> to vector<16xi32>
      tpu.vector_store %arg9[%swap3A_54], %swap3A_57 {strides = array<i32>} : memref<80xi32, #tpu.memory_space<vmem>>, vector<16xi32>,
      %get3A_58 = arith.constant 1984 : index
      %get3A_59 = tpu.vector_load %arg8[%get3A_58] {strides = array<i32>} : memref<2000xi32, #tpu.memory_space<vmem>>, vector<16xi32>,
      %get3A_60 = vector.shape_cast %get3A_59 : vector<16xi32> to vector<16xi32>
      %swap3A_61 = arith.constant 64 : index
      %swap3A_62 = tpu.vector_load %arg9[%swap3A_61] {strides = array<i32>} : memref<80xi32, #tpu.memory_space<vmem>>, vector<16xi32>,
      %swap3A_63 = vector.shape_cast %swap3A_62 : vector<16xi32> to vector<16xi32>
      %swap3A_64 = vector.shape_cast %get3A_60 : vector<16xi32> to vector<16xi32>
      tpu.vector_store %arg9[%swap3A_61], %swap3A_64 {strides = array<i32>} : memref<80xi32, #tpu.memory_space<vmem>>, vector<16xi32>,
      "tpu.region"() ({
        %run_scoped3A = tpu.sem_alloc : memref<!tpu.dma_semaphore, #tpu.memory_space<semaphore_mem>>
        %dma_start3A_65 = arith.constant 0 : i32
        %dma_start3A_66 = arith.constant 0 : i32
        %dma_start3A_67 = tpu.memref_slice %arg13[%dma_start3A_65, %dma_start3A_66] : memref<25088x64xf32, #tpu.memory_space<vmem_shared>> -> memref<25088x64xf32, #tpu.memory_space<vmem_shared>>
        tpu.enqueue_indirect_dma source(%arg11 : memref<80x64xf32, #tpu.memory_space<vmem>>) target(%dma_start3A_67 : memref<25088x64xf32, #tpu.memory_space<vmem_shared>>) offsets(%arg9 : memref<80xi32, #tpu.memory_space<vmem>>) semaphore(%run_scoped3A : memref<!tpu.dma_semaphore, #tpu.memory_space<semaphore_mem>>) {add = true}
        %dma_wait3A_68 = arith.constant 0 : i32
        %dma_wait3A_69 = arith.constant 0 : i32
        %dma_wait3A_70 = tpu.memref_slice %arg13[%dma_wait3A_68, %dma_wait3A_69] : memref<25088x64xf32, #tpu.memory_space<vmem_shared>> -> memref<25088x64xf32, #tpu.memory_space<vmem_shared>>
        tpu.wait_indirect_dma semaphore(%run_scoped3A : memref<!tpu.dma_semaphore, #tpu.memory_space<semaphore_mem>>) src(%arg11 : memref<80x64xf32, #tpu.memory_space<vmem>>) dst(%dma_wait3A_70 : memref<25088x64xf32, #tpu.memory_space<vmem_shared>>)
        tpu.yield
      }) : () -> ()
    }
    %scan3A_5 = arith.constant 25 : i32
    %barrier3A_6 = arith.constant 0 : index
    tpu.barrier barrier_id(%barrier3A_6)
    %mul3A_7 = arith.constant 25088 : i32
    %mul3A_8 = arith.muli %arg0, %mul3A_7 : i32
    %add3A = arith.addi %mul3A_8, %mul3A_0 : i32
    "tpu.region"() ({
      %run_scoped3A = tpu.sem_alloc : memref<!tpu.dma_semaphore, #tpu.memory_space<semaphore_mem>>
      %dma_start3A = arith.constant 0 : i32
      %dma_start3A_9 = tpu.memref_slice %arg6[%add3A, %dma_start3A] : memref<50176x64xf32, #tpu.memory_space<hbm>> -> memref<1568x64xf32, #tpu.memory_space<hbm>>
      %dma_start3A_10 = arith.constant 0 : i32
      %dma_start3A_11 = tpu.memref_slice %arg13[%mul3A_0, %dma_start3A_10] : memref<25088x64xf32, #tpu.memory_space<vmem_shared>> -> memref<1568x64xf32, #tpu.memory_space<vmem_shared>>
      tpu.enqueue_dma source(%dma_start3A_11 : memref<1568x64xf32, #tpu.memory_space<vmem_shared>>) target(%dma_start3A_9 : memref<1568x64xf32, #tpu.memory_space<hbm>>) target_semaphore(%run_scoped3A : memref<!tpu.dma_semaphore, #tpu.memory_space<semaphore_mem>>)
      %dma_wait3A = arith.constant 0 : i32
      %dma_wait3A_12 = tpu.memref_slice %arg6[%add3A, %dma_wait3A] : memref<50176x64xf32, #tpu.memory_space<hbm>> -> memref<1568x64xf32, #tpu.memory_space<hbm>>
      %dma_wait3A_13 = arith.constant 0 : i32
      %dma_wait3A_14 = tpu.memref_slice %arg13[%mul3A_0, %dma_wait3A_13] : memref<25088x64xf32, #tpu.memory_space<vmem_shared>> -> memref<1568x64xf32, #tpu.memory_space<vmem_shared>>
      tpu.wait_dma2 semaphore(%run_scoped3A : memref<!tpu.dma_semaphore, #tpu.memory_space<semaphore_mem>>) src(%dma_wait3A_14 : memref<1568x64xf32, #tpu.memory_space<vmem_shared>>) dst(%dma_wait3A_12 : memref<1568x64xf32, #tpu.memory_space<hbm>>)
      tpu.yield
    }) : () -> ()
    return
  }
}

#map = affine_map<(d0, d1) -> (0, 0)>
#map1 = affine_map<(d0, d1) -> (0)>
module attributes {stable_mosaic.version = 14 : i64} {
  func.func @_spmm(%arg0: i32, %arg1: i32, %arg2: memref<50000x64xf32, #tpu.memory_space<hbm>>, %arg3: memref<800000xi32, #tpu.memory_space<hbm>>, %arg4: memref<1600000xi32, #tpu.memory_space<hbm>>, %arg5: memref<1568x64xf32, #tpu.memory_space<hbm>>, %arg6: memref<50176x64xf32, #tpu.memory_space<hbm>>, %arg7: memref<2000xi32, #tpu.memory_space<vmem>>, %arg8: memref<2000xi32, #tpu.memory_space<vmem>>, %arg9: memref<80xi32, #tpu.memory_space<vmem>>, %arg10: memref<80xi32, #tpu.memory_space<vmem>>, %arg11: memref<80x64xf32, #tpu.memory_space<vmem>>, %arg12: memref<80x64xf32, #tpu.memory_space<vmem>>, %arg13: memref<25088x64xf32, #tpu.memory_space<vmem_shared>>, %arg14: memref<!tpu.dma_semaphore, #tpu.memory_space<semaphore_mem>>, %arg15: memref<!tpu.dma_semaphore, #tpu.memory_space<semaphore_mem>>) attributes {dimension_semantics = [#tpu.dimension_semantics<core_parallel>, #tpu.dimension_semantics<subcore_parallel>], iteration_bounds = array<i64: 2, 16>, scalar_prefetch = 0 : i64, scratch_operands = 9 : i64, tpu.core_type = #tpu.core_type<sc_vector_subcore>, window_params = [{transform_indices = #map}, {transform_indices = #map1}, {transform_indices = #map1}, {transform_indices = #map}, {transform_indices = #map}]} {
    %mul3A = arith.constant 1568 : i32
    %mul3A_0 = arith.muli %arg1, %mul3A : i32
    "tpu.region"() ({
      %run_scoped3A = tpu.sem_alloc : memref<!tpu.dma_semaphore, #tpu.memory_space<semaphore_mem>>
      %dma_start3A = arith.constant 0 : i32
      %dma_start3A_9 = tpu.memref_slice %arg13[%mul3A_0, %dma_start3A] : memref<25088x64xf32, #tpu.memory_space<vmem_shared>> -> memref<1568x64xf32, #tpu.memory_space<vmem_shared>>
      tpu.enqueue_dma source(%arg5 : memref<1568x64xf32, #tpu.memory_space<hbm>>) target(%dma_start3A_9 : memref<1568x64xf32, #tpu.memory_space<vmem_shared>>) target_semaphore(%run_scoped3A : memref<!tpu.dma_semaphore, #tpu.memory_space<semaphore_mem>>)
      %dma_wait3A = arith.constant 0 : i32
      %dma_wait3A_10 = tpu.memref_slice %arg13[%mul3A_0, %dma_wait3A] : memref<25088x64xf32, #tpu.memory_space<vmem_shared>> -> memref<1568x64xf32, #tpu.memory_space<vmem_shared>>
      tpu.wait_dma2 semaphore(%run_scoped3A : memref<!tpu.dma_semaphore, #tpu.memory_space<semaphore_mem>>) src(%arg5 : memref<1568x64xf32, #tpu.memory_space<hbm>>) dst(%dma_wait3A_10 : memref<1568x64xf32, #tpu.memory_space<vmem_shared>>)
      tpu.yield
    }) : () -> ()
    %barrier3A = arith.constant 0 : index
    tpu.barrier barrier_id(%barrier3A)
    %scan3A = arith.constant 0 : i32
    %scan3A_1 = arith.constant 0 : i32
    %scan3A_2 = arith.constant 25 : i32
    %scan3A_3 = arith.addi %scan3A_1, %scan3A_2 : i32
    %scan3A_4 = arith.constant 1 : i32
    scf.for %scan3A_9 = %scan3A_1 to %scan3A_3 step %scan3A_4  : i32 {
      %mul3A_10 = arith.constant 50000 : i32
      %mul3A_11 = arith.muli %arg1, %mul3A_10 : i32
      %mul3A_12 = arith.constant 2000 : i32
      %mul3A_13 = arith.muli %scan3A_9, %mul3A_12 : i32
      %add3A_14 = arith.addi %mul3A_11, %mul3A_13 : i32
      "tpu.region"() ({
        %run_scoped3A = tpu.sem_alloc : memref<!tpu.dma_semaphore, #tpu.memory_space<semaphore_mem>>
        %dma_start3A_65 = tpu.memref_slice %arg3[%add3A_14] : memref<800000xi32, #tpu.memory_space<hbm>> -> memref<2000xi32, #tpu.memory_space<hbm>>
        %dma_start3A_66 = tpu.memref_slice %arg3[%add3A_14] : memref<800000xi32, #tpu.memory_space<hbm>> -> memref<2000xi32, #tpu.memory_space<hbm>>
        tpu.enqueue_dma source(%dma_start3A_66 : memref<2000xi32, #tpu.memory_space<hbm>>) target(%arg7 : memref<2000xi32, #tpu.memory_space<vmem>>) target_semaphore(%run_scoped3A : memref<!tpu.dma_semaphore, #tpu.memory_space<semaphore_mem>>)
        %dma_wait3A_67 = tpu.memref_slice %arg3[%add3A_14] : memref<800000xi32, #tpu.memory_space<hbm>> -> memref<2000xi32, #tpu.memory_space<hbm>>
        %dma_wait3A_68 = tpu.memref_slice %arg3[%add3A_14] : memref<800000xi32, #tpu.memory_space<hbm>> -> memref<2000xi32, #tpu.memory_space<hbm>>
        tpu.wait_dma2 semaphore(%run_scoped3A : memref<!tpu.dma_semaphore, #tpu.memory_space<semaphore_mem>>) src(%dma_wait3A_68 : memref<2000xi32, #tpu.memory_space<hbm>>) dst(%arg7 : memref<2000xi32, #tpu.memory_space<vmem>>)
        tpu.yield
      }) : () -> ()
      %mul3A_15 = arith.constant 800000 : i32
      %mul3A_16 = arith.muli %arg0, %mul3A_15 : i32
      %add3A_17 = arith.addi %mul3A_16, %add3A_14 : i32
      "tpu.region"() ({
        %run_scoped3A = tpu.sem_alloc : memref<!tpu.dma_semaphore, #tpu.memory_space<semaphore_mem>>
        %dma_start3A_65 = tpu.memref_slice %arg4[%add3A_17] : memref<1600000xi32, #tpu.memory_space<hbm>> -> memref<2000xi32, #tpu.memory_space<hbm>>
        %dma_start3A_66 = tpu.memref_slice %arg4[%add3A_17] : memref<1600000xi32, #tpu.memory_space<hbm>> -> memref<2000xi32, #tpu.memory_space<hbm>>
        tpu.enqueue_dma source(%dma_start3A_66 : memref<2000xi32, #tpu.memory_space<hbm>>) target(%arg8 : memref<2000xi32, #tpu.memory_space<vmem>>) target_semaphore(%run_scoped3A : memref<!tpu.dma_semaphore, #tpu.memory_space<semaphore_mem>>)
        %dma_wait3A_67 = tpu.memref_slice %arg4[%add3A_17] : memref<1600000xi32, #tpu.memory_space<hbm>> -> memref<2000xi32, #tpu.memory_space<hbm>>
        %dma_wait3A_68 = tpu.memref_slice %arg4[%add3A_17] : memref<1600000xi32, #tpu.memory_space<hbm>> -> memref<2000xi32, #tpu.memory_space<hbm>>
        tpu.wait_dma2 semaphore(%run_scoped3A : memref<!tpu.dma_semaphore, #tpu.memory_space<semaphore_mem>>) src(%dma_wait3A_68 : memref<2000xi32, #tpu.memory_space<hbm>>) dst(%arg8 : memref<2000xi32, #tpu.memory_space<vmem>>)
        tpu.yield
      }) : () -> ()
      %dma_start3A = arith.constant 0 : i32
      %dma_start3A_18 = tpu.memref_slice %arg7[%dma_start3A] : memref<2000xi32, #tpu.memory_space<vmem>> -> memref<80xi32, #tpu.memory_space<vmem>>
      %dma_start3A_19 = arith.constant 0 : i32
      %dma_start3A_20 = arith.constant 0 : i32
      %dma_start3A_21 = tpu.memref_slice %arg2[%dma_start3A_19, %dma_start3A_20] : memref<50000x64xf32, #tpu.memory_space<hbm>> -> memref<50000x64xf32, #tpu.memory_space<hbm>>
      tpu.enqueue_indirect_dma source(%dma_start3A_21 : memref<50000x64xf32, #tpu.memory_space<hbm>>) target(%arg11 : memref<80x64xf32, #tpu.memory_space<vmem>>) offsets(%dma_start3A_18 : memref<80xi32, #tpu.memory_space<vmem>>) semaphore(%arg14 : memref<!tpu.dma_semaphore, #tpu.memory_space<semaphore_mem>>)
      %scan3A_22 = arith.constant 0 : i32
      %scan3A_23 = arith.constant 0 : i32
      %scan3A_24 = arith.constant 12 : i32
      %scan3A_25 = arith.addi %scan3A_23, %scan3A_24 : i32
      %scan3A_26 = arith.constant 1 : i32
      scf.for %scan3A_65 = %scan3A_23 to %scan3A_25 step %scan3A_26  : i32 {
        %mul3A_66 = arith.constant 2 : i32
        %mul3A_67 = arith.muli %mul3A_66, %scan3A_65 : i32
        %add3A_68 = arith.constant 1 : i32
        %add3A_69 = arith.addi %mul3A_67, %add3A_68 : i32
        %mul3A_70 = arith.constant 80 : i32
        %mul3A_71 = arith.muli %add3A_69, %mul3A_70 : i32
        %dma_start3A_72 = tpu.memref_slice %arg7[%mul3A_71] : memref<2000xi32, #tpu.memory_space<vmem>> -> memref<80xi32, #tpu.memory_space<vmem>>
        %dma_start3A_73 = arith.constant 0 : i32
        %dma_start3A_74 = arith.constant 0 : i32
        %dma_start3A_75 = tpu.memref_slice %arg2[%dma_start3A_73, %dma_start3A_74] : memref<50000x64xf32, #tpu.memory_space<hbm>> -> memref<50000x64xf32, #tpu.memory_space<hbm>>
        tpu.enqueue_indirect_dma source(%dma_start3A_75 : memref<50000x64xf32, #tpu.memory_space<hbm>>) target(%arg12 : memref<80x64xf32, #tpu.memory_space<vmem>>) offsets(%dma_start3A_72 : memref<80xi32, #tpu.memory_space<vmem>>) semaphore(%arg15 : memref<!tpu.dma_semaphore, #tpu.memory_space<semaphore_mem>>)
        %mul3A_76 = arith.constant 80 : i32
        %mul3A_77 = arith.muli %mul3A_67, %mul3A_76 : i32
        %dma_wait3A_78 = tpu.memref_slice %arg7[%mul3A_77] : memref<2000xi32, #tpu.memory_space<vmem>> -> memref<80xi32, #tpu.memory_space<vmem>>
        %dma_wait3A_79 = arith.constant 0 : i32
        %dma_wait3A_80 = arith.constant 0 : i32
        %dma_wait3A_81 = tpu.memref_slice %arg2[%dma_wait3A_79, %dma_wait3A_80] : memref<50000x64xf32, #tpu.memory_space<hbm>> -> memref<50000x64xf32, #tpu.memory_space<hbm>>
        tpu.wait_indirect_dma semaphore(%arg14 : memref<!tpu.dma_semaphore, #tpu.memory_space<semaphore_mem>>) src(%dma_wait3A_81 : memref<50000x64xf32, #tpu.memory_space<hbm>>) dst(%arg11 : memref<80x64xf32, #tpu.memory_space<vmem>>)
        %mul3A_82 = arith.constant 80 : i32
        %mul3A_83 = arith.muli %mul3A_67, %mul3A_82 : i32
        %add3A_84 = arith.constant 0 : i32
        %add3A_85 = arith.addi %mul3A_83, %add3A_84 : i32
        %get3A_86 = arith.index_cast %add3A_85 : i32 to index
        %get3A_87 = tpu.vector_load %arg8[%get3A_86] {strides = array<i32>} : memref<2000xi32, #tpu.memory_space<vmem>>, vector<16xi32>,
        %get3A_88 = vector.shape_cast %get3A_87 : vector<16xi32> to vector<16xi32>
        %swap3A_89 = arith.constant 0 : index
        %swap3A_90 = tpu.vector_load %arg9[%swap3A_89] {strides = array<i32>} : memref<80xi32, #tpu.memory_space<vmem>>, vector<16xi32>,
        %swap3A_91 = vector.shape_cast %swap3A_90 : vector<16xi32> to vector<16xi32>
        %swap3A_92 = vector.shape_cast %get3A_88 : vector<16xi32> to vector<16xi32>
        tpu.vector_store %arg9[%swap3A_89], %swap3A_92 {strides = array<i32>} : memref<80xi32, #tpu.memory_space<vmem>>, vector<16xi32>,
        %mul3A_93 = arith.constant 80 : i32
        %mul3A_94 = arith.muli %mul3A_67, %mul3A_93 : i32
        %add3A_95 = arith.constant 16 : i32
        %add3A_96 = arith.addi %mul3A_94, %add3A_95 : i32
        %get3A_97 = arith.index_cast %add3A_96 : i32 to index
        %get3A_98 = tpu.vector_load %arg8[%get3A_97] {strides = array<i32>} : memref<2000xi32, #tpu.memory_space<vmem>>, vector<16xi32>,
        %get3A_99 = vector.shape_cast %get3A_98 : vector<16xi32> to vector<16xi32>
        %swap3A_100 = arith.constant 16 : index
        %swap3A_101 = tpu.vector_load %arg9[%swap3A_100] {strides = array<i32>} : memref<80xi32, #tpu.memory_space<vmem>>, vector<16xi32>,
        %swap3A_102 = vector.shape_cast %swap3A_101 : vector<16xi32> to vector<16xi32>
        %swap3A_103 = vector.shape_cast %get3A_99 : vector<16xi32> to vector<16xi32>
        tpu.vector_store %arg9[%swap3A_100], %swap3A_103 {strides = array<i32>} : memref<80xi32, #tpu.memory_space<vmem>>, vector<16xi32>,
        %mul3A_104 = arith.constant 80 : i32
        %mul3A_105 = arith.muli %mul3A_67, %mul3A_104 : i32
        %add3A_106 = arith.constant 32 : i32
        %add3A_107 = arith.addi %mul3A_105, %add3A_106 : i32
        %get3A_108 = arith.index_cast %add3A_107 : i32 to index
        %get3A_109 = tpu.vector_load %arg8[%get3A_108] {strides = array<i32>} : memref<2000xi32, #tpu.memory_space<vmem>>, vector<16xi32>,
        %get3A_110 = vector.shape_cast %get3A_109 : vector<16xi32> to vector<16xi32>
        %swap3A_111 = arith.constant 32 : index
        %swap3A_112 = tpu.vector_load %arg9[%swap3A_111] {strides = array<i32>} : memref<80xi32, #tpu.memory_space<vmem>>, vector<16xi32>,
        %swap3A_113 = vector.shape_cast %swap3A_112 : vector<16xi32> to vector<16xi32>
        %swap3A_114 = vector.shape_cast %get3A_110 : vector<16xi32> to vector<16xi32>
        tpu.vector_store %arg9[%swap3A_111], %swap3A_114 {strides = array<i32>} : memref<80xi32, #tpu.memory_space<vmem>>, vector<16xi32>,
        %mul3A_115 = arith.constant 80 : i32
        %mul3A_116 = arith.muli %mul3A_67, %mul3A_115 : i32
        %add3A_117 = arith.constant 48 : i32
        %add3A_118 = arith.addi %mul3A_116, %add3A_117 : i32
        %get3A_119 = arith.index_cast %add3A_118 : i32 to index
        %get3A_120 = tpu.vector_load %arg8[%get3A_119] {strides = array<i32>} : memref<2000xi32, #tpu.memory_space<vmem>>, vector<16xi32>,
        %get3A_121 = vector.shape_cast %get3A_120 : vector<16xi32> to vector<16xi32>
        %swap3A_122 = arith.constant 48 : index
        %swap3A_123 = tpu.vector_load %arg9[%swap3A_122] {strides = array<i32>} : memref<80xi32, #tpu.memory_space<vmem>>, vector<16xi32>,
        %swap3A_124 = vector.shape_cast %swap3A_123 : vector<16xi32> to vector<16xi32>
        %swap3A_125 = vector.shape_cast %get3A_121 : vector<16xi32> to vector<16xi32>
        tpu.vector_store %arg9[%swap3A_122], %swap3A_125 {strides = array<i32>} : memref<80xi32, #tpu.memory_space<vmem>>, vector<16xi32>,
        %mul3A_126 = arith.constant 80 : i32
        %mul3A_127 = arith.muli %mul3A_67, %mul3A_126 : i32
        %add3A_128 = arith.constant 64 : i32
        %add3A_129 = arith.addi %mul3A_127, %add3A_128 : i32
        %get3A_130 = arith.index_cast %add3A_129 : i32 to index
        %get3A_131 = tpu.vector_load %arg8[%get3A_130] {strides = array<i32>} : memref<2000xi32, #tpu.memory_space<vmem>>, vector<16xi32>,
        %get3A_132 = vector.shape_cast %get3A_131 : vector<16xi32> to vector<16xi32>
        %swap3A_133 = arith.constant 64 : index
        %swap3A_134 = tpu.vector_load %arg9[%swap3A_133] {strides = array<i32>} : memref<80xi32, #tpu.memory_space<vmem>>, vector<16xi32>,
        %swap3A_135 = vector.shape_cast %swap3A_134 : vector<16xi32> to vector<16xi32>
        %swap3A_136 = vector.shape_cast %get3A_132 : vector<16xi32> to vector<16xi32>
        tpu.vector_store %arg9[%swap3A_133], %swap3A_136 {strides = array<i32>} : memref<80xi32, #tpu.memory_space<vmem>>, vector<16xi32>,
        "tpu.region"() ({
          %run_scoped3A = tpu.sem_alloc : memref<!tpu.dma_semaphore, #tpu.memory_space<semaphore_mem>>
          %dma_start3A_210 = arith.constant 0 : i32
          %dma_start3A_211 = arith.constant 0 : i32
          %dma_start3A_212 = tpu.memref_slice %arg13[%dma_start3A_210, %dma_start3A_211] : memref<25088x64xf32, #tpu.memory_space<vmem_shared>> -> memref<25088x64xf32, #tpu.memory_space<vmem_shared>>
          tpu.enqueue_indirect_dma source(%arg11 : memref<80x64xf32, #tpu.memory_space<vmem>>) target(%dma_start3A_212 : memref<25088x64xf32, #tpu.memory_space<vmem_shared>>) offsets(%arg9 : memref<80xi32, #tpu.memory_space<vmem>>) semaphore(%run_scoped3A : memref<!tpu.dma_semaphore, #tpu.memory_space<semaphore_mem>>) {add = true}
          %dma_wait3A_213 = arith.constant 0 : i32
          %dma_wait3A_214 = arith.constant 0 : i32
          %dma_wait3A_215 = tpu.memref_slice %arg13[%dma_wait3A_213, %dma_wait3A_214] : memref<25088x64xf32, #tpu.memory_space<vmem_shared>> -> memref<25088x64xf32, #tpu.memory_space<vmem_shared>>
          tpu.wait_indirect_dma semaphore(%run_scoped3A : memref<!tpu.dma_semaphore, #tpu.memory_space<semaphore_mem>>) src(%arg11 : memref<80x64xf32, #tpu.memory_space<vmem>>) dst(%dma_wait3A_215 : memref<25088x64xf32, #tpu.memory_space<vmem_shared>>)
          tpu.yield
        }) : () -> ()
        %add3A_137 = arith.constant 2 : i32
        %add3A_138 = arith.addi %mul3A_67, %add3A_137 : i32
        %mul3A_139 = arith.constant 80 : i32
        %mul3A_140 = arith.muli %add3A_138, %mul3A_139 : i32
        %dma_start3A_141 = tpu.memref_slice %arg7[%mul3A_140] : memref<2000xi32, #tpu.memory_space<vmem>> -> memref<80xi32, #tpu.memory_space<vmem>>
        %dma_start3A_142 = arith.constant 0 : i32
        %dma_start3A_143 = arith.constant 0 : i32
        %dma_start3A_144 = tpu.memref_slice %arg2[%dma_start3A_142, %dma_start3A_143] : memref<50000x64xf32, #tpu.memory_space<hbm>> -> memref<50000x64xf32, #tpu.memory_space<hbm>>
        tpu.enqueue_indirect_dma source(%dma_start3A_144 : memref<50000x64xf32, #tpu.memory_space<hbm>>) target(%arg11 : memref<80x64xf32, #tpu.memory_space<vmem>>) offsets(%dma_start3A_141 : memref<80xi32, #tpu.memory_space<vmem>>) semaphore(%arg14 : memref<!tpu.dma_semaphore, #tpu.memory_space<semaphore_mem>>)
        %add3A_145 = arith.constant 1 : i32
        %add3A_146 = arith.addi %mul3A_67, %add3A_145 : i32
        %mul3A_147 = arith.constant 80 : i32
        %mul3A_148 = arith.muli %add3A_146, %mul3A_147 : i32
        %dma_wait3A_149 = tpu.memref_slice %arg7[%mul3A_148] : memref<2000xi32, #tpu.memory_space<vmem>> -> memref<80xi32, #tpu.memory_space<vmem>>
        %dma_wait3A_150 = arith.constant 0 : i32
        %dma_wait3A_151 = arith.constant 0 : i32
        %dma_wait3A_152 = tpu.memref_slice %arg2[%dma_wait3A_150, %dma_wait3A_151] : memref<50000x64xf32, #tpu.memory_space<hbm>> -> memref<50000x64xf32, #tpu.memory_space<hbm>>
        tpu.wait_indirect_dma semaphore(%arg15 : memref<!tpu.dma_semaphore, #tpu.memory_space<semaphore_mem>>) src(%dma_wait3A_152 : memref<50000x64xf32, #tpu.memory_space<hbm>>) dst(%arg12 : memref<80x64xf32, #tpu.memory_space<vmem>>)
        %add3A_153 = arith.constant 1 : i32
        %add3A_154 = arith.addi %mul3A_67, %add3A_153 : i32
        %mul3A_155 = arith.constant 80 : i32
        %mul3A_156 = arith.muli %add3A_154, %mul3A_155 : i32
        %add3A_157 = arith.constant 0 : i32
        %add3A_158 = arith.addi %mul3A_156, %add3A_157 : i32
        %get3A_159 = arith.index_cast %add3A_158 : i32 to index
        %get3A_160 = tpu.vector_load %arg8[%get3A_159] {strides = array<i32>} : memref<2000xi32, #tpu.memory_space<vmem>>, vector<16xi32>,
        %get3A_161 = vector.shape_cast %get3A_160 : vector<16xi32> to vector<16xi32>
        %swap3A_162 = arith.constant 0 : index
        %swap3A_163 = tpu.vector_load %arg10[%swap3A_162] {strides = array<i32>} : memref<80xi32, #tpu.memory_space<vmem>>, vector<16xi32>,
        %swap3A_164 = vector.shape_cast %swap3A_163 : vector<16xi32> to vector<16xi32>
        %swap3A_165 = vector.shape_cast %get3A_161 : vector<16xi32> to vector<16xi32>
        tpu.vector_store %arg10[%swap3A_162], %swap3A_165 {strides = array<i32>} : memref<80xi32, #tpu.memory_space<vmem>>, vector<16xi32>,
        %mul3A_166 = arith.constant 80 : i32
        %mul3A_167 = arith.muli %add3A_154, %mul3A_166 : i32
        %add3A_168 = arith.constant 16 : i32
        %add3A_169 = arith.addi %mul3A_167, %add3A_168 : i32
        %get3A_170 = arith.index_cast %add3A_169 : i32 to index
        %get3A_171 = tpu.vector_load %arg8[%get3A_170] {strides = array<i32>} : memref<2000xi32, #tpu.memory_space<vmem>>, vector<16xi32>,
        %get3A_172 = vector.shape_cast %get3A_171 : vector<16xi32> to vector<16xi32>
        %swap3A_173 = arith.constant 16 : index
        %swap3A_174 = tpu.vector_load %arg10[%swap3A_173] {strides = array<i32>} : memref<80xi32, #tpu.memory_space<vmem>>, vector<16xi32>,
        %swap3A_175 = vector.shape_cast %swap3A_174 : vector<16xi32> to vector<16xi32>
        %swap3A_176 = vector.shape_cast %get3A_172 : vector<16xi32> to vector<16xi32>
        tpu.vector_store %arg10[%swap3A_173], %swap3A_176 {strides = array<i32>} : memref<80xi32, #tpu.memory_space<vmem>>, vector<16xi32>,
        %mul3A_177 = arith.constant 80 : i32
        %mul3A_178 = arith.muli %add3A_154, %mul3A_177 : i32
        %add3A_179 = arith.constant 32 : i32
        %add3A_180 = arith.addi %mul3A_178, %add3A_179 : i32
        %get3A_181 = arith.index_cast %add3A_180 : i32 to index
        %get3A_182 = tpu.vector_load %arg8[%get3A_181] {strides = array<i32>} : memref<2000xi32, #tpu.memory_space<vmem>>, vector<16xi32>,
        %get3A_183 = vector.shape_cast %get3A_182 : vector<16xi32> to vector<16xi32>
        %swap3A_184 = arith.constant 32 : index
        %swap3A_185 = tpu.vector_load %arg10[%swap3A_184] {strides = array<i32>} : memref<80xi32, #tpu.memory_space<vmem>>, vector<16xi32>,
        %swap3A_186 = vector.shape_cast %swap3A_185 : vector<16xi32> to vector<16xi32>
        %swap3A_187 = vector.shape_cast %get3A_183 : vector<16xi32> to vector<16xi32>
        tpu.vector_store %arg10[%swap3A_184], %swap3A_187 {strides = array<i32>} : memref<80xi32, #tpu.memory_space<vmem>>, vector<16xi32>,
        %mul3A_188 = arith.constant 80 : i32
        %mul3A_189 = arith.muli %add3A_154, %mul3A_188 : i32
        %add3A_190 = arith.constant 48 : i32
        %add3A_191 = arith.addi %mul3A_189, %add3A_190 : i32
        %get3A_192 = arith.index_cast %add3A_191 : i32 to index
        %get3A_193 = tpu.vector_load %arg8[%get3A_192] {strides = array<i32>} : memref<2000xi32, #tpu.memory_space<vmem>>, vector<16xi32>,
        %get3A_194 = vector.shape_cast %get3A_193 : vector<16xi32> to vector<16xi32>
        %swap3A_195 = arith.constant 48 : index
        %swap3A_196 = tpu.vector_load %arg10[%swap3A_195] {strides = array<i32>} : memref<80xi32, #tpu.memory_space<vmem>>, vector<16xi32>,
        %swap3A_197 = vector.shape_cast %swap3A_196 : vector<16xi32> to vector<16xi32>
        %swap3A_198 = vector.shape_cast %get3A_194 : vector<16xi32> to vector<16xi32>
        tpu.vector_store %arg10[%swap3A_195], %swap3A_198 {strides = array<i32>} : memref<80xi32, #tpu.memory_space<vmem>>, vector<16xi32>,
        %mul3A_199 = arith.constant 80 : i32
        %mul3A_200 = arith.muli %add3A_154, %mul3A_199 : i32
        %add3A_201 = arith.constant 64 : i32
        %add3A_202 = arith.addi %mul3A_200, %add3A_201 : i32
        %get3A_203 = arith.index_cast %add3A_202 : i32 to index
        %get3A_204 = tpu.vector_load %arg8[%get3A_203] {strides = array<i32>} : memref<2000xi32, #tpu.memory_space<vmem>>, vector<16xi32>,
        %get3A_205 = vector.shape_cast %get3A_204 : vector<16xi32> to vector<16xi32>
        %swap3A_206 = arith.constant 64 : index
        %swap3A_207 = tpu.vector_load %arg10[%swap3A_206] {strides = array<i32>} : memref<80xi32, #tpu.memory_space<vmem>>, vector<16xi32>,
        %swap3A_208 = vector.shape_cast %swap3A_207 : vector<16xi32> to vector<16xi32>
        %swap3A_209 = vector.shape_cast %get3A_205 : vector<16xi32> to vector<16xi32>
        tpu.vector_store %arg10[%swap3A_206], %swap3A_209 {strides = array<i32>} : memref<80xi32, #tpu.memory_space<vmem>>, vector<16xi32>,
        "tpu.region"() ({
          %run_scoped3A = tpu.sem_alloc : memref<!tpu.dma_semaphore, #tpu.memory_space<semaphore_mem>>
          %dma_start3A_210 = arith.constant 0 : i32
          %dma_start3A_211 = arith.constant 0 : i32
          %dma_start3A_212 = tpu.memref_slice %arg13[%dma_start3A_210, %dma_start3A_211] : memref<25088x64xf32, #tpu.memory_space<vmem_shared>> -> memref<25088x64xf32, #tpu.memory_space<vmem_shared>>
          tpu.enqueue_indirect_dma source(%arg12 : memref<80x64xf32, #tpu.memory_space<vmem>>) target(%dma_start3A_212 : memref<25088x64xf32, #tpu.memory_space<vmem_shared>>) offsets(%arg10 : memref<80xi32, #tpu.memory_space<vmem>>) semaphore(%run_scoped3A : memref<!tpu.dma_semaphore, #tpu.memory_space<semaphore_mem>>) {add = true}
          %dma_wait3A_213 = arith.constant 0 : i32
          %dma_wait3A_214 = arith.constant 0 : i32
          %dma_wait3A_215 = tpu.memref_slice %arg13[%dma_wait3A_213, %dma_wait3A_214] : memref<25088x64xf32, #tpu.memory_space<vmem_shared>> -> memref<25088x64xf32, #tpu.memory_space<vmem_shared>>
          tpu.wait_indirect_dma semaphore(%run_scoped3A : memref<!tpu.dma_semaphore, #tpu.memory_space<semaphore_mem>>) src(%arg12 : memref<80x64xf32, #tpu.memory_space<vmem>>) dst(%dma_wait3A_215 : memref<25088x64xf32, #tpu.memory_space<vmem_shared>>)
          tpu.yield
        }) : () -> ()
      }
      %scan3A_27 = arith.constant 12 : i32
      %dma_wait3A = arith.constant 1920 : i32
      %dma_wait3A_28 = tpu.memref_slice %arg7[%dma_wait3A] : memref<2000xi32, #tpu.memory_space<vmem>> -> memref<80xi32, #tpu.memory_space<vmem>>
      %dma_wait3A_29 = arith.constant 0 : i32
      %dma_wait3A_30 = arith.constant 0 : i32
      %dma_wait3A_31 = tpu.memref_slice %arg2[%dma_wait3A_29, %dma_wait3A_30] : memref<50000x64xf32, #tpu.memory_space<hbm>> -> memref<50000x64xf32, #tpu.memory_space<hbm>>
      tpu.wait_indirect_dma semaphore(%arg14 : memref<!tpu.dma_semaphore, #tpu.memory_space<semaphore_mem>>) src(%dma_wait3A_31 : memref<50000x64xf32, #tpu.memory_space<hbm>>) dst(%arg11 : memref<80x64xf32, #tpu.memory_space<vmem>>)
      %get3A = arith.constant 1920 : index
      %get3A_32 = tpu.vector_load %arg8[%get3A] {strides = array<i32>} : memref<2000xi32, #tpu.memory_space<vmem>>, vector<16xi32>,
      %get3A_33 = vector.shape_cast %get3A_32 : vector<16xi32> to vector<16xi32>
      %swap3A = arith.constant 0 : index
      %swap3A_34 = tpu.vector_load %arg9[%swap3A] {strides = array<i32>} : memref<80xi32, #tpu.memory_space<vmem>>, vector<16xi32>,
      %swap3A_35 = vector.shape_cast %swap3A_34 : vector<16xi32> to vector<16xi32>
      %swap3A_36 = vector.shape_cast %get3A_33 : vector<16xi32> to vector<16xi32>
      tpu.vector_store %arg9[%swap3A], %swap3A_36 {strides = array<i32>} : memref<80xi32, #tpu.memory_space<vmem>>, vector<16xi32>,
      %get3A_37 = arith.constant 1936 : index
      %get3A_38 = tpu.vector_load %arg8[%get3A_37] {strides = array<i32>} : memref<2000xi32, #tpu.memory_space<vmem>>, vector<16xi32>,
      %get3A_39 = vector.shape_cast %get3A_38 : vector<16xi32> to vector<16xi32>
      %swap3A_40 = arith.constant 16 : index
      %swap3A_41 = tpu.vector_load %arg9[%swap3A_40] {strides = array<i32>} : memref<80xi32, #tpu.memory_space<vmem>>, vector<16xi32>,
      %swap3A_42 = vector.shape_cast %swap3A_41 : vector<16xi32> to vector<16xi32>
      %swap3A_43 = vector.shape_cast %get3A_39 : vector<16xi32> to vector<16xi32>
      tpu.vector_store %arg9[%swap3A_40], %swap3A_43 {strides = array<i32>} : memref<80xi32, #tpu.memory_space<vmem>>, vector<16xi32>,
      %get3A_44 = arith.constant 1952 : index
      %get3A_45 = tpu.vector_load %arg8[%get3A_44] {strides = array<i32>} : memref<2000xi32, #tpu.memory_space<vmem>>, vector<16xi32>,
      %get3A_46 = vector.shape_cast %get3A_45 : vector<16xi32> to vector<16xi32>
      %swap3A_47 = arith.constant 32 : index
      %swap3A_48 = tpu.vector_load %arg9[%swap3A_47] {strides = array<i32>} : memref<80xi32, #tpu.memory_space<vmem>>, vector<16xi32>,
      %swap3A_49 = vector.shape_cast %swap3A_48 : vector<16xi32> to vector<16xi32>
      %swap3A_50 = vector.shape_cast %get3A_46 : vector<16xi32> to vector<16xi32>
      tpu.vector_store %arg9[%swap3A_47], %swap3A_50 {strides = array<i32>} : memref<80xi32, #tpu.memory_space<vmem>>, vector<16xi32>,
      %get3A_51 = arith.constant 1968 : index
      %get3A_52 = tpu.vector_load %arg8[%get3A_51] {strides = array<i32>} : memref<2000xi32, #tpu.memory_space<vmem>>, vector<16xi32>,
      %get3A_53 = vector.shape_cast %get3A_52 : vector<16xi32> to vector<16xi32>
      %swap3A_54 = arith.constant 48 : index
      %swap3A_55 = tpu.vector_load %arg9[%swap3A_54] {strides = array<i32>} : memref<80xi32, #tpu.memory_space<vmem>>, vector<16xi32>,
      %swap3A_56 = vector.shape_cast %swap3A_55 : vector<16xi32> to vector<16xi32>
      %swap3A_57 = vector.shape_cast %get3A_53 : vector<16xi32> to vector<16xi32>
      tpu.vector_store %arg9[%swap3A_54], %swap3A_57 {strides = array<i32>} : memref<80xi32, #tpu.memory_space<vmem>>, vector<16xi32>,
      %get3A_58 = arith.constant 1984 : index
      %get3A_59 = tpu.vector_load %arg8[%get3A_58] {strides = array<i32>} : memref<2000xi32, #tpu.memory_space<vmem>>, vector<16xi32>,
      %get3A_60 = vector.shape_cast %get3A_59 : vector<16xi32> to vector<16xi32>
      %swap3A_61 = arith.constant 64 : index
      %swap3A_62 = tpu.vector_load %arg9[%swap3A_61] {strides = array<i32>} : memref<80xi32, #tpu.memory_space<vmem>>, vector<16xi32>,
      %swap3A_63 = vector.shape_cast %swap3A_62 : vector<16xi32> to vector<16xi32>
      %swap3A_64 = vector.shape_cast %get3A_60 : vector<16xi32> to vector<16xi32>
      tpu.vector_store %arg9[%swap3A_61], %swap3A_64 {strides = array<i32>} : memref<80xi32, #tpu.memory_space<vmem>>, vector<16xi32>,
      "tpu.region"() ({
        %run_scoped3A = tpu.sem_alloc : memref<!tpu.dma_semaphore, #tpu.memory_space<semaphore_mem>>
        %dma_start3A_65 = arith.constant 0 : i32
        %dma_start3A_66 = arith.constant 0 : i32
        %dma_start3A_67 = tpu.memref_slice %arg13[%dma_start3A_65, %dma_start3A_66] : memref<25088x64xf32, #tpu.memory_space<vmem_shared>> -> memref<25088x64xf32, #tpu.memory_space<vmem_shared>>
        tpu.enqueue_indirect_dma source(%arg11 : memref<80x64xf32, #tpu.memory_space<vmem>>) target(%dma_start3A_67 : memref<25088x64xf32, #tpu.memory_space<vmem_shared>>) offsets(%arg9 : memref<80xi32, #tpu.memory_space<vmem>>) semaphore(%run_scoped3A : memref<!tpu.dma_semaphore, #tpu.memory_space<semaphore_mem>>) {add = true}
        %dma_wait3A_68 = arith.constant 0 : i32
        %dma_wait3A_69 = arith.constant 0 : i32
        %dma_wait3A_70 = tpu.memref_slice %arg13[%dma_wait3A_68, %dma_wait3A_69] : memref<25088x64xf32, #tpu.memory_space<vmem_shared>> -> memref<25088x64xf32, #tpu.memory_space<vmem_shared>>
        tpu.wait_indirect_dma semaphore(%run_scoped3A : memref<!tpu.dma_semaphore, #tpu.memory_space<semaphore_mem>>) src(%arg11 : memref<80x64xf32, #tpu.memory_space<vmem>>) dst(%dma_wait3A_70 : memref<25088x64xf32, #tpu.memory_space<vmem_shared>>)
        tpu.yield
      }) : () -> ()
    }
    %scan3A_5 = arith.constant 25 : i32
    %barrier3A_6 = arith.constant 0 : index
    tpu.barrier barrier_id(%barrier3A_6)
    %mul3A_7 = arith.constant 25088 : i32
    %mul3A_8 = arith.muli %arg0, %mul3A_7 : i32
    %add3A = arith.addi %mul3A_8, %mul3A_0 : i32
    "tpu.region"() ({
      %run_scoped3A = tpu.sem_alloc : memref<!tpu.dma_semaphore, #tpu.memory_space<semaphore_mem>>
      %dma_start3A = arith.constant 0 : i32
      %dma_start3A_9 = tpu.memref_slice %arg6[%add3A, %dma_start3A] : memref<50176x64xf32, #tpu.memory_space<hbm>> -> memref<1568x64xf32, #tpu.memory_space<hbm>>
      %dma_start3A_10 = arith.constant 0 : i32
      %dma_start3A_11 = tpu.memref_slice %arg13[%mul3A_0, %dma_start3A_10] : memref<25088x64xf32, #tpu.memory_space<vmem_shared>> -> memref<1568x64xf32, #tpu.memory_space<vmem_shared>>
      tpu.enqueue_dma source(%dma_start3A_11 : memref<1568x64xf32, #tpu.memory_space<vmem_shared>>) target(%dma_start3A_9 : memref<1568x64xf32, #tpu.memory_space<hbm>>) target_semaphore(%run_scoped3A : memref<!tpu.dma_semaphore, #tpu.memory_space<semaphore_mem>>)
      %dma_wait3A = arith.constant 0 : i32
      %dma_wait3A_12 = tpu.memref_slice %arg6[%add3A, %dma_wait3A] : memref<50176x64xf32, #tpu.memory_space<hbm>> -> memref<1568x64xf32, #tpu.memory_space<hbm>>
      %dma_wait3A_13 = arith.constant 0 : i32
      %dma_wait3A_14 = tpu.memref_slice %arg13[%mul3A_0, %dma_wait3A_13] : memref<25088x64xf32, #tpu.memory_space<vmem_shared>> -> memref<1568x64xf32, #tpu.memory_space<vmem_shared>>
      tpu.wait_dma2 semaphore(%run_scoped3A : memref<!tpu.dma_semaphore, #tpu.memory_space<semaphore_mem>>) src(%dma_wait3A_14 : memref<1568x64xf32, #tpu.memory_space<vmem_shared>>) dst(%dma_wait3A_12 : memref<1568x64xf32, #tpu.memory_space<hbm>>)
      tpu.yield
    }) : () -> ()
    return
  }
}

#map = affine_map<(d0, d1) -> (0, 0)>
#map1 = affine_map<(d0, d1) -> (0)>
module attributes {stable_mosaic.version = 14 : i64} {
  func.func @_spmm(%arg0: i32, %arg1: i32, %arg2: memref<50000x64xf32, #tpu.memory_space<hbm>>, %arg3: memref<800000xi32, #tpu.memory_space<hbm>>, %arg4: memref<1600000xi32, #tpu.memory_space<hbm>>, %arg5: memref<1568x64xf32, #tpu.memory_space<hbm>>, %arg6: memref<50176x64xf32, #tpu.memory_space<hbm>>, %arg7: memref<2000xi32, #tpu.memory_space<vmem>>, %arg8: memref<2000xi32, #tpu.memory_space<vmem>>, %arg9: memref<80xi32, #tpu.memory_space<vmem>>, %arg10: memref<80xi32, #tpu.memory_space<vmem>>, %arg11: memref<80x64xf32, #tpu.memory_space<vmem>>, %arg12: memref<80x64xf32, #tpu.memory_space<vmem>>, %arg13: memref<25088x64xf32, #tpu.memory_space<vmem_shared>>, %arg14: memref<!tpu.dma_semaphore, #tpu.memory_space<semaphore_mem>>, %arg15: memref<!tpu.dma_semaphore, #tpu.memory_space<semaphore_mem>>) attributes {dimension_semantics = [#tpu.dimension_semantics<core_parallel>, #tpu.dimension_semantics<subcore_parallel>], iteration_bounds = array<i64: 2, 16>, scalar_prefetch = 0 : i64, scratch_operands = 9 : i64, tpu.core_type = #tpu.core_type<sc_vector_subcore>, window_params = [{transform_indices = #map}, {transform_indices = #map1}, {transform_indices = #map1}, {transform_indices = #map}, {transform_indices = #map}]} {
    %mul3A = arith.constant 1568 : i32
    %mul3A_0 = arith.muli %arg1, %mul3A : i32
    "tpu.region"() ({
      %run_scoped3A = tpu.sem_alloc : memref<!tpu.dma_semaphore, #tpu.memory_space<semaphore_mem>>
      %dma_start3A = arith.constant 0 : i32
      %dma_start3A_9 = tpu.memref_slice %arg13[%mul3A_0, %dma_start3A] : memref<25088x64xf32, #tpu.memory_space<vmem_shared>> -> memref<1568x64xf32, #tpu.memory_space<vmem_shared>>
      tpu.enqueue_dma source(%arg5 : memref<1568x64xf32, #tpu.memory_space<hbm>>) target(%dma_start3A_9 : memref<1568x64xf32, #tpu.memory_space<vmem_shared>>) target_semaphore(%run_scoped3A : memref<!tpu.dma_semaphore, #tpu.memory_space<semaphore_mem>>)
      %dma_wait3A = arith.constant 0 : i32
      %dma_wait3A_10 = tpu.memref_slice %arg13[%mul3A_0, %dma_wait3A] : memref<25088x64xf32, #tpu.memory_space<vmem_shared>> -> memref<1568x64xf32, #tpu.memory_space<vmem_shared>>
      tpu.wait_dma2 semaphore(%run_scoped3A : memref<!tpu.dma_semaphore, #tpu.memory_space<semaphore_mem>>) src(%arg5 : memref<1568x64xf32, #tpu.memory_space<hbm>>) dst(%dma_wait3A_10 : memref<1568x64xf32, #tpu.memory_space<vmem_shared>>)
      tpu.yield
    }) : () -> ()
    %barrier3A = arith.constant 0 : index
    tpu.barrier barrier_id(%barrier3A)
    %scan3A = arith.constant 0 : i32
    %scan3A_1 = arith.constant 0 : i32
    %scan3A_2 = arith.constant 25 : i32
    %scan3A_3 = arith.addi %scan3A_1, %scan3A_2 : i32
    %scan3A_4 = arith.constant 1 : i32
    scf.for %scan3A_9 = %scan3A_1 to %scan3A_3 step %scan3A_4  : i32 {
      %mul3A_10 = arith.constant 50000 : i32
      %mul3A_11 = arith.muli %arg1, %mul3A_10 : i32
      %mul3A_12 = arith.constant 2000 : i32
      %mul3A_13 = arith.muli %scan3A_9, %mul3A_12 : i32
      %add3A_14 = arith.addi %mul3A_11, %mul3A_13 : i32
      "tpu.region"() ({
        %run_scoped3A = tpu.sem_alloc : memref<!tpu.dma_semaphore, #tpu.memory_space<semaphore_mem>>
        %dma_start3A_65 = tpu.memref_slice %arg3[%add3A_14] : memref<800000xi32, #tpu.memory_space<hbm>> -> memref<2000xi32, #tpu.memory_space<hbm>>
        %dma_start3A_66 = tpu.memref_slice %arg3[%add3A_14] : memref<800000xi32, #tpu.memory_space<hbm>> -> memref<2000xi32, #tpu.memory_space<hbm>>
        tpu.enqueue_dma source(%dma_start3A_66 : memref<2000xi32, #tpu.memory_space<hbm>>) target(%arg7 : memref<2000xi32, #tpu.memory_space<vmem>>) target_semaphore(%run_scoped3A : memref<!tpu.dma_semaphore, #tpu.memory_space<semaphore_mem>>)
        %dma_wait3A_67 = tpu.memref_slice %arg3[%add3A_14] : memref<800000xi32, #tpu.memory_space<hbm>> -> memref<2000xi32, #tpu.memory_space<hbm>>
        %dma_wait3A_68 = tpu.memref_slice %arg3[%add3A_14] : memref<800000xi32, #tpu.memory_space<hbm>> -> memref<2000xi32, #tpu.memory_space<hbm>>
        tpu.wait_dma2 semaphore(%run_scoped3A : memref<!tpu.dma_semaphore, #tpu.memory_space<semaphore_mem>>) src(%dma_wait3A_68 : memref<2000xi32, #tpu.memory_space<hbm>>) dst(%arg7 : memref<2000xi32, #tpu.memory_space<vmem>>)
        tpu.yield
      }) : () -> ()
      %mul3A_15 = arith.constant 800000 : i32
      %mul3A_16 = arith.muli %arg0, %mul3A_15 : i32
      %add3A_17 = arith.addi %mul3A_16, %add3A_14 : i32
      "tpu.region"() ({
        %run_scoped3A = tpu.sem_alloc : memref<!tpu.dma_semaphore, #tpu.memory_space<semaphore_mem>>
        %dma_start3A_65 = tpu.memref_slice %arg4[%add3A_17] : memref<1600000xi32, #tpu.memory_space<hbm>> -> memref<2000xi32, #tpu.memory_space<hbm>>
        %dma_start3A_66 = tpu.memref_slice %arg4[%add3A_17] : memref<1600000xi32, #tpu.memory_space<hbm>> -> memref<2000xi32, #tpu.memory_space<hbm>>
        tpu.enqueue_dma source(%dma_start3A_66 : memref<2000xi32, #tpu.memory_space<hbm>>) target(%arg8 : memref<2000xi32, #tpu.memory_space<vmem>>) target_semaphore(%run_scoped3A : memref<!tpu.dma_semaphore, #tpu.memory_space<semaphore_mem>>)
        %dma_wait3A_67 = tpu.memref_slice %arg4[%add3A_17] : memref<1600000xi32, #tpu.memory_space<hbm>> -> memref<2000xi32, #tpu.memory_space<hbm>>
        %dma_wait3A_68 = tpu.memref_slice %arg4[%add3A_17] : memref<1600000xi32, #tpu.memory_space<hbm>> -> memref<2000xi32, #tpu.memory_space<hbm>>
        tpu.wait_dma2 semaphore(%run_scoped3A : memref<!tpu.dma_semaphore, #tpu.memory_space<semaphore_mem>>) src(%dma_wait3A_68 : memref<2000xi32, #tpu.memory_space<hbm>>) dst(%arg8 : memref<2000xi32, #tpu.memory_space<vmem>>)
        tpu.yield
      }) : () -> ()
      %dma_start3A = arith.constant 0 : i32
      %dma_start3A_18 = tpu.memref_slice %arg7[%dma_start3A] : memref<2000xi32, #tpu.memory_space<vmem>> -> memref<80xi32, #tpu.memory_space<vmem>>
      %dma_start3A_19 = arith.constant 0 : i32
      %dma_start3A_20 = arith.constant 0 : i32
      %dma_start3A_21 = tpu.memref_slice %arg2[%dma_start3A_19, %dma_start3A_20] : memref<50000x64xf32, #tpu.memory_space<hbm>> -> memref<50000x64xf32, #tpu.memory_space<hbm>>
      tpu.enqueue_indirect_dma source(%dma_start3A_21 : memref<50000x64xf32, #tpu.memory_space<hbm>>) target(%arg11 : memref<80x64xf32, #tpu.memory_space<vmem>>) offsets(%dma_start3A_18 : memref<80xi32, #tpu.memory_space<vmem>>) semaphore(%arg14 : memref<!tpu.dma_semaphore, #tpu.memory_space<semaphore_mem>>)
      %scan3A_22 = arith.constant 0 : i32
      %scan3A_23 = arith.constant 0 : i32
      %scan3A_24 = arith.constant 12 : i32
      %scan3A_25 = arith.addi %scan3A_23, %scan3A_24 : i32
      %scan3A_26 = arith.constant 1 : i32
      scf.for %scan3A_65 = %scan3A_23 to %scan3A_25 step %scan3A_26  : i32 {
        %mul3A_66 = arith.constant 2 : i32
        %mul3A_67 = arith.muli %mul3A_66, %scan3A_65 : i32
        %add3A_68 = arith.constant 1 : i32
        %add3A_69 = arith.addi %mul3A_67, %add3A_68 : i32
        %mul3A_70 = arith.constant 80 : i32
        %mul3A_71 = arith.muli %add3A_69, %mul3A_70 : i32
        %dma_start3A_72 = tpu.memref_slice %arg7[%mul3A_71] : memref<2000xi32, #tpu.memory_space<vmem>> -> memref<80xi32, #tpu.memory_space<vmem>>
        %dma_start3A_73 = arith.constant 0 : i32
        %dma_start3A_74 = arith.constant 0 : i32
        %dma_start3A_75 = tpu.memref_slice %arg2[%dma_start3A_73, %dma_start3A_74] : memref<50000x64xf32, #tpu.memory_space<hbm>> -> memref<50000x64xf32, #tpu.memory_space<hbm>>
        tpu.enqueue_indirect_dma source(%dma_start3A_75 : memref<50000x64xf32, #tpu.memory_space<hbm>>) target(%arg12 : memref<80x64xf32, #tpu.memory_space<vmem>>) offsets(%dma_start3A_72 : memref<80xi32, #tpu.memory_space<vmem>>) semaphore(%arg15 : memref<!tpu.dma_semaphore, #tpu.memory_space<semaphore_mem>>)
        %mul3A_76 = arith.constant 80 : i32
        %mul3A_77 = arith.muli %mul3A_67, %mul3A_76 : i32
        %dma_wait3A_78 = tpu.memref_slice %arg7[%mul3A_77] : memref<2000xi32, #tpu.memory_space<vmem>> -> memref<80xi32, #tpu.memory_space<vmem>>
        %dma_wait3A_79 = arith.constant 0 : i32
        %dma_wait3A_80 = arith.constant 0 : i32
        %dma_wait3A_81 = tpu.memref_slice %arg2[%dma_wait3A_79, %dma_wait3A_80] : memref<50000x64xf32, #tpu.memory_space<hbm>> -> memref<50000x64xf32, #tpu.memory_space<hbm>>
        tpu.wait_indirect_dma semaphore(%arg14 : memref<!tpu.dma_semaphore, #tpu.memory_space<semaphore_mem>>) src(%dma_wait3A_81 : memref<50000x64xf32, #tpu.memory_space<hbm>>) dst(%arg11 : memref<80x64xf32, #tpu.memory_space<vmem>>)
        %mul3A_82 = arith.constant 80 : i32
        %mul3A_83 = arith.muli %mul3A_67, %mul3A_82 : i32
        %add3A_84 = arith.constant 0 : i32
        %add3A_85 = arith.addi %mul3A_83, %add3A_84 : i32
        %get3A_86 = arith.index_cast %add3A_85 : i32 to index
        %get3A_87 = tpu.vector_load %arg8[%get3A_86] {strides = array<i32>} : memref<2000xi32, #tpu.memory_space<vmem>>, vector<16xi32>,
        %get3A_88 = vector.shape_cast %get3A_87 : vector<16xi32> to vector<16xi32>
        %swap3A_89 = arith.constant 0 : index
        %swap3A_90 = tpu.vector_load %arg9[%swap3A_89] {strides = array<i32>} : memref<80xi32, #tpu.memory_space<vmem>>, vector<16xi32>,
        %swap3A_91 = vector.shape_cast %swap3A_90 : vector<16xi32> to vector<16xi32>
        %swap3A_92 = vector.shape_cast %get3A_88 : vector<16xi32> to vector<16xi32>
        tpu.vector_store %arg9[%swap3A_89], %swap3A_92 {strides = array<i32>} : memref<80xi32, #tpu.memory_space<vmem>>, vector<16xi32>,
        %mul3A_93 = arith.constant 80 : i32
        %mul3A_94 = arith.muli %mul3A_67, %mul3A_93 : i32
        %add3A_95 = arith.constant 16 : i32
        %add3A_96 = arith.addi %mul3A_94, %add3A_95 : i32
        %get3A_97 = arith.index_cast %add3A_96 : i32 to index
        %get3A_98 = tpu.vector_load %arg8[%get3A_97] {strides = array<i32>} : memref<2000xi32, #tpu.memory_space<vmem>>, vector<16xi32>,
        %get3A_99 = vector.shape_cast %get3A_98 : vector<16xi32> to vector<16xi32>
        %swap3A_100 = arith.constant 16 : index
        %swap3A_101 = tpu.vector_load %arg9[%swap3A_100] {strides = array<i32>} : memref<80xi32, #tpu.memory_space<vmem>>, vector<16xi32>,
        %swap3A_102 = vector.shape_cast %swap3A_101 : vector<16xi32> to vector<16xi32>
        %swap3A_103 = vector.shape_cast %get3A_99 : vector<16xi32> to vector<16xi32>
        tpu.vector_store %arg9[%swap3A_100], %swap3A_103 {strides = array<i32>} : memref<80xi32, #tpu.memory_space<vmem>>, vector<16xi32>,
        %mul3A_104 = arith.constant 80 : i32
        %mul3A_105 = arith.muli %mul3A_67, %mul3A_104 : i32
        %add3A_106 = arith.constant 32 : i32
        %add3A_107 = arith.addi %mul3A_105, %add3A_106 : i32
        %get3A_108 = arith.index_cast %add3A_107 : i32 to index
        %get3A_109 = tpu.vector_load %arg8[%get3A_108] {strides = array<i32>} : memref<2000xi32, #tpu.memory_space<vmem>>, vector<16xi32>,
        %get3A_110 = vector.shape_cast %get3A_109 : vector<16xi32> to vector<16xi32>
        %swap3A_111 = arith.constant 32 : index
        %swap3A_112 = tpu.vector_load %arg9[%swap3A_111] {strides = array<i32>} : memref<80xi32, #tpu.memory_space<vmem>>, vector<16xi32>,
        %swap3A_113 = vector.shape_cast %swap3A_112 : vector<16xi32> to vector<16xi32>
        %swap3A_114 = vector.shape_cast %get3A_110 : vector<16xi32> to vector<16xi32>
        tpu.vector_store %arg9[%swap3A_111], %swap3A_114 {strides = array<i32>} : memref<80xi32, #tpu.memory_space<vmem>>, vector<16xi32>,
        %mul3A_115 = arith.constant 80 : i32
        %mul3A_116 = arith.muli %mul3A_67, %mul3A_115 : i32
        %add3A_117 = arith.constant 48 : i32
        %add3A_118 = arith.addi %mul3A_116, %add3A_117 : i32
        %get3A_119 = arith.index_cast %add3A_118 : i32 to index
        %get3A_120 = tpu.vector_load %arg8[%get3A_119] {strides = array<i32>} : memref<2000xi32, #tpu.memory_space<vmem>>, vector<16xi32>,
        %get3A_121 = vector.shape_cast %get3A_120 : vector<16xi32> to vector<16xi32>
        %swap3A_122 = arith.constant 48 : index
        %swap3A_123 = tpu.vector_load %arg9[%swap3A_122] {strides = array<i32>} : memref<80xi32, #tpu.memory_space<vmem>>, vector<16xi32>,
        %swap3A_124 = vector.shape_cast %swap3A_123 : vector<16xi32> to vector<16xi32>
        %swap3A_125 = vector.shape_cast %get3A_121 : vector<16xi32> to vector<16xi32>
        tpu.vector_store %arg9[%swap3A_122], %swap3A_125 {strides = array<i32>} : memref<80xi32, #tpu.memory_space<vmem>>, vector<16xi32>,
        %mul3A_126 = arith.constant 80 : i32
        %mul3A_127 = arith.muli %mul3A_67, %mul3A_126 : i32
        %add3A_128 = arith.constant 64 : i32
        %add3A_129 = arith.addi %mul3A_127, %add3A_128 : i32
        %get3A_130 = arith.index_cast %add3A_129 : i32 to index
        %get3A_131 = tpu.vector_load %arg8[%get3A_130] {strides = array<i32>} : memref<2000xi32, #tpu.memory_space<vmem>>, vector<16xi32>,
        %get3A_132 = vector.shape_cast %get3A_131 : vector<16xi32> to vector<16xi32>
        %swap3A_133 = arith.constant 64 : index
        %swap3A_134 = tpu.vector_load %arg9[%swap3A_133] {strides = array<i32>} : memref<80xi32, #tpu.memory_space<vmem>>, vector<16xi32>,
        %swap3A_135 = vector.shape_cast %swap3A_134 : vector<16xi32> to vector<16xi32>
        %swap3A_136 = vector.shape_cast %get3A_132 : vector<16xi32> to vector<16xi32>
        tpu.vector_store %arg9[%swap3A_133], %swap3A_136 {strides = array<i32>} : memref<80xi32, #tpu.memory_space<vmem>>, vector<16xi32>,
        "tpu.region"() ({
          %run_scoped3A = tpu.sem_alloc : memref<!tpu.dma_semaphore, #tpu.memory_space<semaphore_mem>>
          %dma_start3A_210 = arith.constant 0 : i32
          %dma_start3A_211 = arith.constant 0 : i32
          %dma_start3A_212 = tpu.memref_slice %arg13[%dma_start3A_210, %dma_start3A_211] : memref<25088x64xf32, #tpu.memory_space<vmem_shared>> -> memref<25088x64xf32, #tpu.memory_space<vmem_shared>>
          tpu.enqueue_indirect_dma source(%arg11 : memref<80x64xf32, #tpu.memory_space<vmem>>) target(%dma_start3A_212 : memref<25088x64xf32, #tpu.memory_space<vmem_shared>>) offsets(%arg9 : memref<80xi32, #tpu.memory_space<vmem>>) semaphore(%run_scoped3A : memref<!tpu.dma_semaphore, #tpu.memory_space<semaphore_mem>>) {add = true}
          %dma_wait3A_213 = arith.constant 0 : i32
          %dma_wait3A_214 = arith.constant 0 : i32
          %dma_wait3A_215 = tpu.memref_slice %arg13[%dma_wait3A_213, %dma_wait3A_214] : memref<25088x64xf32, #tpu.memory_space<vmem_shared>> -> memref<25088x64xf32, #tpu.memory_space<vmem_shared>>
          tpu.wait_indirect_dma semaphore(%run_scoped3A : memref<!tpu.dma_semaphore, #tpu.memory_space<semaphore_mem>>) src(%arg11 : memref<80x64xf32, #tpu.memory_space<vmem>>) dst(%dma_wait3A_215 : memref<25088x64xf32, #tpu.memory_space<vmem_shared>>)
          tpu.yield
        }) : () -> ()
        %add3A_137 = arith.constant 2 : i32
        %add3A_138 = arith.addi %mul3A_67, %add3A_137 : i32
        %mul3A_139 = arith.constant 80 : i32
        %mul3A_140 = arith.muli %add3A_138, %mul3A_139 : i32
        %dma_start3A_141 = tpu.memref_slice %arg7[%mul3A_140] : memref<2000xi32, #tpu.memory_space<vmem>> -> memref<80xi32, #tpu.memory_space<vmem>>
        %dma_start3A_142 = arith.constant 0 : i32
        %dma_start3A_143 = arith.constant 0 : i32
        %dma_start3A_144 = tpu.memref_slice %arg2[%dma_start3A_142, %dma_start3A_143] : memref<50000x64xf32, #tpu.memory_space<hbm>> -> memref<50000x64xf32, #tpu.memory_space<hbm>>
        tpu.enqueue_indirect_dma source(%dma_start3A_144 : memref<50000x64xf32, #tpu.memory_space<hbm>>) target(%arg11 : memref<80x64xf32, #tpu.memory_space<vmem>>) offsets(%dma_start3A_141 : memref<80xi32, #tpu.memory_space<vmem>>) semaphore(%arg14 : memref<!tpu.dma_semaphore, #tpu.memory_space<semaphore_mem>>)
        %add3A_145 = arith.constant 1 : i32
        %add3A_146 = arith.addi %mul3A_67, %add3A_145 : i32
        %mul3A_147 = arith.constant 80 : i32
        %mul3A_148 = arith.muli %add3A_146, %mul3A_147 : i32
        %dma_wait3A_149 = tpu.memref_slice %arg7[%mul3A_148] : memref<2000xi32, #tpu.memory_space<vmem>> -> memref<80xi32, #tpu.memory_space<vmem>>
        %dma_wait3A_150 = arith.constant 0 : i32
        %dma_wait3A_151 = arith.constant 0 : i32
        %dma_wait3A_152 = tpu.memref_slice %arg2[%dma_wait3A_150, %dma_wait3A_151] : memref<50000x64xf32, #tpu.memory_space<hbm>> -> memref<50000x64xf32, #tpu.memory_space<hbm>>
        tpu.wait_indirect_dma semaphore(%arg15 : memref<!tpu.dma_semaphore, #tpu.memory_space<semaphore_mem>>) src(%dma_wait3A_152 : memref<50000x64xf32, #tpu.memory_space<hbm>>) dst(%arg12 : memref<80x64xf32, #tpu.memory_space<vmem>>)
        %add3A_153 = arith.constant 1 : i32
        %add3A_154 = arith.addi %mul3A_67, %add3A_153 : i32
        %mul3A_155 = arith.constant 80 : i32
        %mul3A_156 = arith.muli %add3A_154, %mul3A_155 : i32
        %add3A_157 = arith.constant 0 : i32
        %add3A_158 = arith.addi %mul3A_156, %add3A_157 : i32
        %get3A_159 = arith.index_cast %add3A_158 : i32 to index
        %get3A_160 = tpu.vector_load %arg8[%get3A_159] {strides = array<i32>} : memref<2000xi32, #tpu.memory_space<vmem>>, vector<16xi32>,
        %get3A_161 = vector.shape_cast %get3A_160 : vector<16xi32> to vector<16xi32>
        %swap3A_162 = arith.constant 0 : index
        %swap3A_163 = tpu.vector_load %arg10[%swap3A_162] {strides = array<i32>} : memref<80xi32, #tpu.memory_space<vmem>>, vector<16xi32>,
        %swap3A_164 = vector.shape_cast %swap3A_163 : vector<16xi32> to vector<16xi32>
        %swap3A_165 = vector.shape_cast %get3A_161 : vector<16xi32> to vector<16xi32>
        tpu.vector_store %arg10[%swap3A_162], %swap3A_165 {strides = array<i32>} : memref<80xi32, #tpu.memory_space<vmem>>, vector<16xi32>,
        %mul3A_166 = arith.constant 80 : i32
        %mul3A_167 = arith.muli %add3A_154, %mul3A_166 : i32
        %add3A_168 = arith.constant 16 : i32
        %add3A_169 = arith.addi %mul3A_167, %add3A_168 : i32
        %get3A_170 = arith.index_cast %add3A_169 : i32 to index
        %get3A_171 = tpu.vector_load %arg8[%get3A_170] {strides = array<i32>} : memref<2000xi32, #tpu.memory_space<vmem>>, vector<16xi32>,
        %get3A_172 = vector.shape_cast %get3A_171 : vector<16xi32> to vector<16xi32>
        %swap3A_173 = arith.constant 16 : index
        %swap3A_174 = tpu.vector_load %arg10[%swap3A_173] {strides = array<i32>} : memref<80xi32, #tpu.memory_space<vmem>>, vector<16xi32>,
        %swap3A_175 = vector.shape_cast %swap3A_174 : vector<16xi32> to vector<16xi32>
        %swap3A_176 = vector.shape_cast %get3A_172 : vector<16xi32> to vector<16xi32>
        tpu.vector_store %arg10[%swap3A_173], %swap3A_176 {strides = array<i32>} : memref<80xi32, #tpu.memory_space<vmem>>, vector<16xi32>,
        %mul3A_177 = arith.constant 80 : i32
        %mul3A_178 = arith.muli %add3A_154, %mul3A_177 : i32
        %add3A_179 = arith.constant 32 : i32
        %add3A_180 = arith.addi %mul3A_178, %add3A_179 : i32
        %get3A_181 = arith.index_cast %add3A_180 : i32 to index
        %get3A_182 = tpu.vector_load %arg8[%get3A_181] {strides = array<i32>} : memref<2000xi32, #tpu.memory_space<vmem>>, vector<16xi32>,
        %get3A_183 = vector.shape_cast %get3A_182 : vector<16xi32> to vector<16xi32>
        %swap3A_184 = arith.constant 32 : index
        %swap3A_185 = tpu.vector_load %arg10[%swap3A_184] {strides = array<i32>} : memref<80xi32, #tpu.memory_space<vmem>>, vector<16xi32>,
        %swap3A_186 = vector.shape_cast %swap3A_185 : vector<16xi32> to vector<16xi32>
        %swap3A_187 = vector.shape_cast %get3A_183 : vector<16xi32> to vector<16xi32>
        tpu.vector_store %arg10[%swap3A_184], %swap3A_187 {strides = array<i32>} : memref<80xi32, #tpu.memory_space<vmem>>, vector<16xi32>,
        %mul3A_188 = arith.constant 80 : i32
        %mul3A_189 = arith.muli %add3A_154, %mul3A_188 : i32
        %add3A_190 = arith.constant 48 : i32
        %add3A_191 = arith.addi %mul3A_189, %add3A_190 : i32
        %get3A_192 = arith.index_cast %add3A_191 : i32 to index
        %get3A_193 = tpu.vector_load %arg8[%get3A_192] {strides = array<i32>} : memref<2000xi32, #tpu.memory_space<vmem>>, vector<16xi32>,
        %get3A_194 = vector.shape_cast %get3A_193 : vector<16xi32> to vector<16xi32>
        %swap3A_195 = arith.constant 48 : index
        %swap3A_196 = tpu.vector_load %arg10[%swap3A_195] {strides = array<i32>} : memref<80xi32, #tpu.memory_space<vmem>>, vector<16xi32>,
        %swap3A_197 = vector.shape_cast %swap3A_196 : vector<16xi32> to vector<16xi32>
        %swap3A_198 = vector.shape_cast %get3A_194 : vector<16xi32> to vector<16xi32>
        tpu.vector_store %arg10[%swap3A_195], %swap3A_198 {strides = array<i32>} : memref<80xi32, #tpu.memory_space<vmem>>, vector<16xi32>,
        %mul3A_199 = arith.constant 80 : i32
        %mul3A_200 = arith.muli %add3A_154, %mul3A_199 : i32
        %add3A_201 = arith.constant 64 : i32
        %add3A_202 = arith.addi %mul3A_200, %add3A_201 : i32
        %get3A_203 = arith.index_cast %add3A_202 : i32 to index
        %get3A_204 = tpu.vector_load %arg8[%get3A_203] {strides = array<i32>} : memref<2000xi32, #tpu.memory_space<vmem>>, vector<16xi32>,
        %get3A_205 = vector.shape_cast %get3A_204 : vector<16xi32> to vector<16xi32>
        %swap3A_206 = arith.constant 64 : index
        %swap3A_207 = tpu.vector_load %arg10[%swap3A_206] {strides = array<i32>} : memref<80xi32, #tpu.memory_space<vmem>>, vector<16xi32>,
        %swap3A_208 = vector.shape_cast %swap3A_207 : vector<16xi32> to vector<16xi32>
        %swap3A_209 = vector.shape_cast %get3A_205 : vector<16xi32> to vector<16xi32>
        tpu.vector_store %arg10[%swap3A_206], %swap3A_209 {strides = array<i32>} : memref<80xi32, #tpu.memory_space<vmem>>, vector<16xi32>,
        "tpu.region"() ({
          %run_scoped3A = tpu.sem_alloc : memref<!tpu.dma_semaphore, #tpu.memory_space<semaphore_mem>>
          %dma_start3A_210 = arith.constant 0 : i32
          %dma_start3A_211 = arith.constant 0 : i32
          %dma_start3A_212 = tpu.memref_slice %arg13[%dma_start3A_210, %dma_start3A_211] : memref<25088x64xf32, #tpu.memory_space<vmem_shared>> -> memref<25088x64xf32, #tpu.memory_space<vmem_shared>>
          tpu.enqueue_indirect_dma source(%arg12 : memref<80x64xf32, #tpu.memory_space<vmem>>) target(%dma_start3A_212 : memref<25088x64xf32, #tpu.memory_space<vmem_shared>>) offsets(%arg10 : memref<80xi32, #tpu.memory_space<vmem>>) semaphore(%run_scoped3A : memref<!tpu.dma_semaphore, #tpu.memory_space<semaphore_mem>>) {add = true}
          %dma_wait3A_213 = arith.constant 0 : i32
          %dma_wait3A_214 = arith.constant 0 : i32
          %dma_wait3A_215 = tpu.memref_slice %arg13[%dma_wait3A_213, %dma_wait3A_214] : memref<25088x64xf32, #tpu.memory_space<vmem_shared>> -> memref<25088x64xf32, #tpu.memory_space<vmem_shared>>
          tpu.wait_indirect_dma semaphore(%run_scoped3A : memref<!tpu.dma_semaphore, #tpu.memory_space<semaphore_mem>>) src(%arg12 : memref<80x64xf32, #tpu.memory_space<vmem>>) dst(%dma_wait3A_215 : memref<25088x64xf32, #tpu.memory_space<vmem_shared>>)
          tpu.yield
        }) : () -> ()
      }
      %scan3A_27 = arith.constant 12 : i32
      %dma_wait3A = arith.constant 1920 : i32
      %dma_wait3A_28 = tpu.memref_slice %arg7[%dma_wait3A] : memref<2000xi32, #tpu.memory_space<vmem>> -> memref<80xi32, #tpu.memory_space<vmem>>
      %dma_wait3A_29 = arith.constant 0 : i32
      %dma_wait3A_30 = arith.constant 0 : i32
      %dma_wait3A_31 = tpu.memref_slice %arg2[%dma_wait3A_29, %dma_wait3A_30] : memref<50000x64xf32, #tpu.memory_space<hbm>> -> memref<50000x64xf32, #tpu.memory_space<hbm>>
      tpu.wait_indirect_dma semaphore(%arg14 : memref<!tpu.dma_semaphore, #tpu.memory_space<semaphore_mem>>) src(%dma_wait3A_31 : memref<50000x64xf32, #tpu.memory_space<hbm>>) dst(%arg11 : memref<80x64xf32, #tpu.memory_space<vmem>>)
      %get3A = arith.constant 1920 : index
      %get3A_32 = tpu.vector_load %arg8[%get3A] {strides = array<i32>} : memref<2000xi32, #tpu.memory_space<vmem>>, vector<16xi32>,
      %get3A_33 = vector.shape_cast %get3A_32 : vector<16xi32> to vector<16xi32>
      %swap3A = arith.constant 0 : index
      %swap3A_34 = tpu.vector_load %arg9[%swap3A] {strides = array<i32>} : memref<80xi32, #tpu.memory_space<vmem>>, vector<16xi32>,
      %swap3A_35 = vector.shape_cast %swap3A_34 : vector<16xi32> to vector<16xi32>
      %swap3A_36 = vector.shape_cast %get3A_33 : vector<16xi32> to vector<16xi32>
      tpu.vector_store %arg9[%swap3A], %swap3A_36 {strides = array<i32>} : memref<80xi32, #tpu.memory_space<vmem>>, vector<16xi32>,
      %get3A_37 = arith.constant 1936 : index
      %get3A_38 = tpu.vector_load %arg8[%get3A_37] {strides = array<i32>} : memref<2000xi32, #tpu.memory_space<vmem>>, vector<16xi32>,
      %get3A_39 = vector.shape_cast %get3A_38 : vector<16xi32> to vector<16xi32>
      %swap3A_40 = arith.constant 16 : index
      %swap3A_41 = tpu.vector_load %arg9[%swap3A_40] {strides = array<i32>} : memref<80xi32, #tpu.memory_space<vmem>>, vector<16xi32>,
      %swap3A_42 = vector.shape_cast %swap3A_41 : vector<16xi32> to vector<16xi32>
      %swap3A_43 = vector.shape_cast %get3A_39 : vector<16xi32> to vector<16xi32>
      tpu.vector_store %arg9[%swap3A_40], %swap3A_43 {strides = array<i32>} : memref<80xi32, #tpu.memory_space<vmem>>, vector<16xi32>,
      %get3A_44 = arith.constant 1952 : index
      %get3A_45 = tpu.vector_load %arg8[%get3A_44] {strides = array<i32>} : memref<2000xi32, #tpu.memory_space<vmem>>, vector<16xi32>,
      %get3A_46 = vector.shape_cast %get3A_45 : vector<16xi32> to vector<16xi32>
      %swap3A_47 = arith.constant 32 : index
      %swap3A_48 = tpu.vector_load %arg9[%swap3A_47] {strides = array<i32>} : memref<80xi32, #tpu.memory_space<vmem>>, vector<16xi32>,
      %swap3A_49 = vector.shape_cast %swap3A_48 : vector<16xi32> to vector<16xi32>
      %swap3A_50 = vector.shape_cast %get3A_46 : vector<16xi32> to vector<16xi32>
      tpu.vector_store %arg9[%swap3A_47], %swap3A_50 {strides = array<i32>} : memref<80xi32, #tpu.memory_space<vmem>>, vector<16xi32>,
      %get3A_51 = arith.constant 1968 : index
      %get3A_52 = tpu.vector_load %arg8[%get3A_51] {strides = array<i32>} : memref<2000xi32, #tpu.memory_space<vmem>>, vector<16xi32>,
      %get3A_53 = vector.shape_cast %get3A_52 : vector<16xi32> to vector<16xi32>
      %swap3A_54 = arith.constant 48 : index
      %swap3A_55 = tpu.vector_load %arg9[%swap3A_54] {strides = array<i32>} : memref<80xi32, #tpu.memory_space<vmem>>, vector<16xi32>,
      %swap3A_56 = vector.shape_cast %swap3A_55 : vector<16xi32> to vector<16xi32>
      %swap3A_57 = vector.shape_cast %get3A_53 : vector<16xi32> to vector<16xi32>
      tpu.vector_store %arg9[%swap3A_54], %swap3A_57 {strides = array<i32>} : memref<80xi32, #tpu.memory_space<vmem>>, vector<16xi32>,
      %get3A_58 = arith.constant 1984 : index
      %get3A_59 = tpu.vector_load %arg8[%get3A_58] {strides = array<i32>} : memref<2000xi32, #tpu.memory_space<vmem>>, vector<16xi32>,
      %get3A_60 = vector.shape_cast %get3A_59 : vector<16xi32> to vector<16xi32>
      %swap3A_61 = arith.constant 64 : index
      %swap3A_62 = tpu.vector_load %arg9[%swap3A_61] {strides = array<i32>} : memref<80xi32, #tpu.memory_space<vmem>>, vector<16xi32>,
      %swap3A_63 = vector.shape_cast %swap3A_62 : vector<16xi32> to vector<16xi32>
      %swap3A_64 = vector.shape_cast %get3A_60 : vector<16xi32> to vector<16xi32>
      tpu.vector_store %arg9[%swap3A_61], %swap3A_64 {strides = array<i32>} : memref<80xi32, #tpu.memory_space<vmem>>, vector<16xi32>,
      "tpu.region"() ({
        %run_scoped3A = tpu.sem_alloc : memref<!tpu.dma_semaphore, #tpu.memory_space<semaphore_mem>>
        %dma_start3A_65 = arith.constant 0 : i32
        %dma_start3A_66 = arith.constant 0 : i32
        %dma_start3A_67 = tpu.memref_slice %arg13[%dma_start3A_65, %dma_start3A_66] : memref<25088x64xf32, #tpu.memory_space<vmem_shared>> -> memref<25088x64xf32, #tpu.memory_space<vmem_shared>>
        tpu.enqueue_indirect_dma source(%arg11 : memref<80x64xf32, #tpu.memory_space<vmem>>) target(%dma_start3A_67 : memref<25088x64xf32, #tpu.memory_space<vmem_shared>>) offsets(%arg9 : memref<80xi32, #tpu.memory_space<vmem>>) semaphore(%run_scoped3A : memref<!tpu.dma_semaphore, #tpu.memory_space<semaphore_mem>>) {add = true}
        %dma_wait3A_68 = arith.constant 0 : i32
        %dma_wait3A_69 = arith.constant 0 : i32
        %dma_wait3A_70 = tpu.memref_slice %arg13[%dma_wait3A_68, %dma_wait3A_69] : memref<25088x64xf32, #tpu.memory_space<vmem_shared>> -> memref<25088x64xf32, #tpu.memory_space<vmem_shared>>
        tpu.wait_indirect_dma semaphore(%run_scoped3A : memref<!tpu.dma_semaphore, #tpu.memory_space<semaphore_mem>>) src(%arg11 : memref<80x64xf32, #tpu.memory_space<vmem>>) dst(%dma_wait3A_70 : memref<25088x64xf32, #tpu.memory_space<vmem_shared>>)
        tpu.yield
      }) : () -> ()
    }
    %scan3A_5 = arith.constant 25 : i32
    %barrier3A_6 = arith.constant 0 : index
    tpu.barrier barrier_id(%barrier3A_6)
    %mul3A_7 = arith.constant 25088 : i32
    %mul3A_8 = arith.muli %arg0, %mul3A_7 : i32
    %add3A = arith.addi %mul3A_8, %mul3A_0 : i32
    "tpu.region"() ({
      %run_scoped3A = tpu.sem_alloc : memref<!tpu.dma_semaphore, #tpu.memory_space<semaphore_mem>>
      %dma_start3A = arith.constant 0 : i32
      %dma_start3A_9 = tpu.memref_slice %arg6[%add3A, %dma_start3A] : memref<50176x64xf32, #tpu.memory_space<hbm>> -> memref<1568x64xf32, #tpu.memory_space<hbm>>
      %dma_start3A_10 = arith.constant 0 : i32
      %dma_start3A_11 = tpu.memref_slice %arg13[%mul3A_0, %dma_start3A_10] : memref<25088x64xf32, #tpu.memory_space<vmem_shared>> -> memref<1568x64xf32, #tpu.memory_space<vmem_shared>>
      tpu.enqueue_dma source(%dma_start3A_11 : memref<1568x64xf32, #tpu.memory_space<vmem_shared>>) target(%dma_start3A_9 : memref<1568x64xf32, #tpu.memory_space<hbm>>) target_semaphore(%run_scoped3A : memref<!tpu.dma_semaphore, #tpu.memory_space<semaphore_mem>>)
      %dma_wait3A = arith.constant 0 : i32
      %dma_wait3A_12 = tpu.memref_slice %arg6[%add3A, %dma_wait3A] : memref<50176x64xf32, #tpu.memory_space<hbm>> -> memref<1568x64xf32, #tpu.memory_space<hbm>>
      %dma_wait3A_13 = arith.constant 0 : i32
      %dma_wait3A_14 = tpu.memref_slice %arg13[%mul3A_0, %dma_wait3A_13] : memref<25088x64xf32, #tpu.memory_space<vmem_shared>> -> memref<1568x64xf32, #tpu.memory_space<vmem_shared>>
      tpu.wait_dma2 semaphore(%run_scoped3A : memref<!tpu.dma_semaphore, #tpu.memory_space<semaphore_mem>>) src(%dma_wait3A_14 : memref<1568x64xf32, #tpu.memory_space<vmem_shared>>) dst(%dma_wait3A_12 : memref<1568x64xf32, #tpu.memory_space<hbm>>)
      tpu.yield
    }) : () -> ()
    return
  }
}

#map = affine_map<(d0, d1) -> (0, 0)>
#map1 = affine_map<(d0, d1) -> (0)>
module attributes {stable_mosaic.version = 14 : i64} {
  func.func @_spmm(%arg0: i32, %arg1: i32, %arg2: memref<50000x64xf32, #tpu.memory_space<hbm>>, %arg3: memref<800000xi32, #tpu.memory_space<hbm>>, %arg4: memref<1600000xi32, #tpu.memory_space<hbm>>, %arg5: memref<1568x64xf32, #tpu.memory_space<hbm>>, %arg6: memref<50176x64xf32, #tpu.memory_space<hbm>>, %arg7: memref<2000xi32, #tpu.memory_space<vmem>>, %arg8: memref<2000xi32, #tpu.memory_space<vmem>>, %arg9: memref<80xi32, #tpu.memory_space<vmem>>, %arg10: memref<80xi32, #tpu.memory_space<vmem>>, %arg11: memref<80x64xf32, #tpu.memory_space<vmem>>, %arg12: memref<80x64xf32, #tpu.memory_space<vmem>>, %arg13: memref<25088x64xf32, #tpu.memory_space<vmem_shared>>, %arg14: memref<!tpu.dma_semaphore, #tpu.memory_space<semaphore_mem>>, %arg15: memref<!tpu.dma_semaphore, #tpu.memory_space<semaphore_mem>>) attributes {dimension_semantics = [#tpu.dimension_semantics<core_parallel>, #tpu.dimension_semantics<subcore_parallel>], iteration_bounds = array<i64: 2, 16>, scalar_prefetch = 0 : i64, scratch_operands = 9 : i64, tpu.core_type = #tpu.core_type<sc_vector_subcore>, window_params = [{transform_indices = #map}, {transform_indices = #map1}, {transform_indices = #map1}, {transform_indices = #map}, {transform_indices = #map}]} {
    %mul3A = arith.constant 1568 : i32
    %mul3A_0 = arith.muli %arg1, %mul3A : i32
    "tpu.region"() ({
      %run_scoped3A = tpu.sem_alloc : memref<!tpu.dma_semaphore, #tpu.memory_space<semaphore_mem>>
      %dma_start3A = arith.constant 0 : i32
      %dma_start3A_9 = tpu.memref_slice %arg13[%mul3A_0, %dma_start3A] : memref<25088x64xf32, #tpu.memory_space<vmem_shared>> -> memref<1568x64xf32, #tpu.memory_space<vmem_shared>>
      tpu.enqueue_dma source(%arg5 : memref<1568x64xf32, #tpu.memory_space<hbm>>) target(%dma_start3A_9 : memref<1568x64xf32, #tpu.memory_space<vmem_shared>>) target_semaphore(%run_scoped3A : memref<!tpu.dma_semaphore, #tpu.memory_space<semaphore_mem>>)
      %dma_wait3A = arith.constant 0 : i32
      %dma_wait3A_10 = tpu.memref_slice %arg13[%mul3A_0, %dma_wait3A] : memref<25088x64xf32, #tpu.memory_space<vmem_shared>> -> memref<1568x64xf32, #tpu.memory_space<vmem_shared>>
      tpu.wait_dma2 semaphore(%run_scoped3A : memref<!tpu.dma_semaphore, #tpu.memory_space<semaphore_mem>>) src(%arg5 : memref<1568x64xf32, #tpu.memory_space<hbm>>) dst(%dma_wait3A_10 : memref<1568x64xf32, #tpu.memory_space<vmem_shared>>)
      tpu.yield
    }) : () -> ()
    %barrier3A = arith.constant 0 : index
    tpu.barrier barrier_id(%barrier3A)
    %scan3A = arith.constant 0 : i32
    %scan3A_1 = arith.constant 0 : i32
    %scan3A_2 = arith.constant 25 : i32
    %scan3A_3 = arith.addi %scan3A_1, %scan3A_2 : i32
    %scan3A_4 = arith.constant 1 : i32
    scf.for %scan3A_9 = %scan3A_1 to %scan3A_3 step %scan3A_4  : i32 {
      %mul3A_10 = arith.constant 50000 : i32
      %mul3A_11 = arith.muli %arg1, %mul3A_10 : i32
      %mul3A_12 = arith.constant 2000 : i32
      %mul3A_13 = arith.muli %scan3A_9, %mul3A_12 : i32
      %add3A_14 = arith.addi %mul3A_11, %mul3A_13 : i32
      "tpu.region"() ({
        %run_scoped3A = tpu.sem_alloc : memref<!tpu.dma_semaphore, #tpu.memory_space<semaphore_mem>>
        %dma_start3A_65 = tpu.memref_slice %arg3[%add3A_14] : memref<800000xi32, #tpu.memory_space<hbm>> -> memref<2000xi32, #tpu.memory_space<hbm>>
        %dma_start3A_66 = tpu.memref_slice %arg3[%add3A_14] : memref<800000xi32, #tpu.memory_space<hbm>> -> memref<2000xi32, #tpu.memory_space<hbm>>
        tpu.enqueue_dma source(%dma_start3A_66 : memref<2000xi32, #tpu.memory_space<hbm>>) target(%arg7 : memref<2000xi32, #tpu.memory_space<vmem>>) target_semaphore(%run_scoped3A : memref<!tpu.dma_semaphore, #tpu.memory_space<semaphore_mem>>)
        %dma_wait3A_67 = tpu.memref_slice %arg3[%add3A_14] : memref<800000xi32, #tpu.memory_space<hbm>> -> memref<2000xi32, #tpu.memory_space<hbm>>
        %dma_wait3A_68 = tpu.memref_slice %arg3[%add3A_14] : memref<800000xi32, #tpu.memory_space<hbm>> -> memref<2000xi32, #tpu.memory_space<hbm>>
        tpu.wait_dma2 semaphore(%run_scoped3A : memref<!tpu.dma_semaphore, #tpu.memory_space<semaphore_mem>>) src(%dma_wait3A_68 : memref<2000xi32, #tpu.memory_space<hbm>>) dst(%arg7 : memref<2000xi32, #tpu.memory_space<vmem>>)
        tpu.yield
      }) : () -> ()
      %mul3A_15 = arith.constant 800000 : i32
      %mul3A_16 = arith.muli %arg0, %mul3A_15 : i32
      %add3A_17 = arith.addi %mul3A_16, %add3A_14 : i32
      "tpu.region"() ({
        %run_scoped3A = tpu.sem_alloc : memref<!tpu.dma_semaphore, #tpu.memory_space<semaphore_mem>>
        %dma_start3A_65 = tpu.memref_slice %arg4[%add3A_17] : memref<1600000xi32, #tpu.memory_space<hbm>> -> memref<2000xi32, #tpu.memory_space<hbm>>
        %dma_start3A_66 = tpu.memref_slice %arg4[%add3A_17] : memref<1600000xi32, #tpu.memory_space<hbm>> -> memref<2000xi32, #tpu.memory_space<hbm>>
        tpu.enqueue_dma source(%dma_start3A_66 : memref<2000xi32, #tpu.memory_space<hbm>>) target(%arg8 : memref<2000xi32, #tpu.memory_space<vmem>>) target_semaphore(%run_scoped3A : memref<!tpu.dma_semaphore, #tpu.memory_space<semaphore_mem>>)
        %dma_wait3A_67 = tpu.memref_slice %arg4[%add3A_17] : memref<1600000xi32, #tpu.memory_space<hbm>> -> memref<2000xi32, #tpu.memory_space<hbm>>
        %dma_wait3A_68 = tpu.memref_slice %arg4[%add3A_17] : memref<1600000xi32, #tpu.memory_space<hbm>> -> memref<2000xi32, #tpu.memory_space<hbm>>
        tpu.wait_dma2 semaphore(%run_scoped3A : memref<!tpu.dma_semaphore, #tpu.memory_space<semaphore_mem>>) src(%dma_wait3A_68 : memref<2000xi32, #tpu.memory_space<hbm>>) dst(%arg8 : memref<2000xi32, #tpu.memory_space<vmem>>)
        tpu.yield
      }) : () -> ()
      %dma_start3A = arith.constant 0 : i32
      %dma_start3A_18 = tpu.memref_slice %arg7[%dma_start3A] : memref<2000xi32, #tpu.memory_space<vmem>> -> memref<80xi32, #tpu.memory_space<vmem>>
      %dma_start3A_19 = arith.constant 0 : i32
      %dma_start3A_20 = arith.constant 0 : i32
      %dma_start3A_21 = tpu.memref_slice %arg2[%dma_start3A_19, %dma_start3A_20] : memref<50000x64xf32, #tpu.memory_space<hbm>> -> memref<50000x64xf32, #tpu.memory_space<hbm>>
      tpu.enqueue_indirect_dma source(%dma_start3A_21 : memref<50000x64xf32, #tpu.memory_space<hbm>>) target(%arg11 : memref<80x64xf32, #tpu.memory_space<vmem>>) offsets(%dma_start3A_18 : memref<80xi32, #tpu.memory_space<vmem>>) semaphore(%arg14 : memref<!tpu.dma_semaphore, #tpu.memory_space<semaphore_mem>>)
      %scan3A_22 = arith.constant 0 : i32
      %scan3A_23 = arith.constant 0 : i32
      %scan3A_24 = arith.constant 12 : i32
      %scan3A_25 = arith.addi %scan3A_23, %scan3A_24 : i32
      %scan3A_26 = arith.constant 1 : i32
      scf.for %scan3A_65 = %scan3A_23 to %scan3A_25 step %scan3A_26  : i32 {
        %mul3A_66 = arith.constant 2 : i32
        %mul3A_67 = arith.muli %mul3A_66, %scan3A_65 : i32
        %add3A_68 = arith.constant 1 : i32
        %add3A_69 = arith.addi %mul3A_67, %add3A_68 : i32
        %mul3A_70 = arith.constant 80 : i32
        %mul3A_71 = arith.muli %add3A_69, %mul3A_70 : i32
        %dma_start3A_72 = tpu.memref_slice %arg7[%mul3A_71] : memref<2000xi32, #tpu.memory_space<vmem>> -> memref<80xi32, #tpu.memory_space<vmem>>
        %dma_start3A_73 = arith.constant 0 : i32
        %dma_start3A_74 = arith.constant 0 : i32
        %dma_start3A_75 = tpu.memref_slice %arg2[%dma_start3A_73, %dma_start3A_74] : memref<50000x64xf32, #tpu.memory_space<hbm>> -> memref<50000x64xf32, #tpu.memory_space<hbm>>
        tpu.enqueue_indirect_dma source(%dma_start3A_75 : memref<50000x64xf32, #tpu.memory_space<hbm>>) target(%arg12 : memref<80x64xf32, #tpu.memory_space<vmem>>) offsets(%dma_start3A_72 : memref<80xi32, #tpu.memory_space<vmem>>) semaphore(%arg15 : memref<!tpu.dma_semaphore, #tpu.memory_space<semaphore_mem>>)
        %mul3A_76 = arith.constant 80 : i32
        %mul3A_77 = arith.muli %mul3A_67, %mul3A_76 : i32
        %dma_wait3A_78 = tpu.memref_slice %arg7[%mul3A_77] : memref<2000xi32, #tpu.memory_space<vmem>> -> memref<80xi32, #tpu.memory_space<vmem>>
        %dma_wait3A_79 = arith.constant 0 : i32
        %dma_wait3A_80 = arith.constant 0 : i32
        %dma_wait3A_81 = tpu.memref_slice %arg2[%dma_wait3A_79, %dma_wait3A_80] : memref<50000x64xf32, #tpu.memory_space<hbm>> -> memref<50000x64xf32, #tpu.memory_space<hbm>>
        tpu.wait_indirect_dma semaphore(%arg14 : memref<!tpu.dma_semaphore, #tpu.memory_space<semaphore_mem>>) src(%dma_wait3A_81 : memref<50000x64xf32, #tpu.memory_space<hbm>>) dst(%arg11 : memref<80x64xf32, #tpu.memory_space<vmem>>)
        %mul3A_82 = arith.constant 80 : i32
        %mul3A_83 = arith.muli %mul3A_67, %mul3A_82 : i32
        %add3A_84 = arith.constant 0 : i32
        %add3A_85 = arith.addi %mul3A_83, %add3A_84 : i32
        %get3A_86 = arith.index_cast %add3A_85 : i32 to index
        %get3A_87 = tpu.vector_load %arg8[%get3A_86] {strides = array<i32>} : memref<2000xi32, #tpu.memory_space<vmem>>, vector<16xi32>,
        %get3A_88 = vector.shape_cast %get3A_87 : vector<16xi32> to vector<16xi32>
        %swap3A_89 = arith.constant 0 : index
        %swap3A_90 = tpu.vector_load %arg9[%swap3A_89] {strides = array<i32>} : memref<80xi32, #tpu.memory_space<vmem>>, vector<16xi32>,
        %swap3A_91 = vector.shape_cast %swap3A_90 : vector<16xi32> to vector<16xi32>
        %swap3A_92 = vector.shape_cast %get3A_88 : vector<16xi32> to vector<16xi32>
        tpu.vector_store %arg9[%swap3A_89], %swap3A_92 {strides = array<i32>} : memref<80xi32, #tpu.memory_space<vmem>>, vector<16xi32>,
        %mul3A_93 = arith.constant 80 : i32
        %mul3A_94 = arith.muli %mul3A_67, %mul3A_93 : i32
        %add3A_95 = arith.constant 16 : i32
        %add3A_96 = arith.addi %mul3A_94, %add3A_95 : i32
        %get3A_97 = arith.index_cast %add3A_96 : i32 to index
        %get3A_98 = tpu.vector_load %arg8[%get3A_97] {strides = array<i32>} : memref<2000xi32, #tpu.memory_space<vmem>>, vector<16xi32>,
        %get3A_99 = vector.shape_cast %get3A_98 : vector<16xi32> to vector<16xi32>
        %swap3A_100 = arith.constant 16 : index
        %swap3A_101 = tpu.vector_load %arg9[%swap3A_100] {strides = array<i32>} : memref<80xi32, #tpu.memory_space<vmem>>, vector<16xi32>,
        %swap3A_102 = vector.shape_cast %swap3A_101 : vector<16xi32> to vector<16xi32>
        %swap3A_103 = vector.shape_cast %get3A_99 : vector<16xi32> to vector<16xi32>
        tpu.vector_store %arg9[%swap3A_100], %swap3A_103 {strides = array<i32>} : memref<80xi32, #tpu.memory_space<vmem>>, vector<16xi32>,
        %mul3A_104 = arith.constant 80 : i32
        %mul3A_105 = arith.muli %mul3A_67, %mul3A_104 : i32
        %add3A_106 = arith.constant 32 : i32
        %add3A_107 = arith.addi %mul3A_105, %add3A_106 : i32
        %get3A_108 = arith.index_cast %add3A_107 : i32 to index
        %get3A_109 = tpu.vector_load %arg8[%get3A_108] {strides = array<i32>} : memref<2000xi32, #tpu.memory_space<vmem>>, vector<16xi32>,
        %get3A_110 = vector.shape_cast %get3A_109 : vector<16xi32> to vector<16xi32>
        %swap3A_111 = arith.constant 32 : index
        %swap3A_112 = tpu.vector_load %arg9[%swap3A_111] {strides = array<i32>} : memref<80xi32, #tpu.memory_space<vmem>>, vector<16xi32>,
        %swap3A_113 = vector.shape_cast %swap3A_112 : vector<16xi32> to vector<16xi32>
        %swap3A_114 = vector.shape_cast %get3A_110 : vector<16xi32> to vector<16xi32>
        tpu.vector_store %arg9[%swap3A_111], %swap3A_114 {strides = array<i32>} : memref<80xi32, #tpu.memory_space<vmem>>, vector<16xi32>,
        %mul3A_115 = arith.constant 80 : i32
        %mul3A_116 = arith.muli %mul3A_67, %mul3A_115 : i32
        %add3A_117 = arith.constant 48 : i32
        %add3A_118 = arith.addi %mul3A_116, %add3A_117 : i32
        %get3A_119 = arith.index_cast %add3A_118 : i32 to index
        %get3A_120 = tpu.vector_load %arg8[%get3A_119] {strides = array<i32>} : memref<2000xi32, #tpu.memory_space<vmem>>, vector<16xi32>,
        %get3A_121 = vector.shape_cast %get3A_120 : vector<16xi32> to vector<16xi32>
        %swap3A_122 = arith.constant 48 : index
        %swap3A_123 = tpu.vector_load %arg9[%swap3A_122] {strides = array<i32>} : memref<80xi32, #tpu.memory_space<vmem>>, vector<16xi32>,
        %swap3A_124 = vector.shape_cast %swap3A_123 : vector<16xi32> to vector<16xi32>
        %swap3A_125 = vector.shape_cast %get3A_121 : vector<16xi32> to vector<16xi32>
        tpu.vector_store %arg9[%swap3A_122], %swap3A_125 {strides = array<i32>} : memref<80xi32, #tpu.memory_space<vmem>>, vector<16xi32>,
        %mul3A_126 = arith.constant 80 : i32
        %mul3A_127 = arith.muli %mul3A_67, %mul3A_126 : i32
        %add3A_128 = arith.constant 64 : i32
        %add3A_129 = arith.addi %mul3A_127, %add3A_128 : i32
        %get3A_130 = arith.index_cast %add3A_129 : i32 to index
        %get3A_131 = tpu.vector_load %arg8[%get3A_130] {strides = array<i32>} : memref<2000xi32, #tpu.memory_space<vmem>>, vector<16xi32>,
        %get3A_132 = vector.shape_cast %get3A_131 : vector<16xi32> to vector<16xi32>
        %swap3A_133 = arith.constant 64 : index
        %swap3A_134 = tpu.vector_load %arg9[%swap3A_133] {strides = array<i32>} : memref<80xi32, #tpu.memory_space<vmem>>, vector<16xi32>,
        %swap3A_135 = vector.shape_cast %swap3A_134 : vector<16xi32> to vector<16xi32>
        %swap3A_136 = vector.shape_cast %get3A_132 : vector<16xi32> to vector<16xi32>
        tpu.vector_store %arg9[%swap3A_133], %swap3A_136 {strides = array<i32>} : memref<80xi32, #tpu.memory_space<vmem>>, vector<16xi32>,
        "tpu.region"() ({
          %run_scoped3A = tpu.sem_alloc : memref<!tpu.dma_semaphore, #tpu.memory_space<semaphore_mem>>
          %dma_start3A_210 = arith.constant 0 : i32
          %dma_start3A_211 = arith.constant 0 : i32
          %dma_start3A_212 = tpu.memref_slice %arg13[%dma_start3A_210, %dma_start3A_211] : memref<25088x64xf32, #tpu.memory_space<vmem_shared>> -> memref<25088x64xf32, #tpu.memory_space<vmem_shared>>
          tpu.enqueue_indirect_dma source(%arg11 : memref<80x64xf32, #tpu.memory_space<vmem>>) target(%dma_start3A_212 : memref<25088x64xf32, #tpu.memory_space<vmem_shared>>) offsets(%arg9 : memref<80xi32, #tpu.memory_space<vmem>>) semaphore(%run_scoped3A : memref<!tpu.dma_semaphore, #tpu.memory_space<semaphore_mem>>) {add = true}
          %dma_wait3A_213 = arith.constant 0 : i32
          %dma_wait3A_214 = arith.constant 0 : i32
          %dma_wait3A_215 = tpu.memref_slice %arg13[%dma_wait3A_213, %dma_wait3A_214] : memref<25088x64xf32, #tpu.memory_space<vmem_shared>> -> memref<25088x64xf32, #tpu.memory_space<vmem_shared>>
          tpu.wait_indirect_dma semaphore(%run_scoped3A : memref<!tpu.dma_semaphore, #tpu.memory_space<semaphore_mem>>) src(%arg11 : memref<80x64xf32, #tpu.memory_space<vmem>>) dst(%dma_wait3A_215 : memref<25088x64xf32, #tpu.memory_space<vmem_shared>>)
          tpu.yield
        }) : () -> ()
        %add3A_137 = arith.constant 2 : i32
        %add3A_138 = arith.addi %mul3A_67, %add3A_137 : i32
        %mul3A_139 = arith.constant 80 : i32
        %mul3A_140 = arith.muli %add3A_138, %mul3A_139 : i32
        %dma_start3A_141 = tpu.memref_slice %arg7[%mul3A_140] : memref<2000xi32, #tpu.memory_space<vmem>> -> memref<80xi32, #tpu.memory_space<vmem>>
        %dma_start3A_142 = arith.constant 0 : i32
        %dma_start3A_143 = arith.constant 0 : i32
        %dma_start3A_144 = tpu.memref_slice %arg2[%dma_start3A_142, %dma_start3A_143] : memref<50000x64xf32, #tpu.memory_space<hbm>> -> memref<50000x64xf32, #tpu.memory_space<hbm>>
        tpu.enqueue_indirect_dma source(%dma_start3A_144 : memref<50000x64xf32, #tpu.memory_space<hbm>>) target(%arg11 : memref<80x64xf32, #tpu.memory_space<vmem>>) offsets(%dma_start3A_141 : memref<80xi32, #tpu.memory_space<vmem>>) semaphore(%arg14 : memref<!tpu.dma_semaphore, #tpu.memory_space<semaphore_mem>>)
        %add3A_145 = arith.constant 1 : i32
        %add3A_146 = arith.addi %mul3A_67, %add3A_145 : i32
        %mul3A_147 = arith.constant 80 : i32
        %mul3A_148 = arith.muli %add3A_146, %mul3A_147 : i32
        %dma_wait3A_149 = tpu.memref_slice %arg7[%mul3A_148] : memref<2000xi32, #tpu.memory_space<vmem>> -> memref<80xi32, #tpu.memory_space<vmem>>
        %dma_wait3A_150 = arith.constant 0 : i32
        %dma_wait3A_151 = arith.constant 0 : i32
        %dma_wait3A_152 = tpu.memref_slice %arg2[%dma_wait3A_150, %dma_wait3A_151] : memref<50000x64xf32, #tpu.memory_space<hbm>> -> memref<50000x64xf32, #tpu.memory_space<hbm>>
        tpu.wait_indirect_dma semaphore(%arg15 : memref<!tpu.dma_semaphore, #tpu.memory_space<semaphore_mem>>) src(%dma_wait3A_152 : memref<50000x64xf32, #tpu.memory_space<hbm>>) dst(%arg12 : memref<80x64xf32, #tpu.memory_space<vmem>>)
        %add3A_153 = arith.constant 1 : i32
        %add3A_154 = arith.addi %mul3A_67, %add3A_153 : i32
        %mul3A_155 = arith.constant 80 : i32
        %mul3A_156 = arith.muli %add3A_154, %mul3A_155 : i32
        %add3A_157 = arith.constant 0 : i32
        %add3A_158 = arith.addi %mul3A_156, %add3A_157 : i32
        %get3A_159 = arith.index_cast %add3A_158 : i32 to index
        %get3A_160 = tpu.vector_load %arg8[%get3A_159] {strides = array<i32>} : memref<2000xi32, #tpu.memory_space<vmem>>, vector<16xi32>,
        %get3A_161 = vector.shape_cast %get3A_160 : vector<16xi32> to vector<16xi32>
        %swap3A_162 = arith.constant 0 : index
        %swap3A_163 = tpu.vector_load %arg10[%swap3A_162] {strides = array<i32>} : memref<80xi32, #tpu.memory_space<vmem>>, vector<16xi32>,
        %swap3A_164 = vector.shape_cast %swap3A_163 : vector<16xi32> to vector<16xi32>
        %swap3A_165 = vector.shape_cast %get3A_161 : vector<16xi32> to vector<16xi32>
        tpu.vector_store %arg10[%swap3A_162], %swap3A_165 {strides = array<i32>} : memref<80xi32, #tpu.memory_space<vmem>>, vector<16xi32>,
        %mul3A_166 = arith.constant 80 : i32
        %mul3A_167 = arith.muli %add3A_154, %mul3A_166 : i32
        %add3A_168 = arith.constant 16 : i32
        %add3A_169 = arith.addi %mul3A_167, %add3A_168 : i32
        %get3A_170 = arith.index_cast %add3A_169 : i32 to index
        %get3A_171 = tpu.vector_load %arg8[%get3A_170] {strides = array<i32>} : memref<2000xi32, #tpu.memory_space<vmem>>, vector<16xi32>,
        %get3A_172 = vector.shape_cast %get3A_171 : vector<16xi32> to vector<16xi32>
        %swap3A_173 = arith.constant 16 : index
        %swap3A_174 = tpu.vector_load %arg10[%swap3A_173] {strides = array<i32>} : memref<80xi32, #tpu.memory_space<vmem>>, vector<16xi32>,
        %swap3A_175 = vector.shape_cast %swap3A_174 : vector<16xi32> to vector<16xi32>
        %swap3A_176 = vector.shape_cast %get3A_172 : vector<16xi32> to vector<16xi32>
        tpu.vector_store %arg10[%swap3A_173], %swap3A_176 {strides = array<i32>} : memref<80xi32, #tpu.memory_space<vmem>>, vector<16xi32>,
        %mul3A_177 = arith.constant 80 : i32
        %mul3A_178 = arith.muli %add3A_154, %mul3A_177 : i32
        %add3A_179 = arith.constant 32 : i32
        %add3A_180 = arith.addi %mul3A_178, %add3A_179 : i32
        %get3A_181 = arith.index_cast %add3A_180 : i32 to index
        %get3A_182 = tpu.vector_load %arg8[%get3A_181] {strides = array<i32>} : memref<2000xi32, #tpu.memory_space<vmem>>, vector<16xi32>,
        %get3A_183 = vector.shape_cast %get3A_182 : vector<16xi32> to vector<16xi32>
        %swap3A_184 = arith.constant 32 : index
        %swap3A_185 = tpu.vector_load %arg10[%swap3A_184] {strides = array<i32>} : memref<80xi32, #tpu.memory_space<vmem>>, vector<16xi32>,
        %swap3A_186 = vector.shape_cast %swap3A_185 : vector<16xi32> to vector<16xi32>
        %swap3A_187 = vector.shape_cast %get3A_183 : vector<16xi32> to vector<16xi32>
        tpu.vector_store %arg10[%swap3A_184], %swap3A_187 {strides = array<i32>} : memref<80xi32, #tpu.memory_space<vmem>>, vector<16xi32>,
        %mul3A_188 = arith.constant 80 : i32
        %mul3A_189 = arith.muli %add3A_154, %mul3A_188 : i32
        %add3A_190 = arith.constant 48 : i32
        %add3A_191 = arith.addi %mul3A_189, %add3A_190 : i32
        %get3A_192 = arith.index_cast %add3A_191 : i32 to index
        %get3A_193 = tpu.vector_load %arg8[%get3A_192] {strides = array<i32>} : memref<2000xi32, #tpu.memory_space<vmem>>, vector<16xi32>,
        %get3A_194 = vector.shape_cast %get3A_193 : vector<16xi32> to vector<16xi32>
        %swap3A_195 = arith.constant 48 : index
        %swap3A_196 = tpu.vector_load %arg10[%swap3A_195] {strides = array<i32>} : memref<80xi32, #tpu.memory_space<vmem>>, vector<16xi32>,
        %swap3A_197 = vector.shape_cast %swap3A_196 : vector<16xi32> to vector<16xi32>
        %swap3A_198 = vector.shape_cast %get3A_194 : vector<16xi32> to vector<16xi32>
        tpu.vector_store %arg10[%swap3A_195], %swap3A_198 {strides = array<i32>} : memref<80xi32, #tpu.memory_space<vmem>>, vector<16xi32>,
        %mul3A_199 = arith.constant 80 : i32
        %mul3A_200 = arith.muli %add3A_154, %mul3A_199 : i32
        %add3A_201 = arith.constant 64 : i32
        %add3A_202 = arith.addi %mul3A_200, %add3A_201 : i32
        %get3A_203 = arith.index_cast %add3A_202 : i32 to index
        %get3A_204 = tpu.vector_load %arg8[%get3A_203] {strides = array<i32>} : memref<2000xi32, #tpu.memory_space<vmem>>, vector<16xi32>,
        %get3A_205 = vector.shape_cast %get3A_204 : vector<16xi32> to vector<16xi32>
        %swap3A_206 = arith.constant 64 : index
        %swap3A_207 = tpu.vector_load %arg10[%swap3A_206] {strides = array<i32>} : memref<80xi32, #tpu.memory_space<vmem>>, vector<16xi32>,
        %swap3A_208 = vector.shape_cast %swap3A_207 : vector<16xi32> to vector<16xi32>
        %swap3A_209 = vector.shape_cast %get3A_205 : vector<16xi32> to vector<16xi32>
        tpu.vector_store %arg10[%swap3A_206], %swap3A_209 {strides = array<i32>} : memref<80xi32, #tpu.memory_space<vmem>>, vector<16xi32>,
        "tpu.region"() ({
          %run_scoped3A = tpu.sem_alloc : memref<!tpu.dma_semaphore, #tpu.memory_space<semaphore_mem>>
          %dma_start3A_210 = arith.constant 0 : i32
          %dma_start3A_211 = arith.constant 0 : i32
          %dma_start3A_212 = tpu.memref_slice %arg13[%dma_start3A_210, %dma_start3A_211] : memref<25088x64xf32, #tpu.memory_space<vmem_shared>> -> memref<25088x64xf32, #tpu.memory_space<vmem_shared>>
          tpu.enqueue_indirect_dma source(%arg12 : memref<80x64xf32, #tpu.memory_space<vmem>>) target(%dma_start3A_212 : memref<25088x64xf32, #tpu.memory_space<vmem_shared>>) offsets(%arg10 : memref<80xi32, #tpu.memory_space<vmem>>) semaphore(%run_scoped3A : memref<!tpu.dma_semaphore, #tpu.memory_space<semaphore_mem>>) {add = true}
          %dma_wait3A_213 = arith.constant 0 : i32
          %dma_wait3A_214 = arith.constant 0 : i32
          %dma_wait3A_215 = tpu.memref_slice %arg13[%dma_wait3A_213, %dma_wait3A_214] : memref<25088x64xf32, #tpu.memory_space<vmem_shared>> -> memref<25088x64xf32, #tpu.memory_space<vmem_shared>>
          tpu.wait_indirect_dma semaphore(%run_scoped3A : memref<!tpu.dma_semaphore, #tpu.memory_space<semaphore_mem>>) src(%arg12 : memref<80x64xf32, #tpu.memory_space<vmem>>) dst(%dma_wait3A_215 : memref<25088x64xf32, #tpu.memory_space<vmem_shared>>)
          tpu.yield
        }) : () -> ()
      }
      %scan3A_27 = arith.constant 12 : i32
      %dma_wait3A = arith.constant 1920 : i32
      %dma_wait3A_28 = tpu.memref_slice %arg7[%dma_wait3A] : memref<2000xi32, #tpu.memory_space<vmem>> -> memref<80xi32, #tpu.memory_space<vmem>>
      %dma_wait3A_29 = arith.constant 0 : i32
      %dma_wait3A_30 = arith.constant 0 : i32
      %dma_wait3A_31 = tpu.memref_slice %arg2[%dma_wait3A_29, %dma_wait3A_30] : memref<50000x64xf32, #tpu.memory_space<hbm>> -> memref<50000x64xf32, #tpu.memory_space<hbm>>
      tpu.wait_indirect_dma semaphore(%arg14 : memref<!tpu.dma_semaphore, #tpu.memory_space<semaphore_mem>>) src(%dma_wait3A_31 : memref<50000x64xf32, #tpu.memory_space<hbm>>) dst(%arg11 : memref<80x64xf32, #tpu.memory_space<vmem>>)
      %get3A = arith.constant 1920 : index
      %get3A_32 = tpu.vector_load %arg8[%get3A] {strides = array<i32>} : memref<2000xi32, #tpu.memory_space<vmem>>, vector<16xi32>,
      %get3A_33 = vector.shape_cast %get3A_32 : vector<16xi32> to vector<16xi32>
      %swap3A = arith.constant 0 : index
      %swap3A_34 = tpu.vector_load %arg9[%swap3A] {strides = array<i32>} : memref<80xi32, #tpu.memory_space<vmem>>, vector<16xi32>,
      %swap3A_35 = vector.shape_cast %swap3A_34 : vector<16xi32> to vector<16xi32>
      %swap3A_36 = vector.shape_cast %get3A_33 : vector<16xi32> to vector<16xi32>
      tpu.vector_store %arg9[%swap3A], %swap3A_36 {strides = array<i32>} : memref<80xi32, #tpu.memory_space<vmem>>, vector<16xi32>,
      %get3A_37 = arith.constant 1936 : index
      %get3A_38 = tpu.vector_load %arg8[%get3A_37] {strides = array<i32>} : memref<2000xi32, #tpu.memory_space<vmem>>, vector<16xi32>,
      %get3A_39 = vector.shape_cast %get3A_38 : vector<16xi32> to vector<16xi32>
      %swap3A_40 = arith.constant 16 : index
      %swap3A_41 = tpu.vector_load %arg9[%swap3A_40] {strides = array<i32>} : memref<80xi32, #tpu.memory_space<vmem>>, vector<16xi32>,
      %swap3A_42 = vector.shape_cast %swap3A_41 : vector<16xi32> to vector<16xi32>
      %swap3A_43 = vector.shape_cast %get3A_39 : vector<16xi32> to vector<16xi32>
      tpu.vector_store %arg9[%swap3A_40], %swap3A_43 {strides = array<i32>} : memref<80xi32, #tpu.memory_space<vmem>>, vector<16xi32>,
      %get3A_44 = arith.constant 1952 : index
      %get3A_45 = tpu.vector_load %arg8[%get3A_44] {strides = array<i32>} : memref<2000xi32, #tpu.memory_space<vmem>>, vector<16xi32>,
      %get3A_46 = vector.shape_cast %get3A_45 : vector<16xi32> to vector<16xi32>
      %swap3A_47 = arith.constant 32 : index
      %swap3A_48 = tpu.vector_load %arg9[%swap3A_47] {strides = array<i32>} : memref<80xi32, #tpu.memory_space<vmem>>, vector<16xi32>,
      %swap3A_49 = vector.shape_cast %swap3A_48 : vector<16xi32> to vector<16xi32>
      %swap3A_50 = vector.shape_cast %get3A_46 : vector<16xi32> to vector<16xi32>
      tpu.vector_store %arg9[%swap3A_47], %swap3A_50 {strides = array<i32>} : memref<80xi32, #tpu.memory_space<vmem>>, vector<16xi32>,
      %get3A_51 = arith.constant 1968 : index
      %get3A_52 = tpu.vector_load %arg8[%get3A_51] {strides = array<i32>} : memref<2000xi32, #tpu.memory_space<vmem>>, vector<16xi32>,
      %get3A_53 = vector.shape_cast %get3A_52 : vector<16xi32> to vector<16xi32>
      %swap3A_54 = arith.constant 48 : index
      %swap3A_55 = tpu.vector_load %arg9[%swap3A_54] {strides = array<i32>} : memref<80xi32, #tpu.memory_space<vmem>>, vector<16xi32>,
      %swap3A_56 = vector.shape_cast %swap3A_55 : vector<16xi32> to vector<16xi32>
      %swap3A_57 = vector.shape_cast %get3A_53 : vector<16xi32> to vector<16xi32>
      tpu.vector_store %arg9[%swap3A_54], %swap3A_57 {strides = array<i32>} : memref<80xi32, #tpu.memory_space<vmem>>, vector<16xi32>,
      %get3A_58 = arith.constant 1984 : index
      %get3A_59 = tpu.vector_load %arg8[%get3A_58] {strides = array<i32>} : memref<2000xi32, #tpu.memory_space<vmem>>, vector<16xi32>,
      %get3A_60 = vector.shape_cast %get3A_59 : vector<16xi32> to vector<16xi32>
      %swap3A_61 = arith.constant 64 : index
      %swap3A_62 = tpu.vector_load %arg9[%swap3A_61] {strides = array<i32>} : memref<80xi32, #tpu.memory_space<vmem>>, vector<16xi32>,
      %swap3A_63 = vector.shape_cast %swap3A_62 : vector<16xi32> to vector<16xi32>
      %swap3A_64 = vector.shape_cast %get3A_60 : vector<16xi32> to vector<16xi32>
      tpu.vector_store %arg9[%swap3A_61], %swap3A_64 {strides = array<i32>} : memref<80xi32, #tpu.memory_space<vmem>>, vector<16xi32>,
      "tpu.region"() ({
        %run_scoped3A = tpu.sem_alloc : memref<!tpu.dma_semaphore, #tpu.memory_space<semaphore_mem>>
        %dma_start3A_65 = arith.constant 0 : i32
        %dma_start3A_66 = arith.constant 0 : i32
        %dma_start3A_67 = tpu.memref_slice %arg13[%dma_start3A_65, %dma_start3A_66] : memref<25088x64xf32, #tpu.memory_space<vmem_shared>> -> memref<25088x64xf32, #tpu.memory_space<vmem_shared>>
        tpu.enqueue_indirect_dma source(%arg11 : memref<80x64xf32, #tpu.memory_space<vmem>>) target(%dma_start3A_67 : memref<25088x64xf32, #tpu.memory_space<vmem_shared>>) offsets(%arg9 : memref<80xi32, #tpu.memory_space<vmem>>) semaphore(%run_scoped3A : memref<!tpu.dma_semaphore, #tpu.memory_space<semaphore_mem>>) {add = true}
        %dma_wait3A_68 = arith.constant 0 : i32
        %dma_wait3A_69 = arith.constant 0 : i32
        %dma_wait3A_70 = tpu.memref_slice %arg13[%dma_wait3A_68, %dma_wait3A_69] : memref<25088x64xf32, #tpu.memory_space<vmem_shared>> -> memref<25088x64xf32, #tpu.memory_space<vmem_shared>>
        tpu.wait_indirect_dma semaphore(%run_scoped3A : memref<!tpu.dma_semaphore, #tpu.memory_space<semaphore_mem>>) src(%arg11 : memref<80x64xf32, #tpu.memory_space<vmem>>) dst(%dma_wait3A_70 : memref<25088x64xf32, #tpu.memory_space<vmem_shared>>)
        tpu.yield
      }) : () -> ()
    }
    %scan3A_5 = arith.constant 25 : i32
    %barrier3A_6 = arith.constant 0 : index
    tpu.barrier barrier_id(%barrier3A_6)
    %mul3A_7 = arith.constant 25088 : i32
    %mul3A_8 = arith.muli %arg0, %mul3A_7 : i32
    %add3A = arith.addi %mul3A_8, %mul3A_0 : i32
    "tpu.region"() ({
      %run_scoped3A = tpu.sem_alloc : memref<!tpu.dma_semaphore, #tpu.memory_space<semaphore_mem>>
      %dma_start3A = arith.constant 0 : i32
      %dma_start3A_9 = tpu.memref_slice %arg6[%add3A, %dma_start3A] : memref<50176x64xf32, #tpu.memory_space<hbm>> -> memref<1568x64xf32, #tpu.memory_space<hbm>>
      %dma_start3A_10 = arith.constant 0 : i32
      %dma_start3A_11 = tpu.memref_slice %arg13[%mul3A_0, %dma_start3A_10] : memref<25088x64xf32, #tpu.memory_space<vmem_shared>> -> memref<1568x64xf32, #tpu.memory_space<vmem_shared>>
      tpu.enqueue_dma source(%dma_start3A_11 : memref<1568x64xf32, #tpu.memory_space<vmem_shared>>) target(%dma_start3A_9 : memref<1568x64xf32, #tpu.memory_space<hbm>>) target_semaphore(%run_scoped3A : memref<!tpu.dma_semaphore, #tpu.memory_space<semaphore_mem>>)
      %dma_wait3A = arith.constant 0 : i32
      %dma_wait3A_12 = tpu.memref_slice %arg6[%add3A, %dma_wait3A] : memref<50176x64xf32, #tpu.memory_space<hbm>> -> memref<1568x64xf32, #tpu.memory_space<hbm>>
      %dma_wait3A_13 = arith.constant 0 : i32
      %dma_wait3A_14 = tpu.memref_slice %arg13[%mul3A_0, %dma_wait3A_13] : memref<25088x64xf32, #tpu.memory_space<vmem_shared>> -> memref<1568x64xf32, #tpu.memory_space<vmem_shared>>
      tpu.wait_dma2 semaphore(%run_scoped3A : memref<!tpu.dma_semaphore, #tpu.memory_space<semaphore_mem>>) src(%dma_wait3A_14 : memref<1568x64xf32, #tpu.memory_space<vmem_shared>>) dst(%dma_wait3A_12 : memref<1568x64xf32, #tpu.memory_space<hbm>>)
      tpu.yield
    }) : () -> ()
    return
  }
}

</mosaic_0001>

<sc_bundles>
// kernel: gather_offload_async_start.1
scs
__scs_entry_jumppad:
0x0: {  	(pc) =	sbr.rel $0x88, $3  }
0x1: {  	(tag) =	ssettag $0x0;
	lr =	simm.s32 $0x1  }
0x2: {  	[smem:$0x3F9A] =	sst lr;
	_ =	strace $0xD0000000  }
0x3: {  	_ = 	snop  }
0x4: {  	_ = 	snop  }
0x5: {  	_ = 	snop  }
0x6: {  	_ = 	snop  }
0x7: {  	_ = 	snop  }
__scs_overlays_trampoline_lowered:
0x8: {  	[smem:$0x3FA9] =	sst s0  }
0x9: {  	[smem:$0x3FAA] =	sst s1  }
0xa: {  	[smem:$0x3FAB] =	sst s2  }
0xb: {  	[smem:$0x3FAC] =	sst s3  }
0xc: {  	[smem:$0x3FAD] =	sst s4  }
0xd: {  	[smem:$0x3FAE] =	sst s5  }
0xe: {  	[smem:$0x3FAF] =	sst s6  }
0xf: {  	[smem:$0x3FB0] =	sst s7  }
0x10: {  	[smem:$0x3FB1] =	sst s8  }
0x11: {  	[smem:$0x3FB2] =	sst s9;
	s0 =	simm.s32 @!p0 $0x0  }
0x12: {  	s1 =	sld [smem:$0x3F98];
	s0 =	simm.s32 @p0 $0x1  }
0x13: {  	[smem:$0x3FB3] =	sst s0;
	s0 =	simm.s32 @!p1 $0x0  }
0x14: {  	s2 =	sld [smem:$0x3F97];
	s0 =	simm.s32 @p1 $0x1  }
0x15: {  	[smem:$0x3FB4] =	sst s0;
	s0 =	simm.s32 @!p2 $0x0  }
0x16: {  	s3 =	sld [smem:$0x3FDB];
	s0 =	simm.s32 @p2 $0x1  }
0x17: {  	s4 =	simm.s32 $0x1BF5;
	[smem:$0x3FB6] =	sst s0  }
0x18: {  	s0 =	sld [smem:$0x3F99];
	_ =	swait.ge [sflag:s4], $0x0  }
0x19: {  	s7 =	sld [smem:$0x3F9A]  }
0x1a: {  	s8 =	sadd.s32 $0xFFFFE003, lr  }
0x1b: {  	s9 =	sadd.s32 $0xFFFFFEF7, lr;
	s5 =	simm.s32 $0xFFFFFFFF;
	p2 =	slt.u32 s8, $0xFFFFF086  }
0x1c: {  	p1 =	slt.u32 s9, $0xF7A;
	s5 =	simm.s32 @!p2 $0x0  }
0x1d: {  	s5 =	simm.s32 @p1 $0x1;
	p0 =	seq.s32 s7, s2  }
0x1e: {  	s7 =	smul.u32 @!p0 $0xF7A, s2;
	p2 =	seq.s32 @!p0 s5, $0x0  }
0x1f: {  	s9 =	smul.u32 $0xF7A, s1;
	s8 =	simm.s32 @!p0 $0x1BF5;
	p2 =	por !p2, p0  }
0x20: {  	[sflag:s8] =	ssyncset.s32 @!p0 $0xFFFFF086;
	s6 =	sadd.s32 @!p0 s3, s7;
	s7 =	simm.s32 @!p0 $0x108  }
0x21: {  	s3 =	sadd.s32 s3, s9;
	s6 =	sadd.s32 @!p0 $0x88, s6;
	s7 =	simm.s32 @p2 $0x1082  }
0x22: {  	[simem:s7], [sflag:s8] =	dma.local @!p0 [hbm:s6], $0xF7A  }
0x23: {  	s9 =	sor.u32 $0xD0000000, s2;
	s6 =	simm.s32 $0x108;
	_ =	swait.ge @!p0 [sflag:s8], $0x0  }
0x24: {  	s3 =	sadd.s32 $0x88, s3;
	s6 =	simm.s32 @!p1 $0x1082;
	[sflag:s4] =	ssyncset.s32 $0xFFFFF086  }
0x25: {  	[simem:s6], [sflag:s4] =	dma.local [hbm:s3], $0xF7A  }
0x26: {  	[smem:$0x3F9A] =	sst s1;
	(tag) =	ssettag s2;
	_ =	strace s9  }
0x27: {  	s1 =	sld [smem:$0x3FAA]  }
0x28: {  	s2 =	sld [smem:$0x3FAB]  }
0x29: {  	s4 =	sld [smem:$0x3FAD]  }
0x2a: {  	p0 =	seq.s32 s5, $0x0;
	s5 =	sld [smem:$0x3FAE]  }
0x2b: {  	s6 =	sld [smem:$0x3FAF]  }
0x2c: {  	s7 =	sld [smem:$0x3FB0]  }
0x2d: {  	s3 =	simm.s32 $0x108;
	s8 =	sld [smem:$0x3FB1]  }
0x2e: {  	s3 =	simm.s32 @!p0 $0x1082;
	s9 =	sld [smem:$0x3FB2]  }
0x2f: {  	lr =	sadd.s32 s0, s3;
	s0 =	sld [smem:$0x3FA9]  }
0x30: {  	s3 =	sld [smem:$0x3FAC]  }
0x31: {  	[smem:$0x3FB5] =	sst s10  }
0x32: {  	s10 =	sld [smem:$0x3FB3];
	_ =	sdelay $0x3  }
0x33: {  	p0 =	seq.s32 s10, $0x1;
	s10 =	sld [smem:$0x3FB5];
	_ =	sdelay $0x3  }
0x34: {  	[smem:$0x3FB5] =	sst s10  }
0x35: {  	s10 =	sld [smem:$0x3FB4];
	_ =	sdelay $0x3  }
0x36: {  	p1 =	seq.s32 s10, $0x1;
	s10 =	sld [smem:$0x3FB5];
	_ =	sdelay $0x3  }
0x37: {  	[smem:$0x3FB5] =	sst s10  }
0x38: {  	s10 =	sld [smem:$0x3FB6]  }
0x39: {  	_ = 	snop;
	(pc) =	sbr.ind lr, $3  }
0x3a: {  	_ = 	snop  }
0x3b: {  	_ = 	snop  }
0x3c: {  	p2 =	seq.s32 s10, $0x1;
	s10 =	sld [smem:$0x3FB5]  }
0x3d: {  	_ =	shalt  }
0x3e: {  	_ =	shalt  }
0x3f: {  	_ =	shalt  }
0x40: {  	_ =	shalt  }
0x41: {  	_ =	shalt  }
0x42: {  	_ =	shalt  }
0x43: {  	_ =	shalt  }
0x44: {  	_ =	shalt  }
0x45: {  	_ =	shalt  }
0x46: {  	_ =	shalt  }
0x47: {  	_ =	shalt  }
0x48: {  	_ =	shalt  }
0x49: {  	_ =	shalt  }
0x4a: {  	_ =	shalt  }
0x4b: {  	_ =	shalt  }
0x4c: {  	_ =	shalt  }
0x4d: {  	_ =	shalt  }
0x4e: {  	_ =	shalt  }
0x4f: {  	_ =	shalt  }
0x50: {  	_ =	shalt  }
0x51: {  	_ =	shalt  }
0x52: {  	_ =	shalt  }
0x53: {  	_ =	shalt  }
0x54: {  	_ =	shalt  }
0x55: {  	_ =	shalt  }
0x56: {  	_ =	shalt  }
0x57: {  	_ =	shalt  }
0x58: {  	_ =	shalt  }
0x59: {  	_ =	shalt  }
0x5a: {  	_ =	shalt  }
0x5b: {  	_ =	shalt  }
0x5c: {  	_ =	shalt  }
0x5d: {  	_ =	shalt  }
0x5e: {  	_ =	shalt  }
0x5f: {  	_ =	shalt  }
0x60: {  	_ =	shalt  }
0x61: {  	_ =	shalt  }
0x62: {  	_ =	shalt  }
0x63: {  	_ =	shalt  }
0x64: {  	_ =	shalt  }
0x65: {  	_ =	shalt  }
0x66: {  	_ =	shalt  }
0x67: {  	_ =	shalt  }
0x68: {  	_ =	shalt  }
0x69: {  	_ =	shalt  }
0x6a: {  	_ =	shalt  }
0x6b: {  	_ =	shalt  }
0x6c: {  	_ =	shalt  }
0x6d: {  	_ =	shalt  }
0x6e: {  	_ =	shalt  }
0x6f: {  	_ =	shalt  }
0x70: {  	_ =	shalt  }
0x71: {  	_ =	shalt  }
0x72: {  	_ =	shalt  }
0x73: {  	_ =	shalt  }
0x74: {  	_ =	shalt  }
0x75: {  	_ =	shalt  }
0x76: {  	_ =	shalt  }
0x77: {  	_ =	shalt  }
0x78: {  	_ =	shalt  }
0x79: {  	_ =	shalt  }
0x7a: {  	_ =	shalt  }
0x7b: {  	_ =	shalt  }
0x7c: {  	_ =	shalt  }
0x7d: {  	_ =	shalt  }
0x7e: {  	_ =	shalt  }
0x7f: {  	_ =	shalt  }
0x80: {  	_ =	shalt  }
0x81: {  	_ =	shalt  }
0x82: {  	_ =	shalt  }
0x83: {  	_ =	shalt  }
0x84: {  	_ =	shalt  }
0x85: {  	_ =	shalt  }
0x86: {  	_ =	shalt  }
0x87: {  	_ =	shalt  }
.Lfunc_end0:
.L_simem_size_0:
called_computation.3_lowered:
.L_overlay_start_0:
0x88: {  	s2 =	sld [smem:$0x3FD9]  }
0x89: {  	s3 =	sld [smem:$0x3FFE];
	_ =	sdelay $0x1  }
0x8a: {  	s1 =	srdreg.scid  }
0x8b: {  	s0 =	sand.u32 $0x1, s1  }
0x8c: {  	s17 =	sshll.u32 s0, $0xA;
	s2 =	sadd.s32 s3, s2  }
0x8d: {  	s2 =	sadd.s32 s2, s17  }
0x8e: {  	[smem:$0x3FC1] =	sst s2  }
0x8f: {  	_ = 	snop  }
0x90: {  	(tm) =	ssettm $0x1  }
0x91: {  	s18 =	sld [smem:$0x3FFB];
	_ =	sdelay $0x3  }
0x92: {  	_ =	strace s18  }
0x93: {  	s2 =	sld [smem:$0x3FFC];
	_ =	sdelay $0x3  }
0x94: {  	_ =	strace s2  }
0x95: {  	s2 =	sld [smem:$0x3FFD];
	_ =	sdelay $0x3  }
0x96: {  	_ =	strace s2  }
0x97: {  	_ =	strace $0x8FFFFFFF  }
0x98: {  	s19 =	sld [smem:$0x3FDB];
	_ =	sdelay $0x1  }
0x99: {  	s20 =	simm.s32 $_scs_section_size  }
0x9a: {  	s4 =	simm.s32 $_size__tile_overlayer_lowered;
	s5 =	simm.s32 $_tile_overlayer_lowered  }
0x9b: {  	s6 =	simm.s32 $0x1BFF;
	s21 =	sshll.u32 s5, $0x1;
	s3 =	sadd.s32 s20, s19  }
0x9c: {  	s22 =	simm.s32 $0x0;
	s4 =	sshll.u32 s4, $0x1;
	s5 =	sadd.s32 s21, s3  }
0x9d: {  	[timem:s22], [sflag:s6] =	dma.local [hbm:s5], s4  }
0x9e: {  	_ =	swait.ge [sflag:s6], s4  }
0x9f: {  	s4 =	ssub.s32 $0x0, s4;
	[sflag:s6] =	ssyncset.done $0x0  }
0xa0: {  	[sflag:s6] =	ssyncadd.s32 s4;
	_ =	sdelay $0x1  }
0xa1: {  	s23 =	simm.s32 $0x1B8B  }
0xa2: {  	_ =	swait.ge [sflag:s23], $0x1  }
0xa3: {  	[sflag:s23] =	ssyncset.done $0x0  }
0xa4: {  	[sflag:s23] =	ssyncadd.s32 $0xFFFFFFFF  }
0xa5: {  	s4 =	sld [smem:$0x0]  }
0xa6: {  	s5 =	sand.u32 $0xFFFFFFFE, s1  }
0xa7: {  	p0 =	sne.s32 s1, s5  }
0xa8: {  	s5 =	sshll.u32 @p0 s5, $0xE  }
0xa9: {  	s5 =	sadd.s32 @p0 $0x11B8D, s5;
	s6 =	sshll.u32 @p0 s4, $0x11  }
0xaa: {  	s5 =	sor.u32 @p0 s6, s5  }
0xab: {  	[sflag:s5] =	ssyncadd.remote.s32 @p0 $0x1;
	_ =	sdelay $0x1  }
0xac: {  	s5 =	simm.s32 @p0 $0x1B8D  }
0xad: {  	_ =	swait.eq @p0 [sflag:s5], $0x1  }
0xae: {  	[sflag:s5] =	ssyncadd.s32 @p0 $0xFFFFFFFF  }
0xaf: {  	s6 =	sshll.u32 @!p0 s1, $0xE  }
0xb0: {  	s6 =	sor.u32 @!p0 $0x4000, s6;
	s5 =	simm.s32 @!p0 $0x1B8D  }
0xb1: {  	s4 =	sshll.u32 @!p0 s4, $0x11;
	s6 =	sadd.s32 @!p0 $0x11B8D, s6;
	_ =	swait.eq @!p0 [sflag:s5], $0x1  }
0xb2: {  	s4 =	sor.u32 @!p0 s4, s6;
	[sflag:s5] =	ssyncadd.s32 @!p0 $0xFFFFFFFF  }
0xb3: {  	s25 =	simm.s32 $0x1B8E;
	s24 =	sld [smem:$0x3FFE];
	[sflag:s4] =	ssyncadd.remote.s32 @!p0 $0x1  }
0xb4: {  	s26 =	simm.s32 $execute0_lowered;
	[smem:$0x3FD2] =	sst s25  }
0xb5: {  	s5 =	sshll.u32 s26, $0x1;
	_ =	strace $0x80000067;
	[dreg:$0x1] =	wrdreg $0xFFFFFFFF  }
0xb6: {  	s28 =	simm.s32 $_size_execute0_lowered;
	s3 =	sadd.s32 s3, s5;
	[dreg:$0x0] =	wrdreg $0x0  }
0xb7: {  	s5 =	sshll.u32 s28, $0x1;
	[dreg:$0x2] =	wrdreg s3  }
0xb8: {  	[dreg:$0x3] =	wrdreg s5  }
0xb9: {  	[dreg:$0x4] =	wrdreg $0xC0  }
0xba: {  	_ =	task [dreg:s22], $0x5FFFF  }
0xbb: {  	[dreg:$0x1] =	wrdreg $0xFFFFFFFF  }
0xbc: {  	[dreg:$0x0] =	wrdreg $0x60  }
0xbd: {  	[dreg:$0x2] =	wrdreg s24  }
0xbe: {  	[dreg:$0x3] =	wrdreg $0xA  }
0xbf: {  	_ =	task.clear_ibuf [dreg:s22], $0x4FFFF;
	_ =	strace $0x90000067  }
0xc0: {  	s29 =	simm.s32 $0xA;
	_ =	strace $0x80000069  }
0xc1: {  	_ =	swait.ge [sflag:s29], $0x1  }
0xc2: {  	[sflag:s29] =	ssyncadd.s32 $0xFFFFFFFF  }
0xc3: {  	_ =	strace $0x90000069  }
0xc4: {  	_ =	sfence  }
0xc5: {  	s30 =	sld [smem:$0x0];
	_ =	sdelay $0x2  }
0xc6: {  	s31 =	sshll.u32 s1, $0xD;
	s1 =	sshrl.u32 s1, $0x2  }
0xc7: {  	s4 =	sand.u32 $0x4000, s31;
	s1 =	sadd.s32 s1, s30  }
0xc8: {  	s0 =	sor.u32 s4, s0;
	s1 =	sshll.u32 s1, $0x11  }
0xc9: {  	s0 =	sor.u32 s1, s0  }
0xca: {  	s0 =	sadd.s32 $0x8F2B, s0  }
0xcb: {  	[sflag:s0] =	ssyncadd.remote.s32 $0x1  }
0xcc: {  	_ =	sfence.sel $0xFFFF  }
0xcd: {  	[dreg:$0x0] =	wrdreg $0xFFFFFFFF;
	(pc) =	sbr.abs _section_cstart, $3  }
0xce: {  	[dreg:$0x1] =	wrdreg $0xFFFFFFFF  }
0xcf: {  	_ =	task.clear_ibuf [dreg:s22], $0x2FFFF;
	_ =	strace $0x9FFFFFFF  }
0xd0: {  	(tm) =	ssettm $0x7FFFFFFF  }
0xd1: {  	_ =	shalt  }
tec
execute0_lowered:
.L_overlay_start_1:
0x0: {  	(tag) =	ssettag $0x1  }
0x1: {  	s7 =	rddreg [dreg:$0x0]  }
0x2: {  	s0 =	rddreg [dreg:$0x1];
	_ =	strace $0x80000068  }
0x3: {  	s1 =	srdreg.scid;
	s4 =	simm.s32 $0x1;
	s9 =	simm.s32 $0x3  }
0x4: {  	s12 =	simm.s32 $0x0;
	s10 =	simm.s32 $0x0;
	s5 =	sshll.u32 s1, $0x4  }
.Ltmp0:
0x5: {  	s1 =	stileid.u32;
	s5 =	sand.u32 $0x10, s5;
	(pc) =	sbr.rel .LBB2_1-.Ltmp0, $4  }
0x6: {  	s2 =	sadd.s32 $0x613800, s7;
	s3 =	sadd.s32 $0x1BC00, s7;
	s6 =	sor.u32 s1, s5  }
0x7: {  	[sflag:s4] =	ssyncpa.u1 $0x0;
	s5 =	simm.s32 $0x2;
	s6 =	sshll.u32 s6, $0x7  }
0x8: {  	s7 =	sadd.s32 $0x1BE00, s7;
	[sflag:s5] =	ssyncpa.u1 $0x0;
	s8 =	sadd.s32 $0x80, s6  }
0x9: {  	vm0 =	vmmov $0xff;
	vm1 =	vcmask $0x3F20;
	[sflag:s9] =	ssyncpa.u1 $0x0;
	s9 =	simm.s32 $0x80;
	s11 =	smov.u32 s6  }
.LBB2_9:
0xa: {  	p0 =	seq.s32 s10, $0x2  }
.Ltmp1:
0xb: {  	_ = 	snop;
	(pc) =	sbr.rel @p0 .LBB2_11-.Ltmp1, $1  }
0xc: {  	_ =	sdelay $0x3  }
.LBB2_10:
0xd: {  	s12 =	sadd.s32 $0x80, s11  }
0xe: {  	s13 =	smov.u32 s6;
	p0 =	slt.s32 s12, s8  }
0xf: {  	s13 =	smov.u32 @p0 s12  }
0x10: {  	s10 =	sadd.s32 $0x1, s10;
	s12 =	smov.u32 s11;
	s11 =	smov.u32 s13  }
.LBB2_1:
0x11: {  	p0 =	sne.s32 s10, $0x0  }
.Ltmp2:
0x12: {  	_ = 	snop;
	(pc) =	sbr.rel @!p0 .LBB2_2-.Ltmp2, $1  }
0x13: {  	_ =	sdelay $0x3  }
0x14: {  	s13 =	sand.u32 $0x1, s10  }
0x15: {  	p0 =	seq.s32 s13, $0x0  }
.Ltmp3:
0x16: {  	_ = 	snop;
	(pc) =	sbr.rel @p0 .LBB2_9-.Ltmp3, $1  }
0x17: {  	_ =	sdelay $0x3  }
0x18: {  	_ =	swait.ge [sflag:s5], $0x80  }
0x19: {  	[sflag:s5] =	ssyncset.done $0x0  }
0x1a: {  	s13 =	simm.s32 $0x0;
	[sflag:s5] =	ssyncadd.s32 $0xFFFFFF80  }
0x1b: {  	v0 =	vld.msk [tilespmem:s13+$0x80 ss:$0x1], $0xffff;
	_ =	sdelay $0x4  }
0x1c: {  	vm2 =	vgt.s32 v0, $0x0  }
0x1d: {  	v0 =	vnsel vm2, $0x0, v0  }
0x1e: {  	v0 =	vmin.u32 v0, $0xC34F  }
0x1f: {  	v0 =	vshll.u32 v0, $0x4;
	_ =	sdelay $0x3  }
0x20: {  	s13 =	simm.s32 $0x4100  }
0x21: {  	[tilespmem:s13], [sflag:$0x1] =	stream.indirect_vreg.gather [hbm:s2], $0x80, v0, vm0, $0x38;
	[tilespmem:$0x8100] =	vst v63  }
0x22: {  	s14 =	simm.s32 $0x4500;
	s31 =	simm.s32 $0x10  }
0x23: {  	[tilespmem:s14], [sflag:$0x1] =	stream.indirect_vreg.gather [hbm:s2], $0x80, v0, vm1, $0x38;
	[tilespmem:$0x8100] =	vst v63  }
0x24: {  	s14 =	simm.s32 $0x80;
	v0 =	vld.msk [tilespmem:s31+$0x80 ss:$0x1], $0xffff  }
.LBB2_5:
0x25: {  	p0 =	sne.s32 s14, $0x1C0;
	_ =	sdelay $0x4  }
0x26: {  	vm2 =	vgt.s32 v0, $0x0  }
0x27: {  	v0 =	vnsel vm2, $0x0, v0  }
0x28: {  	v0 =	vmin.u32 v0, $0xC34F  }
0x29: {  	v0 =	vshll.u32 v0, $0x4;
	_ =	sdelay $0x3  }
.Ltmp4:
0x2a: {  	s13 =	sadd.s32 $0x800, s13;
	(pc) =	sbr.rel @p0 .LBB2_5-.Ltmp4, $4  }
0x2b: {  	[tilespmem:s13], [sflag:$0x1] =	stream.indirect_vreg.gather [hbm:s2], $0x80, v0, vm0, $0x38;
	[tilespmem:$0x8100] =	vst v63  }
0x2c: {  	s15 =	sshra.s32 s14, $0x2;
	s16 =	sadd.s32 $0x400, s13  }
0x2d: {  	[tilespmem:s16], [sflag:$0x1] =	stream.indirect_vreg.gather [hbm:s2], $0x80, v0, vm1, $0x38;
	[tilespmem:$0x8100] =	vst v63  }
0x2e: {  	s14 =	sadd.s32 $0x40, s14;
	v0 =	vld.msk [tilespmem:s15+$0x80 ss:$0x1], $0xffff  }
0x2f: {  	_ =	sdelay $0x3  }
0x30: {  	vm2 =	vgt.s32 v0, $0x0  }
0x31: {  	v0 =	vnsel vm2, $0x0, v0  }
0x32: {  	v0 =	vmin.u32 v0, $0xC34F  }
0x33: {  	v0 =	vshll.u32 v0, $0x4;
	_ =	sdelay $0x3  }
0x34: {  	s13 =	sadd.s32 $0x800, s13  }
0x35: {  	[tilespmem:s13], [sflag:$0x1] =	stream.indirect_vreg.gather [hbm:s2], $0x80, v0, vm0, $0x38;
	[tilespmem:$0x8100] =	vst v63  }
0x36: {  	s13 =	sadd.s32 $0x400, s13  }
0x37: {  	[tilespmem:s13], [sflag:$0x1] =	stream.indirect_vreg.gather [hbm:s2], $0x80, v0, vm1, $0x38;
	[tilespmem:$0x8100] =	vst v63  }
0x38: {  	s12 =	sshll.u32 s12, $0x4;
	s14 =	simm.s32 $0x80;
	_ =	swait.ge [sflag:s4], $0x4000  }
0x39: {  	s15 =	simm.s32 $0x4500;
	s12 =	sadd.s32 s12, s7;
	[sflag:s4] =	ssyncset.done $0x0  }
0x3a: {  	s16 =	sadd.s32 $0x0, s12;
	s13 =	simm.s32 $0x4100;
	[sflag:s4] =	ssyncadd.s32 $0xFFFFC000  }
.LBB2_7:
0x3b: {  	[hbm:s16] =	stream.linear.scatter [tilespmem:s13], [sflag:$0x3], $0x400, $0x38;
	[tilespmem:$0x8100] =	vst v63  }
0x3c: {  	s16 =	smov.u32 s14;
	s13 =	smov.u32 s15;
	p0 =	sne.s32 s14, $0x780  }
.Ltmp5:
0x3d: {  	s14 =	sadd.s32 $0x80, s14;
	(pc) =	sbr.rel @p0 .LBB2_7-.Ltmp5, $2  }
0x3e: {  	_ =	sdelay $0x2  }
0x3f: {  	s15 =	sadd.s32 $0x400, s15;
	s16 =	sadd.s32 s16, s12  }
.Ltmp6:
0x40: {  	(pc) =	sbr.rel .LBB2_9-.Ltmp6, $2  }
0x41: {  	_ =	sdelay $0x2  }
0x42: {  	[hbm:s16] =	stream.linear.scatter [tilespmem:s13], [sflag:$0x3], $0x400, $0x38;
	[tilespmem:$0x8100] =	vst v63  }
.LBB2_2:
.Ltmp7:
0x43: {  	(pc) =	sbr.rel .LBB2_10-.Ltmp7, $4  }
0x44: {  	_ = 	snop  }
0x45: {  	s12 =	sshrl.u32 s11, $0x3  }
0x46: {  	s13 =	sand.u32 $0x7, s11;
	s12 =	sadd.s32 s3, s12  }
0x47: {  	[tilespmem:s9], [sflag:$0x2] =	stream.linear.gather [hbm4b:s12+s13], $0x80, $0x38;
	[tilespmem:$0x8100] =	vst v63  }
.LBB2_11:
0x48: {  	s2 =	simm.s32 $0x3  }
0x49: {  	_ =	swait.ge [sflag:s2], $0x4000  }
0x4a: {  	[sflag:s2] =	ssyncset.done $0x0  }
0x4b: {  	[sflag:s2] =	ssyncadd.s32 $0xFFFFC000  }
0x4c: {  	_ =	sfence.sel $0x180000  }
0x4d: {  	s3 =	simm.s32 $0x2;
	[bflag:$0x0] =	sbarrier.arrive $0xFFFF  }
0x4e: {  	[sflag:s3] =	ssyncpa.u1 $0x1  }
0x4f: {  	s31 =	simm.s32 $0x1;
	[sflag:s2] =	ssyncpa.u1 $0x1  }
0x50: {  	[sflag:s31] =	ssyncpa.u1 $0x1  }
0x51: {  	p0 =	sne.s32 s1, $0x0;
	_ =	strace $0x90000068  }
0x52: {  	s0 =	sadd.s32 @!p0 $0x100000, s0;
	[bflag:$0x2] =	sbarrier.arrive $0xFFFF  }
0x53: {  	[sflag:s0] =	ssyncadd.tile.s32 @!p0 $0x1;
	_ =	shalt  }
.Lfunc_end2:
_tile_overlayer_lowered:
.L_overlay_start_2:
0x54: {  	(tag) =	ssettag $0x2  }
0x55: {  	s0 =	rddreg [dreg:$0x0];
	s2 =	stileid.u32  }
0x56: {  	s1 =	rddreg [dreg:$0x1];
	p0 =	sne.s32 s2, $0x0  }
0x57: {  	s3 =	rddreg [dreg:$0x2];
	[bflag:$0x3] =	sbarrier.arrive $0xFFFF;
	s2 =	simm.s32 @!p0 $0x1C01  }
0x58: {  	[timem:s3], [sflag:s2] =	dma.local @!p0 [hbm:s0], s1  }
0x59: {  	s0 =	simm.s32 @!p0 $0x1  }
0x5a: {  	_ =	swait.ge @!p0 [sflag:s0], s1  }
0x5b: {  	s1 =	ssub.s32 @!p0 $0x0, s1;
	[sflag:s0] =	ssyncset.done @!p0 $0x0  }
0x5c: {  	[sflag:s0] =	ssyncadd.s32 @!p0 s1  }
0x5d: {  	[bflag:$0x3] =	sbarrier.arrive $0xFFFF  }
0x5e: {  	_ =	shalt  }

// kernel: gather_offload_async_start.2
scs
__scs_entry_jumppad:
0x0: {  	(pc) =	sbr.rel $0x88, $3  }
0x1: {  	(tag) =	ssettag $0x0;
	lr =	simm.s32 $0x1  }
0x2: {  	[smem:$0x3F9A] =	sst lr;
	_ =	strace $0xD0000000  }
0x3: {  	_ = 	snop  }
0x4: {  	_ = 	snop  }
0x5: {  	_ = 	snop  }
0x6: {  	_ = 	snop  }
0x7: {  	_ = 	snop  }
__scs_overlays_trampoline_lowered:
0x8: {  	[smem:$0x3FA9] =	sst s0  }
0x9: {  	[smem:$0x3FAA] =	sst s1  }
0xa: {  	[smem:$0x3FAB] =	sst s2  }
0xb: {  	[smem:$0x3FAC] =	sst s3  }
0xc: {  	[smem:$0x3FAD] =	sst s4  }
0xd: {  	[smem:$0x3FAE] =	sst s5  }
0xe: {  	[smem:$0x3FAF] =	sst s6  }
0xf: {  	[smem:$0x3FB0] =	sst s7  }
0x10: {  	[smem:$0x3FB1] =	sst s8  }
0x11: {  	[smem:$0x3FB2] =	sst s9;
	s0 =	simm.s32 @!p0 $0x0  }
0x12: {  	s1 =	sld [smem:$0x3F98];
	s0 =	simm.s32 @p0 $0x1  }
0x13: {  	[smem:$0x3FB3] =	sst s0;
	s0 =	simm.s32 @!p1 $0x0  }
0x14: {  	s2 =	sld [smem:$0x3F97];
	s0 =	simm.s32 @p1 $0x1  }
0x15: {  	[smem:$0x3FB4] =	sst s0;
	s0 =	simm.s32 @!p2 $0x0  }
0x16: {  	s3 =	sld [smem:$0x3FDB];
	s0 =	simm.s32 @p2 $0x1  }
0x17: {  	s4 =	simm.s32 $0x1BF5;
	[smem:$0x3FB6] =	sst s0  }
0x18: {  	s0 =	sld [smem:$0x3F99];
	_ =	swait.ge [sflag:s4], $0x0  }
0x19: {  	s7 =	sld [smem:$0x3F9A]  }
0x1a: {  	s8 =	sadd.s32 $0xFFFFE003, lr  }
0x1b: {  	s9 =	sadd.s32 $0xFFFFFEF7, lr;
	s5 =	simm.s32 $0xFFFFFFFF;
	p2 =	slt.u32 s8, $0xFFFFF086  }
0x1c: {  	p1 =	slt.u32 s9, $0xF7A;
	s5 =	simm.s32 @!p2 $0x0  }
0x1d: {  	s5 =	simm.s32 @p1 $0x1;
	p0 =	seq.s32 s7, s2  }
0x1e: {  	s7 =	smul.u32 @!p0 $0xF7A, s2;
	p2 =	seq.s32 @!p0 s5, $0x0  }
0x1f: {  	s9 =	smul.u32 $0xF7A, s1;
	s8 =	simm.s32 @!p0 $0x1BF5;
	p2 =	por !p2, p0  }
0x20: {  	[sflag:s8] =	ssyncset.s32 @!p0 $0xFFFFF086;
	s6 =	sadd.s32 @!p0 s3, s7;
	s7 =	simm.s32 @!p0 $0x108  }
0x21: {  	s3 =	sadd.s32 s3, s9;
	s6 =	sadd.s32 @!p0 $0x88, s6;
	s7 =	simm.s32 @p2 $0x1082  }
0x22: {  	[simem:s7], [sflag:s8] =	dma.local @!p0 [hbm:s6], $0xF7A  }
0x23: {  	s9 =	sor.u32 $0xD0000000, s2;
	s6 =	simm.s32 $0x108;
	_ =	swait.ge @!p0 [sflag:s8], $0x0  }
0x24: {  	s3 =	sadd.s32 $0x88, s3;
	s6 =	simm.s32 @!p1 $0x1082;
	[sflag:s4] =	ssyncset.s32 $0xFFFFF086  }
0x25: {  	[simem:s6], [sflag:s4] =	dma.local [hbm:s3], $0xF7A  }
0x26: {  	[smem:$0x3F9A] =	sst s1;
	(tag) =	ssettag s2;
	_ =	strace s9  }
0x27: {  	s1 =	sld [smem:$0x3FAA]  }
0x28: {  	s2 =	sld [smem:$0x3FAB]  }
0x29: {  	s4 =	sld [smem:$0x3FAD]  }
0x2a: {  	p0 =	seq.s32 s5, $0x0;
	s5 =	sld [smem:$0x3FAE]  }
0x2b: {  	s6 =	sld [smem:$0x3FAF]  }
0x2c: {  	s7 =	sld [smem:$0x3FB0]  }
0x2d: {  	s3 =	simm.s32 $0x108;
	s8 =	sld [smem:$0x3FB1]  }
0x2e: {  	s3 =	simm.s32 @!p0 $0x1082;
	s9 =	sld [smem:$0x3FB2]  }
0x2f: {  	lr =	sadd.s32 s0, s3;
	s0 =	sld [smem:$0x3FA9]  }
0x30: {  	s3 =	sld [smem:$0x3FAC]  }
0x31: {  	[smem:$0x3FB5] =	sst s10  }
0x32: {  	s10 =	sld [smem:$0x3FB3];
	_ =	sdelay $0x3  }
0x33: {  	p0 =	seq.s32 s10, $0x1;
	s10 =	sld [smem:$0x3FB5];
	_ =	sdelay $0x3  }
0x34: {  	[smem:$0x3FB5] =	sst s10  }
0x35: {  	s10 =	sld [smem:$0x3FB4];
	_ =	sdelay $0x3  }
0x36: {  	p1 =	seq.s32 s10, $0x1;
	s10 =	sld [smem:$0x3FB5];
	_ =	sdelay $0x3  }
0x37: {  	[smem:$0x3FB5] =	sst s10  }
0x38: {  	s10 =	sld [smem:$0x3FB6]  }
0x39: {  	_ = 	snop;
	(pc) =	sbr.ind lr, $3  }
0x3a: {  	_ = 	snop  }
0x3b: {  	_ = 	snop  }
0x3c: {  	p2 =	seq.s32 s10, $0x1;
	s10 =	sld [smem:$0x3FB5]  }
0x3d: {  	_ =	shalt  }
0x3e: {  	_ =	shalt  }
0x3f: {  	_ =	shalt  }
0x40: {  	_ =	shalt  }
0x41: {  	_ =	shalt  }
0x42: {  	_ =	shalt  }
0x43: {  	_ =	shalt  }
0x44: {  	_ =	shalt  }
0x45: {  	_ =	shalt  }
0x46: {  	_ =	shalt  }
0x47: {  	_ =	shalt  }
0x48: {  	_ =	shalt  }
0x49: {  	_ =	shalt  }
0x4a: {  	_ =	shalt  }
0x4b: {  	_ =	shalt  }
0x4c: {  	_ =	shalt  }
0x4d: {  	_ =	shalt  }
0x4e: {  	_ =	shalt  }
0x4f: {  	_ =	shalt  }
0x50: {  	_ =	shalt  }
0x51: {  	_ =	shalt  }
0x52: {  	_ =	shalt  }
0x53: {  	_ =	shalt  }
0x54: {  	_ =	shalt  }
0x55: {  	_ =	shalt  }
0x56: {  	_ =	shalt  }
0x57: {  	_ =	shalt  }
0x58: {  	_ =	shalt  }
0x59: {  	_ =	shalt  }
0x5a: {  	_ =	shalt  }
0x5b: {  	_ =	shalt  }
0x5c: {  	_ =	shalt  }
0x5d: {  	_ =	shalt  }
0x5e: {  	_ =	shalt  }
0x5f: {  	_ =	shalt  }
0x60: {  	_ =	shalt  }
0x61: {  	_ =	shalt  }
0x62: {  	_ =	shalt  }
0x63: {  	_ =	shalt  }
0x64: {  	_ =	shalt  }
0x65: {  	_ =	shalt  }
0x66: {  	_ =	shalt  }
0x67: {  	_ =	shalt  }
0x68: {  	_ =	shalt  }
0x69: {  	_ =	shalt  }
0x6a: {  	_ =	shalt  }
0x6b: {  	_ =	shalt  }
0x6c: {  	_ =	shalt  }
0x6d: {  	_ =	shalt  }
0x6e: {  	_ =	shalt  }
0x6f: {  	_ =	shalt  }
0x70: {  	_ =	shalt  }
0x71: {  	_ =	shalt  }
0x72: {  	_ =	shalt  }
0x73: {  	_ =	shalt  }
0x74: {  	_ =	shalt  }
0x75: {  	_ =	shalt  }
0x76: {  	_ =	shalt  }
0x77: {  	_ =	shalt  }
0x78: {  	_ =	shalt  }
0x79: {  	_ =	shalt  }
0x7a: {  	_ =	shalt  }
0x7b: {  	_ =	shalt  }
0x7c: {  	_ =	shalt  }
0x7d: {  	_ =	shalt  }
0x7e: {  	_ =	shalt  }
0x7f: {  	_ =	shalt  }
0x80: {  	_ =	shalt  }
0x81: {  	_ =	shalt  }
0x82: {  	_ =	shalt  }
0x83: {  	_ =	shalt  }
0x84: {  	_ =	shalt  }
0x85: {  	_ =	shalt  }
0x86: {  	_ =	shalt  }
0x87: {  	_ =	shalt  }
.Lfunc_end0:
.L_simem_size_0:
called_computation.4_lowered:
.L_overlay_start_0:
0x88: {  	s2 =	sld [smem:$0x3FD9]  }
0x89: {  	s3 =	sld [smem:$0x3FFE];
	_ =	sdelay $0x1  }
0x8a: {  	s1 =	srdreg.scid  }
0x8b: {  	s0 =	sand.u32 $0x1, s1  }
0x8c: {  	s14 =	sshll.u32 s0, $0xA;
	s2 =	sadd.s32 s3, s2  }
0x8d: {  	s2 =	sadd.s32 s2, s14  }
0x8e: {  	[smem:$0x3FC1] =	sst s2  }
0x8f: {  	_ = 	snop  }
0x90: {  	s2 =	sld [smem:$0x3FD0];
	_ =	sdelay $0x2  }
0x91: {  	s15 =	simm.s32 $0xC;
	s4 =	simm.s32 $0x10  }
0x92: {  	[smem:s4], [sflag:s15] =	dma.local [hbm:s2], $0x1  }
0x93: {  	_ =	swait.eq [sflag:s15], $0x1  }
0x94: {  	[sflag:s15] =	ssyncset.done $0x0  }
0x95: {  	[sflag:s15] =	ssyncadd.s32 $0xFFFFFFFF  }
0x96: {  	s16 =	sld [smem:$0x11];
	(tm) =	ssettm $0x1  }
0x97: {  	s17 =	sld [smem:$0x3FFB];
	_ =	sdelay $0x3  }
0x98: {  	_ =	strace s17  }
0x99: {  	s3 =	sld [smem:$0x3FFC];
	_ =	sdelay $0x3  }
0x9a: {  	_ =	strace s3  }
0x9b: {  	s3 =	sld [smem:$0x3FFD];
	_ =	sdelay $0x3  }
0x9c: {  	_ =	strace s3  }
0x9d: {  	_ =	strace $0x8FFFFFFF  }
0x9e: {  	s18 =	sld [smem:$0x3FDB];
	_ =	sdelay $0x1  }
0x9f: {  	s19 =	simm.s32 $_scs_section_size  }
0xa0: {  	s5 =	simm.s32 $_size__tile_overlayer_lowered;
	s6 =	simm.s32 $_tile_overlayer_lowered  }
0xa1: {  	s22 =	simm.s32 $0x1BFF;
	s21 =	sshll.u32 s6, $0x1;
	s3 =	sadd.s32 s19, s18  }
0xa2: {  	s7 =	simm.s32 $0x0;
	s20 =	sshll.u32 s5, $0x1;
	s5 =	sadd.s32 s21, s3  }
0xa3: {  	[timem:s7], [sflag:s22] =	dma.local [hbm:s5], s20  }
0xa4: {  	_ =	swait.ge [sflag:s22], s20  }
0xa5: {  	s4 =	ssub.s32 $0x0, s20;
	[sflag:s22] =	ssyncset.done $0x0  }
0xa6: {  	[sflag:s22] =	ssyncadd.s32 s4;
	_ =	sdelay $0x1  }
0xa7: {  	s23 =	simm.s32 $0x1B8B  }
0xa8: {  	_ =	swait.ge [sflag:s23], $0x1  }
0xa9: {  	[sflag:s23] =	ssyncset.done $0x0  }
0xaa: {  	s25 =	simm.s32 $0x1B8E;
	s24 =	sld [smem:$0x3FFE];
	[sflag:s23] =	ssyncadd.s32 $0xFFFFFFFF  }
0xab: {  	s26 =	simm.s32 $execute0_lowered;
	[smem:$0x3FD2] =	sst s25  }
0xac: {  	s5 =	sshll.u32 s26, $0x1;
	_ =	strace $0x80000061;
	[dreg:$0x1] =	wrdreg $0xFFFFFFFF  }
0xad: {  	s28 =	simm.s32 $_size_execute0_lowered;
	s3 =	sadd.s32 s3, s5;
	[dreg:$0x0] =	wrdreg $0x0  }
0xae: {  	s5 =	sshll.u32 s28, $0x1;
	[dreg:$0x2] =	wrdreg s3  }
0xaf: {  	[dreg:$0x3] =	wrdreg s5  }
0xb0: {  	[dreg:$0x4] =	wrdreg $0xC0  }
0xb1: {  	_ =	task [dreg:s7], $0x5FFFF  }
0xb2: {  	[dreg:$0x1] =	wrdreg $0xFFFFFFFF  }
0xb3: {  	[dreg:$0x0] =	wrdreg $0x60  }
0xb4: {  	[dreg:$0x2] =	wrdreg s24  }
0xb5: {  	[dreg:$0x3] =	wrdreg s16  }
0xb6: {  	[dreg:$0x4] =	wrdreg $0xB  }
0xb7: {  	_ =	task.clear_ibuf [dreg:s7], $0x5FFFF;
	_ =	strace $0x90000061  }
0xb8: {  	s29 =	simm.s32 $0xB;
	_ =	strace $0x80000063  }
0xb9: {  	_ =	swait.ge [sflag:s29], $0x1  }
0xba: {  	[sflag:s29] =	ssyncadd.s32 $0xFFFFFFFF  }
0xbb: {  	_ =	strace $0x90000063  }
0xbc: {  	_ =	sfence  }
0xbd: {  	s30 =	sld [smem:$0x0];
	_ =	sdelay $0x2  }
0xbe: {  	s31 =	sshll.u32 s1, $0xD;
	s1 =	sshrl.u32 s1, $0x2  }
0xbf: {  	s3 =	sand.u32 $0x4000, s31;
	s1 =	sadd.s32 s1, s30  }
0xc0: {  	s0 =	sor.u32 s3, s0;
	s1 =	sshll.u32 s1, $0x11  }
0xc1: {  	s0 =	sor.u32 s1, s0  }
0xc2: {  	s0 =	sadd.s32 $0x8F2B, s0  }
0xc3: {  	[sflag:s0] =	ssyncadd.remote.s32 $0x1  }
0xc4: {  	_ =	sfence.sel $0xFFFF  }
0xc5: {  	[dreg:$0x0] =	wrdreg $0xFFFFFFFF;
	(pc) =	sbr.abs _section_cstart, $3  }
0xc6: {  	[dreg:$0x1] =	wrdreg $0xFFFFFFFF  }
0xc7: {  	_ =	task.clear_ibuf [dreg:s7], $0x2FFFF;
	_ =	strace $0x9FFFFFFF  }
0xc8: {  	(tm) =	ssettm $0x7FFFFFFF  }
0xc9: {  	_ =	shalt  }
tec
execute0_lowered:
.L_overlay_start_1:
0x0: {  	(tag) =	ssettag $0x1  }
0x1: {  	s7 =	rddreg [dreg:$0x0]  }
0x2: {  	s2 =	rddreg [dreg:$0x1]  }
0x3: {  	s0 =	rddreg [dreg:$0x2]  }
0x4: {  	s1 =	srdreg.scid;
	_ =	strace $0x80000062;
	s4 =	simm.s32 $0x1  }
0x5: {  	s9 =	simm.s32 $0x3;
	s11 =	simm.s32 $0x0;
	s5 =	sshll.u32 s1, $0x4  }
.Ltmp0:
0x6: {  	s1 =	stileid.u32;
	s5 =	sand.u32 $0x10, s5;
	(pc) =	sbr.rel .LBB2_1-.Ltmp0, $4  }
0x7: {  	p0 =	por $0x0, $0x0;
	s3 =	sadd.s32 $0x613800, s7;
	s6 =	sor.u32 s1, s5  }
0x8: {  	[sflag:s4] =	ssyncpa.u1 $0x0;
	s5 =	simm.s32 $0x2;
	s6 =	sshll.u32 s6, $0xA  }
0x9: {  	s7 =	sadd.s32 $0x1DFA00, s7;
	[sflag:s5] =	ssyncpa.u1 $0x0;
	s8 =	sadd.s32 $0x400, s6  }
0xa: {  	vm0 =	vmmov $0xff;
	vm1 =	vcmask $0x3F20;
	[sflag:s9] =	ssyncpa.u1 $0x0;
	s10 =	smov.u32 s6;
	s9 =	simm.s32 $0x0  }
.LBB2_7:
0xb: {  	p1 =	slt.u32 s9, $0x2;
	s11 =	sadd.s32 $0x100, s10  }
0xc: {  	s13 =	smov.u32 s6;
	s9 =	sadd.s32 $0x1, s9;
	p2 =	slt.s32 s11, s8  }
0xd: {  	s13 =	smov.u32 @p2 s11;
	p2 =	sne.s32 s9, $0x6  }
.Ltmp1:
0xe: {  	_ = 	snop;
	(pc) =	sbr.rel @!p2 .LBB2_8-.Ltmp1, $4  }
0xf: {  	s12 =	simm.s32 @!p1 $0x3  }
0x10: {  	_ =	swait.ge @!p1 [sflag:s12], $0x8000  }
0x11: {  	p0 =	por !p0, !p0;
	[sflag:s12] =	ssyncset.done @!p1 $0x0  }
0x12: {  	s11 =	smov.u32 s10;
	s10 =	smov.u32 s13;
	[sflag:s12] =	ssyncadd.s32 @!p1 $0xFFFF8000  }
.LBB2_1:
0x13: {  	p1 =	sgt.u32 s9, $0x3  }
0x14: {  	s12 =	sxor.u32 @!p1 $0xFFFFFFFF, s9  }
0x15: {  	s13 =	sshrl.u32 @!p1 s10, $0x3;
	s12 =	sshll.u32 @!p1 s12, $0x8  }
0x16: {  	s14 =	sand.u32 @!p1 $0x7, s10;
	s13 =	sadd.s32 @!p1 s2, s13;
	s12 =	sand.u32 @!p1 $0x100, s12  }
0x17: {  	[tilespmem:s12], [sflag:$0x2] =	stream.linear.gather @!p1 [hbm4b:s13+s14], $0x100, $0x38;
	[tilespmem:$0x10200] =	vst v63  }
0x18: {  	p1 =	seq.s32 s9, $0x0  }
0x19: {  	p2 =	seq.s32 @!p1 s9, $0x5  }
0x1a: {  	p1 =	por p1, p2  }
.Ltmp2:
0x1b: {  	_ = 	snop;
	(pc) =	sbr.rel @p1 .LBB2_7-.Ltmp2, $1  }
0x1c: {  	_ =	sdelay $0x3  }
0x1d: {  	s12 =	simm.s32 $0x1  }
0x1e: {  	_ =	swait.ge [sflag:s5], $0x100;
	s12 =	simm.s32 @!p0 $0x0  }
0x1f: {  	[sflag:s5] =	ssyncset.done $0x0;
	s14 =	sshll.u32 s12, $0x8  }
0x20: {  	[sflag:s5] =	ssyncadd.s32 $0xFFFFFF00;
	s13 =	sadd.s32 $0x0, s14  }
0x21: {  	v0 =	vld.msk [tilespmem:s13+$0x0 ss:$0x1], $0xffff;
	_ =	sdelay $0x4  }
0x22: {  	vm2 =	vgt.s32 v0, $0x0  }
0x23: {  	v0 =	vnsel vm2, $0x0, v0  }
0x24: {  	v0 =	vmin.u32 v0, $0xC34F  }
0x25: {  	v0 =	vshll.u32 v0, $0x4;
	_ =	sdelay $0x2  }
0x26: {  	s12 =	sshll.u32 s12, $0xF  }
0x27: {  	s12 =	sor.u32 $0x200, s12  }
0x28: {  	[tilespmem:s12], [sflag:$0x1] =	stream.indirect_vreg.gather [hbm:s3], $0x80, v0, vm0, $0x38;
	[tilespmem:$0x10200] =	vst v63  }
0x29: {  	s15 =	sadd.s32 $0x10, s14;
	s13 =	sadd.s32 $0x400, s12  }
0x2a: {  	[tilespmem:s13], [sflag:$0x1] =	stream.indirect_vreg.gather [hbm:s3], $0x80, v0, vm1, $0x38;
	[tilespmem:$0x10200] =	vst v63  }
0x2b: {  	s16 =	simm.s32 $0x80;
	v0 =	vld.msk [tilespmem:s15+$0x0 ss:$0x1], $0xffff;
	s15 =	smov.u32 s12  }
.LBB2_3:
0x2c: {  	p1 =	sne.s32 s16, $0x3C0;
	_ =	sdelay $0x4  }
0x2d: {  	vm2 =	vgt.s32 v0, $0x0  }
0x2e: {  	v0 =	vnsel vm2, $0x0, v0  }
0x2f: {  	v0 =	vmin.u32 v0, $0xC34F  }
0x30: {  	v0 =	vshll.u32 v0, $0x4;
	_ =	sdelay $0x3  }
.Ltmp3:
0x31: {  	s17 =	sshra.s32 s16, $0x2;
	s15 =	sadd.s32 $0x800, s15;
	(pc) =	sbr.rel @p1 .LBB2_3-.Ltmp3, $4  }
0x32: {  	[tilespmem:s15], [sflag:$0x1] =	stream.indirect_vreg.gather [hbm:s3], $0x80, v0, vm0, $0x38;
	[tilespmem:$0x10200] =	vst v63  }
0x33: {  	s17 =	sadd.s32 s17, s14;
	s18 =	sadd.s32 $0x400, s15  }
0x34: {  	[tilespmem:s18], [sflag:$0x1] =	stream.indirect_vreg.gather [hbm:s3], $0x80, v0, vm1, $0x38;
	[tilespmem:$0x10200] =	vst v63  }
0x35: {  	s16 =	sadd.s32 $0x40, s16;
	v0 =	vld.msk [tilespmem:s17+$0x0 ss:$0x1], $0xffff  }
0x36: {  	_ =	sdelay $0x3  }
0x37: {  	vm2 =	vgt.s32 v0, $0x0  }
0x38: {  	v0 =	vnsel vm2, $0x0, v0  }
0x39: {  	v0 =	vmin.u32 v0, $0xC34F  }
0x3a: {  	v0 =	vshll.u32 v0, $0x4;
	_ =	sdelay $0x3  }
0x3b: {  	s14 =	sadd.s32 $0x800, s15  }
0x3c: {  	[tilespmem:s14], [sflag:$0x1] =	stream.indirect_vreg.gather [hbm:s3], $0x80, v0, vm0, $0x38;
	[tilespmem:$0x10200] =	vst v63  }
0x3d: {  	s14 =	sadd.s32 $0x400, s14  }
0x3e: {  	[tilespmem:s14], [sflag:$0x1] =	stream.indirect_vreg.gather [hbm:s3], $0x80, v0, vm1, $0x38;
	[tilespmem:$0x10200] =	vst v63  }
0x3f: {  	s11 =	sshll.u32 s11, $0x4;
	_ =	swait.ge [sflag:s4], $0x8000  }
0x40: {  	s11 =	sadd.s32 s11, s7;
	[sflag:s4] =	ssyncset.done $0x0  }
0x41: {  	s15 =	sadd.s32 $0x0, s11;
	s14 =	simm.s32 $0x80;
	[sflag:s4] =	ssyncadd.s32 $0xFFFF8000  }
.LBB2_5:
0x42: {  	[hbm:s15] =	stream.linear.scatter [tilespmem:s12], [sflag:$0x3], $0x400, $0x38;
	[tilespmem:$0x10200] =	vst v63  }
0x43: {  	s15 =	smov.u32 s14;
	s12 =	smov.u32 s13;
	p1 =	sne.s32 s14, $0xF80  }
.Ltmp4:
0x44: {  	s14 =	sadd.s32 $0x80, s14;
	(pc) =	sbr.rel @p1 .LBB2_5-.Ltmp4, $2  }
0x45: {  	_ =	sdelay $0x2  }
0x46: {  	s13 =	sadd.s32 $0x400, s13;
	s15 =	sadd.s32 s15, s11  }
.Ltmp5:
0x47: {  	(pc) =	sbr.rel .LBB2_7-.Ltmp5, $2  }
0x48: {  	_ =	sdelay $0x2  }
0x49: {  	[hbm:s15] =	stream.linear.scatter [tilespmem:s12], [sflag:$0x3], $0x400, $0x38;
	[tilespmem:$0x10200] =	vst v63  }
.LBB2_8:
0x4a: {  	_ =	sfence.sel $0x180000  }
0x4b: {  	s2 =	simm.s32 $0x2;
	[bflag:$0x0] =	sbarrier.arrive $0xFFFF  }
0x4c: {  	s30 =	simm.s32 $0x3;
	[sflag:s2] =	ssyncpa.u1 $0x1  }
0x4d: {  	s31 =	simm.s32 $0x1;
	[sflag:s30] =	ssyncpa.u1 $0x1  }
0x4e: {  	[sflag:s31] =	ssyncpa.u1 $0x1  }
0x4f: {  	p0 =	sne.s32 s1, $0x0;
	_ =	strace $0x90000062  }
0x50: {  	s0 =	sadd.s32 @!p0 $0x100000, s0;
	[bflag:$0x2] =	sbarrier.arrive $0xFFFF  }
0x51: {  	[sflag:s0] =	ssyncadd.tile.s32 @!p0 $0x1;
	_ =	shalt  }
.Lfunc_end2:
_tile_overlayer_lowered:
.L_overlay_start_2:
0x52: {  	(tag) =	ssettag $0x2  }
0x53: {  	s0 =	rddreg [dreg:$0x0];
	s2 =	stileid.u32  }
0x54: {  	s1 =	rddreg [dreg:$0x1];
	p0 =	sne.s32 s2, $0x0  }
0x55: {  	s3 =	rddreg [dreg:$0x2];
	[bflag:$0x3] =	sbarrier.arrive $0xFFFF;
	s2 =	simm.s32 @!p0 $0x1C01  }
0x56: {  	[timem:s3], [sflag:s2] =	dma.local @!p0 [hbm:s0], s1  }
0x57: {  	s0 =	simm.s32 @!p0 $0x1  }
0x58: {  	_ =	swait.ge @!p0 [sflag:s0], s1  }
0x59: {  	s1 =	ssub.s32 @!p0 $0x0, s1;
	[sflag:s0] =	ssyncset.done @!p0 $0x0  }
0x5a: {  	[sflag:s0] =	ssyncadd.s32 @!p0 s1  }
0x5b: {  	[bflag:$0x3] =	sbarrier.arrive $0xFFFF  }
0x5c: {  	_ =	shalt  }

// kernel: gather_offload_async_start
scs
__scs_entry_jumppad:
0x0: {  	(pc) =	sbr.rel $0x88, $3  }
0x1: {  	(tag) =	ssettag $0x0;
	lr =	simm.s32 $0x1  }
0x2: {  	[smem:$0x3F9A] =	sst lr;
	_ =	strace $0xD0000000  }
0x3: {  	_ = 	snop  }
0x4: {  	_ = 	snop  }
0x5: {  	_ = 	snop  }
0x6: {  	_ = 	snop  }
0x7: {  	_ = 	snop  }
__scs_overlays_trampoline_lowered:
0x8: {  	[smem:$0x3FA9] =	sst s0  }
0x9: {  	[smem:$0x3FAA] =	sst s1  }
0xa: {  	[smem:$0x3FAB] =	sst s2  }
0xb: {  	[smem:$0x3FAC] =	sst s3  }
0xc: {  	[smem:$0x3FAD] =	sst s4  }
0xd: {  	[smem:$0x3FAE] =	sst s5  }
0xe: {  	[smem:$0x3FAF] =	sst s6  }
0xf: {  	[smem:$0x3FB0] =	sst s7  }
0x10: {  	[smem:$0x3FB1] =	sst s8  }
0x11: {  	[smem:$0x3FB2] =	sst s9;
	s0 =	simm.s32 @!p0 $0x0  }
0x12: {  	s1 =	sld [smem:$0x3F98];
	s0 =	simm.s32 @p0 $0x1  }
0x13: {  	[smem:$0x3FB3] =	sst s0;
	s0 =	simm.s32 @!p1 $0x0  }
0x14: {  	s2 =	sld [smem:$0x3F97];
	s0 =	simm.s32 @p1 $0x1  }
0x15: {  	[smem:$0x3FB4] =	sst s0;
	s0 =	simm.s32 @!p2 $0x0  }
0x16: {  	s3 =	sld [smem:$0x3FDB];
	s0 =	simm.s32 @p2 $0x1  }
0x17: {  	s4 =	simm.s32 $0x1BF5;
	[smem:$0x3FB6] =	sst s0  }
0x18: {  	s0 =	sld [smem:$0x3F99];
	_ =	swait.ge [sflag:s4], $0x0  }
0x19: {  	s7 =	sld [smem:$0x3F9A]  }
0x1a: {  	s8 =	sadd.s32 $0xFFFFE003, lr  }
0x1b: {  	s9 =	sadd.s32 $0xFFFFFEF7, lr;
	s5 =	simm.s32 $0xFFFFFFFF;
	p2 =	slt.u32 s8, $0xFFFFF086  }
0x1c: {  	p1 =	slt.u32 s9, $0xF7A;
	s5 =	simm.s32 @!p2 $0x0  }
0x1d: {  	s5 =	simm.s32 @p1 $0x1;
	p0 =	seq.s32 s7, s2  }
0x1e: {  	s7 =	smul.u32 @!p0 $0xF7A, s2;
	p2 =	seq.s32 @!p0 s5, $0x0  }
0x1f: {  	s9 =	smul.u32 $0xF7A, s1;
	s8 =	simm.s32 @!p0 $0x1BF5;
	p2 =	por !p2, p0  }
0x20: {  	[sflag:s8] =	ssyncset.s32 @!p0 $0xFFFFF086;
	s6 =	sadd.s32 @!p0 s3, s7;
	s7 =	simm.s32 @!p0 $0x108  }
0x21: {  	s3 =	sadd.s32 s3, s9;
	s6 =	sadd.s32 @!p0 $0x88, s6;
	s7 =	simm.s32 @p2 $0x1082  }
0x22: {  	[simem:s7], [sflag:s8] =	dma.local @!p0 [hbm:s6], $0xF7A  }
0x23: {  	s9 =	sor.u32 $0xD0000000, s2;
	s6 =	simm.s32 $0x108;
	_ =	swait.ge @!p0 [sflag:s8], $0x0  }
0x24: {  	s3 =	sadd.s32 $0x88, s3;
	s6 =	simm.s32 @!p1 $0x1082;
	[sflag:s4] =	ssyncset.s32 $0xFFFFF086  }
0x25: {  	[simem:s6], [sflag:s4] =	dma.local [hbm:s3], $0xF7A  }
0x26: {  	[smem:$0x3F9A] =	sst s1;
	(tag) =	ssettag s2;
	_ =	strace s9  }
0x27: {  	s1 =	sld [smem:$0x3FAA]  }
0x28: {  	s2 =	sld [smem:$0x3FAB]  }
0x29: {  	s4 =	sld [smem:$0x3FAD]  }
0x2a: {  	p0 =	seq.s32 s5, $0x0;
	s5 =	sld [smem:$0x3FAE]  }
0x2b: {  	s6 =	sld [smem:$0x3FAF]  }
0x2c: {  	s7 =	sld [smem:$0x3FB0]  }
0x2d: {  	s3 =	simm.s32 $0x108;
	s8 =	sld [smem:$0x3FB1]  }
0x2e: {  	s3 =	simm.s32 @!p0 $0x1082;
	s9 =	sld [smem:$0x3FB2]  }
0x2f: {  	lr =	sadd.s32 s0, s3;
	s0 =	sld [smem:$0x3FA9]  }
0x30: {  	s3 =	sld [smem:$0x3FAC]  }
0x31: {  	[smem:$0x3FB5] =	sst s10  }
0x32: {  	s10 =	sld [smem:$0x3FB3];
	_ =	sdelay $0x3  }
0x33: {  	p0 =	seq.s32 s10, $0x1;
	s10 =	sld [smem:$0x3FB5];
	_ =	sdelay $0x3  }
0x34: {  	[smem:$0x3FB5] =	sst s10  }
0x35: {  	s10 =	sld [smem:$0x3FB4];
	_ =	sdelay $0x3  }
0x36: {  	p1 =	seq.s32 s10, $0x1;
	s10 =	sld [smem:$0x3FB5];
	_ =	sdelay $0x3  }
0x37: {  	[smem:$0x3FB5] =	sst s10  }
0x38: {  	s10 =	sld [smem:$0x3FB6]  }
0x39: {  	_ = 	snop;
	(pc) =	sbr.ind lr, $3  }
0x3a: {  	_ = 	snop  }
0x3b: {  	_ = 	snop  }
0x3c: {  	p2 =	seq.s32 s10, $0x1;
	s10 =	sld [smem:$0x3FB5]  }
0x3d: {  	_ =	shalt  }
0x3e: {  	_ =	shalt  }
0x3f: {  	_ =	shalt  }
0x40: {  	_ =	shalt  }
0x41: {  	_ =	shalt  }
0x42: {  	_ =	shalt  }
0x43: {  	_ =	shalt  }
0x44: {  	_ =	shalt  }
0x45: {  	_ =	shalt  }
0x46: {  	_ =	shalt  }
0x47: {  	_ =	shalt  }
0x48: {  	_ =	shalt  }
0x49: {  	_ =	shalt  }
0x4a: {  	_ =	shalt  }
0x4b: {  	_ =	shalt  }
0x4c: {  	_ =	shalt  }
0x4d: {  	_ =	shalt  }
0x4e: {  	_ =	shalt  }
0x4f: {  	_ =	shalt  }
0x50: {  	_ =	shalt  }
0x51: {  	_ =	shalt  }
0x52: {  	_ =	shalt  }
0x53: {  	_ =	shalt  }
0x54: {  	_ =	shalt  }
0x55: {  	_ =	shalt  }
0x56: {  	_ =	shalt  }
0x57: {  	_ =	shalt  }
0x58: {  	_ =	shalt  }
0x59: {  	_ =	shalt  }
0x5a: {  	_ =	shalt  }
0x5b: {  	_ =	shalt  }
0x5c: {  	_ =	shalt  }
0x5d: {  	_ =	shalt  }
0x5e: {  	_ =	shalt  }
0x5f: {  	_ =	shalt  }
0x60: {  	_ =	shalt  }
0x61: {  	_ =	shalt  }
0x62: {  	_ =	shalt  }
0x63: {  	_ =	shalt  }
0x64: {  	_ =	shalt  }
0x65: {  	_ =	shalt  }
0x66: {  	_ =	shalt  }
0x67: {  	_ =	shalt  }
0x68: {  	_ =	shalt  }
0x69: {  	_ =	shalt  }
0x6a: {  	_ =	shalt  }
0x6b: {  	_ =	shalt  }
0x6c: {  	_ =	shalt  }
0x6d: {  	_ =	shalt  }
0x6e: {  	_ =	shalt  }
0x6f: {  	_ =	shalt  }
0x70: {  	_ =	shalt  }
0x71: {  	_ =	shalt  }
0x72: {  	_ =	shalt  }
0x73: {  	_ =	shalt  }
0x74: {  	_ =	shalt  }
0x75: {  	_ =	shalt  }
0x76: {  	_ =	shalt  }
0x77: {  	_ =	shalt  }
0x78: {  	_ =	shalt  }
0x79: {  	_ =	shalt  }
0x7a: {  	_ =	shalt  }
0x7b: {  	_ =	shalt  }
0x7c: {  	_ =	shalt  }
0x7d: {  	_ =	shalt  }
0x7e: {  	_ =	shalt  }
0x7f: {  	_ =	shalt  }
0x80: {  	_ =	shalt  }
0x81: {  	_ =	shalt  }
0x82: {  	_ =	shalt  }
0x83: {  	_ =	shalt  }
0x84: {  	_ =	shalt  }
0x85: {  	_ =	shalt  }
0x86: {  	_ =	shalt  }
0x87: {  	_ =	shalt  }
.Lfunc_end0:
.L_simem_size_0:
called_computation.2_lowered:
.L_overlay_start_0:
0x88: {  	s2 =	sld [smem:$0x3FD9]  }
0x89: {  	s3 =	sld [smem:$0x3FFE];
	_ =	sdelay $0x1  }
0x8a: {  	s1 =	srdreg.scid  }
0x8b: {  	s0 =	sand.u32 $0x1, s1  }
0x8c: {  	s15 =	sshll.u32 s0, $0xA;
	s2 =	sadd.s32 s3, s2  }
0x8d: {  	s2 =	sadd.s32 s2, s15  }
0x8e: {  	[smem:$0x3FC1] =	sst s2  }
0x8f: {  	_ = 	snop  }
0x90: {  	s2 =	sld [smem:$0x3FD0];
	_ =	sdelay $0x2  }
0x91: {  	s16 =	simm.s32 $0xC;
	s4 =	simm.s32 $0x10  }
0x92: {  	[smem:s4], [sflag:s16] =	dma.local [hbm:s2], $0x1  }
0x93: {  	_ =	swait.eq [sflag:s16], $0x1  }
0x94: {  	[sflag:s16] =	ssyncset.done $0x0  }
0x95: {  	[sflag:s16] =	ssyncadd.s32 $0xFFFFFFFF  }
0x96: {  	s17 =	sld [smem:$0x10];
	(tm) =	ssettm $0x1  }
0x97: {  	s18 =	sld [smem:$0x3FFB];
	_ =	sdelay $0x3  }
0x98: {  	_ =	strace s18  }
0x99: {  	s2 =	sld [smem:$0x3FFC];
	_ =	sdelay $0x3  }
0x9a: {  	_ =	strace s2  }
0x9b: {  	s2 =	sld [smem:$0x3FFD];
	_ =	sdelay $0x3  }
0x9c: {  	_ =	strace s2  }
0x9d: {  	_ =	strace $0x8FFFFFFF  }
0x9e: {  	s19 =	sld [smem:$0x3FDB];
	_ =	sdelay $0x1  }
0x9f: {  	s20 =	simm.s32 $_scs_section_size  }
0xa0: {  	s5 =	simm.s32 $_size__tile_overlayer_lowered;
	s6 =	simm.s32 $_tile_overlayer_lowered  }
0xa1: {  	s7 =	simm.s32 $0x1BFF;
	s21 =	sshll.u32 s6, $0x1;
	s4 =	sadd.s32 s20, s19  }
0xa2: {  	s22 =	simm.s32 $0x0;
	s5 =	sshll.u32 s5, $0x1;
	s6 =	sadd.s32 s21, s4  }
0xa3: {  	[timem:s22], [sflag:s7] =	dma.local [hbm:s6], s5  }
0xa4: {  	_ =	swait.ge [sflag:s7], s5  }
0xa5: {  	s5 =	ssub.s32 $0x0, s5;
	[sflag:s7] =	ssyncset.done $0x0  }
0xa6: {  	[sflag:s7] =	ssyncadd.s32 s5;
	_ =	sdelay $0x1  }
0xa7: {  	s23 =	simm.s32 $0x1B8B  }
0xa8: {  	_ =	swait.ge [sflag:s23], $0x1  }
0xa9: {  	[sflag:s23] =	ssyncset.done $0x0  }
0xaa: {  	[sflag:s23] =	ssyncadd.s32 $0xFFFFFFFF  }
0xab: {  	s5 =	sld [smem:$0x0]  }
0xac: {  	s6 =	sand.u32 $0xFFFFFFFE, s1  }
0xad: {  	p0 =	sne.s32 s1, s6  }
0xae: {  	s6 =	sshll.u32 @p0 s6, $0xE  }
0xaf: {  	s6 =	sadd.s32 @p0 $0x11B8D, s6;
	s7 =	sshll.u32 @p0 s5, $0x11  }
0xb0: {  	s6 =	sor.u32 @p0 s7, s6  }
0xb1: {  	[sflag:s6] =	ssyncadd.remote.s32 @p0 $0x1;
	_ =	sdelay $0x1  }
0xb2: {  	s6 =	simm.s32 @p0 $0x1B8D  }
0xb3: {  	_ =	swait.eq @p0 [sflag:s6], $0x1  }
0xb4: {  	[sflag:s6] =	ssyncadd.s32 @p0 $0xFFFFFFFF  }
0xb5: {  	s7 =	sshll.u32 @!p0 s1, $0xE  }
0xb6: {  	s7 =	sor.u32 @!p0 $0x4000, s7;
	s6 =	simm.s32 @!p0 $0x1B8D  }
0xb7: {  	s5 =	sshll.u32 @!p0 s5, $0x11;
	s7 =	sadd.s32 @!p0 $0x11B8D, s7;
	_ =	swait.eq @!p0 [sflag:s6], $0x1  }
0xb8: {  	s5 =	sor.u32 @!p0 s5, s7;
	[sflag:s6] =	ssyncadd.s32 @!p0 $0xFFFFFFFF  }
0xb9: {  	s25 =	simm.s32 $0x1B8E;
	s24 =	sld [smem:$0x3FFE];
	[sflag:s5] =	ssyncadd.remote.s32 @!p0 $0x1  }
0xba: {  	s26 =	simm.s32 $execute0_lowered;
	[smem:$0x3FD2] =	sst s25  }
0xbb: {  	s6 =	sshll.u32 s26, $0x1;
	_ =	strace $0x80000064;
	[dreg:$0x1] =	wrdreg $0xFFFFFFFF  }
0xbc: {  	s28 =	simm.s32 $_size_execute0_lowered;
	s4 =	sadd.s32 s4, s6;
	[dreg:$0x0] =	wrdreg $0x0  }
0xbd: {  	s6 =	sshll.u32 s28, $0x1;
	[dreg:$0x2] =	wrdreg s4  }
0xbe: {  	[dreg:$0x3] =	wrdreg s6  }
0xbf: {  	[dreg:$0x4] =	wrdreg $0xC0  }
0xc0: {  	_ =	task [dreg:s22], $0x5FFFF  }
0xc1: {  	[dreg:$0x1] =	wrdreg $0xFFFFFFFF  }
0xc2: {  	[dreg:$0x0] =	wrdreg $0x60  }
0xc3: {  	[dreg:$0x2] =	wrdreg s24  }
0xc4: {  	[dreg:$0x3] =	wrdreg s17  }
0xc5: {  	[dreg:$0x4] =	wrdreg $0x9  }
0xc6: {  	_ =	task.clear_ibuf [dreg:s22], $0x5FFFF;
	_ =	strace $0x90000064  }
0xc7: {  	s29 =	simm.s32 $0x9;
	_ =	strace $0x80000066  }
0xc8: {  	_ =	swait.ge [sflag:s29], $0x1  }
0xc9: {  	[sflag:s29] =	ssyncadd.s32 $0xFFFFFFFF  }
0xca: {  	_ =	strace $0x90000066  }
0xcb: {  	_ =	sfence  }
0xcc: {  	s30 =	sld [smem:$0x0];
	_ =	sdelay $0x2  }
0xcd: {  	s31 =	sshll.u32 s1, $0xD;
	s1 =	sshrl.u32 s1, $0x2  }
0xce: {  	s4 =	sand.u32 $0x4000, s31;
	s1 =	sadd.s32 s1, s30  }
0xcf: {  	s0 =	sor.u32 s4, s0;
	s1 =	sshll.u32 s1, $0x11  }
0xd0: {  	s0 =	sor.u32 s1, s0  }
0xd1: {  	s0 =	sadd.s32 $0x8F2B, s0  }
0xd2: {  	[sflag:s0] =	ssyncadd.remote.s32 $0x1  }
0xd3: {  	_ =	sfence.sel $0xFFFF  }
0xd4: {  	[dreg:$0x0] =	wrdreg $0xFFFFFFFF;
	(pc) =	sbr.abs _section_cstart, $3  }
0xd5: {  	[dreg:$0x1] =	wrdreg $0xFFFFFFFF  }
0xd6: {  	_ =	task.clear_ibuf [dreg:s22], $0x2FFFF;
	_ =	strace $0x9FFFFFFF  }
0xd7: {  	(tm) =	ssettm $0x7FFFFFFF  }
tec
execute0_lowered:
.L_overlay_start_1:
0x0: {  	(tag) =	ssettag $0x1  }
0x1: {  	s7 =	rddreg [dreg:$0x0]  }
0x2: {  	s2 =	rddreg [dreg:$0x1]  }
0x3: {  	s0 =	rddreg [dreg:$0x2]  }
0x4: {  	s1 =	srdreg.scid;
	_ =	strace $0x80000065;
	s4 =	simm.s32 $0x1  }
0x5: {  	s9 =	simm.s32 $0x3;
	s12 =	simm.s32 $0x0;
	s5 =	sshll.u32 s1, $0x4  }
.Ltmp0:
0x6: {  	s1 =	stileid.u32;
	s5 =	sand.u32 $0x10, s5;
	(pc) =	sbr.rel .LBB2_1-.Ltmp0, $4  }
0x7: {  	s10 =	simm.s32 $0x0;
	s3 =	sadd.s32 $0x6F200, s7;
	s6 =	sor.u32 s1, s5  }
0x8: {  	[sflag:s4] =	ssyncpa.u1 $0x0;
	s5 =	simm.s32 $0x2;
	s6 =	sshll.u32 s6, $0x7  }
0x9: {  	s7 =	sadd.s32 $0xBC00, s7;
	[sflag:s5] =	ssyncpa.u1 $0x0;
	s8 =	sadd.s32 $0x80, s6  }
0xa: {  	vm0 =	vmmov $0xff;
	vm1 =	vcmask $0x3F20;
	[sflag:s9] =	ssyncpa.u1 $0x0;
	s9 =	simm.s32 $0x80;
	s11 =	smov.u32 s6  }
.LBB2_9:
0xb: {  	p0 =	seq.s32 s10, $0x2  }
.Ltmp1:
0xc: {  	_ = 	snop;
	(pc) =	sbr.rel @p0 .LBB2_11-.Ltmp1, $1  }
0xd: {  	_ =	sdelay $0x3  }
.LBB2_10:
0xe: {  	s12 =	sadd.s32 $0x80, s11  }
0xf: {  	s13 =	smov.u32 s6;
	p0 =	slt.s32 s12, s8  }
0x10: {  	s13 =	smov.u32 @p0 s12  }
0x11: {  	s10 =	sadd.s32 $0x1, s10;
	s12 =	smov.u32 s11;
	s11 =	smov.u32 s13  }
.LBB2_1:
0x12: {  	p0 =	sne.s32 s10, $0x0  }
.Ltmp2:
0x13: {  	_ = 	snop;
	(pc) =	sbr.rel @!p0 .LBB2_2-.Ltmp2, $1  }
0x14: {  	_ =	sdelay $0x3  }
0x15: {  	s13 =	sand.u32 $0x1, s10  }
0x16: {  	p0 =	seq.s32 s13, $0x0  }
.Ltmp3:
0x17: {  	_ = 	snop;
	(pc) =	sbr.rel @p0 .LBB2_9-.Ltmp3, $1  }
0x18: {  	_ =	sdelay $0x3  }
0x19: {  	_ =	swait.ge [sflag:s5], $0x80  }
0x1a: {  	[sflag:s5] =	ssyncset.done $0x0  }
0x1b: {  	s13 =	simm.s32 $0x0;
	[sflag:s5] =	ssyncadd.s32 $0xFFFFFF80  }
0x1c: {  	v0 =	vld.msk [tilespmem:s13+$0x80 ss:$0x1], $0xffff;
	_ =	sdelay $0x4  }
0x1d: {  	vm2 =	vgt.s32 v0, $0x0  }
0x1e: {  	v0 =	vnsel vm2, $0x0, v0  }
0x1f: {  	v0 =	vmin.u32 v0, $0xC34F  }
0x20: {  	v0 =	vshll.u32 v0, $0x4;
	_ =	sdelay $0x3  }
0x21: {  	s13 =	simm.s32 $0x4100  }
0x22: {  	[tilespmem:s13], [sflag:$0x1] =	stream.indirect_vreg.gather [hbm:s3], $0x80, v0, vm0, $0x38;
	[tilespmem:$0x8100] =	vst v63  }
0x23: {  	s14 =	simm.s32 $0x4500;
	s31 =	simm.s32 $0x10  }
0x24: {  	[tilespmem:s14], [sflag:$0x1] =	stream.indirect_vreg.gather [hbm:s3], $0x80, v0, vm1, $0x38;
	[tilespmem:$0x8100] =	vst v63  }
0x25: {  	s14 =	simm.s32 $0x80;
	v0 =	vld.msk [tilespmem:s31+$0x80 ss:$0x1], $0xffff  }
.LBB2_5:
0x26: {  	p0 =	sne.s32 s14, $0x1C0;
	_ =	sdelay $0x4  }
0x27: {  	vm2 =	vgt.s32 v0, $0x0  }
0x28: {  	v0 =	vnsel vm2, $0x0, v0  }
0x29: {  	v0 =	vmin.u32 v0, $0xC34F  }
0x2a: {  	v0 =	vshll.u32 v0, $0x4;
	_ =	sdelay $0x3  }
.Ltmp4:
0x2b: {  	s13 =	sadd.s32 $0x800, s13;
	(pc) =	sbr.rel @p0 .LBB2_5-.Ltmp4, $4  }
0x2c: {  	[tilespmem:s13], [sflag:$0x1] =	stream.indirect_vreg.gather [hbm:s3], $0x80, v0, vm0, $0x38;
	[tilespmem:$0x8100] =	vst v63  }
0x2d: {  	s15 =	sshra.s32 s14, $0x2;
	s16 =	sadd.s32 $0x400, s13  }
0x2e: {  	[tilespmem:s16], [sflag:$0x1] =	stream.indirect_vreg.gather [hbm:s3], $0x80, v0, vm1, $0x38;
	[tilespmem:$0x8100] =	vst v63  }
0x2f: {  	s14 =	sadd.s32 $0x40, s14;
	v0 =	vld.msk [tilespmem:s15+$0x80 ss:$0x1], $0xffff  }
0x30: {  	_ =	sdelay $0x3  }
0x31: {  	vm2 =	vgt.s32 v0, $0x0  }
0x32: {  	v0 =	vnsel vm2, $0x0, v0  }
0x33: {  	v0 =	vmin.u32 v0, $0xC34F  }
0x34: {  	v0 =	vshll.u32 v0, $0x4;
	_ =	sdelay $0x3  }
0x35: {  	s13 =	sadd.s32 $0x800, s13  }
0x36: {  	[tilespmem:s13], [sflag:$0x1] =	stream.indirect_vreg.gather [hbm:s3], $0x80, v0, vm0, $0x38;
	[tilespmem:$0x8100] =	vst v63  }
0x37: {  	s13 =	sadd.s32 $0x400, s13  }
0x38: {  	[tilespmem:s13], [sflag:$0x1] =	stream.indirect_vreg.gather [hbm:s3], $0x80, v0, vm1, $0x38;
	[tilespmem:$0x8100] =	vst v63  }
0x39: {  	s12 =	sshll.u32 s12, $0x4;
	s14 =	simm.s32 $0x80;
	_ =	swait.ge [sflag:s4], $0x4000  }
0x3a: {  	s15 =	simm.s32 $0x4500;
	s12 =	sadd.s32 s12, s7;
	[sflag:s4] =	ssyncset.done $0x0  }
0x3b: {  	s16 =	sadd.s32 $0x0, s12;
	s13 =	simm.s32 $0x4100;
	[sflag:s4] =	ssyncadd.s32 $0xFFFFC000  }
.LBB2_7:
0x3c: {  	[hbm:s16] =	stream.linear.scatter [tilespmem:s13], [sflag:$0x3], $0x400, $0x38;
	[tilespmem:$0x8100] =	vst v63  }
0x3d: {  	s16 =	smov.u32 s14;
	s13 =	smov.u32 s15;
	p0 =	sne.s32 s14, $0x780  }
.Ltmp5:
0x3e: {  	s14 =	sadd.s32 $0x80, s14;
	(pc) =	sbr.rel @p0 .LBB2_7-.Ltmp5, $2  }
0x3f: {  	_ =	sdelay $0x2  }
0x40: {  	s15 =	sadd.s32 $0x400, s15;
	s16 =	sadd.s32 s16, s12  }
.Ltmp6:
0x41: {  	(pc) =	sbr.rel .LBB2_9-.Ltmp6, $2  }
0x42: {  	_ =	sdelay $0x2  }
0x43: {  	[hbm:s16] =	stream.linear.scatter [tilespmem:s13], [sflag:$0x3], $0x400, $0x38;
	[tilespmem:$0x8100] =	vst v63  }
.LBB2_2:
.Ltmp7:
0x44: {  	(pc) =	sbr.rel .LBB2_10-.Ltmp7, $4  }
0x45: {  	_ = 	snop  }
0x46: {  	s12 =	sshrl.u32 s11, $0x3  }
0x47: {  	s13 =	sand.u32 $0x7, s11;
	s12 =	sadd.s32 s2, s12  }
0x48: {  	[tilespmem:s9], [sflag:$0x2] =	stream.linear.gather [hbm4b:s12+s13], $0x80, $0x38;
	[tilespmem:$0x8100] =	vst v63  }
.LBB2_11:
0x49: {  	s2 =	simm.s32 $0x3  }
0x4a: {  	_ =	swait.ge [sflag:s2], $0x4000  }
0x4b: {  	[sflag:s2] =	ssyncset.done $0x0  }
0x4c: {  	[sflag:s2] =	ssyncadd.s32 $0xFFFFC000  }
0x4d: {  	_ =	sfence.sel $0x180000  }
0x4e: {  	s3 =	simm.s32 $0x2;
	[bflag:$0x0] =	sbarrier.arrive $0xFFFF  }
0x4f: {  	[sflag:s3] =	ssyncpa.u1 $0x1  }
0x50: {  	s31 =	simm.s32 $0x1;
	[sflag:s2] =	ssyncpa.u1 $0x1  }
0x51: {  	[sflag:s31] =	ssyncpa.u1 $0x1  }
0x52: {  	p0 =	sne.s32 s1, $0x0;
	_ =	strace $0x90000065  }
0x53: {  	s0 =	sadd.s32 @!p0 $0x100000, s0;
	[bflag:$0x2] =	sbarrier.arrive $0xFFFF  }
0x54: {  	[sflag:s0] =	ssyncadd.tile.s32 @!p0 $0x1;
	_ =	shalt  }
.Lfunc_end2:
_tile_overlayer_lowered:
.L_overlay_start_2:
0x55: {  	(tag) =	ssettag $0x2  }
0x56: {  	s0 =	rddreg [dreg:$0x0];
	s2 =	stileid.u32  }
0x57: {  	s1 =	rddreg [dreg:$0x1];
	p0 =	sne.s32 s2, $0x0  }
0x58: {  	s3 =	rddreg [dreg:$0x2];
	[bflag:$0x3] =	sbarrier.arrive $0xFFFF;
	s2 =	simm.s32 @!p0 $0x1C01  }
0x59: {  	[timem:s3], [sflag:s2] =	dma.local @!p0 [hbm:s0], s1  }
0x5a: {  	s0 =	simm.s32 @!p0 $0x1  }
0x5b: {  	_ =	swait.ge @!p0 [sflag:s0], s1  }
0x5c: {  	s1 =	ssub.s32 @!p0 $0x0, s1;
	[sflag:s0] =	ssyncset.done @!p0 $0x0  }
0x5d: {  	[sflag:s0] =	ssyncadd.s32 @!p0 s1  }
0x5e: {  	[bflag:$0x3] =	sbarrier.arrive $0xFFFF  }
0x5f: {  	_ =	shalt  }

// kernel: kernel.11.cloned.1.call-start
scs
__scs_entry_jumppad:
0x0: {  	(pc) =	sbr.rel $0x88, $3  }
0x1: {  	(tag) =	ssettag $0x0;
	lr =	simm.s32 $0x1  }
0x2: {  	[smem:$0x3F9A] =	sst lr;
	_ =	strace $0xD0000000  }
0x3: {  	_ = 	snop  }
0x4: {  	_ = 	snop  }
0x5: {  	_ = 	snop  }
0x6: {  	_ = 	snop  }
0x7: {  	_ = 	snop  }
__scs_overlays_trampoline_lowered:
0x8: {  	[smem:$0x3FA9] =	sst s0  }
0x9: {  	[smem:$0x3FAA] =	sst s1  }
0xa: {  	[smem:$0x3FAB] =	sst s2  }
0xb: {  	[smem:$0x3FAC] =	sst s3  }
0xc: {  	[smem:$0x3FAD] =	sst s4  }
0xd: {  	[smem:$0x3FAE] =	sst s5  }
0xe: {  	[smem:$0x3FAF] =	sst s6  }
0xf: {  	[smem:$0x3FB0] =	sst s7  }
0x10: {  	[smem:$0x3FB1] =	sst s8  }
0x11: {  	[smem:$0x3FB2] =	sst s9;
	s0 =	simm.s32 @!p0 $0x0  }
0x12: {  	s1 =	sld [smem:$0x3F98];
	s0 =	simm.s32 @p0 $0x1  }
0x13: {  	[smem:$0x3FB3] =	sst s0;
	s0 =	simm.s32 @!p1 $0x0  }
0x14: {  	s2 =	sld [smem:$0x3F97];
	s0 =	simm.s32 @p1 $0x1  }
0x15: {  	[smem:$0x3FB4] =	sst s0;
	s0 =	simm.s32 @!p2 $0x0  }
0x16: {  	s3 =	sld [smem:$0x3FDB];
	s0 =	simm.s32 @p2 $0x1  }
0x17: {  	s4 =	simm.s32 $0x1BF5;
	[smem:$0x3FB6] =	sst s0  }
0x18: {  	s0 =	sld [smem:$0x3F99];
	_ =	swait.ge [sflag:s4], $0x0  }
0x19: {  	s7 =	sld [smem:$0x3F9A]  }
0x1a: {  	s8 =	sadd.s32 $0xFFFFE003, lr  }
0x1b: {  	s9 =	sadd.s32 $0xFFFFFEF7, lr;
	s5 =	simm.s32 $0xFFFFFFFF;
	p2 =	slt.u32 s8, $0xFFFFF086  }
0x1c: {  	p1 =	slt.u32 s9, $0xF7A;
	s5 =	simm.s32 @!p2 $0x0  }
0x1d: {  	s5 =	simm.s32 @p1 $0x1;
	p0 =	seq.s32 s7, s2  }
0x1e: {  	s7 =	smul.u32 @!p0 $0xF7A, s2;
	p2 =	seq.s32 @!p0 s5, $0x0  }
0x1f: {  	s9 =	smul.u32 $0xF7A, s1;
	s8 =	simm.s32 @!p0 $0x1BF5;
	p2 =	por !p2, p0  }
0x20: {  	[sflag:s8] =	ssyncset.s32 @!p0 $0xFFFFF086;
	s6 =	sadd.s32 @!p0 s3, s7;
	s7 =	simm.s32 @!p0 $0x108  }
0x21: {  	s3 =	sadd.s32 s3, s9;
	s6 =	sadd.s32 @!p0 $0x88, s6;
	s7 =	simm.s32 @p2 $0x1082  }
0x22: {  	[simem:s7], [sflag:s8] =	dma.local @!p0 [hbm:s6], $0xF7A  }
0x23: {  	s9 =	sor.u32 $0xD0000000, s2;
	s6 =	simm.s32 $0x108;
	_ =	swait.ge @!p0 [sflag:s8], $0x0  }
0x24: {  	s3 =	sadd.s32 $0x88, s3;
	s6 =	simm.s32 @!p1 $0x1082;
	[sflag:s4] =	ssyncset.s32 $0xFFFFF086  }
0x25: {  	[simem:s6], [sflag:s4] =	dma.local [hbm:s3], $0xF7A  }
0x26: {  	[smem:$0x3F9A] =	sst s1;
	(tag) =	ssettag s2;
	_ =	strace s9  }
0x27: {  	s1 =	sld [smem:$0x3FAA]  }
0x28: {  	s2 =	sld [smem:$0x3FAB]  }
0x29: {  	s4 =	sld [smem:$0x3FAD]  }
0x2a: {  	p0 =	seq.s32 s5, $0x0;
	s5 =	sld [smem:$0x3FAE]  }
0x2b: {  	s6 =	sld [smem:$0x3FAF]  }
0x2c: {  	s7 =	sld [smem:$0x3FB0]  }
0x2d: {  	s3 =	simm.s32 $0x108;
	s8 =	sld [smem:$0x3FB1]  }
0x2e: {  	s3 =	simm.s32 @!p0 $0x1082;
	s9 =	sld [smem:$0x3FB2]  }
0x2f: {  	lr =	sadd.s32 s0, s3;
	s0 =	sld [smem:$0x3FA9]  }
0x30: {  	s3 =	sld [smem:$0x3FAC]  }
0x31: {  	[smem:$0x3FB5] =	sst s10  }
0x32: {  	s10 =	sld [smem:$0x3FB3];
	_ =	sdelay $0x3  }
0x33: {  	p0 =	seq.s32 s10, $0x1;
	s10 =	sld [smem:$0x3FB5];
	_ =	sdelay $0x3  }
0x34: {  	[smem:$0x3FB5] =	sst s10  }
0x35: {  	s10 =	sld [smem:$0x3FB4];
	_ =	sdelay $0x3  }
0x36: {  	p1 =	seq.s32 s10, $0x1;
	s10 =	sld [smem:$0x3FB5];
	_ =	sdelay $0x3  }
0x37: {  	[smem:$0x3FB5] =	sst s10  }
0x38: {  	s10 =	sld [smem:$0x3FB6]  }
0x39: {  	_ = 	snop;
	(pc) =	sbr.ind lr, $3  }
0x3a: {  	_ = 	snop  }
0x3b: {  	_ = 	snop  }
0x3c: {  	p2 =	seq.s32 s10, $0x1;
	s10 =	sld [smem:$0x3FB5]  }
0x3d: {  	_ =	shalt  }
0x3e: {  	_ =	shalt  }
0x3f: {  	_ =	shalt  }
0x40: {  	_ =	shalt  }
0x41: {  	_ =	shalt  }
0x42: {  	_ =	shalt  }
0x43: {  	_ =	shalt  }
0x44: {  	_ =	shalt  }
0x45: {  	_ =	shalt  }
0x46: {  	_ =	shalt  }
0x47: {  	_ =	shalt  }
0x48: {  	_ =	shalt  }
0x49: {  	_ =	shalt  }
0x4a: {  	_ =	shalt  }
0x4b: {  	_ =	shalt  }
0x4c: {  	_ =	shalt  }
0x4d: {  	_ =	shalt  }
0x4e: {  	_ =	shalt  }
0x4f: {  	_ =	shalt  }
0x50: {  	_ =	shalt  }
0x51: {  	_ =	shalt  }
0x52: {  	_ =	shalt  }
0x53: {  	_ =	shalt  }
0x54: {  	_ =	shalt  }
0x55: {  	_ =	shalt  }
0x56: {  	_ =	shalt  }
0x57: {  	_ =	shalt  }
0x58: {  	_ =	shalt  }
0x59: {  	_ =	shalt  }
0x5a: {  	_ =	shalt  }
0x5b: {  	_ =	shalt  }
0x5c: {  	_ =	shalt  }
0x5d: {  	_ =	shalt  }
0x5e: {  	_ =	shalt  }
0x5f: {  	_ =	shalt  }
0x60: {  	_ =	shalt  }
0x61: {  	_ =	shalt  }
0x62: {  	_ =	shalt  }
0x63: {  	_ =	shalt  }
0x64: {  	_ =	shalt  }
0x65: {  	_ =	shalt  }
0x66: {  	_ =	shalt  }
0x67: {  	_ =	shalt  }
0x68: {  	_ =	shalt  }
0x69: {  	_ =	shalt  }
0x6a: {  	_ =	shalt  }
0x6b: {  	_ =	shalt  }
0x6c: {  	_ =	shalt  }
0x6d: {  	_ =	shalt  }
0x6e: {  	_ =	shalt  }
0x6f: {  	_ =	shalt  }
0x70: {  	_ =	shalt  }
0x71: {  	_ =	shalt  }
0x72: {  	_ =	shalt  }
0x73: {  	_ =	shalt  }
0x74: {  	_ =	shalt  }
0x75: {  	_ =	shalt  }
0x76: {  	_ =	shalt  }
0x77: {  	_ =	shalt  }
0x78: {  	_ =	shalt  }
0x79: {  	_ =	shalt  }
0x7a: {  	_ =	shalt  }
0x7b: {  	_ =	shalt  }
0x7c: {  	_ =	shalt  }
0x7d: {  	_ =	shalt  }
0x7e: {  	_ =	shalt  }
0x7f: {  	_ =	shalt  }
0x80: {  	_ =	shalt  }
0x81: {  	_ =	shalt  }
0x82: {  	_ =	shalt  }
0x83: {  	_ =	shalt  }
0x84: {  	_ =	shalt  }
0x85: {  	_ =	shalt  }
0x86: {  	_ =	shalt  }
0x87: {  	_ =	shalt  }
.Lfunc_end0:
.L_simem_size_0:
called_computation.6_lowered:
.L_overlay_start_0:
0x88: {  	s2 =	sld [smem:$0x3FD9]  }
0x89: {  	s3 =	sld [smem:$0x3FFE];
	_ =	sdelay $0x1  }
0x8a: {  	s1 =	srdreg.scid  }
0x8b: {  	s0 =	sand.u32 $0x1, s1  }
0x8c: {  	s17 =	sshll.u32 s0, $0xA;
	s2 =	sadd.s32 s3, s2  }
0x8d: {  	s2 =	sadd.s32 s2, s17  }
0x8e: {  	[smem:$0x3FC1] =	sst s2  }
0x8f: {  	_ = 	snop  }
0x90: {  	s18 =	sld [smem:$0x3FC6];
	(tm) =	ssettm $0x1  }
0x91: {  	s19 =	sld [smem:$0x3FFB];
	_ =	sdelay $0x3  }
0x92: {  	_ =	strace s19  }
0x93: {  	s2 =	sld [smem:$0x3FFC];
	_ =	sdelay $0x3  }
0x94: {  	_ =	strace s2  }
0x95: {  	s2 =	sld [smem:$0x3FFD];
	_ =	sdelay $0x3  }
0x96: {  	_ =	strace s2  }
0x97: {  	_ =	strace $0x8FFFFFFF  }
0x98: {  	s20 =	sld [smem:$0x3FDB];
	_ =	sdelay $0x1  }
0x99: {  	s4 =	simm.s32 $_scs_section_size  }
0x9a: {  	s5 =	simm.s32 $_size__tile_overlayer_lowered;
	s6 =	simm.s32 $_tile_overlayer_lowered  }
0x9b: {  	s7 =	simm.s32 $0x1BFF;
	s21 =	sshll.u32 s6, $0x1;
	s4 =	sadd.s32 s4, s20  }
0x9c: {  	s22 =	simm.s32 $0x0;
	s5 =	sshll.u32 s5, $0x1;
	s6 =	sadd.s32 s21, s4  }
0x9d: {  	[timem:s22], [sflag:s7] =	dma.local [hbm:s6], s5  }
0x9e: {  	_ =	swait.ge [sflag:s7], s5  }
0x9f: {  	s5 =	ssub.s32 $0x0, s5;
	[sflag:s7] =	ssyncset.done $0x0  }
0xa0: {  	[sflag:s7] =	ssyncadd.s32 s5;
	_ =	sdelay $0x1  }
0xa1: {  	s23 =	simm.s32 $0x1B8B  }
0xa2: {  	_ =	swait.ge [sflag:s23], $0x1  }
0xa3: {  	[sflag:s23] =	ssyncset.done $0x0  }
0xa4: {  	[sflag:s23] =	ssyncadd.s32 $0xFFFFFFFF  }
0xa5: {  	s5 =	sld [smem:$0x0]  }
0xa6: {  	s6 =	sand.u32 $0xFFFFFFFE, s1  }
0xa7: {  	p0 =	sne.s32 s1, s6  }
0xa8: {  	s6 =	sshll.u32 @p0 s6, $0xE  }
0xa9: {  	s6 =	sadd.s32 @p0 $0x11B8D, s6;
	s7 =	sshll.u32 @p0 s5, $0x11  }
0xaa: {  	s6 =	sor.u32 @p0 s7, s6  }
0xab: {  	[sflag:s6] =	ssyncadd.remote.s32 @p0 $0x1;
	_ =	sdelay $0x1  }
0xac: {  	s6 =	simm.s32 @p0 $0x1B8D  }
0xad: {  	_ =	swait.eq @p0 [sflag:s6], $0x1  }
0xae: {  	[sflag:s6] =	ssyncadd.s32 @p0 $0xFFFFFFFF  }
0xaf: {  	s7 =	sshll.u32 @!p0 s1, $0xE  }
0xb0: {  	s7 =	sor.u32 @!p0 $0x4000, s7;
	s6 =	simm.s32 @!p0 $0x1B8D  }
0xb1: {  	s5 =	sshll.u32 @!p0 s5, $0x11;
	s7 =	sadd.s32 @!p0 $0x11B8D, s7;
	_ =	swait.eq @!p0 [sflag:s6], $0x1  }
0xb2: {  	s5 =	sor.u32 @!p0 s5, s7;
	[sflag:s6] =	ssyncadd.s32 @!p0 $0xFFFFFFFF  }
0xb3: {  	s25 =	simm.s32 $0x1B8E;
	s24 =	sld [smem:$0x3FFE];
	[sflag:s5] =	ssyncadd.remote.s32 @!p0 $0x1  }
0xb4: {  	s26 =	simm.s32 $execute0_lowered;
	[smem:$0x3FD2] =	sst s25  }
0xb5: {  	s6 =	sshll.u32 s26, $0x1;
	_ =	strace $0x8000004F;
	[dreg:$0x1] =	wrdreg $0xFFFFFFFF  }
0xb6: {  	s28 =	simm.s32 $_size_execute0_lowered;
	s4 =	sadd.s32 s4, s6;
	[dreg:$0x0] =	wrdreg $0x0  }
0xb7: {  	s6 =	sshll.u32 s28, $0x1;
	[dreg:$0x2] =	wrdreg s4  }
0xb8: {  	[dreg:$0x3] =	wrdreg s6  }
0xb9: {  	[dreg:$0x4] =	wrdreg $0xC0  }
0xba: {  	_ =	task [dreg:s22], $0x5FFFF  }
0xbb: {  	[dreg:$0x1] =	wrdreg $0xFFFFFFFF  }
0xbc: {  	[dreg:$0x0] =	wrdreg $0x60  }
0xbd: {  	[dreg:$0x2] =	wrdreg s24  }
0xbe: {  	[dreg:$0x3] =	wrdreg s18  }
0xbf: {  	[dreg:$0x4] =	wrdreg $0x38400  }
0xc0: {  	[dreg:$0x5] =	wrdreg $0xA  }
0xc1: {  	_ =	task.clear_ibuf [dreg:s22], $0x6FFFF;
	_ =	strace $0x9000004F  }
0xc2: {  	s29 =	simm.s32 $0xA;
	_ =	strace $0x80000051  }
0xc3: {  	_ =	swait.ge [sflag:s29], $0x1  }
0xc4: {  	[sflag:s29] =	ssyncadd.s32 $0xFFFFFFFF  }
0xc5: {  	_ =	strace $0x90000051  }
0xc6: {  	_ =	sfence  }
0xc7: {  	s30 =	sld [smem:$0x0];
	_ =	sdelay $0x2  }
0xc8: {  	s31 =	sshll.u32 s1, $0xD;
	s1 =	sshrl.u32 s1, $0x2  }
0xc9: {  	s4 =	sand.u32 $0x4000, s31;
	s1 =	sadd.s32 s1, s30  }
0xca: {  	s0 =	sor.u32 s4, s0;
	s1 =	sshll.u32 s1, $0x11  }
0xcb: {  	s0 =	sor.u32 s1, s0  }
0xcc: {  	s0 =	sadd.s32 $0x8F2B, s0  }
0xcd: {  	[sflag:s0] =	ssyncadd.remote.s32 $0x1  }
0xce: {  	_ =	sfence.sel $0xFFFF  }
0xcf: {  	[dreg:$0x0] =	wrdreg $0xFFFFFFFF;
	(pc) =	sbr.abs _section_cstart, $3  }
0xd0: {  	[dreg:$0x1] =	wrdreg $0xFFFFFFFF  }
0xd1: {  	_ =	task.clear_ibuf [dreg:s22], $0x2FFFF;
	_ =	strace $0x9FFFFFFF  }
0xd2: {  	(tm) =	ssettm $0x7FFFFFFF  }
0xd3: {  	_ =	shalt  }
tec
execute0_lowered:
.L_overlay_start_1:
0x0: {  	(tag) =	ssettag $0x1  }
0x1: {  	s8 =	rddreg [dreg:$0x0]  }
0x2: {  	s1 =	rddreg [dreg:$0x1]  }
0x3: {  	s3 =	rddreg [dreg:$0x2]  }
0x4: {  	s0 =	rddreg [dreg:$0x3];
	s4 =	simm.s32 $0x0;
	s5 =	srdreg.scid  }
0x5: {  	s2 =	stileid.u32;
	s15 =	simm.s32 $0x7D0;
	s16 =	simm.s32 $0x50  }
0x6: {  	s17 =	simm.s32 $0x1040;
	s18 =	simm.s32 $0x2440;
	s19 =	simm.s32 $0x1  }
0x7: {  	s20 =	simm.s32 $0xFA0;
	s21 =	simm.s32 $0x2;
	s22 =	simm.s32 $0xFF0  }
0x8: {  	[smem:$0x7FF] =	sst s4;
	s10 =	sand.u32 $0x1, s5;
	s7 =	smul.u32 $0x3100, s2  }
0x9: {  	s5 =	sadd.s32 $0x17DE00, s8;
	s6 =	sadd.s32 $0x55400, s8;
	s13 =	smul.u32 $0x62000, s2  }
0xa: {  	s31 =	sshll.u32 s2, $0x6;
	s9 =	smul.u32 $0x31000, s10;
	s11 =	ssub.s32 $0x2, s10  }
0xb: {  	_ =	strace $0x80000050;
	s10 =	smul.u32 $0xC3500, s10;
	s12 =	sshrl.u32 s11, $0x1  }
0xc: {  	s30 =	sshrl.u32 s13, $0x2;
	s9 =	sadd.s32 s7, s9;
	s7 =	sadd.s32 $0xD600, s8  }
0xd: {  	s12 =	ssub.s32 s11, s12;
	s13 =	sadd.s32 s30, s3;
	s14 =	sadd.s32 s9, s8  }
0xe: {  	s8 =	smul.u32 $0xC350, s2;
	s9 =	sor.u32 $0x1C03, s31;
	s12 =	smax.u32 s12, $0x1  }
0xf: {  	s13 =	sshrl.u32 s13, $0x3;
	s11 =	sadd.s32 $0x1DFA00, s14;
	s14 =	simm.s32 $0x3  }
.LBB2_1:
0x10: {  	[spmem:s13], [sflag:s9] =	dma.local [hbm:s7], $0x3100  }
0x11: {  	_ =	swait.ge [sflag:s14], $0x3100  }
0x12: {  	[sflag:s14] =	ssyncset.done $0x0  }
0x13: {  	[sflag:s14] =	ssyncadd.s32 $0xFFFFCF00  }
0x14: {  	s23 =	simm.s32 $0x0;
	[bflag:$0x0] =	sbarrier.arrive $0xFFFF  }
.LBB2_2:
0x15: {  	s24 =	smul.u32 $0x7D0, s23;
	_ =	sdelay $0x1  }
0x16: {  	s24 =	sadd.s32 s8, s24  }
0x17: {  	s25 =	sshrl.u32 s24, $0x3  }
0x18: {  	s26 =	simm.s32 $0x0;
	s25 =	sadd.s32 s1, s25  }
0x19: {  	[tilespmem:s26], [sflag:$0x3] =	stream.linear.gather [hbm4b:s25+s26], $0x7D0, $0x38;
	[tilespmem:$0x1C040] =	vst v63  }
0x1a: {  	s24 =	sadd.s32 s10, s24;
	_ =	swait.ge [sflag:s14], $0x7D0  }
0x1b: {  	s24 =	sshrl.u32 s24, $0x3;
	[sflag:s14] =	ssyncset.done $0x0  }
0x1c: {  	s24 =	sadd.s32 s6, s24;
	[sflag:s14] =	ssyncadd.s32 $0xFFFFF830  }
0x1d: {  	[tilespmem:s15], [sflag:$0x3] =	stream.linear.gather [hbm4b:s24+s26], $0x7D0, $0x38;
	[tilespmem:$0x1C040] =	vst v63  }
0x1e: {  	_ =	swait.ge [sflag:s14], $0x7D0  }
0x1f: {  	[sflag:s14] =	ssyncset.done $0x0  }
0x20: {  	[sflag:s14] =	ssyncadd.s32 $0xFFFFF830  }
0x21: {  	[tilespmem:s17], [sflag:$0x1] =	stream.indirect.gather [hbm4b:s5+s16], $0x40, s26, s16, $0xb8;
	[tilespmem:$0x1C040] =	vst v63  }
0x22: {  	s29 =	simm.s32 $0x50  }
0x23: {  	[tilespmem:s18], [sflag:$0x2] =	stream.indirect.gather [hbm4b:s5+s16], $0x40, s29, s16, $0xb8;
	[tilespmem:$0x1C040] =	vst v63  }
0x24: {  	_ =	swait.ge [sflag:s19], $0x1400  }
0x25: {  	[sflag:s19] =	ssyncset.done $0x0  }
0x26: {  	s30 =	simm.s32 $0x0;
	[sflag:s19] =	ssyncadd.s32 $0xFFFFEC00  }
0x27: {  	v0 =	vld [tilespmem:s30+$0x7D0];
	_ =	sdelay $0x4  }
0x28: {  	[tilespmem:$0xFA0] =	vst v0  }
0x29: {  	v0 =	vld [tilespmem:s30+$0x7E0];
	_ =	sdelay $0x4  }
0x2a: {  	[tilespmem:$0xFB0] =	vst v0  }
0x2b: {  	v0 =	vld [tilespmem:s30+$0x7F0];
	_ =	sdelay $0x4  }
0x2c: {  	[tilespmem:$0xFC0] =	vst v0  }
0x2d: {  	v0 =	vld [tilespmem:s30+$0x800];
	_ =	sdelay $0x4  }
0x2e: {  	[tilespmem:$0xFD0] =	vst v0  }
0x2f: {  	v0 =	vld [tilespmem:s30+$0x810];
	_ =	sdelay $0x4  }
0x30: {  	[tilespmem:$0xFE0] =	vst v0  }
0x31: {  	[spmem:s3] =	stream.indirect.scatter.add.f32 [tilespmem:s17], [sflag:$0x3], $0x40, s20, s16, $0xb8;
	[tilespmem:$0x1C040] =	vst v63  }
0x32: {  	_ =	swait.ge [sflag:s14], $0x1400  }
0x33: {  	[sflag:s14] =	ssyncset.done $0x0  }
0x34: {  	s31 =	simm.s32 $0xA0;
	[sflag:s14] =	ssyncadd.s32 $0xFFFFEC00  }
0x35: {  	[tilespmem:s17], [sflag:$0x1] =	stream.indirect.gather [hbm4b:s5+s16], $0x40, s31, s16, $0xb8;
	[tilespmem:$0x1C040] =	vst v63  }
0x36: {  	_ =	swait.ge [sflag:s21], $0x1400  }
0x37: {  	[sflag:s21] =	ssyncset.done $0x0  }
0x38: {  	[sflag:s21] =	ssyncadd.s32 $0xFFFFEC00  }
0x39: {  	v63 =	vld [tilespmem:s30+$0x820];
	_ =	sdelay $0x4  }
0x3a: {  	[tilespmem:$0xFF0] =	vst v63  }
0x3b: {  	v0 =	vld [tilespmem:s30+$0x830];
	_ =	sdelay $0x4  }
0x3c: {  	[tilespmem:$0x1000] =	vst v0  }
0x3d: {  	v0 =	vld [tilespmem:s30+$0x840];
	_ =	sdelay $0x4  }
0x3e: {  	[tilespmem:$0x1010] =	vst v0  }
0x3f: {  	v0 =	vld [tilespmem:s30+$0x850];
	_ =	sdelay $0x4  }
0x40: {  	[tilespmem:$0x1020] =	vst v0  }
0x41: {  	v0 =	vld [tilespmem:s30+$0x860];
	_ =	sdelay $0x4  }
0x42: {  	[tilespmem:$0x1030] =	vst v0  }
0x43: {  	[spmem:s3] =	stream.indirect.scatter.add.f32 [tilespmem:s18], [sflag:$0x3], $0x40, s22, s16, $0xb8;
	[tilespmem:$0x1C040] =	vst v63  }
0x44: {  	_ =	swait.ge [sflag:s14], $0x1400  }
0x45: {  	s28 =	simm.s32 $0x500;
	s24 =	simm.s32 $0xA0;
	[sflag:s14] =	ssyncset.done $0x0  }
.LBB2_3:
0x46: {  	s29 =	sadd.s32 $0x50, s24  }
0x47: {  	[sflag:s14] =	ssyncadd.s32 $0xFFFFEC00;
	s26 =	smov.u32 s28;
	s25 =	sadd.s32 $0x280, s28  }
0x48: {  	[tilespmem:s18], [sflag:$0x2] =	stream.indirect.gather [hbm4b:s5+s16], $0x40, s29, s16, $0xb8;
	[tilespmem:$0x1C040] =	vst v63  }
0x49: {  	p0 =	sne.s32 s28, $0x1B80;
	_ =	swait.ge [sflag:s19], $0x1400  }
0x4a: {  	[sflag:s19] =	ssyncset.done $0x0  }
0x4b: {  	[sflag:s19] =	ssyncadd.s32 $0xFFFFEC00  }
0x4c: {  	v0 =	vld [tilespmem:s24+$0x7D0];
	_ =	sdelay $0x4  }
0x4d: {  	[tilespmem:$0xFA0] =	vst v0  }
0x4e: {  	v0 =	vld [tilespmem:s24+$0x7E0];
	_ =	sdelay $0x4  }
0x4f: {  	[tilespmem:$0xFB0] =	vst v0  }
0x50: {  	v0 =	vld [tilespmem:s24+$0x7F0];
	_ =	sdelay $0x4  }
0x51: {  	[tilespmem:$0xFC0] =	vst v0  }
0x52: {  	v0 =	vld [tilespmem:s24+$0x800];
	_ =	sdelay $0x4  }
0x53: {  	[tilespmem:$0xFD0] =	vst v0  }
0x54: {  	v0 =	vld [tilespmem:s24+$0x810];
	_ =	sdelay $0x4  }
0x55: {  	[tilespmem:$0xFE0] =	vst v0  }
0x56: {  	[spmem:s3] =	stream.indirect.scatter.add.f32 [tilespmem:s17], [sflag:$0x3], $0x40, s20, s16, $0xb8;
	[tilespmem:$0x1C040] =	vst v63  }
0x57: {  	_ =	swait.ge [sflag:s14], $0x1400  }
0x58: {  	[sflag:s14] =	ssyncset.done $0x0  }
0x59: {  	s28 =	sadd.s32 $0xA0, s24;
	[sflag:s14] =	ssyncadd.s32 $0xFFFFEC00  }
0x5a: {  	[tilespmem:s17], [sflag:$0x1] =	stream.indirect.gather [hbm4b:s5+s16], $0x40, s28, s16, $0xb8;
	[tilespmem:$0x1C040] =	vst v63  }
0x5b: {  	_ =	swait.ge [sflag:s21], $0x1400  }
0x5c: {  	[sflag:s21] =	ssyncset.done $0x0  }
0x5d: {  	[sflag:s21] =	ssyncadd.s32 $0xFFFFEC00  }
0x5e: {  	v0 =	vld [tilespmem:s24+$0x820];
	_ =	sdelay $0x4  }
0x5f: {  	[tilespmem:$0xFF0] =	vst v0  }
0x60: {  	v0 =	vld [tilespmem:s24+$0x830];
	_ =	sdelay $0x4  }
0x61: {  	[tilespmem:$0x1000] =	vst v0  }
0x62: {  	v0 =	vld [tilespmem:s24+$0x840];
	_ =	sdelay $0x4  }
0x63: {  	[tilespmem:$0x1010] =	vst v0  }
0x64: {  	v0 =	vld [tilespmem:s24+$0x850];
	_ =	sdelay $0x4  }
0x65: {  	[tilespmem:$0x1020] =	vst v0  }
0x66: {  	v0 =	vld [tilespmem:s24+$0x860];
	_ =	sdelay $0x3  }
.Ltmp0:
0x67: {  	(pc) =	sbr.rel @p0 .LBB2_3-.Ltmp0, $4  }
0x68: {  	[tilespmem:$0x1030] =	vst v0  }
0x69: {  	[spmem:s3] =	stream.indirect.scatter.add.f32 [tilespmem:s18], [sflag:$0x3], $0x40, s22, s16, $0xb8;
	[tilespmem:$0x1C040] =	vst v63  }
0x6a: {  	_ =	swait.ge [sflag:s14], $0x1400  }
0x6b: {  	s28 =	smov.u32 s25;
	s24 =	sshra.s32 s26, $0x2;
	[sflag:s14] =	ssyncset.done $0x0  }
0x6c: {  	s25 =	sadd.s32 $0x50, s24;
	[sflag:s14] =	ssyncadd.s32 $0xFFFFEC00  }
0x6d: {  	[tilespmem:s18], [sflag:$0x2] =	stream.indirect.gather [hbm4b:s5+s16], $0x40, s25, s16, $0xb8;
	[tilespmem:$0x1C040] =	vst v63  }
0x6e: {  	_ =	swait.ge [sflag:s19], $0x1400  }
0x6f: {  	[sflag:s19] =	ssyncset.done $0x0  }
0x70: {  	[sflag:s19] =	ssyncadd.s32 $0xFFFFEC00  }
0x71: {  	v0 =	vld [tilespmem:s24+$0x7D0];
	_ =	sdelay $0x4  }
0x72: {  	[tilespmem:$0xFA0] =	vst v0  }
0x73: {  	v0 =	vld [tilespmem:s24+$0x7E0];
	_ =	sdelay $0x4  }
0x74: {  	[tilespmem:$0xFB0] =	vst v0  }
0x75: {  	v0 =	vld [tilespmem:s24+$0x7F0];
	_ =	sdelay $0x4  }
0x76: {  	[tilespmem:$0xFC0] =	vst v0  }
0x77: {  	v0 =	vld [tilespmem:s24+$0x800];
	_ =	sdelay $0x4  }
0x78: {  	[tilespmem:$0xFD0] =	vst v0  }
0x79: {  	v0 =	vld [tilespmem:s24+$0x810];
	_ =	sdelay $0x4  }
0x7a: {  	[tilespmem:$0xFE0] =	vst v0  }
0x7b: {  	[spmem:s3] =	stream.indirect.scatter.add.f32 [tilespmem:s17], [sflag:$0x3], $0x40, s20, s16, $0xb8;
	[tilespmem:$0x1C040] =	vst v63  }
0x7c: {  	_ =	swait.ge [sflag:s14], $0x1400  }
0x7d: {  	[sflag:s14] =	ssyncset.done $0x0  }
0x7e: {  	s31 =	sadd.s32 $0xA0, s24;
	[sflag:s14] =	ssyncadd.s32 $0xFFFFEC00  }
0x7f: {  	[tilespmem:s17], [sflag:$0x1] =	stream.indirect.gather [hbm4b:s5+s16], $0x40, s31, s16, $0xb8;
	[tilespmem:$0x1C040] =	vst v63  }
0x80: {  	_ =	swait.ge [sflag:s21], $0x1400  }
0x81: {  	[sflag:s21] =	ssyncset.done $0x0  }
0x82: {  	[sflag:s21] =	ssyncadd.s32 $0xFFFFEC00  }
0x83: {  	v62 =	vld [tilespmem:s24+$0x820];
	_ =	sdelay $0x4  }
0x84: {  	[tilespmem:$0xFF0] =	vst v62  }
0x85: {  	v0 =	vld [tilespmem:s24+$0x830];
	_ =	sdelay $0x4  }
0x86: {  	[tilespmem:$0x1000] =	vst v0  }
0x87: {  	v0 =	vld [tilespmem:s24+$0x840];
	_ =	sdelay $0x4  }
0x88: {  	[tilespmem:$0x1010] =	vst v0  }
0x89: {  	v0 =	vld [tilespmem:s24+$0x850];
	_ =	sdelay $0x4  }
0x8a: {  	[tilespmem:$0x1020] =	vst v0  }
0x8b: {  	v0 =	vld [tilespmem:s24+$0x860];
	_ =	sdelay $0x4  }
0x8c: {  	[tilespmem:$0x1030] =	vst v0  }
0x8d: {  	[spmem:s3] =	stream.indirect.scatter.add.f32 [tilespmem:s18], [sflag:$0x3], $0x40, s22, s16, $0xb8;
	[tilespmem:$0x1C040] =	vst v63  }
0x8e: {  	_ =	swait.ge [sflag:s14], $0x1400  }
0x8f: {  	[sflag:s14] =	ssyncset.done $0x0  }
0x90: {  	[sflag:s14] =	ssyncadd.s32 $0xFFFFEC00  }
0x91: {  	_ =	swait.ge [sflag:s19], $0x1400  }
0x92: {  	[sflag:s19] =	ssyncset.done $0x0  }
0x93: {  	[sflag:s19] =	ssyncadd.s32 $0xFFFFEC00  }
0x94: {  	v63 =	vld [tilespmem:$0xF50]  }
0x95: {  	v1 =	vld [tilespmem:$0xF60]  }
0x96: {  	v2 =	vld [tilespmem:$0xF70]  }
0x97: {  	v3 =	vld [tilespmem:$0xF80]  }
0x98: {  	v4 =	vld [tilespmem:$0xF90]  }
0x99: {  	[tilespmem:$0xFA0] =	vst v63  }
0x9a: {  	[tilespmem:$0xFB0] =	vst v1  }
0x9b: {  	s23 =	sadd.s32 $0x1, s23;
	[tilespmem:$0xFC0] =	vst v2  }
0x9c: {  	p0 =	sne.s32 s23, $0x19;
	[tilespmem:$0xFD0] =	vst v3  }
.Ltmp1:
0x9d: {  	[tilespmem:$0xFE0] =	vst v4;
	(pc) =	sbr.rel @p0 .LBB2_2-.Ltmp1, $4  }
0x9e: {  	[spmem:s3] =	stream.indirect.scatter.add.f32 [tilespmem:s17], [sflag:$0x3], $0x40, s20, s16, $0xb8;
	[tilespmem:$0x1C040] =	vst v63  }
0x9f: {  	_ =	swait.ge [sflag:s14], $0x1400  }
0xa0: {  	[sflag:s14] =	ssyncset.done $0x0  }
0xa1: {  	[sflag:s14] =	ssyncadd.s32 $0xFFFFEC00  }
0xa2: {  	s4 =	sadd.s32 $0x1, s4  }
0xa3: {  	p0 =	sne.s32 s4, s12  }
.Ltmp2:
0xa4: {  	[bflag:$0x0] =	sbarrier.arrive $0xFFFF;
	(pc) =	sbr.rel @p0 .LBB2_1-.Ltmp2, $4  }
0xa5: {  	[hbm:s11], [sflag:s9] =	dma.local [spmem:s13], $0x3100  }
0xa6: {  	_ =	swait.ge [sflag:s14], $0x3100  }
0xa7: {  	[sflag:s14] =	ssyncset.done $0x0  }
0xa8: {  	[sflag:s14] =	ssyncadd.s32 $0xFFFFCF00  }
0xa9: {  	_ =	sfence.sel $0x180000  }
0xaa: {  	[bflag:$0x0] =	sbarrier.arrive $0xFFFF  }
0xab: {  	p0 =	sne.s32 s2, $0x0;
	_ =	strace $0x90000050  }
0xac: {  	s0 =	sadd.s32 @!p0 $0x100000, s0;
	[bflag:$0x2] =	sbarrier.arrive $0xFFFF  }
0xad: {  	[sflag:s0] =	ssyncadd.tile.s32 @!p0 $0x1;
	_ =	shalt  }
.Lfunc_end2:
_tile_overlayer_lowered:
.L_overlay_start_2:
0xae: {  	(tag) =	ssettag $0x2  }
0xaf: {  	s0 =	rddreg [dreg:$0x0];
	s2 =	stileid.u32  }
0xb0: {  	s1 =	rddreg [dreg:$0x1];
	p0 =	sne.s32 s2, $0x0  }
0xb1: {  	s3 =	rddreg [dreg:$0x2];
	[bflag:$0x3] =	sbarrier.arrive $0xFFFF;
	s2 =	simm.s32 @!p0 $0x1C03  }
0xb2: {  	[timem:s3], [sflag:s2] =	dma.local @!p0 [hbm:s0], s1  }
0xb3: {  	s0 =	simm.s32 @!p0 $0x3  }
0xb4: {  	_ =	swait.ge @!p0 [sflag:s0], s1  }
0xb5: {  	s1 =	ssub.s32 @!p0 $0x0, s1;
	[sflag:s0] =	ssyncset.done @!p0 $0x0  }
0xb6: {  	[sflag:s0] =	ssyncadd.s32 @!p0 s1  }
0xb7: {  	[bflag:$0x3] =	sbarrier.arrive $0xFFFF  }
0xb8: {  	_ =	shalt  }

// kernel: kernel.14.cloned.1.call-start
scs
__scs_entry_jumppad:
0x0: {  	(pc) =	sbr.rel $0x88, $3  }
0x1: {  	(tag) =	ssettag $0x0;
	lr =	simm.s32 $0x1  }
0x2: {  	[smem:$0x3F9A] =	sst lr;
	_ =	strace $0xD0000000  }
0x3: {  	_ = 	snop  }
0x4: {  	_ = 	snop  }
0x5: {  	_ = 	snop  }
0x6: {  	_ = 	snop  }
0x7: {  	_ = 	snop  }
__scs_overlays_trampoline_lowered:
0x8: {  	[smem:$0x3FA9] =	sst s0  }
0x9: {  	[smem:$0x3FAA] =	sst s1  }
0xa: {  	[smem:$0x3FAB] =	sst s2  }
0xb: {  	[smem:$0x3FAC] =	sst s3  }
0xc: {  	[smem:$0x3FAD] =	sst s4  }
0xd: {  	[smem:$0x3FAE] =	sst s5  }
0xe: {  	[smem:$0x3FAF] =	sst s6  }
0xf: {  	[smem:$0x3FB0] =	sst s7  }
0x10: {  	[smem:$0x3FB1] =	sst s8  }
0x11: {  	[smem:$0x3FB2] =	sst s9;
	s0 =	simm.s32 @!p0 $0x0  }
0x12: {  	s1 =	sld [smem:$0x3F98];
	s0 =	simm.s32 @p0 $0x1  }
0x13: {  	[smem:$0x3FB3] =	sst s0;
	s0 =	simm.s32 @!p1 $0x0  }
0x14: {  	s2 =	sld [smem:$0x3F97];
	s0 =	simm.s32 @p1 $0x1  }
0x15: {  	[smem:$0x3FB4] =	sst s0;
	s0 =	simm.s32 @!p2 $0x0  }
0x16: {  	s3 =	sld [smem:$0x3FDB];
	s0 =	simm.s32 @p2 $0x1  }
0x17: {  	s4 =	simm.s32 $0x1BF5;
	[smem:$0x3FB6] =	sst s0  }
0x18: {  	s0 =	sld [smem:$0x3F99];
	_ =	swait.ge [sflag:s4], $0x0  }
0x19: {  	s7 =	sld [smem:$0x3F9A]  }
0x1a: {  	s8 =	sadd.s32 $0xFFFFE003, lr  }
0x1b: {  	s9 =	sadd.s32 $0xFFFFFEF7, lr;
	s5 =	simm.s32 $0xFFFFFFFF;
	p2 =	slt.u32 s8, $0xFFFFF086  }
0x1c: {  	p1 =	slt.u32 s9, $0xF7A;
	s5 =	simm.s32 @!p2 $0x0  }
0x1d: {  	s5 =	simm.s32 @p1 $0x1;
	p0 =	seq.s32 s7, s2  }
0x1e: {  	s7 =	smul.u32 @!p0 $0xF7A, s2;
	p2 =	seq.s32 @!p0 s5, $0x0  }
0x1f: {  	s9 =	smul.u32 $0xF7A, s1;
	s8 =	simm.s32 @!p0 $0x1BF5;
	p2 =	por !p2, p0  }
0x20: {  	[sflag:s8] =	ssyncset.s32 @!p0 $0xFFFFF086;
	s6 =	sadd.s32 @!p0 s3, s7;
	s7 =	simm.s32 @!p0 $0x108  }
0x21: {  	s3 =	sadd.s32 s3, s9;
	s6 =	sadd.s32 @!p0 $0x88, s6;
	s7 =	simm.s32 @p2 $0x1082  }
0x22: {  	[simem:s7], [sflag:s8] =	dma.local @!p0 [hbm:s6], $0xF7A  }
0x23: {  	s9 =	sor.u32 $0xD0000000, s2;
	s6 =	simm.s32 $0x108;
	_ =	swait.ge @!p0 [sflag:s8], $0x0  }
0x24: {  	s3 =	sadd.s32 $0x88, s3;
	s6 =	simm.s32 @!p1 $0x1082;
	[sflag:s4] =	ssyncset.s32 $0xFFFFF086  }
0x25: {  	[simem:s6], [sflag:s4] =	dma.local [hbm:s3], $0xF7A  }
0x26: {  	[smem:$0x3F9A] =	sst s1;
	(tag) =	ssettag s2;
	_ =	strace s9  }
0x27: {  	s1 =	sld [smem:$0x3FAA]  }
0x28: {  	s2 =	sld [smem:$0x3FAB]  }
0x29: {  	s4 =	sld [smem:$0x3FAD]  }
0x2a: {  	p0 =	seq.s32 s5, $0x0;
	s5 =	sld [smem:$0x3FAE]  }
0x2b: {  	s6 =	sld [smem:$0x3FAF]  }
0x2c: {  	s7 =	sld [smem:$0x3FB0]  }
0x2d: {  	s3 =	simm.s32 $0x108;
	s8 =	sld [smem:$0x3FB1]  }
0x2e: {  	s3 =	simm.s32 @!p0 $0x1082;
	s9 =	sld [smem:$0x3FB2]  }
0x2f: {  	lr =	sadd.s32 s0, s3;
	s0 =	sld [smem:$0x3FA9]  }
0x30: {  	s3 =	sld [smem:$0x3FAC]  }
0x31: {  	[smem:$0x3FB5] =	sst s10  }
0x32: {  	s10 =	sld [smem:$0x3FB3];
	_ =	sdelay $0x3  }
0x33: {  	p0 =	seq.s32 s10, $0x1;
	s10 =	sld [smem:$0x3FB5];
	_ =	sdelay $0x3  }
0x34: {  	[smem:$0x3FB5] =	sst s10  }
0x35: {  	s10 =	sld [smem:$0x3FB4];
	_ =	sdelay $0x3  }
0x36: {  	p1 =	seq.s32 s10, $0x1;
	s10 =	sld [smem:$0x3FB5];
	_ =	sdelay $0x3  }
0x37: {  	[smem:$0x3FB5] =	sst s10  }
0x38: {  	s10 =	sld [smem:$0x3FB6]  }
0x39: {  	_ = 	snop;
	(pc) =	sbr.ind lr, $3  }
0x3a: {  	_ = 	snop  }
0x3b: {  	_ = 	snop  }
0x3c: {  	p2 =	seq.s32 s10, $0x1;
	s10 =	sld [smem:$0x3FB5]  }
0x3d: {  	_ =	shalt  }
0x3e: {  	_ =	shalt  }
0x3f: {  	_ =	shalt  }
0x40: {  	_ =	shalt  }
0x41: {  	_ =	shalt  }
0x42: {  	_ =	shalt  }
0x43: {  	_ =	shalt  }
0x44: {  	_ =	shalt  }
0x45: {  	_ =	shalt  }
0x46: {  	_ =	shalt  }
0x47: {  	_ =	shalt  }
0x48: {  	_ =	shalt  }
0x49: {  	_ =	shalt  }
0x4a: {  	_ =	shalt  }
0x4b: {  	_ =	shalt  }
0x4c: {  	_ =	shalt  }
0x4d: {  	_ =	shalt  }
0x4e: {  	_ =	shalt  }
0x4f: {  	_ =	shalt  }
0x50: {  	_ =	shalt  }
0x51: {  	_ =	shalt  }
0x52: {  	_ =	shalt  }
0x53: {  	_ =	shalt  }
0x54: {  	_ =	shalt  }
0x55: {  	_ =	shalt  }
0x56: {  	_ =	shalt  }
0x57: {  	_ =	shalt  }
0x58: {  	_ =	shalt  }
0x59: {  	_ =	shalt  }
0x5a: {  	_ =	shalt  }
0x5b: {  	_ =	shalt  }
0x5c: {  	_ =	shalt  }
0x5d: {  	_ =	shalt  }
0x5e: {  	_ =	shalt  }
0x5f: {  	_ =	shalt  }
0x60: {  	_ =	shalt  }
0x61: {  	_ =	shalt  }
0x62: {  	_ =	shalt  }
0x63: {  	_ =	shalt  }
0x64: {  	_ =	shalt  }
0x65: {  	_ =	shalt  }
0x66: {  	_ =	shalt  }
0x67: {  	_ =	shalt  }
0x68: {  	_ =	shalt  }
0x69: {  	_ =	shalt  }
0x6a: {  	_ =	shalt  }
0x6b: {  	_ =	shalt  }
0x6c: {  	_ =	shalt  }
0x6d: {  	_ =	shalt  }
0x6e: {  	_ =	shalt  }
0x6f: {  	_ =	shalt  }
0x70: {  	_ =	shalt  }
0x71: {  	_ =	shalt  }
0x72: {  	_ =	shalt  }
0x73: {  	_ =	shalt  }
0x74: {  	_ =	shalt  }
0x75: {  	_ =	shalt  }
0x76: {  	_ =	shalt  }
0x77: {  	_ =	shalt  }
0x78: {  	_ =	shalt  }
0x79: {  	_ =	shalt  }
0x7a: {  	_ =	shalt  }
0x7b: {  	_ =	shalt  }
0x7c: {  	_ =	shalt  }
0x7d: {  	_ =	shalt  }
0x7e: {  	_ =	shalt  }
0x7f: {  	_ =	shalt  }
0x80: {  	_ =	shalt  }
0x81: {  	_ =	shalt  }
0x82: {  	_ =	shalt  }
0x83: {  	_ =	shalt  }
0x84: {  	_ =	shalt  }
0x85: {  	_ =	shalt  }
0x86: {  	_ =	shalt  }
0x87: {  	_ =	shalt  }
.Lfunc_end0:
.L_simem_size_0:
called_computation.7_lowered:
.L_overlay_start_0:
0x88: {  	s2 =	sld [smem:$0x3FD9]  }
0x89: {  	s3 =	sld [smem:$0x3FFE];
	_ =	sdelay $0x1  }
0x8a: {  	s1 =	srdreg.scid  }
0x8b: {  	s0 =	sand.u32 $0x1, s1  }
0x8c: {  	s17 =	sshll.u32 s0, $0xA;
	s2 =	sadd.s32 s3, s2  }
0x8d: {  	s2 =	sadd.s32 s2, s17  }
0x8e: {  	[smem:$0x3FC1] =	sst s2  }
0x8f: {  	_ = 	snop  }
0x90: {  	s18 =	sld [smem:$0x3FC5];
	(tm) =	ssettm $0x1  }
0x91: {  	s19 =	sld [smem:$0x3FFB];
	_ =	sdelay $0x3  }
0x92: {  	_ =	strace s19  }
0x93: {  	s2 =	sld [smem:$0x3FFC];
	_ =	sdelay $0x3  }
0x94: {  	_ =	strace s2  }
0x95: {  	s2 =	sld [smem:$0x3FFD];
	_ =	sdelay $0x3  }
0x96: {  	_ =	strace s2  }
0x97: {  	_ =	strace $0x8FFFFFFF  }
0x98: {  	s20 =	sld [smem:$0x3FDB];
	_ =	sdelay $0x1  }
0x99: {  	s4 =	simm.s32 $_scs_section_size  }
0x9a: {  	s5 =	simm.s32 $_size__tile_overlayer_lowered;
	s6 =	simm.s32 $_tile_overlayer_lowered  }
0x9b: {  	s7 =	simm.s32 $0x1BFF;
	s21 =	sshll.u32 s6, $0x1;
	s4 =	sadd.s32 s4, s20  }
0x9c: {  	s22 =	simm.s32 $0x0;
	s5 =	sshll.u32 s5, $0x1;
	s6 =	sadd.s32 s21, s4  }
0x9d: {  	[timem:s22], [sflag:s7] =	dma.local [hbm:s6], s5  }
0x9e: {  	_ =	swait.ge [sflag:s7], s5  }
0x9f: {  	s5 =	ssub.s32 $0x0, s5;
	[sflag:s7] =	ssyncset.done $0x0  }
0xa0: {  	[sflag:s7] =	ssyncadd.s32 s5;
	_ =	sdelay $0x1  }
0xa1: {  	s23 =	simm.s32 $0x1B8B  }
0xa2: {  	_ =	swait.ge [sflag:s23], $0x1  }
0xa3: {  	[sflag:s23] =	ssyncset.done $0x0  }
0xa4: {  	[sflag:s23] =	ssyncadd.s32 $0xFFFFFFFF  }
0xa5: {  	s5 =	sld [smem:$0x0]  }
0xa6: {  	s6 =	sand.u32 $0xFFFFFFFE, s1  }
0xa7: {  	p0 =	sne.s32 s1, s6  }
0xa8: {  	s6 =	sshll.u32 @p0 s6, $0xE  }
0xa9: {  	s6 =	sadd.s32 @p0 $0x11B8D, s6;
	s7 =	sshll.u32 @p0 s5, $0x11  }
0xaa: {  	s6 =	sor.u32 @p0 s7, s6  }
0xab: {  	[sflag:s6] =	ssyncadd.remote.s32 @p0 $0x1;
	_ =	sdelay $0x1  }
0xac: {  	s6 =	simm.s32 @p0 $0x1B8D  }
0xad: {  	_ =	swait.eq @p0 [sflag:s6], $0x1  }
0xae: {  	[sflag:s6] =	ssyncadd.s32 @p0 $0xFFFFFFFF  }
0xaf: {  	s7 =	sshll.u32 @!p0 s1, $0xE  }
0xb0: {  	s7 =	sor.u32 @!p0 $0x4000, s7;
	s6 =	simm.s32 @!p0 $0x1B8D  }
0xb1: {  	s5 =	sshll.u32 @!p0 s5, $0x11;
	s7 =	sadd.s32 @!p0 $0x11B8D, s7;
	_ =	swait.eq @!p0 [sflag:s6], $0x1  }
0xb2: {  	s5 =	sor.u32 @!p0 s5, s7;
	[sflag:s6] =	ssyncadd.s32 @!p0 $0xFFFFFFFF  }
0xb3: {  	s25 =	simm.s32 $0x1B8E;
	s24 =	sld [smem:$0x3FFE];
	[sflag:s5] =	ssyncadd.remote.s32 @!p0 $0x1  }
0xb4: {  	s26 =	simm.s32 $execute0_lowered;
	[smem:$0x3FD2] =	sst s25  }
0xb5: {  	s6 =	sshll.u32 s26, $0x1;
	_ =	strace $0x80000055;
	[dreg:$0x1] =	wrdreg $0xFFFFFFFF  }
0xb6: {  	s28 =	simm.s32 $_size_execute0_lowered;
	s4 =	sadd.s32 s4, s6;
	[dreg:$0x0] =	wrdreg $0x0  }
0xb7: {  	s6 =	sshll.u32 s28, $0x1;
	[dreg:$0x2] =	wrdreg s4  }
0xb8: {  	[dreg:$0x3] =	wrdreg s6  }
0xb9: {  	[dreg:$0x4] =	wrdreg $0xC0  }
0xba: {  	_ =	task [dreg:s22], $0x5FFFF  }
0xbb: {  	[dreg:$0x1] =	wrdreg $0xFFFFFFFF  }
0xbc: {  	[dreg:$0x0] =	wrdreg $0x60  }
0xbd: {  	[dreg:$0x2] =	wrdreg s24  }
0xbe: {  	[dreg:$0x3] =	wrdreg s18  }
0xbf: {  	[dreg:$0x4] =	wrdreg $0x38400  }
0xc0: {  	[dreg:$0x5] =	wrdreg $0xA  }
0xc1: {  	_ =	task.clear_ibuf [dreg:s22], $0x6FFFF;
	_ =	strace $0x90000055  }
0xc2: {  	s29 =	simm.s32 $0xA;
	_ =	strace $0x80000057  }
0xc3: {  	_ =	swait.ge [sflag:s29], $0x1  }
0xc4: {  	[sflag:s29] =	ssyncadd.s32 $0xFFFFFFFF  }
0xc5: {  	_ =	strace $0x90000057  }
0xc6: {  	_ =	sfence  }
0xc7: {  	s30 =	sld [smem:$0x0];
	_ =	sdelay $0x2  }
0xc8: {  	s31 =	sshll.u32 s1, $0xD;
	s1 =	sshrl.u32 s1, $0x2  }
0xc9: {  	s4 =	sand.u32 $0x4000, s31;
	s1 =	sadd.s32 s1, s30  }
0xca: {  	s0 =	sor.u32 s4, s0;
	s1 =	sshll.u32 s1, $0x11  }
0xcb: {  	s0 =	sor.u32 s1, s0  }
0xcc: {  	s0 =	sadd.s32 $0x8F2B, s0  }
0xcd: {  	[sflag:s0] =	ssyncadd.remote.s32 $0x1  }
0xce: {  	_ =	sfence.sel $0xFFFF  }
0xcf: {  	[dreg:$0x0] =	wrdreg $0xFFFFFFFF;
	(pc) =	sbr.abs _section_cstart, $3  }
0xd0: {  	[dreg:$0x1] =	wrdreg $0xFFFFFFFF  }
0xd1: {  	_ =	task.clear_ibuf [dreg:s22], $0x2FFFF;
	_ =	strace $0x9FFFFFFF  }
0xd2: {  	(tm) =	ssettm $0x7FFFFFFF  }
0xd3: {  	_ =	shalt  }
tec
execute0_lowered:
.L_overlay_start_1:
0x0: {  	(tag) =	ssettag $0x1  }
0x1: {  	s8 =	rddreg [dreg:$0x0]  }
0x2: {  	s1 =	rddreg [dreg:$0x1]  }
0x3: {  	s3 =	rddreg [dreg:$0x2]  }
0x4: {  	s0 =	rddreg [dreg:$0x3];
	s4 =	simm.s32 $0x0;
	s5 =	srdreg.scid  }
0x5: {  	s2 =	stileid.u32;
	s15 =	simm.s32 $0x7D0;
	s16 =	simm.s32 $0x50  }
0x6: {  	s17 =	simm.s32 $0x1040;
	s18 =	simm.s32 $0x2440;
	s19 =	simm.s32 $0x1  }
0x7: {  	s20 =	simm.s32 $0xFA0;
	s21 =	simm.s32 $0x2;
	s22 =	simm.s32 $0xFF0  }
0x8: {  	[smem:$0x7FF] =	sst s4;
	s10 =	sand.u32 $0x1, s5;
	s7 =	smul.u32 $0x3100, s2  }
0x9: {  	s5 =	sadd.s32 $0x367000, s8;
	s6 =	sadd.s32 $0x10800, s8;
	s13 =	smul.u32 $0x62000, s2  }
0xa: {  	s31 =	sshll.u32 s2, $0x6;
	s9 =	smul.u32 $0x31000, s10;
	s11 =	ssub.s32 $0x2, s10  }
0xb: {  	_ =	strace $0x80000056;
	s10 =	smul.u32 $0xC3500, s10;
	s12 =	sshrl.u32 s11, $0x1  }
0xc: {  	s30 =	sshrl.u32 s13, $0x2;
	s9 =	sadd.s32 s7, s9;
	s7 =	sadd.s32 $0xD600, s8  }
0xd: {  	s12 =	ssub.s32 s11, s12;
	s13 =	sadd.s32 s30, s3;
	s14 =	sadd.s32 s9, s8  }
0xe: {  	s8 =	smul.u32 $0xC350, s2;
	s9 =	sor.u32 $0x1C03, s31;
	s12 =	smax.u32 s12, $0x1  }
0xf: {  	s13 =	sshrl.u32 s13, $0x3;
	s11 =	sadd.s32 $0x3C8C00, s14;
	s14 =	simm.s32 $0x3  }
.LBB2_1:
0x10: {  	[spmem:s13], [sflag:s9] =	dma.local [hbm:s7], $0x3100  }
0x11: {  	_ =	swait.ge [sflag:s14], $0x3100  }
0x12: {  	[sflag:s14] =	ssyncset.done $0x0  }
0x13: {  	[sflag:s14] =	ssyncadd.s32 $0xFFFFCF00  }
0x14: {  	s23 =	simm.s32 $0x0;
	[bflag:$0x0] =	sbarrier.arrive $0xFFFF  }
.LBB2_2:
0x15: {  	s24 =	smul.u32 $0x7D0, s23;
	_ =	sdelay $0x1  }
0x16: {  	s24 =	sadd.s32 s8, s24  }
0x17: {  	s25 =	sshrl.u32 s24, $0x3  }
0x18: {  	s26 =	simm.s32 $0x0;
	s25 =	sadd.s32 s1, s25  }
0x19: {  	[tilespmem:s26], [sflag:$0x3] =	stream.linear.gather [hbm4b:s25+s26], $0x7D0, $0x38;
	[tilespmem:$0x1C040] =	vst v63  }
0x1a: {  	s24 =	sadd.s32 s10, s24;
	_ =	swait.ge [sflag:s14], $0x7D0  }
0x1b: {  	s24 =	sshrl.u32 s24, $0x3;
	[sflag:s14] =	ssyncset.done $0x0  }
0x1c: {  	s24 =	sadd.s32 s6, s24;
	[sflag:s14] =	ssyncadd.s32 $0xFFFFF830  }
0x1d: {  	[tilespmem:s15], [sflag:$0x3] =	stream.linear.gather [hbm4b:s24+s26], $0x7D0, $0x38;
	[tilespmem:$0x1C040] =	vst v63  }
0x1e: {  	_ =	swait.ge [sflag:s14], $0x7D0  }
0x1f: {  	[sflag:s14] =	ssyncset.done $0x0  }
0x20: {  	[sflag:s14] =	ssyncadd.s32 $0xFFFFF830  }
0x21: {  	[tilespmem:s17], [sflag:$0x1] =	stream.indirect.gather [hbm4b:s5+s16], $0x40, s26, s16, $0xb8;
	[tilespmem:$0x1C040] =	vst v63  }
0x22: {  	s29 =	simm.s32 $0x50  }
0x23: {  	[tilespmem:s18], [sflag:$0x2] =	stream.indirect.gather [hbm4b:s5+s16], $0x40, s29, s16, $0xb8;
	[tilespmem:$0x1C040] =	vst v63  }
0x24: {  	_ =	swait.ge [sflag:s19], $0x1400  }
0x25: {  	[sflag:s19] =	ssyncset.done $0x0  }
0x26: {  	s30 =	simm.s32 $0x0;
	[sflag:s19] =	ssyncadd.s32 $0xFFFFEC00  }
0x27: {  	v0 =	vld [tilespmem:s30+$0x7D0];
	_ =	sdelay $0x4  }
0x28: {  	[tilespmem:$0xFA0] =	vst v0  }
0x29: {  	v0 =	vld [tilespmem:s30+$0x7E0];
	_ =	sdelay $0x4  }
0x2a: {  	[tilespmem:$0xFB0] =	vst v0  }
0x2b: {  	v0 =	vld [tilespmem:s30+$0x7F0];
	_ =	sdelay $0x4  }
0x2c: {  	[tilespmem:$0xFC0] =	vst v0  }
0x2d: {  	v0 =	vld [tilespmem:s30+$0x800];
	_ =	sdelay $0x4  }
0x2e: {  	[tilespmem:$0xFD0] =	vst v0  }
0x2f: {  	v0 =	vld [tilespmem:s30+$0x810];
	_ =	sdelay $0x4  }
0x30: {  	[tilespmem:$0xFE0] =	vst v0  }
0x31: {  	[spmem:s3] =	stream.indirect.scatter.add.f32 [tilespmem:s17], [sflag:$0x3], $0x40, s20, s16, $0xb8;
	[tilespmem:$0x1C040] =	vst v63  }
0x32: {  	_ =	swait.ge [sflag:s14], $0x1400  }
0x33: {  	[sflag:s14] =	ssyncset.done $0x0  }
0x34: {  	s31 =	simm.s32 $0xA0;
	[sflag:s14] =	ssyncadd.s32 $0xFFFFEC00  }
0x35: {  	[tilespmem:s17], [sflag:$0x1] =	stream.indirect.gather [hbm4b:s5+s16], $0x40, s31, s16, $0xb8;
	[tilespmem:$0x1C040] =	vst v63  }
0x36: {  	_ =	swait.ge [sflag:s21], $0x1400  }
0x37: {  	[sflag:s21] =	ssyncset.done $0x0  }
0x38: {  	[sflag:s21] =	ssyncadd.s32 $0xFFFFEC00  }
0x39: {  	v63 =	vld [tilespmem:s30+$0x820];
	_ =	sdelay $0x4  }
0x3a: {  	[tilespmem:$0xFF0] =	vst v63  }
0x3b: {  	v0 =	vld [tilespmem:s30+$0x830];
	_ =	sdelay $0x4  }
0x3c: {  	[tilespmem:$0x1000] =	vst v0  }
0x3d: {  	v0 =	vld [tilespmem:s30+$0x840];
	_ =	sdelay $0x4  }
0x3e: {  	[tilespmem:$0x1010] =	vst v0  }
0x3f: {  	v0 =	vld [tilespmem:s30+$0x850];
	_ =	sdelay $0x4  }
0x40: {  	[tilespmem:$0x1020] =	vst v0  }
0x41: {  	v0 =	vld [tilespmem:s30+$0x860];
	_ =	sdelay $0x4  }
0x42: {  	[tilespmem:$0x1030] =	vst v0  }
0x43: {  	[spmem:s3] =	stream.indirect.scatter.add.f32 [tilespmem:s18], [sflag:$0x3], $0x40, s22, s16, $0xb8;
	[tilespmem:$0x1C040] =	vst v63  }
0x44: {  	_ =	swait.ge [sflag:s14], $0x1400  }
0x45: {  	s28 =	simm.s32 $0x500;
	s24 =	simm.s32 $0xA0;
	[sflag:s14] =	ssyncset.done $0x0  }
.LBB2_3:
0x46: {  	s29 =	sadd.s32 $0x50, s24  }
0x47: {  	[sflag:s14] =	ssyncadd.s32 $0xFFFFEC00;
	s26 =	smov.u32 s28;
	s25 =	sadd.s32 $0x280, s28  }
0x48: {  	[tilespmem:s18], [sflag:$0x2] =	stream.indirect.gather [hbm4b:s5+s16], $0x40, s29, s16, $0xb8;
	[tilespmem:$0x1C040] =	vst v63  }
0x49: {  	p0 =	sne.s32 s28, $0x1B80;
	_ =	swait.ge [sflag:s19], $0x1400  }
0x4a: {  	[sflag:s19] =	ssyncset.done $0x0  }
0x4b: {  	[sflag:s19] =	ssyncadd.s32 $0xFFFFEC00  }
0x4c: {  	v0 =	vld [tilespmem:s24+$0x7D0];
	_ =	sdelay $0x4  }
0x4d: {  	[tilespmem:$0xFA0] =	vst v0  }
0x4e: {  	v0 =	vld [tilespmem:s24+$0x7E0];
	_ =	sdelay $0x4  }
0x4f: {  	[tilespmem:$0xFB0] =	vst v0  }
0x50: {  	v0 =	vld [tilespmem:s24+$0x7F0];
	_ =	sdelay $0x4  }
0x51: {  	[tilespmem:$0xFC0] =	vst v0  }
0x52: {  	v0 =	vld [tilespmem:s24+$0x800];
	_ =	sdelay $0x4  }
0x53: {  	[tilespmem:$0xFD0] =	vst v0  }
0x54: {  	v0 =	vld [tilespmem:s24+$0x810];
	_ =	sdelay $0x4  }
0x55: {  	[tilespmem:$0xFE0] =	vst v0  }
0x56: {  	[spmem:s3] =	stream.indirect.scatter.add.f32 [tilespmem:s17], [sflag:$0x3], $0x40, s20, s16, $0xb8;
	[tilespmem:$0x1C040] =	vst v63  }
0x57: {  	_ =	swait.ge [sflag:s14], $0x1400  }
0x58: {  	[sflag:s14] =	ssyncset.done $0x0  }
0x59: {  	s28 =	sadd.s32 $0xA0, s24;
	[sflag:s14] =	ssyncadd.s32 $0xFFFFEC00  }
0x5a: {  	[tilespmem:s17], [sflag:$0x1] =	stream.indirect.gather [hbm4b:s5+s16], $0x40, s28, s16, $0xb8;
	[tilespmem:$0x1C040] =	vst v63  }
0x5b: {  	_ =	swait.ge [sflag:s21], $0x1400  }
0x5c: {  	[sflag:s21] =	ssyncset.done $0x0  }
0x5d: {  	[sflag:s21] =	ssyncadd.s32 $0xFFFFEC00  }
0x5e: {  	v0 =	vld [tilespmem:s24+$0x820];
	_ =	sdelay $0x4  }
0x5f: {  	[tilespmem:$0xFF0] =	vst v0  }
0x60: {  	v0 =	vld [tilespmem:s24+$0x830];
	_ =	sdelay $0x4  }
0x61: {  	[tilespmem:$0x1000] =	vst v0  }
0x62: {  	v0 =	vld [tilespmem:s24+$0x840];
	_ =	sdelay $0x4  }
0x63: {  	[tilespmem:$0x1010] =	vst v0  }
0x64: {  	v0 =	vld [tilespmem:s24+$0x850];
	_ =	sdelay $0x4  }
0x65: {  	[tilespmem:$0x1020] =	vst v0  }
0x66: {  	v0 =	vld [tilespmem:s24+$0x860];
	_ =	sdelay $0x3  }
.Ltmp0:
0x67: {  	(pc) =	sbr.rel @p0 .LBB2_3-.Ltmp0, $4  }
0x68: {  	[tilespmem:$0x1030] =	vst v0  }
0x69: {  	[spmem:s3] =	stream.indirect.scatter.add.f32 [tilespmem:s18], [sflag:$0x3], $0x40, s22, s16, $0xb8;
	[tilespmem:$0x1C040] =	vst v63  }
0x6a: {  	_ =	swait.ge [sflag:s14], $0x1400  }
0x6b: {  	s28 =	smov.u32 s25;
	s24 =	sshra.s32 s26, $0x2;
	[sflag:s14] =	ssyncset.done $0x0  }
0x6c: {  	s25 =	sadd.s32 $0x50, s24;
	[sflag:s14] =	ssyncadd.s32 $0xFFFFEC00  }
0x6d: {  	[tilespmem:s18], [sflag:$0x2] =	stream.indirect.gather [hbm4b:s5+s16], $0x40, s25, s16, $0xb8;
	[tilespmem:$0x1C040] =	vst v63  }
0x6e: {  	_ =	swait.ge [sflag:s19], $0x1400  }
0x6f: {  	[sflag:s19] =	ssyncset.done $0x0  }
0x70: {  	[sflag:s19] =	ssyncadd.s32 $0xFFFFEC00  }
0x71: {  	v0 =	vld [tilespmem:s24+$0x7D0];
	_ =	sdelay $0x4  }
0x72: {  	[tilespmem:$0xFA0] =	vst v0  }
0x73: {  	v0 =	vld [tilespmem:s24+$0x7E0];
	_ =	sdelay $0x4  }
0x74: {  	[tilespmem:$0xFB0] =	vst v0  }
0x75: {  	v0 =	vld [tilespmem:s24+$0x7F0];
	_ =	sdelay $0x4  }
0x76: {  	[tilespmem:$0xFC0] =	vst v0  }
0x77: {  	v0 =	vld [tilespmem:s24+$0x800];
	_ =	sdelay $0x4  }
0x78: {  	[tilespmem:$0xFD0] =	vst v0  }
0x79: {  	v0 =	vld [tilespmem:s24+$0x810];
	_ =	sdelay $0x4  }
0x7a: {  	[tilespmem:$0xFE0] =	vst v0  }
0x7b: {  	[spmem:s3] =	stream.indirect.scatter.add.f32 [tilespmem:s17], [sflag:$0x3], $0x40, s20, s16, $0xb8;
	[tilespmem:$0x1C040] =	vst v63  }
0x7c: {  	_ =	swait.ge [sflag:s14], $0x1400  }
0x7d: {  	[sflag:s14] =	ssyncset.done $0x0  }
0x7e: {  	s31 =	sadd.s32 $0xA0, s24;
	[sflag:s14] =	ssyncadd.s32 $0xFFFFEC00  }
0x7f: {  	[tilespmem:s17], [sflag:$0x1] =	stream.indirect.gather [hbm4b:s5+s16], $0x40, s31, s16, $0xb8;
	[tilespmem:$0x1C040] =	vst v63  }
0x80: {  	_ =	swait.ge [sflag:s21], $0x1400  }
0x81: {  	[sflag:s21] =	ssyncset.done $0x0  }
0x82: {  	[sflag:s21] =	ssyncadd.s32 $0xFFFFEC00  }
0x83: {  	v62 =	vld [tilespmem:s24+$0x820];
	_ =	sdelay $0x4  }
0x84: {  	[tilespmem:$0xFF0] =	vst v62  }
0x85: {  	v0 =	vld [tilespmem:s24+$0x830];
	_ =	sdelay $0x4  }
0x86: {  	[tilespmem:$0x1000] =	vst v0  }
0x87: {  	v0 =	vld [tilespmem:s24+$0x840];
	_ =	sdelay $0x4  }
0x88: {  	[tilespmem:$0x1010] =	vst v0  }
0x89: {  	v0 =	vld [tilespmem:s24+$0x850];
	_ =	sdelay $0x4  }
0x8a: {  	[tilespmem:$0x1020] =	vst v0  }
0x8b: {  	v0 =	vld [tilespmem:s24+$0x860];
	_ =	sdelay $0x4  }
0x8c: {  	[tilespmem:$0x1030] =	vst v0  }
0x8d: {  	[spmem:s3] =	stream.indirect.scatter.add.f32 [tilespmem:s18], [sflag:$0x3], $0x40, s22, s16, $0xb8;
	[tilespmem:$0x1C040] =	vst v63  }
0x8e: {  	_ =	swait.ge [sflag:s14], $0x1400  }
0x8f: {  	[sflag:s14] =	ssyncset.done $0x0  }
0x90: {  	[sflag:s14] =	ssyncadd.s32 $0xFFFFEC00  }
0x91: {  	_ =	swait.ge [sflag:s19], $0x1400  }
0x92: {  	[sflag:s19] =	ssyncset.done $0x0  }
0x93: {  	[sflag:s19] =	ssyncadd.s32 $0xFFFFEC00  }
0x94: {  	v63 =	vld [tilespmem:$0xF50]  }
0x95: {  	v1 =	vld [tilespmem:$0xF60]  }
0x96: {  	v2 =	vld [tilespmem:$0xF70]  }
0x97: {  	v3 =	vld [tilespmem:$0xF80]  }
0x98: {  	v4 =	vld [tilespmem:$0xF90]  }
0x99: {  	[tilespmem:$0xFA0] =	vst v63  }
0x9a: {  	[tilespmem:$0xFB0] =	vst v1  }
0x9b: {  	s23 =	sadd.s32 $0x1, s23;
	[tilespmem:$0xFC0] =	vst v2  }
0x9c: {  	p0 =	sne.s32 s23, $0x19;
	[tilespmem:$0xFD0] =	vst v3  }
.Ltmp1:
0x9d: {  	[tilespmem:$0xFE0] =	vst v4;
	(pc) =	sbr.rel @p0 .LBB2_2-.Ltmp1, $4  }
0x9e: {  	[spmem:s3] =	stream.indirect.scatter.add.f32 [tilespmem:s17], [sflag:$0x3], $0x40, s20, s16, $0xb8;
	[tilespmem:$0x1C040] =	vst v63  }
0x9f: {  	_ =	swait.ge [sflag:s14], $0x1400  }
0xa0: {  	[sflag:s14] =	ssyncset.done $0x0  }
0xa1: {  	[sflag:s14] =	ssyncadd.s32 $0xFFFFEC00  }
0xa2: {  	s4 =	sadd.s32 $0x1, s4  }
0xa3: {  	p0 =	sne.s32 s4, s12  }
.Ltmp2:
0xa4: {  	[bflag:$0x0] =	sbarrier.arrive $0xFFFF;
	(pc) =	sbr.rel @p0 .LBB2_1-.Ltmp2, $4  }
0xa5: {  	[hbm:s11], [sflag:s9] =	dma.local [spmem:s13], $0x3100  }
0xa6: {  	_ =	swait.ge [sflag:s14], $0x3100  }
0xa7: {  	[sflag:s14] =	ssyncset.done $0x0  }
0xa8: {  	[sflag:s14] =	ssyncadd.s32 $0xFFFFCF00  }
0xa9: {  	_ =	sfence.sel $0x180000  }
0xaa: {  	[bflag:$0x0] =	sbarrier.arrive $0xFFFF  }
0xab: {  	p0 =	sne.s32 s2, $0x0;
	_ =	strace $0x90000056  }
0xac: {  	s0 =	sadd.s32 @!p0 $0x100000, s0;
	[bflag:$0x2] =	sbarrier.arrive $0xFFFF  }
0xad: {  	[sflag:s0] =	ssyncadd.tile.s32 @!p0 $0x1;
	_ =	shalt  }
.Lfunc_end2:
_tile_overlayer_lowered:
.L_overlay_start_2:
0xae: {  	(tag) =	ssettag $0x2  }
0xaf: {  	s0 =	rddreg [dreg:$0x0];
	s2 =	stileid.u32  }
0xb0: {  	s1 =	rddreg [dreg:$0x1];
	p0 =	sne.s32 s2, $0x0  }
0xb1: {  	s3 =	rddreg [dreg:$0x2];
	[bflag:$0x3] =	sbarrier.arrive $0xFFFF;
	s2 =	simm.s32 @!p0 $0x1C03  }
0xb2: {  	[timem:s3], [sflag:s2] =	dma.local @!p0 [hbm:s0], s1  }
0xb3: {  	s0 =	simm.s32 @!p0 $0x3  }
0xb4: {  	_ =	swait.ge @!p0 [sflag:s0], s1  }
0xb5: {  	s1 =	ssub.s32 @!p0 $0x0, s1;
	[sflag:s0] =	ssyncset.done @!p0 $0x0  }
0xb6: {  	[sflag:s0] =	ssyncadd.s32 @!p0 s1  }
0xb7: {  	[bflag:$0x3] =	sbarrier.arrive $0xFFFF  }
0xb8: {  	_ =	shalt  }

// kernel: kernel.17.cloned.1.call-start
scs
__scs_entry_jumppad:
0x0: {  	(pc) =	sbr.rel $0x88, $3  }
0x1: {  	(tag) =	ssettag $0x0;
	lr =	simm.s32 $0x1  }
0x2: {  	[smem:$0x3F9A] =	sst lr;
	_ =	strace $0xD0000000  }
0x3: {  	_ = 	snop  }
0x4: {  	_ = 	snop  }
0x5: {  	_ = 	snop  }
0x6: {  	_ = 	snop  }
0x7: {  	_ = 	snop  }
__scs_overlays_trampoline_lowered:
0x8: {  	[smem:$0x3FA9] =	sst s0  }
0x9: {  	[smem:$0x3FAA] =	sst s1  }
0xa: {  	[smem:$0x3FAB] =	sst s2  }
0xb: {  	[smem:$0x3FAC] =	sst s3  }
0xc: {  	[smem:$0x3FAD] =	sst s4  }
0xd: {  	[smem:$0x3FAE] =	sst s5  }
0xe: {  	[smem:$0x3FAF] =	sst s6  }
0xf: {  	[smem:$0x3FB0] =	sst s7  }
0x10: {  	[smem:$0x3FB1] =	sst s8  }
0x11: {  	[smem:$0x3FB2] =	sst s9;
	s0 =	simm.s32 @!p0 $0x0  }
0x12: {  	s1 =	sld [smem:$0x3F98];
	s0 =	simm.s32 @p0 $0x1  }
0x13: {  	[smem:$0x3FB3] =	sst s0;
	s0 =	simm.s32 @!p1 $0x0  }
0x14: {  	s2 =	sld [smem:$0x3F97];
	s0 =	simm.s32 @p1 $0x1  }
0x15: {  	[smem:$0x3FB4] =	sst s0;
	s0 =	simm.s32 @!p2 $0x0  }
0x16: {  	s3 =	sld [smem:$0x3FDB];
	s0 =	simm.s32 @p2 $0x1  }
0x17: {  	s4 =	simm.s32 $0x1BF5;
	[smem:$0x3FB6] =	sst s0  }
0x18: {  	s0 =	sld [smem:$0x3F99];
	_ =	swait.ge [sflag:s4], $0x0  }
0x19: {  	s7 =	sld [smem:$0x3F9A]  }
0x1a: {  	s8 =	sadd.s32 $0xFFFFE003, lr  }
0x1b: {  	s9 =	sadd.s32 $0xFFFFFEF7, lr;
	s5 =	simm.s32 $0xFFFFFFFF;
	p2 =	slt.u32 s8, $0xFFFFF086  }
0x1c: {  	p1 =	slt.u32 s9, $0xF7A;
	s5 =	simm.s32 @!p2 $0x0  }
0x1d: {  	s5 =	simm.s32 @p1 $0x1;
	p0 =	seq.s32 s7, s2  }
0x1e: {  	s7 =	smul.u32 @!p0 $0xF7A, s2;
	p2 =	seq.s32 @!p0 s5, $0x0  }
0x1f: {  	s9 =	smul.u32 $0xF7A, s1;
	s8 =	simm.s32 @!p0 $0x1BF5;
	p2 =	por !p2, p0  }
0x20: {  	[sflag:s8] =	ssyncset.s32 @!p0 $0xFFFFF086;
	s6 =	sadd.s32 @!p0 s3, s7;
	s7 =	simm.s32 @!p0 $0x108  }
0x21: {  	s3 =	sadd.s32 s3, s9;
	s6 =	sadd.s32 @!p0 $0x88, s6;
	s7 =	simm.s32 @p2 $0x1082  }
0x22: {  	[simem:s7], [sflag:s8] =	dma.local @!p0 [hbm:s6], $0xF7A  }
0x23: {  	s9 =	sor.u32 $0xD0000000, s2;
	s6 =	simm.s32 $0x108;
	_ =	swait.ge @!p0 [sflag:s8], $0x0  }
0x24: {  	s3 =	sadd.s32 $0x88, s3;
	s6 =	simm.s32 @!p1 $0x1082;
	[sflag:s4] =	ssyncset.s32 $0xFFFFF086  }
0x25: {  	[simem:s6], [sflag:s4] =	dma.local [hbm:s3], $0xF7A  }
0x26: {  	[smem:$0x3F9A] =	sst s1;
	(tag) =	ssettag s2;
	_ =	strace s9  }
0x27: {  	s1 =	sld [smem:$0x3FAA]  }
0x28: {  	s2 =	sld [smem:$0x3FAB]  }
0x29: {  	s4 =	sld [smem:$0x3FAD]  }
0x2a: {  	p0 =	seq.s32 s5, $0x0;
	s5 =	sld [smem:$0x3FAE]  }
0x2b: {  	s6 =	sld [smem:$0x3FAF]  }
0x2c: {  	s7 =	sld [smem:$0x3FB0]  }
0x2d: {  	s3 =	simm.s32 $0x108;
	s8 =	sld [smem:$0x3FB1]  }
0x2e: {  	s3 =	simm.s32 @!p0 $0x1082;
	s9 =	sld [smem:$0x3FB2]  }
0x2f: {  	lr =	sadd.s32 s0, s3;
	s0 =	sld [smem:$0x3FA9]  }
0x30: {  	s3 =	sld [smem:$0x3FAC]  }
0x31: {  	[smem:$0x3FB5] =	sst s10  }
0x32: {  	s10 =	sld [smem:$0x3FB3];
	_ =	sdelay $0x3  }
0x33: {  	p0 =	seq.s32 s10, $0x1;
	s10 =	sld [smem:$0x3FB5];
	_ =	sdelay $0x3  }
0x34: {  	[smem:$0x3FB5] =	sst s10  }
0x35: {  	s10 =	sld [smem:$0x3FB4];
	_ =	sdelay $0x3  }
0x36: {  	p1 =	seq.s32 s10, $0x1;
	s10 =	sld [smem:$0x3FB5];
	_ =	sdelay $0x3  }
0x37: {  	[smem:$0x3FB5] =	sst s10  }
0x38: {  	s10 =	sld [smem:$0x3FB6]  }
0x39: {  	_ = 	snop;
	(pc) =	sbr.ind lr, $3  }
0x3a: {  	_ = 	snop  }
0x3b: {  	_ = 	snop  }
0x3c: {  	p2 =	seq.s32 s10, $0x1;
	s10 =	sld [smem:$0x3FB5]  }
0x3d: {  	_ =	shalt  }
0x3e: {  	_ =	shalt  }
0x3f: {  	_ =	shalt  }
0x40: {  	_ =	shalt  }
0x41: {  	_ =	shalt  }
0x42: {  	_ =	shalt  }
0x43: {  	_ =	shalt  }
0x44: {  	_ =	shalt  }
0x45: {  	_ =	shalt  }
0x46: {  	_ =	shalt  }
0x47: {  	_ =	shalt  }
0x48: {  	_ =	shalt  }
0x49: {  	_ =	shalt  }
0x4a: {  	_ =	shalt  }
0x4b: {  	_ =	shalt  }
0x4c: {  	_ =	shalt  }
0x4d: {  	_ =	shalt  }
0x4e: {  	_ =	shalt  }
0x4f: {  	_ =	shalt  }
0x50: {  	_ =	shalt  }
0x51: {  	_ =	shalt  }
0x52: {  	_ =	shalt  }
0x53: {  	_ =	shalt  }
0x54: {  	_ =	shalt  }
0x55: {  	_ =	shalt  }
0x56: {  	_ =	shalt  }
0x57: {  	_ =	shalt  }
0x58: {  	_ =	shalt  }
0x59: {  	_ =	shalt  }
0x5a: {  	_ =	shalt  }
0x5b: {  	_ =	shalt  }
0x5c: {  	_ =	shalt  }
0x5d: {  	_ =	shalt  }
0x5e: {  	_ =	shalt  }
0x5f: {  	_ =	shalt  }
0x60: {  	_ =	shalt  }
0x61: {  	_ =	shalt  }
0x62: {  	_ =	shalt  }
0x63: {  	_ =	shalt  }
0x64: {  	_ =	shalt  }
0x65: {  	_ =	shalt  }
0x66: {  	_ =	shalt  }
0x67: {  	_ =	shalt  }
0x68: {  	_ =	shalt  }
0x69: {  	_ =	shalt  }
0x6a: {  	_ =	shalt  }
0x6b: {  	_ =	shalt  }
0x6c: {  	_ =	shalt  }
0x6d: {  	_ =	shalt  }
0x6e: {  	_ =	shalt  }
0x6f: {  	_ =	shalt  }
0x70: {  	_ =	shalt  }
0x71: {  	_ =	shalt  }
0x72: {  	_ =	shalt  }
0x73: {  	_ =	shalt  }
0x74: {  	_ =	shalt  }
0x75: {  	_ =	shalt  }
0x76: {  	_ =	shalt  }
0x77: {  	_ =	shalt  }
0x78: {  	_ =	shalt  }
0x79: {  	_ =	shalt  }
0x7a: {  	_ =	shalt  }
0x7b: {  	_ =	shalt  }
0x7c: {  	_ =	shalt  }
0x7d: {  	_ =	shalt  }
0x7e: {  	_ =	shalt  }
0x7f: {  	_ =	shalt  }
0x80: {  	_ =	shalt  }
0x81: {  	_ =	shalt  }
0x82: {  	_ =	shalt  }
0x83: {  	_ =	shalt  }
0x84: {  	_ =	shalt  }
0x85: {  	_ =	shalt  }
0x86: {  	_ =	shalt  }
0x87: {  	_ =	shalt  }
.Lfunc_end0:
.L_simem_size_0:
called_computation.8_lowered:
.L_overlay_start_0:
0x88: {  	s2 =	sld [smem:$0x3FD9]  }
0x89: {  	s3 =	sld [smem:$0x3FFE];
	_ =	sdelay $0x1  }
0x8a: {  	s1 =	srdreg.scid  }
0x8b: {  	s0 =	sand.u32 $0x1, s1  }
0x8c: {  	s17 =	sshll.u32 s0, $0xA;
	s2 =	sadd.s32 s3, s2  }
0x8d: {  	s2 =	sadd.s32 s2, s17  }
0x8e: {  	[smem:$0x3FC1] =	sst s2  }
0x8f: {  	_ = 	snop  }
0x90: {  	s2 =	sld [smem:$0x3FC6];
	(tm) =	ssettm $0x1  }
0x91: {  	s18 =	sld [smem:$0x3FFB];
	_ =	sdelay $0x3  }
0x92: {  	_ =	strace s18  }
0x93: {  	s3 =	sld [smem:$0x3FFC];
	_ =	sdelay $0x3  }
0x94: {  	_ =	strace s3  }
0x95: {  	s3 =	sld [smem:$0x3FFD];
	_ =	sdelay $0x3  }
0x96: {  	_ =	strace s3  }
0x97: {  	_ =	strace $0x8FFFFFFF  }
0x98: {  	s19 =	sld [smem:$0x3FDB];
	_ =	sdelay $0x1  }
0x99: {  	s4 =	simm.s32 $_scs_section_size  }
0x9a: {  	s5 =	simm.s32 $_size__tile_overlayer_lowered;
	s6 =	simm.s32 $_tile_overlayer_lowered  }
0x9b: {  	s22 =	simm.s32 $0x1BFF;
	s21 =	sshll.u32 s6, $0x1;
	s3 =	sadd.s32 s4, s19  }
0x9c: {  	s7 =	simm.s32 $0x0;
	s20 =	sshll.u32 s5, $0x1;
	s5 =	sadd.s32 s21, s3  }
0x9d: {  	[timem:s7], [sflag:s22] =	dma.local [hbm:s5], s20  }
0x9e: {  	_ =	swait.ge [sflag:s22], s20  }
0x9f: {  	s4 =	ssub.s32 $0x0, s20;
	[sflag:s22] =	ssyncset.done $0x0  }
0xa0: {  	[sflag:s22] =	ssyncadd.s32 s4;
	_ =	sdelay $0x1  }
0xa1: {  	s23 =	simm.s32 $0x1B8B  }
0xa2: {  	_ =	swait.ge [sflag:s23], $0x1  }
0xa3: {  	[sflag:s23] =	ssyncset.done $0x0  }
0xa4: {  	s25 =	simm.s32 $0x1B8E;
	s24 =	sld [smem:$0x3FFE];
	[sflag:s23] =	ssyncadd.s32 $0xFFFFFFFF  }
0xa5: {  	s26 =	simm.s32 $execute0_lowered;
	[smem:$0x3FD2] =	sst s25  }
0xa6: {  	s5 =	sshll.u32 s26, $0x1;
	_ =	strace $0x80000058;
	[dreg:$0x1] =	wrdreg $0xFFFFFFFF  }
0xa7: {  	s28 =	simm.s32 $_size_execute0_lowered;
	s3 =	sadd.s32 s3, s5;
	[dreg:$0x0] =	wrdreg $0x0  }
0xa8: {  	s5 =	sshll.u32 s28, $0x1;
	[dreg:$0x2] =	wrdreg s3  }
0xa9: {  	[dreg:$0x3] =	wrdreg s5  }
0xaa: {  	[dreg:$0x4] =	wrdreg $0xC0  }
0xab: {  	_ =	task [dreg:s7], $0x5FFFF  }
0xac: {  	[dreg:$0x1] =	wrdreg $0xFFFFFFFF  }
0xad: {  	[dreg:$0x0] =	wrdreg $0x60  }
0xae: {  	[dreg:$0x2] =	wrdreg s24  }
0xaf: {  	[dreg:$0x3] =	wrdreg s2  }
0xb0: {  	[dreg:$0x4] =	wrdreg $0x38400  }
0xb1: {  	[dreg:$0x5] =	wrdreg $0x9  }
0xb2: {  	_ =	task.clear_ibuf [dreg:s7], $0x6FFFF;
	_ =	strace $0x90000058  }
0xb3: {  	s29 =	simm.s32 $0x9;
	_ =	strace $0x8000005A  }
0xb4: {  	_ =	swait.ge [sflag:s29], $0x1  }
0xb5: {  	[sflag:s29] =	ssyncadd.s32 $0xFFFFFFFF  }
0xb6: {  	_ =	strace $0x9000005A  }
0xb7: {  	_ =	sfence  }
0xb8: {  	s30 =	sld [smem:$0x0];
	_ =	sdelay $0x2  }
0xb9: {  	s31 =	sshll.u32 s1, $0xD;
	s1 =	sshrl.u32 s1, $0x2  }
0xba: {  	s3 =	sand.u32 $0x4000, s31;
	s1 =	sadd.s32 s1, s30  }
0xbb: {  	s0 =	sor.u32 s3, s0;
	s1 =	sshll.u32 s1, $0x11  }
0xbc: {  	s0 =	sor.u32 s1, s0  }
0xbd: {  	s0 =	sadd.s32 $0x8F2B, s0  }
0xbe: {  	[sflag:s0] =	ssyncadd.remote.s32 $0x1  }
0xbf: {  	_ =	sfence.sel $0xFFFF  }
0xc0: {  	[dreg:$0x0] =	wrdreg $0xFFFFFFFF;
	(pc) =	sbr.abs _section_cstart, $3  }
0xc1: {  	[dreg:$0x1] =	wrdreg $0xFFFFFFFF  }
0xc2: {  	_ =	task.clear_ibuf [dreg:s7], $0x2FFFF;
	_ =	strace $0x9FFFFFFF  }
0xc3: {  	(tm) =	ssettm $0x7FFFFFFF  }
tec
execute0_lowered:
.L_overlay_start_1:
0x0: {  	(tag) =	ssettag $0x1  }
0x1: {  	s8 =	rddreg [dreg:$0x0]  }
0x2: {  	s1 =	rddreg [dreg:$0x1]  }
0x3: {  	s3 =	rddreg [dreg:$0x2]  }
0x4: {  	s0 =	rddreg [dreg:$0x3];
	s4 =	simm.s32 $0x0;
	s5 =	srdreg.scid  }
0x5: {  	s2 =	stileid.u32;
	s15 =	simm.s32 $0x7D0;
	s16 =	simm.s32 $0x50  }
0x6: {  	s17 =	simm.s32 $0x1040;
	s18 =	simm.s32 $0x2440;
	s19 =	simm.s32 $0x1  }
0x7: {  	s20 =	simm.s32 $0xFA0;
	s21 =	simm.s32 $0x2;
	s22 =	simm.s32 $0xFF0  }
0x8: {  	[smem:$0x7FF] =	sst s4;
	s10 =	sand.u32 $0x1, s5;
	s7 =	smul.u32 $0x3100, s2  }
0x9: {  	s5 =	sadd.s32 $0x612C00, s8;
	s6 =	sadd.s32 $0x55400, s8;
	s13 =	smul.u32 $0x62000, s2  }
0xa: {  	s31 =	sshll.u32 s2, $0x6;
	s9 =	smul.u32 $0x31000, s10;
	s11 =	ssub.s32 $0x2, s10  }
0xb: {  	_ =	strace $0x80000059;
	s10 =	smul.u32 $0xC3500, s10;
	s12 =	sshrl.u32 s11, $0x1  }
0xc: {  	s30 =	sshrl.u32 s13, $0x2;
	s9 =	sadd.s32 s7, s9;
	s7 =	sadd.s32 $0xD600, s8  }
0xd: {  	s12 =	ssub.s32 s11, s12;
	s13 =	sadd.s32 s30, s3;
	s14 =	sadd.s32 s9, s8  }
0xe: {  	s8 =	smul.u32 $0xC350, s2;
	s9 =	sor.u32 $0x1C03, s31;
	s12 =	smax.u32 s12, $0x1  }
0xf: {  	s13 =	sshrl.u32 s13, $0x3;
	s11 =	sadd.s32 $0x48C000, s14;
	s14 =	simm.s32 $0x3  }
.LBB2_1:
0x10: {  	[spmem:s13], [sflag:s9] =	dma.local [hbm:s7], $0x3100  }
0x11: {  	_ =	swait.ge [sflag:s14], $0x3100  }
0x12: {  	[sflag:s14] =	ssyncset.done $0x0  }
0x13: {  	[sflag:s14] =	ssyncadd.s32 $0xFFFFCF00  }
0x14: {  	s23 =	simm.s32 $0x0;
	[bflag:$0x0] =	sbarrier.arrive $0xFFFF  }
.LBB2_2:
0x15: {  	s24 =	smul.u32 $0x7D0, s23;
	_ =	sdelay $0x1  }
0x16: {  	s24 =	sadd.s32 s8, s24  }
0x17: {  	s25 =	sshrl.u32 s24, $0x3  }
0x18: {  	s26 =	simm.s32 $0x0;
	s25 =	sadd.s32 s1, s25  }
0x19: {  	[tilespmem:s26], [sflag:$0x3] =	stream.linear.gather [hbm4b:s25+s26], $0x7D0, $0x38;
	[tilespmem:$0x1C040] =	vst v63  }
0x1a: {  	s24 =	sadd.s32 s10, s24;
	_ =	swait.ge [sflag:s14], $0x7D0  }
0x1b: {  	s24 =	sshrl.u32 s24, $0x3;
	[sflag:s14] =	ssyncset.done $0x0  }
0x1c: {  	s24 =	sadd.s32 s6, s24;
	[sflag:s14] =	ssyncadd.s32 $0xFFFFF830  }
0x1d: {  	[tilespmem:s15], [sflag:$0x3] =	stream.linear.gather [hbm4b:s24+s26], $0x7D0, $0x38;
	[tilespmem:$0x1C040] =	vst v63  }
0x1e: {  	_ =	swait.ge [sflag:s14], $0x7D0  }
0x1f: {  	[sflag:s14] =	ssyncset.done $0x0  }
0x20: {  	[sflag:s14] =	ssyncadd.s32 $0xFFFFF830  }
0x21: {  	[tilespmem:s17], [sflag:$0x1] =	stream.indirect.gather [hbm4b:s5+s16], $0x40, s26, s16, $0xb8;
	[tilespmem:$0x1C040] =	vst v63  }
0x22: {  	s29 =	simm.s32 $0x50  }
0x23: {  	[tilespmem:s18], [sflag:$0x2] =	stream.indirect.gather [hbm4b:s5+s16], $0x40, s29, s16, $0xb8;
	[tilespmem:$0x1C040] =	vst v63  }
0x24: {  	_ =	swait.ge [sflag:s19], $0x1400  }
0x25: {  	[sflag:s19] =	ssyncset.done $0x0  }
0x26: {  	s30 =	simm.s32 $0x0;
	[sflag:s19] =	ssyncadd.s32 $0xFFFFEC00  }
0x27: {  	v0 =	vld [tilespmem:s30+$0x7D0];
	_ =	sdelay $0x4  }
0x28: {  	[tilespmem:$0xFA0] =	vst v0  }
0x29: {  	v0 =	vld [tilespmem:s30+$0x7E0];
	_ =	sdelay $0x4  }
0x2a: {  	[tilespmem:$0xFB0] =	vst v0  }
0x2b: {  	v0 =	vld [tilespmem:s30+$0x7F0];
	_ =	sdelay $0x4  }
0x2c: {  	[tilespmem:$0xFC0] =	vst v0  }
0x2d: {  	v0 =	vld [tilespmem:s30+$0x800];
	_ =	sdelay $0x4  }
0x2e: {  	[tilespmem:$0xFD0] =	vst v0  }
0x2f: {  	v0 =	vld [tilespmem:s30+$0x810];
	_ =	sdelay $0x4  }
0x30: {  	[tilespmem:$0xFE0] =	vst v0  }
0x31: {  	[spmem:s3] =	stream.indirect.scatter.add.f32 [tilespmem:s17], [sflag:$0x3], $0x40, s20, s16, $0xb8;
	[tilespmem:$0x1C040] =	vst v63  }
0x32: {  	_ =	swait.ge [sflag:s14], $0x1400  }
0x33: {  	[sflag:s14] =	ssyncset.done $0x0  }
0x34: {  	s31 =	simm.s32 $0xA0;
	[sflag:s14] =	ssyncadd.s32 $0xFFFFEC00  }
0x35: {  	[tilespmem:s17], [sflag:$0x1] =	stream.indirect.gather [hbm4b:s5+s16], $0x40, s31, s16, $0xb8;
	[tilespmem:$0x1C040] =	vst v63  }
0x36: {  	_ =	swait.ge [sflag:s21], $0x1400  }
0x37: {  	[sflag:s21] =	ssyncset.done $0x0  }
0x38: {  	[sflag:s21] =	ssyncadd.s32 $0xFFFFEC00  }
0x39: {  	v63 =	vld [tilespmem:s30+$0x820];
	_ =	sdelay $0x4  }
0x3a: {  	[tilespmem:$0xFF0] =	vst v63  }
0x3b: {  	v0 =	vld [tilespmem:s30+$0x830];
	_ =	sdelay $0x4  }
0x3c: {  	[tilespmem:$0x1000] =	vst v0  }
0x3d: {  	v0 =	vld [tilespmem:s30+$0x840];
	_ =	sdelay $0x4  }
0x3e: {  	[tilespmem:$0x1010] =	vst v0  }
0x3f: {  	v0 =	vld [tilespmem:s30+$0x850];
	_ =	sdelay $0x4  }
0x40: {  	[tilespmem:$0x1020] =	vst v0  }
0x41: {  	v0 =	vld [tilespmem:s30+$0x860];
	_ =	sdelay $0x4  }
0x42: {  	[tilespmem:$0x1030] =	vst v0  }
0x43: {  	[spmem:s3] =	stream.indirect.scatter.add.f32 [tilespmem:s18], [sflag:$0x3], $0x40, s22, s16, $0xb8;
	[tilespmem:$0x1C040] =	vst v63  }
0x44: {  	_ =	swait.ge [sflag:s14], $0x1400  }
0x45: {  	s28 =	simm.s32 $0x500;
	s24 =	simm.s32 $0xA0;
	[sflag:s14] =	ssyncset.done $0x0  }
.LBB2_3:
0x46: {  	s29 =	sadd.s32 $0x50, s24  }
0x47: {  	[sflag:s14] =	ssyncadd.s32 $0xFFFFEC00;
	s26 =	smov.u32 s28;
	s25 =	sadd.s32 $0x280, s28  }
0x48: {  	[tilespmem:s18], [sflag:$0x2] =	stream.indirect.gather [hbm4b:s5+s16], $0x40, s29, s16, $0xb8;
	[tilespmem:$0x1C040] =	vst v63  }
0x49: {  	p0 =	sne.s32 s28, $0x1B80;
	_ =	swait.ge [sflag:s19], $0x1400  }
0x4a: {  	[sflag:s19] =	ssyncset.done $0x0  }
0x4b: {  	[sflag:s19] =	ssyncadd.s32 $0xFFFFEC00  }
0x4c: {  	v0 =	vld [tilespmem:s24+$0x7D0];
	_ =	sdelay $0x4  }
0x4d: {  	[tilespmem:$0xFA0] =	vst v0  }
0x4e: {  	v0 =	vld [tilespmem:s24+$0x7E0];
	_ =	sdelay $0x4  }
0x4f: {  	[tilespmem:$0xFB0] =	vst v0  }
0x50: {  	v0 =	vld [tilespmem:s24+$0x7F0];
	_ =	sdelay $0x4  }
0x51: {  	[tilespmem:$0xFC0] =	vst v0  }
0x52: {  	v0 =	vld [tilespmem:s24+$0x800];
	_ =	sdelay $0x4  }
0x53: {  	[tilespmem:$0xFD0] =	vst v0  }
0x54: {  	v0 =	vld [tilespmem:s24+$0x810];
	_ =	sdelay $0x4  }
0x55: {  	[tilespmem:$0xFE0] =	vst v0  }
0x56: {  	[spmem:s3] =	stream.indirect.scatter.add.f32 [tilespmem:s17], [sflag:$0x3], $0x40, s20, s16, $0xb8;
	[tilespmem:$0x1C040] =	vst v63  }
0x57: {  	_ =	swait.ge [sflag:s14], $0x1400  }
0x58: {  	[sflag:s14] =	ssyncset.done $0x0  }
0x59: {  	s28 =	sadd.s32 $0xA0, s24;
	[sflag:s14] =	ssyncadd.s32 $0xFFFFEC00  }
0x5a: {  	[tilespmem:s17], [sflag:$0x1] =	stream.indirect.gather [hbm4b:s5+s16], $0x40, s28, s16, $0xb8;
	[tilespmem:$0x1C040] =	vst v63  }
0x5b: {  	_ =	swait.ge [sflag:s21], $0x1400  }
0x5c: {  	[sflag:s21] =	ssyncset.done $0x0  }
0x5d: {  	[sflag:s21] =	ssyncadd.s32 $0xFFFFEC00  }
0x5e: {  	v0 =	vld [tilespmem:s24+$0x820];
	_ =	sdelay $0x4  }
0x5f: {  	[tilespmem:$0xFF0] =	vst v0  }
0x60: {  	v0 =	vld [tilespmem:s24+$0x830];
	_ =	sdelay $0x4  }
0x61: {  	[tilespmem:$0x1000] =	vst v0  }
0x62: {  	v0 =	vld [tilespmem:s24+$0x840];
	_ =	sdelay $0x4  }
0x63: {  	[tilespmem:$0x1010] =	vst v0  }
0x64: {  	v0 =	vld [tilespmem:s24+$0x850];
	_ =	sdelay $0x4  }
0x65: {  	[tilespmem:$0x1020] =	vst v0  }
0x66: {  	v0 =	vld [tilespmem:s24+$0x860];
	_ =	sdelay $0x3  }
.Ltmp0:
0x67: {  	(pc) =	sbr.rel @p0 .LBB2_3-.Ltmp0, $4  }
0x68: {  	[tilespmem:$0x1030] =	vst v0  }
0x69: {  	[spmem:s3] =	stream.indirect.scatter.add.f32 [tilespmem:s18], [sflag:$0x3], $0x40, s22, s16, $0xb8;
	[tilespmem:$0x1C040] =	vst v63  }
0x6a: {  	_ =	swait.ge [sflag:s14], $0x1400  }
0x6b: {  	s28 =	smov.u32 s25;
	s24 =	sshra.s32 s26, $0x2;
	[sflag:s14] =	ssyncset.done $0x0  }
0x6c: {  	s25 =	sadd.s32 $0x50, s24;
	[sflag:s14] =	ssyncadd.s32 $0xFFFFEC00  }
0x6d: {  	[tilespmem:s18], [sflag:$0x2] =	stream.indirect.gather [hbm4b:s5+s16], $0x40, s25, s16, $0xb8;
	[tilespmem:$0x1C040] =	vst v63  }
0x6e: {  	_ =	swait.ge [sflag:s19], $0x1400  }
0x6f: {  	[sflag:s19] =	ssyncset.done $0x0  }
0x70: {  	[sflag:s19] =	ssyncadd.s32 $0xFFFFEC00  }
0x71: {  	v0 =	vld [tilespmem:s24+$0x7D0];
	_ =	sdelay $0x4  }
0x72: {  	[tilespmem:$0xFA0] =	vst v0  }
0x73: {  	v0 =	vld [tilespmem:s24+$0x7E0];
	_ =	sdelay $0x4  }
0x74: {  	[tilespmem:$0xFB0] =	vst v0  }
0x75: {  	v0 =	vld [tilespmem:s24+$0x7F0];
	_ =	sdelay $0x4  }
0x76: {  	[tilespmem:$0xFC0] =	vst v0  }
0x77: {  	v0 =	vld [tilespmem:s24+$0x800];
	_ =	sdelay $0x4  }
0x78: {  	[tilespmem:$0xFD0] =	vst v0  }
0x79: {  	v0 =	vld [tilespmem:s24+$0x810];
	_ =	sdelay $0x4  }
0x7a: {  	[tilespmem:$0xFE0] =	vst v0  }
0x7b: {  	[spmem:s3] =	stream.indirect.scatter.add.f32 [tilespmem:s17], [sflag:$0x3], $0x40, s20, s16, $0xb8;
	[tilespmem:$0x1C040] =	vst v63  }
0x7c: {  	_ =	swait.ge [sflag:s14], $0x1400  }
0x7d: {  	[sflag:s14] =	ssyncset.done $0x0  }
0x7e: {  	s31 =	sadd.s32 $0xA0, s24;
	[sflag:s14] =	ssyncadd.s32 $0xFFFFEC00  }
0x7f: {  	[tilespmem:s17], [sflag:$0x1] =	stream.indirect.gather [hbm4b:s5+s16], $0x40, s31, s16, $0xb8;
	[tilespmem:$0x1C040] =	vst v63  }
0x80: {  	_ =	swait.ge [sflag:s21], $0x1400  }
0x81: {  	[sflag:s21] =	ssyncset.done $0x0  }
0x82: {  	[sflag:s21] =	ssyncadd.s32 $0xFFFFEC00  }
0x83: {  	v62 =	vld [tilespmem:s24+$0x820];
	_ =	sdelay $0x4  }
0x84: {  	[tilespmem:$0xFF0] =	vst v62  }
0x85: {  	v0 =	vld [tilespmem:s24+$0x830];
	_ =	sdelay $0x4  }
0x86: {  	[tilespmem:$0x1000] =	vst v0  }
0x87: {  	v0 =	vld [tilespmem:s24+$0x840];
	_ =	sdelay $0x4  }
0x88: {  	[tilespmem:$0x1010] =	vst v0  }
0x89: {  	v0 =	vld [tilespmem:s24+$0x850];
	_ =	sdelay $0x4  }
0x8a: {  	[tilespmem:$0x1020] =	vst v0  }
0x8b: {  	v0 =	vld [tilespmem:s24+$0x860];
	_ =	sdelay $0x4  }
0x8c: {  	[tilespmem:$0x1030] =	vst v0  }
0x8d: {  	[spmem:s3] =	stream.indirect.scatter.add.f32 [tilespmem:s18], [sflag:$0x3], $0x40, s22, s16, $0xb8;
	[tilespmem:$0x1C040] =	vst v63  }
0x8e: {  	_ =	swait.ge [sflag:s14], $0x1400  }
0x8f: {  	[sflag:s14] =	ssyncset.done $0x0  }
0x90: {  	[sflag:s14] =	ssyncadd.s32 $0xFFFFEC00  }
0x91: {  	_ =	swait.ge [sflag:s19], $0x1400  }
0x92: {  	[sflag:s19] =	ssyncset.done $0x0  }
0x93: {  	[sflag:s19] =	ssyncadd.s32 $0xFFFFEC00  }
0x94: {  	v63 =	vld [tilespmem:$0xF50]  }
0x95: {  	v1 =	vld [tilespmem:$0xF60]  }
0x96: {  	v2 =	vld [tilespmem:$0xF70]  }
0x97: {  	v3 =	vld [tilespmem:$0xF80]  }
0x98: {  	v4 =	vld [tilespmem:$0xF90]  }
0x99: {  	[tilespmem:$0xFA0] =	vst v63  }
0x9a: {  	[tilespmem:$0xFB0] =	vst v1  }
0x9b: {  	s23 =	sadd.s32 $0x1, s23;
	[tilespmem:$0xFC0] =	vst v2  }
0x9c: {  	p0 =	sne.s32 s23, $0x19;
	[tilespmem:$0xFD0] =	vst v3  }
.Ltmp1:
0x9d: {  	[tilespmem:$0xFE0] =	vst v4;
	(pc) =	sbr.rel @p0 .LBB2_2-.Ltmp1, $4  }
0x9e: {  	[spmem:s3] =	stream.indirect.scatter.add.f32 [tilespmem:s17], [sflag:$0x3], $0x40, s20, s16, $0xb8;
	[tilespmem:$0x1C040] =	vst v63  }
0x9f: {  	_ =	swait.ge [sflag:s14], $0x1400  }
0xa0: {  	[sflag:s14] =	ssyncset.done $0x0  }
0xa1: {  	[sflag:s14] =	ssyncadd.s32 $0xFFFFEC00  }
0xa2: {  	s4 =	sadd.s32 $0x1, s4  }
0xa3: {  	p0 =	sne.s32 s4, s12  }
.Ltmp2:
0xa4: {  	[bflag:$0x0] =	sbarrier.arrive $0xFFFF;
	(pc) =	sbr.rel @p0 .LBB2_1-.Ltmp2, $4  }
0xa5: {  	[hbm:s11], [sflag:s9] =	dma.local [spmem:s13], $0x3100  }
0xa6: {  	_ =	swait.ge [sflag:s14], $0x3100  }
0xa7: {  	[sflag:s14] =	ssyncset.done $0x0  }
0xa8: {  	[sflag:s14] =	ssyncadd.s32 $0xFFFFCF00  }
0xa9: {  	_ =	sfence.sel $0x180000  }
0xaa: {  	[bflag:$0x0] =	sbarrier.arrive $0xFFFF  }
0xab: {  	p0 =	sne.s32 s2, $0x0;
	_ =	strace $0x90000059  }
0xac: {  	s0 =	sadd.s32 @!p0 $0x100000, s0;
	[bflag:$0x2] =	sbarrier.arrive $0xFFFF  }
0xad: {  	[sflag:s0] =	ssyncadd.tile.s32 @!p0 $0x1;
	_ =	shalt  }
.Lfunc_end2:
_tile_overlayer_lowered:
.L_overlay_start_2:
0xae: {  	(tag) =	ssettag $0x2  }
0xaf: {  	s0 =	rddreg [dreg:$0x0];
	s2 =	stileid.u32  }
0xb0: {  	s1 =	rddreg [dreg:$0x1];
	p0 =	sne.s32 s2, $0x0  }
0xb1: {  	s3 =	rddreg [dreg:$0x2];
	[bflag:$0x3] =	sbarrier.arrive $0xFFFF;
	s2 =	simm.s32 @!p0 $0x1C03  }
0xb2: {  	[timem:s3], [sflag:s2] =	dma.local @!p0 [hbm:s0], s1  }
0xb3: {  	s0 =	simm.s32 @!p0 $0x3  }
0xb4: {  	_ =	swait.ge @!p0 [sflag:s0], s1  }
0xb5: {  	s1 =	ssub.s32 @!p0 $0x0, s1;
	[sflag:s0] =	ssyncset.done @!p0 $0x0  }
0xb6: {  	[sflag:s0] =	ssyncadd.s32 @!p0 s1  }
0xb7: {  	[bflag:$0x3] =	sbarrier.arrive $0xFFFF  }
0xb8: {  	_ =	shalt  }

// kernel: kernel.20.cloned.1.call-start
scs
__scs_entry_jumppad:
0x0: {  	(pc) =	sbr.rel $0x88, $3  }
0x1: {  	(tag) =	ssettag $0x0;
	lr =	simm.s32 $0x1  }
0x2: {  	[smem:$0x3F9A] =	sst lr;
	_ =	strace $0xD0000000  }
0x3: {  	_ = 	snop  }
0x4: {  	_ = 	snop  }
0x5: {  	_ = 	snop  }
0x6: {  	_ = 	snop  }
0x7: {  	_ = 	snop  }
__scs_overlays_trampoline_lowered:
0x8: {  	[smem:$0x3FA9] =	sst s0  }
0x9: {  	[smem:$0x3FAA] =	sst s1  }
0xa: {  	[smem:$0x3FAB] =	sst s2  }
0xb: {  	[smem:$0x3FAC] =	sst s3  }
0xc: {  	[smem:$0x3FAD] =	sst s4  }
0xd: {  	[smem:$0x3FAE] =	sst s5  }
0xe: {  	[smem:$0x3FAF] =	sst s6  }
0xf: {  	[smem:$0x3FB0] =	sst s7  }
0x10: {  	[smem:$0x3FB1] =	sst s8  }
0x11: {  	[smem:$0x3FB2] =	sst s9;
	s0 =	simm.s32 @!p0 $0x0  }
0x12: {  	s1 =	sld [smem:$0x3F98];
	s0 =	simm.s32 @p0 $0x1  }
0x13: {  	[smem:$0x3FB3] =	sst s0;
	s0 =	simm.s32 @!p1 $0x0  }
0x14: {  	s2 =	sld [smem:$0x3F97];
	s0 =	simm.s32 @p1 $0x1  }
0x15: {  	[smem:$0x3FB4] =	sst s0;
	s0 =	simm.s32 @!p2 $0x0  }
0x16: {  	s3 =	sld [smem:$0x3FDB];
	s0 =	simm.s32 @p2 $0x1  }
0x17: {  	s4 =	simm.s32 $0x1BF5;
	[smem:$0x3FB6] =	sst s0  }
0x18: {  	s0 =	sld [smem:$0x3F99];
	_ =	swait.ge [sflag:s4], $0x0  }
0x19: {  	s7 =	sld [smem:$0x3F9A]  }
0x1a: {  	s8 =	sadd.s32 $0xFFFFE003, lr  }
0x1b: {  	s9 =	sadd.s32 $0xFFFFFEF7, lr;
	s5 =	simm.s32 $0xFFFFFFFF;
	p2 =	slt.u32 s8, $0xFFFFF086  }
0x1c: {  	p1 =	slt.u32 s9, $0xF7A;
	s5 =	simm.s32 @!p2 $0x0  }
0x1d: {  	s5 =	simm.s32 @p1 $0x1;
	p0 =	seq.s32 s7, s2  }
0x1e: {  	s7 =	smul.u32 @!p0 $0xF7A, s2;
	p2 =	seq.s32 @!p0 s5, $0x0  }
0x1f: {  	s9 =	smul.u32 $0xF7A, s1;
	s8 =	simm.s32 @!p0 $0x1BF5;
	p2 =	por !p2, p0  }
0x20: {  	[sflag:s8] =	ssyncset.s32 @!p0 $0xFFFFF086;
	s6 =	sadd.s32 @!p0 s3, s7;
	s7 =	simm.s32 @!p0 $0x108  }
0x21: {  	s3 =	sadd.s32 s3, s9;
	s6 =	sadd.s32 @!p0 $0x88, s6;
	s7 =	simm.s32 @p2 $0x1082  }
0x22: {  	[simem:s7], [sflag:s8] =	dma.local @!p0 [hbm:s6], $0xF7A  }
0x23: {  	s9 =	sor.u32 $0xD0000000, s2;
	s6 =	simm.s32 $0x108;
	_ =	swait.ge @!p0 [sflag:s8], $0x0  }
0x24: {  	s3 =	sadd.s32 $0x88, s3;
	s6 =	simm.s32 @!p1 $0x1082;
	[sflag:s4] =	ssyncset.s32 $0xFFFFF086  }
0x25: {  	[simem:s6], [sflag:s4] =	dma.local [hbm:s3], $0xF7A  }
0x26: {  	[smem:$0x3F9A] =	sst s1;
	(tag) =	ssettag s2;
	_ =	strace s9  }
0x27: {  	s1 =	sld [smem:$0x3FAA]  }
0x28: {  	s2 =	sld [smem:$0x3FAB]  }
0x29: {  	s4 =	sld [smem:$0x3FAD]  }
0x2a: {  	p0 =	seq.s32 s5, $0x0;
	s5 =	sld [smem:$0x3FAE]  }
0x2b: {  	s6 =	sld [smem:$0x3FAF]  }
0x2c: {  	s7 =	sld [smem:$0x3FB0]  }
0x2d: {  	s3 =	simm.s32 $0x108;
	s8 =	sld [smem:$0x3FB1]  }
0x2e: {  	s3 =	simm.s32 @!p0 $0x1082;
	s9 =	sld [smem:$0x3FB2]  }
0x2f: {  	lr =	sadd.s32 s0, s3;
	s0 =	sld [smem:$0x3FA9]  }
0x30: {  	s3 =	sld [smem:$0x3FAC]  }
0x31: {  	[smem:$0x3FB5] =	sst s10  }
0x32: {  	s10 =	sld [smem:$0x3FB3];
	_ =	sdelay $0x3  }
0x33: {  	p0 =	seq.s32 s10, $0x1;
	s10 =	sld [smem:$0x3FB5];
	_ =	sdelay $0x3  }
0x34: {  	[smem:$0x3FB5] =	sst s10  }
0x35: {  	s10 =	sld [smem:$0x3FB4];
	_ =	sdelay $0x3  }
0x36: {  	p1 =	seq.s32 s10, $0x1;
	s10 =	sld [smem:$0x3FB5];
	_ =	sdelay $0x3  }
0x37: {  	[smem:$0x3FB5] =	sst s10  }
0x38: {  	s10 =	sld [smem:$0x3FB6]  }
0x39: {  	_ = 	snop;
	(pc) =	sbr.ind lr, $3  }
0x3a: {  	_ = 	snop  }
0x3b: {  	_ = 	snop  }
0x3c: {  	p2 =	seq.s32 s10, $0x1;
	s10 =	sld [smem:$0x3FB5]  }
0x3d: {  	_ =	shalt  }
0x3e: {  	_ =	shalt  }
0x3f: {  	_ =	shalt  }
0x40: {  	_ =	shalt  }
0x41: {  	_ =	shalt  }
0x42: {  	_ =	shalt  }
0x43: {  	_ =	shalt  }
0x44: {  	_ =	shalt  }
0x45: {  	_ =	shalt  }
0x46: {  	_ =	shalt  }
0x47: {  	_ =	shalt  }
0x48: {  	_ =	shalt  }
0x49: {  	_ =	shalt  }
0x4a: {  	_ =	shalt  }
0x4b: {  	_ =	shalt  }
0x4c: {  	_ =	shalt  }
0x4d: {  	_ =	shalt  }
0x4e: {  	_ =	shalt  }
0x4f: {  	_ =	shalt  }
0x50: {  	_ =	shalt  }
0x51: {  	_ =	shalt  }
0x52: {  	_ =	shalt  }
0x53: {  	_ =	shalt  }
0x54: {  	_ =	shalt  }
0x55: {  	_ =	shalt  }
0x56: {  	_ =	shalt  }
0x57: {  	_ =	shalt  }
0x58: {  	_ =	shalt  }
0x59: {  	_ =	shalt  }
0x5a: {  	_ =	shalt  }
0x5b: {  	_ =	shalt  }
0x5c: {  	_ =	shalt  }
0x5d: {  	_ =	shalt  }
0x5e: {  	_ =	shalt  }
0x5f: {  	_ =	shalt  }
0x60: {  	_ =	shalt  }
0x61: {  	_ =	shalt  }
0x62: {  	_ =	shalt  }
0x63: {  	_ =	shalt  }
0x64: {  	_ =	shalt  }
0x65: {  	_ =	shalt  }
0x66: {  	_ =	shalt  }
0x67: {  	_ =	shalt  }
0x68: {  	_ =	shalt  }
0x69: {  	_ =	shalt  }
0x6a: {  	_ =	shalt  }
0x6b: {  	_ =	shalt  }
0x6c: {  	_ =	shalt  }
0x6d: {  	_ =	shalt  }
0x6e: {  	_ =	shalt  }
0x6f: {  	_ =	shalt  }
0x70: {  	_ =	shalt  }
0x71: {  	_ =	shalt  }
0x72: {  	_ =	shalt  }
0x73: {  	_ =	shalt  }
0x74: {  	_ =	shalt  }
0x75: {  	_ =	shalt  }
0x76: {  	_ =	shalt  }
0x77: {  	_ =	shalt  }
0x78: {  	_ =	shalt  }
0x79: {  	_ =	shalt  }
0x7a: {  	_ =	shalt  }
0x7b: {  	_ =	shalt  }
0x7c: {  	_ =	shalt  }
0x7d: {  	_ =	shalt  }
0x7e: {  	_ =	shalt  }
0x7f: {  	_ =	shalt  }
0x80: {  	_ =	shalt  }
0x81: {  	_ =	shalt  }
0x82: {  	_ =	shalt  }
0x83: {  	_ =	shalt  }
0x84: {  	_ =	shalt  }
0x85: {  	_ =	shalt  }
0x86: {  	_ =	shalt  }
0x87: {  	_ =	shalt  }
.Lfunc_end0:
.L_simem_size_0:
called_computation.9_lowered:
.L_overlay_start_0:
0x88: {  	s2 =	sld [smem:$0x3FD9]  }
0x89: {  	s3 =	sld [smem:$0x3FFE];
	_ =	sdelay $0x1  }
0x8a: {  	s1 =	srdreg.scid  }
0x8b: {  	s0 =	sand.u32 $0x1, s1  }
0x8c: {  	s17 =	sshll.u32 s0, $0xA;
	s2 =	sadd.s32 s3, s2  }
0x8d: {  	s2 =	sadd.s32 s2, s17  }
0x8e: {  	[smem:$0x3FC1] =	sst s2  }
0x8f: {  	_ = 	snop  }
0x90: {  	s2 =	sld [smem:$0x3FC5];
	(tm) =	ssettm $0x1  }
0x91: {  	s18 =	sld [smem:$0x3FFB];
	_ =	sdelay $0x3  }
0x92: {  	_ =	strace s18  }
0x93: {  	s3 =	sld [smem:$0x3FFC];
	_ =	sdelay $0x3  }
0x94: {  	_ =	strace s3  }
0x95: {  	s3 =	sld [smem:$0x3FFD];
	_ =	sdelay $0x3  }
0x96: {  	_ =	strace s3  }
0x97: {  	_ =	strace $0x8FFFFFFF  }
0x98: {  	s19 =	sld [smem:$0x3FDB];
	_ =	sdelay $0x1  }
0x99: {  	s4 =	simm.s32 $_scs_section_size  }
0x9a: {  	s5 =	simm.s32 $_size__tile_overlayer_lowered;
	s6 =	simm.s32 $_tile_overlayer_lowered  }
0x9b: {  	s22 =	simm.s32 $0x1BFF;
	s21 =	sshll.u32 s6, $0x1;
	s3 =	sadd.s32 s4, s19  }
0x9c: {  	s7 =	simm.s32 $0x0;
	s20 =	sshll.u32 s5, $0x1;
	s5 =	sadd.s32 s21, s3  }
0x9d: {  	[timem:s7], [sflag:s22] =	dma.local [hbm:s5], s20  }
0x9e: {  	_ =	swait.ge [sflag:s22], s20  }
0x9f: {  	s4 =	ssub.s32 $0x0, s20;
	[sflag:s22] =	ssyncset.done $0x0  }
0xa0: {  	[sflag:s22] =	ssyncadd.s32 s4;
	_ =	sdelay $0x1  }
0xa1: {  	s23 =	simm.s32 $0x1B8B  }
0xa2: {  	_ =	swait.ge [sflag:s23], $0x1  }
0xa3: {  	[sflag:s23] =	ssyncset.done $0x0  }
0xa4: {  	s25 =	simm.s32 $0x1B8E;
	s24 =	sld [smem:$0x3FFE];
	[sflag:s23] =	ssyncadd.s32 $0xFFFFFFFF  }
0xa5: {  	s26 =	simm.s32 $execute0_lowered;
	[smem:$0x3FD2] =	sst s25  }
0xa6: {  	s5 =	sshll.u32 s26, $0x1;
	_ =	strace $0x8000005E;
	[dreg:$0x1] =	wrdreg $0xFFFFFFFF  }
0xa7: {  	s28 =	simm.s32 $_size_execute0_lowered;
	s3 =	sadd.s32 s3, s5;
	[dreg:$0x0] =	wrdreg $0x0  }
0xa8: {  	s5 =	sshll.u32 s28, $0x1;
	[dreg:$0x2] =	wrdreg s3  }
0xa9: {  	[dreg:$0x3] =	wrdreg s5  }
0xaa: {  	[dreg:$0x4] =	wrdreg $0xC0  }
0xab: {  	_ =	task [dreg:s7], $0x5FFFF  }
0xac: {  	[dreg:$0x1] =	wrdreg $0xFFFFFFFF  }
0xad: {  	[dreg:$0x0] =	wrdreg $0x60  }
0xae: {  	[dreg:$0x2] =	wrdreg s24  }
0xaf: {  	[dreg:$0x3] =	wrdreg s2  }
0xb0: {  	[dreg:$0x4] =	wrdreg $0x38400  }
0xb1: {  	[dreg:$0x5] =	wrdreg $0x9  }
0xb2: {  	_ =	task.clear_ibuf [dreg:s7], $0x6FFFF;
	_ =	strace $0x9000005E  }
0xb3: {  	s29 =	simm.s32 $0x9;
	_ =	strace $0x80000060  }
0xb4: {  	_ =	swait.ge [sflag:s29], $0x1  }
0xb5: {  	[sflag:s29] =	ssyncadd.s32 $0xFFFFFFFF  }
0xb6: {  	_ =	strace $0x90000060  }
0xb7: {  	_ =	sfence  }
0xb8: {  	s30 =	sld [smem:$0x0];
	_ =	sdelay $0x2  }
0xb9: {  	s31 =	sshll.u32 s1, $0xD;
	s1 =	sshrl.u32 s1, $0x2  }
0xba: {  	s3 =	sand.u32 $0x4000, s31;
	s1 =	sadd.s32 s1, s30  }
0xbb: {  	s0 =	sor.u32 s3, s0;
	s1 =	sshll.u32 s1, $0x11  }
0xbc: {  	s0 =	sor.u32 s1, s0  }
0xbd: {  	s0 =	sadd.s32 $0x8F2B, s0  }
0xbe: {  	[sflag:s0] =	ssyncadd.remote.s32 $0x1  }
0xbf: {  	_ =	sfence.sel $0xFFFF  }
0xc0: {  	[dreg:$0x0] =	wrdreg $0xFFFFFFFF;
	(pc) =	sbr.abs _section_cstart, $3  }
0xc1: {  	[dreg:$0x1] =	wrdreg $0xFFFFFFFF  }
0xc2: {  	_ =	task.clear_ibuf [dreg:s7], $0x2FFFF;
	_ =	strace $0x9FFFFFFF  }
0xc3: {  	(tm) =	ssettm $0x7FFFFFFF  }
tec
execute0_lowered:
.L_overlay_start_1:
0x0: {  	(tag) =	ssettag $0x1  }
0x1: {  	s8 =	rddreg [dreg:$0x0]  }
0x2: {  	s1 =	rddreg [dreg:$0x1]  }
0x3: {  	s3 =	rddreg [dreg:$0x2]  }
0x4: {  	s0 =	rddreg [dreg:$0x3];
	s4 =	simm.s32 $0x0;
	s5 =	srdreg.scid  }
0x5: {  	s2 =	stileid.u32;
	s15 =	simm.s32 $0x7D0;
	s16 =	simm.s32 $0x50  }
0x6: {  	s17 =	simm.s32 $0x1040;
	s18 =	simm.s32 $0x2440;
	s19 =	simm.s32 $0x1  }
0x7: {  	s20 =	simm.s32 $0xFA0;
	s21 =	simm.s32 $0x2;
	s22 =	simm.s32 $0xFF0  }
0x8: {  	[smem:$0x7FF] =	sst s4;
	s10 =	sand.u32 $0x1, s5;
	s7 =	smul.u32 $0x3100, s2  }
0x9: {  	s5 =	sadd.s32 $0x41600, s8;
	s6 =	sadd.s32 $0x10800, s8;
	s13 =	smul.u32 $0x62000, s2  }
0xa: {  	s31 =	sshll.u32 s2, $0x6;
	s9 =	smul.u32 $0x31000, s10;
	s11 =	ssub.s32 $0x2, s10  }
0xb: {  	_ =	strace $0x8000005F;
	s10 =	smul.u32 $0xC3500, s10;
	s12 =	sshrl.u32 s11, $0x1  }
0xc: {  	s30 =	sshrl.u32 s13, $0x2;
	s9 =	sadd.s32 s7, s9;
	s7 =	sadd.s32 $0xD600, s8  }
0xd: {  	s12 =	ssub.s32 s11, s12;
	s13 =	sadd.s32 s30, s3;
	s14 =	sadd.s32 s9, s8  }
0xe: {  	s8 =	smul.u32 $0xC350, s2;
	s9 =	sor.u32 $0x1C03, s31;
	s12 =	smax.u32 s12, $0x1  }
0xf: {  	s13 =	sshrl.u32 s13, $0x3;
	s11 =	sadd.s32 $0x17DE00, s14;
	s14 =	simm.s32 $0x3  }
.LBB2_1:
0x10: {  	[spmem:s13], [sflag:s9] =	dma.local [hbm:s7], $0x3100  }
0x11: {  	_ =	swait.ge [sflag:s14], $0x3100  }
0x12: {  	[sflag:s14] =	ssyncset.done $0x0  }
0x13: {  	[sflag:s14] =	ssyncadd.s32 $0xFFFFCF00  }
0x14: {  	s23 =	simm.s32 $0x0;
	[bflag:$0x0] =	sbarrier.arrive $0xFFFF  }
.LBB2_2:
0x15: {  	s24 =	smul.u32 $0x7D0, s23;
	_ =	sdelay $0x1  }
0x16: {  	s24 =	sadd.s32 s8, s24  }
0x17: {  	s25 =	sshrl.u32 s24, $0x3  }
0x18: {  	s26 =	simm.s32 $0x0;
	s25 =	sadd.s32 s1, s25  }
0x19: {  	[tilespmem:s26], [sflag:$0x3] =	stream.linear.gather [hbm4b:s25+s26], $0x7D0, $0x38;
	[tilespmem:$0x1C040] =	vst v63  }
0x1a: {  	s24 =	sadd.s32 s10, s24;
	_ =	swait.ge [sflag:s14], $0x7D0  }
0x1b: {  	s24 =	sshrl.u32 s24, $0x3;
	[sflag:s14] =	ssyncset.done $0x0  }
0x1c: {  	s24 =	sadd.s32 s6, s24;
	[sflag:s14] =	ssyncadd.s32 $0xFFFFF830  }
0x1d: {  	[tilespmem:s15], [sflag:$0x3] =	stream.linear.gather [hbm4b:s24+s26], $0x7D0, $0x38;
	[tilespmem:$0x1C040] =	vst v63  }
0x1e: {  	_ =	swait.ge [sflag:s14], $0x7D0  }
0x1f: {  	[sflag:s14] =	ssyncset.done $0x0  }
0x20: {  	[sflag:s14] =	ssyncadd.s32 $0xFFFFF830  }
0x21: {  	[tilespmem:s17], [sflag:$0x1] =	stream.indirect.gather [hbm4b:s5+s16], $0x40, s26, s16, $0xb8;
	[tilespmem:$0x1C040] =	vst v63  }
0x22: {  	s29 =	simm.s32 $0x50  }
0x23: {  	[tilespmem:s18], [sflag:$0x2] =	stream.indirect.gather [hbm4b:s5+s16], $0x40, s29, s16, $0xb8;
	[tilespmem:$0x1C040] =	vst v63  }
0x24: {  	_ =	swait.ge [sflag:s19], $0x1400  }
0x25: {  	[sflag:s19] =	ssyncset.done $0x0  }
0x26: {  	s30 =	simm.s32 $0x0;
	[sflag:s19] =	ssyncadd.s32 $0xFFFFEC00  }
0x27: {  	v0 =	vld [tilespmem:s30+$0x7D0];
	_ =	sdelay $0x4  }
0x28: {  	[tilespmem:$0xFA0] =	vst v0  }
0x29: {  	v0 =	vld [tilespmem:s30+$0x7E0];
	_ =	sdelay $0x4  }
0x2a: {  	[tilespmem:$0xFB0] =	vst v0  }
0x2b: {  	v0 =	vld [tilespmem:s30+$0x7F0];
	_ =	sdelay $0x4  }
0x2c: {  	[tilespmem:$0xFC0] =	vst v0  }
0x2d: {  	v0 =	vld [tilespmem:s30+$0x800];
	_ =	sdelay $0x4  }
0x2e: {  	[tilespmem:$0xFD0] =	vst v0  }
0x2f: {  	v0 =	vld [tilespmem:s30+$0x810];
	_ =	sdelay $0x4  }
0x30: {  	[tilespmem:$0xFE0] =	vst v0  }
0x31: {  	[spmem:s3] =	stream.indirect.scatter.add.f32 [tilespmem:s17], [sflag:$0x3], $0x40, s20, s16, $0xb8;
	[tilespmem:$0x1C040] =	vst v63  }
0x32: {  	_ =	swait.ge [sflag:s14], $0x1400  }
0x33: {  	[sflag:s14] =	ssyncset.done $0x0  }
0x34: {  	s31 =	simm.s32 $0xA0;
	[sflag:s14] =	ssyncadd.s32 $0xFFFFEC00  }
0x35: {  	[tilespmem:s17], [sflag:$0x1] =	stream.indirect.gather [hbm4b:s5+s16], $0x40, s31, s16, $0xb8;
	[tilespmem:$0x1C040] =	vst v63  }
0x36: {  	_ =	swait.ge [sflag:s21], $0x1400  }
0x37: {  	[sflag:s21] =	ssyncset.done $0x0  }
0x38: {  	[sflag:s21] =	ssyncadd.s32 $0xFFFFEC00  }
0x39: {  	v63 =	vld [tilespmem:s30+$0x820];
	_ =	sdelay $0x4  }
0x3a: {  	[tilespmem:$0xFF0] =	vst v63  }
0x3b: {  	v0 =	vld [tilespmem:s30+$0x830];
	_ =	sdelay $0x4  }
0x3c: {  	[tilespmem:$0x1000] =	vst v0  }
0x3d: {  	v0 =	vld [tilespmem:s30+$0x840];
	_ =	sdelay $0x4  }
0x3e: {  	[tilespmem:$0x1010] =	vst v0  }
0x3f: {  	v0 =	vld [tilespmem:s30+$0x850];
	_ =	sdelay $0x4  }
0x40: {  	[tilespmem:$0x1020] =	vst v0  }
0x41: {  	v0 =	vld [tilespmem:s30+$0x860];
	_ =	sdelay $0x4  }
0x42: {  	[tilespmem:$0x1030] =	vst v0  }
0x43: {  	[spmem:s3] =	stream.indirect.scatter.add.f32 [tilespmem:s18], [sflag:$0x3], $0x40, s22, s16, $0xb8;
	[tilespmem:$0x1C040] =	vst v63  }
0x44: {  	_ =	swait.ge [sflag:s14], $0x1400  }
0x45: {  	s28 =	simm.s32 $0x500;
	s24 =	simm.s32 $0xA0;
	[sflag:s14] =	ssyncset.done $0x0  }
.LBB2_3:
0x46: {  	s29 =	sadd.s32 $0x50, s24  }
0x47: {  	[sflag:s14] =	ssyncadd.s32 $0xFFFFEC00;
	s26 =	smov.u32 s28;
	s25 =	sadd.s32 $0x280, s28  }
0x48: {  	[tilespmem:s18], [sflag:$0x2] =	stream.indirect.gather [hbm4b:s5+s16], $0x40, s29, s16, $0xb8;
	[tilespmem:$0x1C040] =	vst v63  }
0x49: {  	p0 =	sne.s32 s28, $0x1B80;
	_ =	swait.ge [sflag:s19], $0x1400  }
0x4a: {  	[sflag:s19] =	ssyncset.done $0x0  }
0x4b: {  	[sflag:s19] =	ssyncadd.s32 $0xFFFFEC00  }
0x4c: {  	v0 =	vld [tilespmem:s24+$0x7D0];
	_ =	sdelay $0x4  }
0x4d: {  	[tilespmem:$0xFA0] =	vst v0  }
0x4e: {  	v0 =	vld [tilespmem:s24+$0x7E0];
	_ =	sdelay $0x4  }
0x4f: {  	[tilespmem:$0xFB0] =	vst v0  }
0x50: {  	v0 =	vld [tilespmem:s24+$0x7F0];
	_ =	sdelay $0x4  }
0x51: {  	[tilespmem:$0xFC0] =	vst v0  }
0x52: {  	v0 =	vld [tilespmem:s24+$0x800];
	_ =	sdelay $0x4  }
0x53: {  	[tilespmem:$0xFD0] =	vst v0  }
0x54: {  	v0 =	vld [tilespmem:s24+$0x810];
	_ =	sdelay $0x4  }
0x55: {  	[tilespmem:$0xFE0] =	vst v0  }
0x56: {  	[spmem:s3] =	stream.indirect.scatter.add.f32 [tilespmem:s17], [sflag:$0x3], $0x40, s20, s16, $0xb8;
	[tilespmem:$0x1C040] =	vst v63  }
0x57: {  	_ =	swait.ge [sflag:s14], $0x1400  }
0x58: {  	[sflag:s14] =	ssyncset.done $0x0  }
0x59: {  	s28 =	sadd.s32 $0xA0, s24;
	[sflag:s14] =	ssyncadd.s32 $0xFFFFEC00  }
0x5a: {  	[tilespmem:s17], [sflag:$0x1] =	stream.indirect.gather [hbm4b:s5+s16], $0x40, s28, s16, $0xb8;
	[tilespmem:$0x1C040] =	vst v63  }
0x5b: {  	_ =	swait.ge [sflag:s21], $0x1400  }
0x5c: {  	[sflag:s21] =	ssyncset.done $0x0  }
0x5d: {  	[sflag:s21] =	ssyncadd.s32 $0xFFFFEC00  }
0x5e: {  	v0 =	vld [tilespmem:s24+$0x820];
	_ =	sdelay $0x4  }
0x5f: {  	[tilespmem:$0xFF0] =	vst v0  }
0x60: {  	v0 =	vld [tilespmem:s24+$0x830];
	_ =	sdelay $0x4  }
0x61: {  	[tilespmem:$0x1000] =	vst v0  }
0x62: {  	v0 =	vld [tilespmem:s24+$0x840];
	_ =	sdelay $0x4  }
0x63: {  	[tilespmem:$0x1010] =	vst v0  }
0x64: {  	v0 =	vld [tilespmem:s24+$0x850];
	_ =	sdelay $0x4  }
0x65: {  	[tilespmem:$0x1020] =	vst v0  }
0x66: {  	v0 =	vld [tilespmem:s24+$0x860];
	_ =	sdelay $0x3  }
.Ltmp0:
0x67: {  	(pc) =	sbr.rel @p0 .LBB2_3-.Ltmp0, $4  }
0x68: {  	[tilespmem:$0x1030] =	vst v0  }
0x69: {  	[spmem:s3] =	stream.indirect.scatter.add.f32 [tilespmem:s18], [sflag:$0x3], $0x40, s22, s16, $0xb8;
	[tilespmem:$0x1C040] =	vst v63  }
0x6a: {  	_ =	swait.ge [sflag:s14], $0x1400  }
0x6b: {  	s28 =	smov.u32 s25;
	s24 =	sshra.s32 s26, $0x2;
	[sflag:s14] =	ssyncset.done $0x0  }
0x6c: {  	s25 =	sadd.s32 $0x50, s24;
	[sflag:s14] =	ssyncadd.s32 $0xFFFFEC00  }
0x6d: {  	[tilespmem:s18], [sflag:$0x2] =	stream.indirect.gather [hbm4b:s5+s16], $0x40, s25, s16, $0xb8;
	[tilespmem:$0x1C040] =	vst v63  }
0x6e: {  	_ =	swait.ge [sflag:s19], $0x1400  }
0x6f: {  	[sflag:s19] =	ssyncset.done $0x0  }
0x70: {  	[sflag:s19] =	ssyncadd.s32 $0xFFFFEC00  }
0x71: {  	v0 =	vld [tilespmem:s24+$0x7D0];
	_ =	sdelay $0x4  }
0x72: {  	[tilespmem:$0xFA0] =	vst v0  }
0x73: {  	v0 =	vld [tilespmem:s24+$0x7E0];
	_ =	sdelay $0x4  }
0x74: {  	[tilespmem:$0xFB0] =	vst v0  }
0x75: {  	v0 =	vld [tilespmem:s24+$0x7F0];
	_ =	sdelay $0x4  }
0x76: {  	[tilespmem:$0xFC0] =	vst v0  }
0x77: {  	v0 =	vld [tilespmem:s24+$0x800];
	_ =	sdelay $0x4  }
0x78: {  	[tilespmem:$0xFD0] =	vst v0  }
0x79: {  	v0 =	vld [tilespmem:s24+$0x810];
	_ =	sdelay $0x4  }
0x7a: {  	[tilespmem:$0xFE0] =	vst v0  }
0x7b: {  	[spmem:s3] =	stream.indirect.scatter.add.f32 [tilespmem:s17], [sflag:$0x3], $0x40, s20, s16, $0xb8;
	[tilespmem:$0x1C040] =	vst v63  }
0x7c: {  	_ =	swait.ge [sflag:s14], $0x1400  }
0x7d: {  	[sflag:s14] =	ssyncset.done $0x0  }
0x7e: {  	s31 =	sadd.s32 $0xA0, s24;
	[sflag:s14] =	ssyncadd.s32 $0xFFFFEC00  }
0x7f: {  	[tilespmem:s17], [sflag:$0x1] =	stream.indirect.gather [hbm4b:s5+s16], $0x40, s31, s16, $0xb8;
	[tilespmem:$0x1C040] =	vst v63  }
0x80: {  	_ =	swait.ge [sflag:s21], $0x1400  }
0x81: {  	[sflag:s21] =	ssyncset.done $0x0  }
0x82: {  	[sflag:s21] =	ssyncadd.s32 $0xFFFFEC00  }
0x83: {  	v62 =	vld [tilespmem:s24+$0x820];
	_ =	sdelay $0x4  }
0x84: {  	[tilespmem:$0xFF0] =	vst v62  }
0x85: {  	v0 =	vld [tilespmem:s24+$0x830];
	_ =	sdelay $0x4  }
0x86: {  	[tilespmem:$0x1000] =	vst v0  }
0x87: {  	v0 =	vld [tilespmem:s24+$0x840];
	_ =	sdelay $0x4  }
0x88: {  	[tilespmem:$0x1010] =	vst v0  }
0x89: {  	v0 =	vld [tilespmem:s24+$0x850];
	_ =	sdelay $0x4  }
0x8a: {  	[tilespmem:$0x1020] =	vst v0  }
0x8b: {  	v0 =	vld [tilespmem:s24+$0x860];
	_ =	sdelay $0x4  }
0x8c: {  	[tilespmem:$0x1030] =	vst v0  }
0x8d: {  	[spmem:s3] =	stream.indirect.scatter.add.f32 [tilespmem:s18], [sflag:$0x3], $0x40, s22, s16, $0xb8;
	[tilespmem:$0x1C040] =	vst v63  }
0x8e: {  	_ =	swait.ge [sflag:s14], $0x1400  }
0x8f: {  	[sflag:s14] =	ssyncset.done $0x0  }
0x90: {  	[sflag:s14] =	ssyncadd.s32 $0xFFFFEC00  }
0x91: {  	_ =	swait.ge [sflag:s19], $0x1400  }
0x92: {  	[sflag:s19] =	ssyncset.done $0x0  }
0x93: {  	[sflag:s19] =	ssyncadd.s32 $0xFFFFEC00  }
0x94: {  	v63 =	vld [tilespmem:$0xF50]  }
0x95: {  	v1 =	vld [tilespmem:$0xF60]  }
0x96: {  	v2 =	vld [tilespmem:$0xF70]  }
0x97: {  	v3 =	vld [tilespmem:$0xF80]  }
0x98: {  	v4 =	vld [tilespmem:$0xF90]  }
0x99: {  	[tilespmem:$0xFA0] =	vst v63  }
0x9a: {  	[tilespmem:$0xFB0] =	vst v1  }
0x9b: {  	s23 =	sadd.s32 $0x1, s23;
	[tilespmem:$0xFC0] =	vst v2  }
0x9c: {  	p0 =	sne.s32 s23, $0x19;
	[tilespmem:$0xFD0] =	vst v3  }
.Ltmp1:
0x9d: {  	[tilespmem:$0xFE0] =	vst v4;
	(pc) =	sbr.rel @p0 .LBB2_2-.Ltmp1, $4  }
0x9e: {  	[spmem:s3] =	stream.indirect.scatter.add.f32 [tilespmem:s17], [sflag:$0x3], $0x40, s20, s16, $0xb8;
	[tilespmem:$0x1C040] =	vst v63  }
0x9f: {  	_ =	swait.ge [sflag:s14], $0x1400  }
0xa0: {  	[sflag:s14] =	ssyncset.done $0x0  }
0xa1: {  	[sflag:s14] =	ssyncadd.s32 $0xFFFFEC00  }
0xa2: {  	s4 =	sadd.s32 $0x1, s4  }
0xa3: {  	p0 =	sne.s32 s4, s12  }
.Ltmp2:
0xa4: {  	[bflag:$0x0] =	sbarrier.arrive $0xFFFF;
	(pc) =	sbr.rel @p0 .LBB2_1-.Ltmp2, $4  }
0xa5: {  	[hbm:s11], [sflag:s9] =	dma.local [spmem:s13], $0x3100  }
0xa6: {  	_ =	swait.ge [sflag:s14], $0x3100  }
0xa7: {  	[sflag:s14] =	ssyncset.done $0x0  }
0xa8: {  	[sflag:s14] =	ssyncadd.s32 $0xFFFFCF00  }
0xa9: {  	_ =	sfence.sel $0x180000  }
0xaa: {  	[bflag:$0x0] =	sbarrier.arrive $0xFFFF  }
0xab: {  	p0 =	sne.s32 s2, $0x0;
	_ =	strace $0x9000005F  }
0xac: {  	s0 =	sadd.s32 @!p0 $0x100000, s0;
	[bflag:$0x2] =	sbarrier.arrive $0xFFFF  }
0xad: {  	[sflag:s0] =	ssyncadd.tile.s32 @!p0 $0x1;
	_ =	shalt  }
.Lfunc_end2:
_tile_overlayer_lowered:
.L_overlay_start_2:
0xae: {  	(tag) =	ssettag $0x2  }
0xaf: {  	s0 =	rddreg [dreg:$0x0];
	s2 =	stileid.u32  }
0xb0: {  	s1 =	rddreg [dreg:$0x1];
	p0 =	sne.s32 s2, $0x0  }
0xb1: {  	s3 =	rddreg [dreg:$0x2];
	[bflag:$0x3] =	sbarrier.arrive $0xFFFF;
	s2 =	simm.s32 @!p0 $0x1C03  }
0xb2: {  	[timem:s3], [sflag:s2] =	dma.local @!p0 [hbm:s0], s1  }
0xb3: {  	s0 =	simm.s32 @!p0 $0x3  }
0xb4: {  	_ =	swait.ge @!p0 [sflag:s0], s1  }
0xb5: {  	s1 =	ssub.s32 @!p0 $0x0, s1;
	[sflag:s0] =	ssyncset.done @!p0 $0x0  }
0xb6: {  	[sflag:s0] =	ssyncadd.s32 @!p0 s1  }
0xb7: {  	[bflag:$0x3] =	sbarrier.arrive $0xFFFF  }
0xb8: {  	_ =	shalt  }

// kernel: kernel.23.cloned.1.call-start
scs
__scs_entry_jumppad:
0x0: {  	(pc) =	sbr.rel $0x88, $3  }
0x1: {  	(tag) =	ssettag $0x0;
	lr =	simm.s32 $0x1  }
0x2: {  	[smem:$0x3F9A] =	sst lr;
	_ =	strace $0xD0000000  }
0x3: {  	_ = 	snop  }
0x4: {  	_ = 	snop  }
0x5: {  	_ = 	snop  }
0x6: {  	_ = 	snop  }
0x7: {  	_ = 	snop  }
__scs_overlays_trampoline_lowered:
0x8: {  	[smem:$0x3FA9] =	sst s0  }
0x9: {  	[smem:$0x3FAA] =	sst s1  }
0xa: {  	[smem:$0x3FAB] =	sst s2  }
0xb: {  	[smem:$0x3FAC] =	sst s3  }
0xc: {  	[smem:$0x3FAD] =	sst s4  }
0xd: {  	[smem:$0x3FAE] =	sst s5  }
0xe: {  	[smem:$0x3FAF] =	sst s6  }
0xf: {  	[smem:$0x3FB0] =	sst s7  }
0x10: {  	[smem:$0x3FB1] =	sst s8  }
0x11: {  	[smem:$0x3FB2] =	sst s9;
	s0 =	simm.s32 @!p0 $0x0  }
0x12: {  	s1 =	sld [smem:$0x3F98];
	s0 =	simm.s32 @p0 $0x1  }
0x13: {  	[smem:$0x3FB3] =	sst s0;
	s0 =	simm.s32 @!p1 $0x0  }
0x14: {  	s2 =	sld [smem:$0x3F97];
	s0 =	simm.s32 @p1 $0x1  }
0x15: {  	[smem:$0x3FB4] =	sst s0;
	s0 =	simm.s32 @!p2 $0x0  }
0x16: {  	s3 =	sld [smem:$0x3FDB];
	s0 =	simm.s32 @p2 $0x1  }
0x17: {  	s4 =	simm.s32 $0x1BF5;
	[smem:$0x3FB6] =	sst s0  }
0x18: {  	s0 =	sld [smem:$0x3F99];
	_ =	swait.ge [sflag:s4], $0x0  }
0x19: {  	s7 =	sld [smem:$0x3F9A]  }
0x1a: {  	s8 =	sadd.s32 $0xFFFFE003, lr  }
0x1b: {  	s9 =	sadd.s32 $0xFFFFFEF7, lr;
	s5 =	simm.s32 $0xFFFFFFFF;
	p2 =	slt.u32 s8, $0xFFFFF086  }
0x1c: {  	p1 =	slt.u32 s9, $0xF7A;
	s5 =	simm.s32 @!p2 $0x0  }
0x1d: {  	s5 =	simm.s32 @p1 $0x1;
	p0 =	seq.s32 s7, s2  }
0x1e: {  	s7 =	smul.u32 @!p0 $0xF7A, s2;
	p2 =	seq.s32 @!p0 s5, $0x0  }
0x1f: {  	s9 =	smul.u32 $0xF7A, s1;
	s8 =	simm.s32 @!p0 $0x1BF5;
	p2 =	por !p2, p0  }
0x20: {  	[sflag:s8] =	ssyncset.s32 @!p0 $0xFFFFF086;
	s6 =	sadd.s32 @!p0 s3, s7;
	s7 =	simm.s32 @!p0 $0x108  }
0x21: {  	s3 =	sadd.s32 s3, s9;
	s6 =	sadd.s32 @!p0 $0x88, s6;
	s7 =	simm.s32 @p2 $0x1082  }
0x22: {  	[simem:s7], [sflag:s8] =	dma.local @!p0 [hbm:s6], $0xF7A  }
0x23: {  	s9 =	sor.u32 $0xD0000000, s2;
	s6 =	simm.s32 $0x108;
	_ =	swait.ge @!p0 [sflag:s8], $0x0  }
0x24: {  	s3 =	sadd.s32 $0x88, s3;
	s6 =	simm.s32 @!p1 $0x1082;
	[sflag:s4] =	ssyncset.s32 $0xFFFFF086  }
0x25: {  	[simem:s6], [sflag:s4] =	dma.local [hbm:s3], $0xF7A  }
0x26: {  	[smem:$0x3F9A] =	sst s1;
	(tag) =	ssettag s2;
	_ =	strace s9  }
0x27: {  	s1 =	sld [smem:$0x3FAA]  }
0x28: {  	s2 =	sld [smem:$0x3FAB]  }
0x29: {  	s4 =	sld [smem:$0x3FAD]  }
0x2a: {  	p0 =	seq.s32 s5, $0x0;
	s5 =	sld [smem:$0x3FAE]  }
0x2b: {  	s6 =	sld [smem:$0x3FAF]  }
0x2c: {  	s7 =	sld [smem:$0x3FB0]  }
0x2d: {  	s3 =	simm.s32 $0x108;
	s8 =	sld [smem:$0x3FB1]  }
0x2e: {  	s3 =	simm.s32 @!p0 $0x1082;
	s9 =	sld [smem:$0x3FB2]  }
0x2f: {  	lr =	sadd.s32 s0, s3;
	s0 =	sld [smem:$0x3FA9]  }
0x30: {  	s3 =	sld [smem:$0x3FAC]  }
0x31: {  	[smem:$0x3FB5] =	sst s10  }
0x32: {  	s10 =	sld [smem:$0x3FB3];
	_ =	sdelay $0x3  }
0x33: {  	p0 =	seq.s32 s10, $0x1;
	s10 =	sld [smem:$0x3FB5];
	_ =	sdelay $0x3  }
0x34: {  	[smem:$0x3FB5] =	sst s10  }
0x35: {  	s10 =	sld [smem:$0x3FB4];
	_ =	sdelay $0x3  }
0x36: {  	p1 =	seq.s32 s10, $0x1;
	s10 =	sld [smem:$0x3FB5];
	_ =	sdelay $0x3  }
0x37: {  	[smem:$0x3FB5] =	sst s10  }
0x38: {  	s10 =	sld [smem:$0x3FB6]  }
0x39: {  	_ = 	snop;
	(pc) =	sbr.ind lr, $3  }
0x3a: {  	_ = 	snop  }
0x3b: {  	_ = 	snop  }
0x3c: {  	p2 =	seq.s32 s10, $0x1;
	s10 =	sld [smem:$0x3FB5]  }
0x3d: {  	_ =	shalt  }
0x3e: {  	_ =	shalt  }
0x3f: {  	_ =	shalt  }
0x40: {  	_ =	shalt  }
0x41: {  	_ =	shalt  }
0x42: {  	_ =	shalt  }
0x43: {  	_ =	shalt  }
0x44: {  	_ =	shalt  }
0x45: {  	_ =	shalt  }
0x46: {  	_ =	shalt  }
0x47: {  	_ =	shalt  }
0x48: {  	_ =	shalt  }
0x49: {  	_ =	shalt  }
0x4a: {  	_ =	shalt  }
0x4b: {  	_ =	shalt  }
0x4c: {  	_ =	shalt  }
0x4d: {  	_ =	shalt  }
0x4e: {  	_ =	shalt  }
0x4f: {  	_ =	shalt  }
0x50: {  	_ =	shalt  }
0x51: {  	_ =	shalt  }
0x52: {  	_ =	shalt  }
0x53: {  	_ =	shalt  }
0x54: {  	_ =	shalt  }
0x55: {  	_ =	shalt  }
0x56: {  	_ =	shalt  }
0x57: {  	_ =	shalt  }
0x58: {  	_ =	shalt  }
0x59: {  	_ =	shalt  }
0x5a: {  	_ =	shalt  }
0x5b: {  	_ =	shalt  }
0x5c: {  	_ =	shalt  }
0x5d: {  	_ =	shalt  }
0x5e: {  	_ =	shalt  }
0x5f: {  	_ =	shalt  }
0x60: {  	_ =	shalt  }
0x61: {  	_ =	shalt  }
0x62: {  	_ =	shalt  }
0x63: {  	_ =	shalt  }
0x64: {  	_ =	shalt  }
0x65: {  	_ =	shalt  }
0x66: {  	_ =	shalt  }
0x67: {  	_ =	shalt  }
0x68: {  	_ =	shalt  }
0x69: {  	_ =	shalt  }
0x6a: {  	_ =	shalt  }
0x6b: {  	_ =	shalt  }
0x6c: {  	_ =	shalt  }
0x6d: {  	_ =	shalt  }
0x6e: {  	_ =	shalt  }
0x6f: {  	_ =	shalt  }
0x70: {  	_ =	shalt  }
0x71: {  	_ =	shalt  }
0x72: {  	_ =	shalt  }
0x73: {  	_ =	shalt  }
0x74: {  	_ =	shalt  }
0x75: {  	_ =	shalt  }
0x76: {  	_ =	shalt  }
0x77: {  	_ =	shalt  }
0x78: {  	_ =	shalt  }
0x79: {  	_ =	shalt  }
0x7a: {  	_ =	shalt  }
0x7b: {  	_ =	shalt  }
0x7c: {  	_ =	shalt  }
0x7d: {  	_ =	shalt  }
0x7e: {  	_ =	shalt  }
0x7f: {  	_ =	shalt  }
0x80: {  	_ =	shalt  }
0x81: {  	_ =	shalt  }
0x82: {  	_ =	shalt  }
0x83: {  	_ =	shalt  }
0x84: {  	_ =	shalt  }
0x85: {  	_ =	shalt  }
0x86: {  	_ =	shalt  }
0x87: {  	_ =	shalt  }
.Lfunc_end0:
.L_simem_size_0:
called_computation.10_lowered:
.L_overlay_start_0:
0x88: {  	s2 =	sld [smem:$0x3FD9]  }
0x89: {  	s3 =	sld [smem:$0x3FFE];
	_ =	sdelay $0x1  }
0x8a: {  	s1 =	srdreg.scid  }
0x8b: {  	s0 =	sand.u32 $0x1, s1  }
0x8c: {  	s17 =	sshll.u32 s0, $0xA;
	s2 =	sadd.s32 s3, s2  }
0x8d: {  	s2 =	sadd.s32 s2, s17  }
0x8e: {  	[smem:$0x3FC1] =	sst s2  }
0x8f: {  	_ = 	snop  }
0x90: {  	s18 =	sld [smem:$0x3FC6];
	(tm) =	ssettm $0x1  }
0x91: {  	s19 =	sld [smem:$0x3FFB];
	_ =	sdelay $0x3  }
0x92: {  	_ =	strace s19  }
0x93: {  	s2 =	sld [smem:$0x3FFC];
	_ =	sdelay $0x3  }
0x94: {  	_ =	strace s2  }
0x95: {  	s2 =	sld [smem:$0x3FFD];
	_ =	sdelay $0x3  }
0x96: {  	_ =	strace s2  }
0x97: {  	_ =	strace $0x8FFFFFFF  }
0x98: {  	s20 =	sld [smem:$0x3FDB];
	_ =	sdelay $0x1  }
0x99: {  	s4 =	simm.s32 $_scs_section_size  }
0x9a: {  	s5 =	simm.s32 $_size__tile_overlayer_lowered;
	s6 =	simm.s32 $_tile_overlayer_lowered  }
0x9b: {  	s7 =	simm.s32 $0x1BFF;
	s21 =	sshll.u32 s6, $0x1;
	s4 =	sadd.s32 s4, s20  }
0x9c: {  	s22 =	simm.s32 $0x0;
	s5 =	sshll.u32 s5, $0x1;
	s6 =	sadd.s32 s21, s4  }
0x9d: {  	[timem:s22], [sflag:s7] =	dma.local [hbm:s6], s5  }
0x9e: {  	_ =	swait.ge [sflag:s7], s5  }
0x9f: {  	s5 =	ssub.s32 $0x0, s5;
	[sflag:s7] =	ssyncset.done $0x0  }
0xa0: {  	[sflag:s7] =	ssyncadd.s32 s5;
	_ =	sdelay $0x1  }
0xa1: {  	s23 =	simm.s32 $0x1B8B  }
0xa2: {  	_ =	swait.ge [sflag:s23], $0x1  }
0xa3: {  	[sflag:s23] =	ssyncset.done $0x0  }
0xa4: {  	[sflag:s23] =	ssyncadd.s32 $0xFFFFFFFF  }
0xa5: {  	s5 =	sld [smem:$0x0]  }
0xa6: {  	s6 =	sand.u32 $0xFFFFFFFE, s1  }
0xa7: {  	p0 =	sne.s32 s1, s6  }
0xa8: {  	s6 =	sshll.u32 @p0 s6, $0xE  }
0xa9: {  	s6 =	sadd.s32 @p0 $0x11B8D, s6;
	s7 =	sshll.u32 @p0 s5, $0x11  }
0xaa: {  	s6 =	sor.u32 @p0 s7, s6  }
0xab: {  	[sflag:s6] =	ssyncadd.remote.s32 @p0 $0x1;
	_ =	sdelay $0x1  }
0xac: {  	s6 =	simm.s32 @p0 $0x1B8D  }
0xad: {  	_ =	swait.eq @p0 [sflag:s6], $0x1  }
0xae: {  	[sflag:s6] =	ssyncadd.s32 @p0 $0xFFFFFFFF  }
0xaf: {  	s7 =	sshll.u32 @!p0 s1, $0xE  }
0xb0: {  	s7 =	sor.u32 @!p0 $0x4000, s7;
	s6 =	simm.s32 @!p0 $0x1B8D  }
0xb1: {  	s5 =	sshll.u32 @!p0 s5, $0x11;
	s7 =	sadd.s32 @!p0 $0x11B8D, s7;
	_ =	swait.eq @!p0 [sflag:s6], $0x1  }
0xb2: {  	s5 =	sor.u32 @!p0 s5, s7;
	[sflag:s6] =	ssyncadd.s32 @!p0 $0xFFFFFFFF  }
0xb3: {  	s25 =	simm.s32 $0x1B8E;
	s24 =	sld [smem:$0x3FFE];
	[sflag:s5] =	ssyncadd.remote.s32 @!p0 $0x1  }
0xb4: {  	s26 =	simm.s32 $execute0_lowered;
	[smem:$0x3FD2] =	sst s25  }
0xb5: {  	s6 =	sshll.u32 s26, $0x1;
	_ =	strace $0x8000005B;
	[dreg:$0x1] =	wrdreg $0xFFFFFFFF  }
0xb6: {  	s28 =	simm.s32 $_size_execute0_lowered;
	s4 =	sadd.s32 s4, s6;
	[dreg:$0x0] =	wrdreg $0x0  }
0xb7: {  	s6 =	sshll.u32 s28, $0x1;
	[dreg:$0x2] =	wrdreg s4  }
0xb8: {  	[dreg:$0x3] =	wrdreg s6  }
0xb9: {  	[dreg:$0x4] =	wrdreg $0xC0  }
0xba: {  	_ =	task [dreg:s22], $0x5FFFF  }
0xbb: {  	[dreg:$0x1] =	wrdreg $0xFFFFFFFF  }
0xbc: {  	[dreg:$0x0] =	wrdreg $0x60  }
0xbd: {  	[dreg:$0x2] =	wrdreg s24  }
0xbe: {  	[dreg:$0x3] =	wrdreg s18  }
0xbf: {  	[dreg:$0x4] =	wrdreg $0x38400  }
0xc0: {  	[dreg:$0x5] =	wrdreg $0xA  }
0xc1: {  	_ =	task.clear_ibuf [dreg:s22], $0x6FFFF;
	_ =	strace $0x9000005B  }
0xc2: {  	s29 =	simm.s32 $0xA;
	_ =	strace $0x8000005D  }
0xc3: {  	_ =	swait.ge [sflag:s29], $0x1  }
0xc4: {  	[sflag:s29] =	ssyncadd.s32 $0xFFFFFFFF  }
0xc5: {  	_ =	strace $0x9000005D  }
0xc6: {  	_ =	sfence  }
0xc7: {  	s30 =	sld [smem:$0x0];
	_ =	sdelay $0x2  }
0xc8: {  	s31 =	sshll.u32 s1, $0xD;
	s1 =	sshrl.u32 s1, $0x2  }
0xc9: {  	s4 =	sand.u32 $0x4000, s31;
	s1 =	sadd.s32 s1, s30  }
0xca: {  	s0 =	sor.u32 s4, s0;
	s1 =	sshll.u32 s1, $0x11  }
0xcb: {  	s0 =	sor.u32 s1, s0  }
0xcc: {  	s0 =	sadd.s32 $0x8F2B, s0  }
0xcd: {  	[sflag:s0] =	ssyncadd.remote.s32 $0x1  }
0xce: {  	_ =	sfence.sel $0xFFFF  }
0xcf: {  	[dreg:$0x0] =	wrdreg $0xFFFFFFFF;
	(pc) =	sbr.abs _section_cstart, $3  }
0xd0: {  	[dreg:$0x1] =	wrdreg $0xFFFFFFFF  }
0xd1: {  	_ =	task.clear_ibuf [dreg:s22], $0x2FFFF;
	_ =	strace $0x9FFFFFFF  }
0xd2: {  	(tm) =	ssettm $0x7FFFFFFF  }
0xd3: {  	_ =	shalt  }
tec
execute0_lowered:
.L_overlay_start_1:
0x0: {  	(tag) =	ssettag $0x1  }
0x1: {  	s8 =	rddreg [dreg:$0x0]  }
0x2: {  	s1 =	rddreg [dreg:$0x1]  }
0x3: {  	s3 =	rddreg [dreg:$0x2]  }
0x4: {  	s0 =	rddreg [dreg:$0x3];
	s4 =	simm.s32 $0x0;
	s5 =	srdreg.scid  }
0x5: {  	s2 =	stileid.u32;
	s15 =	simm.s32 $0x7D0;
	s16 =	simm.s32 $0x50  }
0x6: {  	s17 =	simm.s32 $0x1040;
	s18 =	simm.s32 $0x2440;
	s19 =	simm.s32 $0x1  }
0x7: {  	s20 =	simm.s32 $0xFA0;
	s21 =	simm.s32 $0x2;
	s22 =	simm.s32 $0xFF0  }
0x8: {  	[smem:$0x7FF] =	sst s4;
	s10 =	sand.u32 $0x1, s5;
	s7 =	smul.u32 $0x3100, s2  }
0x9: {  	s5 =	sadd.s32 $0x4EE000, s8;
	s6 =	sadd.s32 $0x55400, s8;
	s13 =	smul.u32 $0x62000, s2  }
0xa: {  	s31 =	sshll.u32 s2, $0x6;
	s9 =	smul.u32 $0x31000, s10;
	s11 =	ssub.s32 $0x2, s10  }
0xb: {  	_ =	strace $0x8000005C;
	s10 =	smul.u32 $0xC3500, s10;
	s12 =	sshrl.u32 s11, $0x1  }
0xc: {  	s30 =	sshrl.u32 s13, $0x2;
	s9 =	sadd.s32 s7, s9;
	s7 =	sadd.s32 $0xD600, s8  }
0xd: {  	s12 =	ssub.s32 s11, s12;
	s13 =	sadd.s32 s30, s3;
	s14 =	sadd.s32 s9, s8  }
0xe: {  	s8 =	smul.u32 $0xC350, s2;
	s9 =	sor.u32 $0x1C03, s31;
	s12 =	smax.u32 s12, $0x1  }
0xf: {  	s13 =	sshrl.u32 s13, $0x3;
	s11 =	sadd.s32 $0x54FC00, s14;
	s14 =	simm.s32 $0x3  }
.LBB2_1:
0x10: {  	[spmem:s13], [sflag:s9] =	dma.local [hbm:s7], $0x3100  }
0x11: {  	_ =	swait.ge [sflag:s14], $0x3100  }
0x12: {  	[sflag:s14] =	ssyncset.done $0x0  }
0x13: {  	[sflag:s14] =	ssyncadd.s32 $0xFFFFCF00  }
0x14: {  	s23 =	simm.s32 $0x0;
	[bflag:$0x0] =	sbarrier.arrive $0xFFFF  }
.LBB2_2:
0x15: {  	s24 =	smul.u32 $0x7D0, s23;
	_ =	sdelay $0x1  }
0x16: {  	s24 =	sadd.s32 s8, s24  }
0x17: {  	s25 =	sshrl.u32 s24, $0x3  }
0x18: {  	s26 =	simm.s32 $0x0;
	s25 =	sadd.s32 s1, s25  }
0x19: {  	[tilespmem:s26], [sflag:$0x3] =	stream.linear.gather [hbm4b:s25+s26], $0x7D0, $0x38;
	[tilespmem:$0x1C040] =	vst v63  }
0x1a: {  	s24 =	sadd.s32 s10, s24;
	_ =	swait.ge [sflag:s14], $0x7D0  }
0x1b: {  	s24 =	sshrl.u32 s24, $0x3;
	[sflag:s14] =	ssyncset.done $0x0  }
0x1c: {  	s24 =	sadd.s32 s6, s24;
	[sflag:s14] =	ssyncadd.s32 $0xFFFFF830  }
0x1d: {  	[tilespmem:s15], [sflag:$0x3] =	stream.linear.gather [hbm4b:s24+s26], $0x7D0, $0x38;
	[tilespmem:$0x1C040] =	vst v63  }
0x1e: {  	_ =	swait.ge [sflag:s14], $0x7D0  }
0x1f: {  	[sflag:s14] =	ssyncset.done $0x0  }
0x20: {  	[sflag:s14] =	ssyncadd.s32 $0xFFFFF830  }
0x21: {  	[tilespmem:s17], [sflag:$0x1] =	stream.indirect.gather [hbm4b:s5+s16], $0x40, s26, s16, $0xb8;
	[tilespmem:$0x1C040] =	vst v63  }
0x22: {  	s29 =	simm.s32 $0x50  }
0x23: {  	[tilespmem:s18], [sflag:$0x2] =	stream.indirect.gather [hbm4b:s5+s16], $0x40, s29, s16, $0xb8;
	[tilespmem:$0x1C040] =	vst v63  }
0x24: {  	_ =	swait.ge [sflag:s19], $0x1400  }
0x25: {  	[sflag:s19] =	ssyncset.done $0x0  }
0x26: {  	s30 =	simm.s32 $0x0;
	[sflag:s19] =	ssyncadd.s32 $0xFFFFEC00  }
0x27: {  	v0 =	vld [tilespmem:s30+$0x7D0];
	_ =	sdelay $0x4  }
0x28: {  	[tilespmem:$0xFA0] =	vst v0  }
0x29: {  	v0 =	vld [tilespmem:s30+$0x7E0];
	_ =	sdelay $0x4  }
0x2a: {  	[tilespmem:$0xFB0] =	vst v0  }
0x2b: {  	v0 =	vld [tilespmem:s30+$0x7F0];
	_ =	sdelay $0x4  }
0x2c: {  	[tilespmem:$0xFC0] =	vst v0  }
0x2d: {  	v0 =	vld [tilespmem:s30+$0x800];
	_ =	sdelay $0x4  }
0x2e: {  	[tilespmem:$0xFD0] =	vst v0  }
0x2f: {  	v0 =	vld [tilespmem:s30+$0x810];
	_ =	sdelay $0x4  }
0x30: {  	[tilespmem:$0xFE0] =	vst v0  }
0x31: {  	[spmem:s3] =	stream.indirect.scatter.add.f32 [tilespmem:s17], [sflag:$0x3], $0x40, s20, s16, $0xb8;
	[tilespmem:$0x1C040] =	vst v63  }
0x32: {  	_ =	swait.ge [sflag:s14], $0x1400  }
0x33: {  	[sflag:s14] =	ssyncset.done $0x0  }
0x34: {  	s31 =	simm.s32 $0xA0;
	[sflag:s14] =	ssyncadd.s32 $0xFFFFEC00  }
0x35: {  	[tilespmem:s17], [sflag:$0x1] =	stream.indirect.gather [hbm4b:s5+s16], $0x40, s31, s16, $0xb8;
	[tilespmem:$0x1C040] =	vst v63  }
0x36: {  	_ =	swait.ge [sflag:s21], $0x1400  }
0x37: {  	[sflag:s21] =	ssyncset.done $0x0  }
0x38: {  	[sflag:s21] =	ssyncadd.s32 $0xFFFFEC00  }
0x39: {  	v63 =	vld [tilespmem:s30+$0x820];
	_ =	sdelay $0x4  }
0x3a: {  	[tilespmem:$0xFF0] =	vst v63  }
0x3b: {  	v0 =	vld [tilespmem:s30+$0x830];
	_ =	sdelay $0x4  }
0x3c: {  	[tilespmem:$0x1000] =	vst v0  }
0x3d: {  	v0 =	vld [tilespmem:s30+$0x840];
	_ =	sdelay $0x4  }
0x3e: {  	[tilespmem:$0x1010] =	vst v0  }
0x3f: {  	v0 =	vld [tilespmem:s30+$0x850];
	_ =	sdelay $0x4  }
0x40: {  	[tilespmem:$0x1020] =	vst v0  }
0x41: {  	v0 =	vld [tilespmem:s30+$0x860];
	_ =	sdelay $0x4  }
0x42: {  	[tilespmem:$0x1030] =	vst v0  }
0x43: {  	[spmem:s3] =	stream.indirect.scatter.add.f32 [tilespmem:s18], [sflag:$0x3], $0x40, s22, s16, $0xb8;
	[tilespmem:$0x1C040] =	vst v63  }
0x44: {  	_ =	swait.ge [sflag:s14], $0x1400  }
0x45: {  	s28 =	simm.s32 $0x500;
	s24 =	simm.s32 $0xA0;
	[sflag:s14] =	ssyncset.done $0x0  }
.LBB2_3:
0x46: {  	s29 =	sadd.s32 $0x50, s24  }
0x47: {  	[sflag:s14] =	ssyncadd.s32 $0xFFFFEC00;
	s26 =	smov.u32 s28;
	s25 =	sadd.s32 $0x280, s28  }
0x48: {  	[tilespmem:s18], [sflag:$0x2] =	stream.indirect.gather [hbm4b:s5+s16], $0x40, s29, s16, $0xb8;
	[tilespmem:$0x1C040] =	vst v63  }
0x49: {  	p0 =	sne.s32 s28, $0x1B80;
	_ =	swait.ge [sflag:s19], $0x1400  }
0x4a: {  	[sflag:s19] =	ssyncset.done $0x0  }
0x4b: {  	[sflag:s19] =	ssyncadd.s32 $0xFFFFEC00  }
0x4c: {  	v0 =	vld [tilespmem:s24+$0x7D0];
	_ =	sdelay $0x4  }
0x4d: {  	[tilespmem:$0xFA0] =	vst v0  }
0x4e: {  	v0 =	vld [tilespmem:s24+$0x7E0];
	_ =	sdelay $0x4  }
0x4f: {  	[tilespmem:$0xFB0] =	vst v0  }
0x50: {  	v0 =	vld [tilespmem:s24+$0x7F0];
	_ =	sdelay $0x4  }
0x51: {  	[tilespmem:$0xFC0] =	vst v0  }
0x52: {  	v0 =	vld [tilespmem:s24+$0x800];
	_ =	sdelay $0x4  }
0x53: {  	[tilespmem:$0xFD0] =	vst v0  }
0x54: {  	v0 =	vld [tilespmem:s24+$0x810];
	_ =	sdelay $0x4  }
0x55: {  	[tilespmem:$0xFE0] =	vst v0  }
0x56: {  	[spmem:s3] =	stream.indirect.scatter.add.f32 [tilespmem:s17], [sflag:$0x3], $0x40, s20, s16, $0xb8;
	[tilespmem:$0x1C040] =	vst v63  }
0x57: {  	_ =	swait.ge [sflag:s14], $0x1400  }
0x58: {  	[sflag:s14] =	ssyncset.done $0x0  }
0x59: {  	s28 =	sadd.s32 $0xA0, s24;
	[sflag:s14] =	ssyncadd.s32 $0xFFFFEC00  }
0x5a: {  	[tilespmem:s17], [sflag:$0x1] =	stream.indirect.gather [hbm4b:s5+s16], $0x40, s28, s16, $0xb8;
	[tilespmem:$0x1C040] =	vst v63  }
0x5b: {  	_ =	swait.ge [sflag:s21], $0x1400  }
0x5c: {  	[sflag:s21] =	ssyncset.done $0x0  }
0x5d: {  	[sflag:s21] =	ssyncadd.s32 $0xFFFFEC00  }
0x5e: {  	v0 =	vld [tilespmem:s24+$0x820];
	_ =	sdelay $0x4  }
0x5f: {  	[tilespmem:$0xFF0] =	vst v0  }
0x60: {  	v0 =	vld [tilespmem:s24+$0x830];
	_ =	sdelay $0x4  }
0x61: {  	[tilespmem:$0x1000] =	vst v0  }
0x62: {  	v0 =	vld [tilespmem:s24+$0x840];
	_ =	sdelay $0x4  }
0x63: {  	[tilespmem:$0x1010] =	vst v0  }
0x64: {  	v0 =	vld [tilespmem:s24+$0x850];
	_ =	sdelay $0x4  }
0x65: {  	[tilespmem:$0x1020] =	vst v0  }
0x66: {  	v0 =	vld [tilespmem:s24+$0x860];
	_ =	sdelay $0x3  }
.Ltmp0:
0x67: {  	(pc) =	sbr.rel @p0 .LBB2_3-.Ltmp0, $4  }
0x68: {  	[tilespmem:$0x1030] =	vst v0  }
0x69: {  	[spmem:s3] =	stream.indirect.scatter.add.f32 [tilespmem:s18], [sflag:$0x3], $0x40, s22, s16, $0xb8;
	[tilespmem:$0x1C040] =	vst v63  }
0x6a: {  	_ =	swait.ge [sflag:s14], $0x1400  }
0x6b: {  	s28 =	smov.u32 s25;
	s24 =	sshra.s32 s26, $0x2;
	[sflag:s14] =	ssyncset.done $0x0  }
0x6c: {  	s25 =	sadd.s32 $0x50, s24;
	[sflag:s14] =	ssyncadd.s32 $0xFFFFEC00  }
0x6d: {  	[tilespmem:s18], [sflag:$0x2] =	stream.indirect.gather [hbm4b:s5+s16], $0x40, s25, s16, $0xb8;
	[tilespmem:$0x1C040] =	vst v63  }
0x6e: {  	_ =	swait.ge [sflag:s19], $0x1400  }
0x6f: {  	[sflag:s19] =	ssyncset.done $0x0  }
0x70: {  	[sflag:s19] =	ssyncadd.s32 $0xFFFFEC00  }
0x71: {  	v0 =	vld [tilespmem:s24+$0x7D0];
	_ =	sdelay $0x4  }
0x72: {  	[tilespmem:$0xFA0] =	vst v0  }
0x73: {  	v0 =	vld [tilespmem:s24+$0x7E0];
	_ =	sdelay $0x4  }
0x74: {  	[tilespmem:$0xFB0] =	vst v0  }
0x75: {  	v0 =	vld [tilespmem:s24+$0x7F0];
	_ =	sdelay $0x4  }
0x76: {  	[tilespmem:$0xFC0] =	vst v0  }
0x77: {  	v0 =	vld [tilespmem:s24+$0x800];
	_ =	sdelay $0x4  }
0x78: {  	[tilespmem:$0xFD0] =	vst v0  }
0x79: {  	v0 =	vld [tilespmem:s24+$0x810];
	_ =	sdelay $0x4  }
0x7a: {  	[tilespmem:$0xFE0] =	vst v0  }
0x7b: {  	[spmem:s3] =	stream.indirect.scatter.add.f32 [tilespmem:s17], [sflag:$0x3], $0x40, s20, s16, $0xb8;
	[tilespmem:$0x1C040] =	vst v63  }
0x7c: {  	_ =	swait.ge [sflag:s14], $0x1400  }
0x7d: {  	[sflag:s14] =	ssyncset.done $0x0  }
0x7e: {  	s31 =	sadd.s32 $0xA0, s24;
	[sflag:s14] =	ssyncadd.s32 $0xFFFFEC00  }
0x7f: {  	[tilespmem:s17], [sflag:$0x1] =	stream.indirect.gather [hbm4b:s5+s16], $0x40, s31, s16, $0xb8;
	[tilespmem:$0x1C040] =	vst v63  }
0x80: {  	_ =	swait.ge [sflag:s21], $0x1400  }
0x81: {  	[sflag:s21] =	ssyncset.done $0x0  }
0x82: {  	[sflag:s21] =	ssyncadd.s32 $0xFFFFEC00  }
0x83: {  	v62 =	vld [tilespmem:s24+$0x820];
	_ =	sdelay $0x4  }
0x84: {  	[tilespmem:$0xFF0] =	vst v62  }
0x85: {  	v0 =	vld [tilespmem:s24+$0x830];
	_ =	sdelay $0x4  }
0x86: {  	[tilespmem:$0x1000] =	vst v0  }
0x87: {  	v0 =	vld [tilespmem:s24+$0x840];
	_ =	sdelay $0x4  }
0x88: {  	[tilespmem:$0x1010] =	vst v0  }
0x89: {  	v0 =	vld [tilespmem:s24+$0x850];
	_ =	sdelay $0x4  }
0x8a: {  	[tilespmem:$0x1020] =	vst v0  }
0x8b: {  	v0 =	vld [tilespmem:s24+$0x860];
	_ =	sdelay $0x4  }
0x8c: {  	[tilespmem:$0x1030] =	vst v0  }
0x8d: {  	[spmem:s3] =	stream.indirect.scatter.add.f32 [tilespmem:s18], [sflag:$0x3], $0x40, s22, s16, $0xb8;
	[tilespmem:$0x1C040] =	vst v63  }
0x8e: {  	_ =	swait.ge [sflag:s14], $0x1400  }
0x8f: {  	[sflag:s14] =	ssyncset.done $0x0  }
0x90: {  	[sflag:s14] =	ssyncadd.s32 $0xFFFFEC00  }
0x91: {  	_ =	swait.ge [sflag:s19], $0x1400  }
0x92: {  	[sflag:s19] =	ssyncset.done $0x0  }
0x93: {  	[sflag:s19] =	ssyncadd.s32 $0xFFFFEC00  }
0x94: {  	v63 =	vld [tilespmem:$0xF50]  }
0x95: {  	v1 =	vld [tilespmem:$0xF60]  }
0x96: {  	v2 =	vld [tilespmem:$0xF70]  }
0x97: {  	v3 =	vld [tilespmem:$0xF80]  }
0x98: {  	v4 =	vld [tilespmem:$0xF90]  }
0x99: {  	[tilespmem:$0xFA0] =	vst v63  }
0x9a: {  	[tilespmem:$0xFB0] =	vst v1  }
0x9b: {  	s23 =	sadd.s32 $0x1, s23;
	[tilespmem:$0xFC0] =	vst v2  }
0x9c: {  	p0 =	sne.s32 s23, $0x19;
	[tilespmem:$0xFD0] =	vst v3  }
.Ltmp1:
0x9d: {  	[tilespmem:$0xFE0] =	vst v4;
	(pc) =	sbr.rel @p0 .LBB2_2-.Ltmp1, $4  }
0x9e: {  	[spmem:s3] =	stream.indirect.scatter.add.f32 [tilespmem:s17], [sflag:$0x3], $0x40, s20, s16, $0xb8;
	[tilespmem:$0x1C040] =	vst v63  }
0x9f: {  	_ =	swait.ge [sflag:s14], $0x1400  }
0xa0: {  	[sflag:s14] =	ssyncset.done $0x0  }
0xa1: {  	[sflag:s14] =	ssyncadd.s32 $0xFFFFEC00  }
0xa2: {  	s4 =	sadd.s32 $0x1, s4  }
0xa3: {  	p0 =	sne.s32 s4, s12  }
.Ltmp2:
0xa4: {  	[bflag:$0x0] =	sbarrier.arrive $0xFFFF;
	(pc) =	sbr.rel @p0 .LBB2_1-.Ltmp2, $4  }
0xa5: {  	[hbm:s11], [sflag:s9] =	dma.local [spmem:s13], $0x3100  }
0xa6: {  	_ =	swait.ge [sflag:s14], $0x3100  }
0xa7: {  	[sflag:s14] =	ssyncset.done $0x0  }
0xa8: {  	[sflag:s14] =	ssyncadd.s32 $0xFFFFCF00  }
0xa9: {  	_ =	sfence.sel $0x180000  }
0xaa: {  	[bflag:$0x0] =	sbarrier.arrive $0xFFFF  }
0xab: {  	p0 =	sne.s32 s2, $0x0;
	_ =	strace $0x9000005C  }
0xac: {  	s0 =	sadd.s32 @!p0 $0x100000, s0;
	[bflag:$0x2] =	sbarrier.arrive $0xFFFF  }
0xad: {  	[sflag:s0] =	ssyncadd.tile.s32 @!p0 $0x1;
	_ =	shalt  }
.Lfunc_end2:
_tile_overlayer_lowered:
.L_overlay_start_2:
0xae: {  	(tag) =	ssettag $0x2  }
0xaf: {  	s0 =	rddreg [dreg:$0x0];
	s2 =	stileid.u32  }
0xb0: {  	s1 =	rddreg [dreg:$0x1];
	p0 =	sne.s32 s2, $0x0  }
0xb1: {  	s3 =	rddreg [dreg:$0x2];
	[bflag:$0x3] =	sbarrier.arrive $0xFFFF;
	s2 =	simm.s32 @!p0 $0x1C03  }
0xb2: {  	[timem:s3], [sflag:s2] =	dma.local @!p0 [hbm:s0], s1  }
0xb3: {  	s0 =	simm.s32 @!p0 $0x3  }
0xb4: {  	_ =	swait.ge @!p0 [sflag:s0], s1  }
0xb5: {  	s1 =	ssub.s32 @!p0 $0x0, s1;
	[sflag:s0] =	ssyncset.done @!p0 $0x0  }
0xb6: {  	[sflag:s0] =	ssyncadd.s32 @!p0 s1  }
0xb7: {  	[bflag:$0x3] =	sbarrier.arrive $0xFFFF  }
0xb8: {  	_ =	shalt  }

// kernel: kernel.8.cloned.1.call-start
scs
__scs_entry_jumppad:
0x0: {  	(pc) =	sbr.rel $0x88, $3  }
0x1: {  	(tag) =	ssettag $0x0;
	lr =	simm.s32 $0x1  }
0x2: {  	[smem:$0x3F9A] =	sst lr;
	_ =	strace $0xD0000000  }
0x3: {  	_ = 	snop  }
0x4: {  	_ = 	snop  }
0x5: {  	_ = 	snop  }
0x6: {  	_ = 	snop  }
0x7: {  	_ = 	snop  }
__scs_overlays_trampoline_lowered:
0x8: {  	[smem:$0x3FA9] =	sst s0  }
0x9: {  	[smem:$0x3FAA] =	sst s1  }
0xa: {  	[smem:$0x3FAB] =	sst s2  }
0xb: {  	[smem:$0x3FAC] =	sst s3  }
0xc: {  	[smem:$0x3FAD] =	sst s4  }
0xd: {  	[smem:$0x3FAE] =	sst s5  }
0xe: {  	[smem:$0x3FAF] =	sst s6  }
0xf: {  	[smem:$0x3FB0] =	sst s7  }
0x10: {  	[smem:$0x3FB1] =	sst s8  }
0x11: {  	[smem:$0x3FB2] =	sst s9;
	s0 =	simm.s32 @!p0 $0x0  }
0x12: {  	s1 =	sld [smem:$0x3F98];
	s0 =	simm.s32 @p0 $0x1  }
0x13: {  	[smem:$0x3FB3] =	sst s0;
	s0 =	simm.s32 @!p1 $0x0  }
0x14: {  	s2 =	sld [smem:$0x3F97];
	s0 =	simm.s32 @p1 $0x1  }
0x15: {  	[smem:$0x3FB4] =	sst s0;
	s0 =	simm.s32 @!p2 $0x0  }
0x16: {  	s3 =	sld [smem:$0x3FDB];
	s0 =	simm.s32 @p2 $0x1  }
0x17: {  	s4 =	simm.s32 $0x1BF5;
	[smem:$0x3FB6] =	sst s0  }
0x18: {  	s0 =	sld [smem:$0x3F99];
	_ =	swait.ge [sflag:s4], $0x0  }
0x19: {  	s7 =	sld [smem:$0x3F9A]  }
0x1a: {  	s8 =	sadd.s32 $0xFFFFE003, lr  }
0x1b: {  	s9 =	sadd.s32 $0xFFFFFEF7, lr;
	s5 =	simm.s32 $0xFFFFFFFF;
	p2 =	slt.u32 s8, $0xFFFFF086  }
0x1c: {  	p1 =	slt.u32 s9, $0xF7A;
	s5 =	simm.s32 @!p2 $0x0  }
0x1d: {  	s5 =	simm.s32 @p1 $0x1;
	p0 =	seq.s32 s7, s2  }
0x1e: {  	s7 =	smul.u32 @!p0 $0xF7A, s2;
	p2 =	seq.s32 @!p0 s5, $0x0  }
0x1f: {  	s9 =	smul.u32 $0xF7A, s1;
	s8 =	simm.s32 @!p0 $0x1BF5;
	p2 =	por !p2, p0  }
0x20: {  	[sflag:s8] =	ssyncset.s32 @!p0 $0xFFFFF086;
	s6 =	sadd.s32 @!p0 s3, s7;
	s7 =	simm.s32 @!p0 $0x108  }
0x21: {  	s3 =	sadd.s32 s3, s9;
	s6 =	sadd.s32 @!p0 $0x88, s6;
	s7 =	simm.s32 @p2 $0x1082  }
0x22: {  	[simem:s7], [sflag:s8] =	dma.local @!p0 [hbm:s6], $0xF7A  }
0x23: {  	s9 =	sor.u32 $0xD0000000, s2;
	s6 =	simm.s32 $0x108;
	_ =	swait.ge @!p0 [sflag:s8], $0x0  }
0x24: {  	s3 =	sadd.s32 $0x88, s3;
	s6 =	simm.s32 @!p1 $0x1082;
	[sflag:s4] =	ssyncset.s32 $0xFFFFF086  }
0x25: {  	[simem:s6], [sflag:s4] =	dma.local [hbm:s3], $0xF7A  }
0x26: {  	[smem:$0x3F9A] =	sst s1;
	(tag) =	ssettag s2;
	_ =	strace s9  }
0x27: {  	s1 =	sld [smem:$0x3FAA]  }
0x28: {  	s2 =	sld [smem:$0x3FAB]  }
0x29: {  	s4 =	sld [smem:$0x3FAD]  }
0x2a: {  	p0 =	seq.s32 s5, $0x0;
	s5 =	sld [smem:$0x3FAE]  }
0x2b: {  	s6 =	sld [smem:$0x3FAF]  }
0x2c: {  	s7 =	sld [smem:$0x3FB0]  }
0x2d: {  	s3 =	simm.s32 $0x108;
	s8 =	sld [smem:$0x3FB1]  }
0x2e: {  	s3 =	simm.s32 @!p0 $0x1082;
	s9 =	sld [smem:$0x3FB2]  }
0x2f: {  	lr =	sadd.s32 s0, s3;
	s0 =	sld [smem:$0x3FA9]  }
0x30: {  	s3 =	sld [smem:$0x3FAC]  }
0x31: {  	[smem:$0x3FB5] =	sst s10  }
0x32: {  	s10 =	sld [smem:$0x3FB3];
	_ =	sdelay $0x3  }
0x33: {  	p0 =	seq.s32 s10, $0x1;
	s10 =	sld [smem:$0x3FB5];
	_ =	sdelay $0x3  }
0x34: {  	[smem:$0x3FB5] =	sst s10  }
0x35: {  	s10 =	sld [smem:$0x3FB4];
	_ =	sdelay $0x3  }
0x36: {  	p1 =	seq.s32 s10, $0x1;
	s10 =	sld [smem:$0x3FB5];
	_ =	sdelay $0x3  }
0x37: {  	[smem:$0x3FB5] =	sst s10  }
0x38: {  	s10 =	sld [smem:$0x3FB6]  }
0x39: {  	_ = 	snop;
	(pc) =	sbr.ind lr, $3  }
0x3a: {  	_ = 	snop  }
0x3b: {  	_ = 	snop  }
0x3c: {  	p2 =	seq.s32 s10, $0x1;
	s10 =	sld [smem:$0x3FB5]  }
0x3d: {  	_ =	shalt  }
0x3e: {  	_ =	shalt  }
0x3f: {  	_ =	shalt  }
0x40: {  	_ =	shalt  }
0x41: {  	_ =	shalt  }
0x42: {  	_ =	shalt  }
0x43: {  	_ =	shalt  }
0x44: {  	_ =	shalt  }
0x45: {  	_ =	shalt  }
0x46: {  	_ =	shalt  }
0x47: {  	_ =	shalt  }
0x48: {  	_ =	shalt  }
0x49: {  	_ =	shalt  }
0x4a: {  	_ =	shalt  }
0x4b: {  	_ =	shalt  }
0x4c: {  	_ =	shalt  }
0x4d: {  	_ =	shalt  }
0x4e: {  	_ =	shalt  }
0x4f: {  	_ =	shalt  }
0x50: {  	_ =	shalt  }
0x51: {  	_ =	shalt  }
0x52: {  	_ =	shalt  }
0x53: {  	_ =	shalt  }
0x54: {  	_ =	shalt  }
0x55: {  	_ =	shalt  }
0x56: {  	_ =	shalt  }
0x57: {  	_ =	shalt  }
0x58: {  	_ =	shalt  }
0x59: {  	_ =	shalt  }
0x5a: {  	_ =	shalt  }
0x5b: {  	_ =	shalt  }
0x5c: {  	_ =	shalt  }
0x5d: {  	_ =	shalt  }
0x5e: {  	_ =	shalt  }
0x5f: {  	_ =	shalt  }
0x60: {  	_ =	shalt  }
0x61: {  	_ =	shalt  }
0x62: {  	_ =	shalt  }
0x63: {  	_ =	shalt  }
0x64: {  	_ =	shalt  }
0x65: {  	_ =	shalt  }
0x66: {  	_ =	shalt  }
0x67: {  	_ =	shalt  }
0x68: {  	_ =	shalt  }
0x69: {  	_ =	shalt  }
0x6a: {  	_ =	shalt  }
0x6b: {  	_ =	shalt  }
0x6c: {  	_ =	shalt  }
0x6d: {  	_ =	shalt  }
0x6e: {  	_ =	shalt  }
0x6f: {  	_ =	shalt  }
0x70: {  	_ =	shalt  }
0x71: {  	_ =	shalt  }
0x72: {  	_ =	shalt  }
0x73: {  	_ =	shalt  }
0x74: {  	_ =	shalt  }
0x75: {  	_ =	shalt  }
0x76: {  	_ =	shalt  }
0x77: {  	_ =	shalt  }
0x78: {  	_ =	shalt  }
0x79: {  	_ =	shalt  }
0x7a: {  	_ =	shalt  }
0x7b: {  	_ =	shalt  }
0x7c: {  	_ =	shalt  }
0x7d: {  	_ =	shalt  }
0x7e: {  	_ =	shalt  }
0x7f: {  	_ =	shalt  }
0x80: {  	_ =	shalt  }
0x81: {  	_ =	shalt  }
0x82: {  	_ =	shalt  }
0x83: {  	_ =	shalt  }
0x84: {  	_ =	shalt  }
0x85: {  	_ =	shalt  }
0x86: {  	_ =	shalt  }
0x87: {  	_ =	shalt  }
.Lfunc_end0:
.L_simem_size_0:
called_computation.5_lowered:
.L_overlay_start_0:
0x88: {  	s2 =	sld [smem:$0x3FD9]  }
0x89: {  	s3 =	sld [smem:$0x3FFE];
	_ =	sdelay $0x1  }
0x8a: {  	s1 =	srdreg.scid  }
0x8b: {  	s0 =	sand.u32 $0x1, s1  }
0x8c: {  	s17 =	sshll.u32 s0, $0xA;
	s2 =	sadd.s32 s3, s2  }
0x8d: {  	s2 =	sadd.s32 s2, s17  }
0x8e: {  	[smem:$0x3FC1] =	sst s2  }
0x8f: {  	_ = 	snop  }
0x90: {  	s2 =	sld [smem:$0x3FC5];
	(tm) =	ssettm $0x1  }
0x91: {  	s18 =	sld [smem:$0x3FFB];
	_ =	sdelay $0x3  }
0x92: {  	_ =	strace s18  }
0x93: {  	s3 =	sld [smem:$0x3FFC];
	_ =	sdelay $0x3  }
0x94: {  	_ =	strace s3  }
0x95: {  	s3 =	sld [smem:$0x3FFD];
	_ =	sdelay $0x3  }
0x96: {  	_ =	strace s3  }
0x97: {  	_ =	strace $0x8FFFFFFF  }
0x98: {  	s19 =	sld [smem:$0x3FDB];
	_ =	sdelay $0x1  }
0x99: {  	s4 =	simm.s32 $_scs_section_size  }
0x9a: {  	s5 =	simm.s32 $_size__tile_overlayer_lowered;
	s6 =	simm.s32 $_tile_overlayer_lowered  }
0x9b: {  	s22 =	simm.s32 $0x1BFF;
	s21 =	sshll.u32 s6, $0x1;
	s3 =	sadd.s32 s4, s19  }
0x9c: {  	s7 =	simm.s32 $0x0;
	s20 =	sshll.u32 s5, $0x1;
	s5 =	sadd.s32 s21, s3  }
0x9d: {  	[timem:s7], [sflag:s22] =	dma.local [hbm:s5], s20  }
0x9e: {  	_ =	swait.ge [sflag:s22], s20  }
0x9f: {  	s4 =	ssub.s32 $0x0, s20;
	[sflag:s22] =	ssyncset.done $0x0  }
0xa0: {  	[sflag:s22] =	ssyncadd.s32 s4;
	_ =	sdelay $0x1  }
0xa1: {  	s23 =	simm.s32 $0x1B8B  }
0xa2: {  	_ =	swait.ge [sflag:s23], $0x1  }
0xa3: {  	[sflag:s23] =	ssyncset.done $0x0  }
0xa4: {  	s25 =	simm.s32 $0x1B8E;
	s24 =	sld [smem:$0x3FFE];
	[sflag:s23] =	ssyncadd.s32 $0xFFFFFFFF  }
0xa5: {  	s26 =	simm.s32 $execute0_lowered;
	[smem:$0x3FD2] =	sst s25  }
0xa6: {  	s5 =	sshll.u32 s26, $0x1;
	_ =	strace $0x80000052;
	[dreg:$0x1] =	wrdreg $0xFFFFFFFF  }
0xa7: {  	s28 =	simm.s32 $_size_execute0_lowered;
	s3 =	sadd.s32 s3, s5;
	[dreg:$0x0] =	wrdreg $0x0  }
0xa8: {  	s5 =	sshll.u32 s28, $0x1;
	[dreg:$0x2] =	wrdreg s3  }
0xa9: {  	[dreg:$0x3] =	wrdreg s5  }
0xaa: {  	[dreg:$0x4] =	wrdreg $0xC0  }
0xab: {  	_ =	task [dreg:s7], $0x5FFFF  }
0xac: {  	[dreg:$0x1] =	wrdreg $0xFFFFFFFF  }
0xad: {  	[dreg:$0x0] =	wrdreg $0x60  }
0xae: {  	[dreg:$0x2] =	wrdreg s24  }
0xaf: {  	[dreg:$0x3] =	wrdreg s2  }
0xb0: {  	[dreg:$0x4] =	wrdreg $0x38400  }
0xb1: {  	[dreg:$0x5] =	wrdreg $0x9  }
0xb2: {  	_ =	task.clear_ibuf [dreg:s7], $0x6FFFF;
	_ =	strace $0x90000052  }
0xb3: {  	s29 =	simm.s32 $0x9;
	_ =	strace $0x80000054  }
0xb4: {  	_ =	swait.ge [sflag:s29], $0x1  }
0xb5: {  	[sflag:s29] =	ssyncadd.s32 $0xFFFFFFFF  }
0xb6: {  	_ =	strace $0x90000054  }
0xb7: {  	_ =	sfence  }
0xb8: {  	s30 =	sld [smem:$0x0];
	_ =	sdelay $0x2  }
0xb9: {  	s31 =	sshll.u32 s1, $0xD;
	s1 =	sshrl.u32 s1, $0x2  }
0xba: {  	s3 =	sand.u32 $0x4000, s31;
	s1 =	sadd.s32 s1, s30  }
0xbb: {  	s0 =	sor.u32 s3, s0;
	s1 =	sshll.u32 s1, $0x11  }
0xbc: {  	s0 =	sor.u32 s1, s0  }
0xbd: {  	s0 =	sadd.s32 $0x8F2B, s0  }
0xbe: {  	[sflag:s0] =	ssyncadd.remote.s32 $0x1  }
0xbf: {  	_ =	sfence.sel $0xFFFF  }
0xc0: {  	[dreg:$0x0] =	wrdreg $0xFFFFFFFF;
	(pc) =	sbr.abs _section_cstart, $3  }
0xc1: {  	[dreg:$0x1] =	wrdreg $0xFFFFFFFF  }
0xc2: {  	_ =	task.clear_ibuf [dreg:s7], $0x2FFFF;
	_ =	strace $0x9FFFFFFF  }
0xc3: {  	(tm) =	ssettm $0x7FFFFFFF  }
tec
execute0_lowered:
.L_overlay_start_1:
0x0: {  	(tag) =	ssettag $0x1  }
0x1: {  	s8 =	rddreg [dreg:$0x0]  }
0x2: {  	s1 =	rddreg [dreg:$0x1]  }
0x3: {  	s3 =	rddreg [dreg:$0x2]  }
0x4: {  	s0 =	rddreg [dreg:$0x3];
	s4 =	simm.s32 $0x0;
	s5 =	srdreg.scid  }
0x5: {  	s2 =	stileid.u32;
	s15 =	simm.s32 $0x7D0;
	s16 =	simm.s32 $0x50  }
0x6: {  	s17 =	simm.s32 $0x1040;
	s18 =	simm.s32 $0x2440;
	s19 =	simm.s32 $0x1  }
0x7: {  	s20 =	simm.s32 $0xFA0;
	s21 =	simm.s32 $0x2;
	s22 =	simm.s32 $0xFF0  }
0x8: {  	[smem:$0x7FF] =	sst s4;
	s10 =	sand.u32 $0x1, s5;
	s7 =	smul.u32 $0x3100, s2  }
0x9: {  	s5 =	sadd.s32 $0x48BC00, s8;
	s6 =	sadd.s32 $0x10800, s8;
	s13 =	smul.u32 $0x62000, s2  }
0xa: {  	s31 =	sshll.u32 s2, $0x6;
	s9 =	smul.u32 $0x31000, s10;
	s11 =	ssub.s32 $0x2, s10  }
0xb: {  	_ =	strace $0x80000053;
	s10 =	smul.u32 $0xC3500, s10;
	s12 =	sshrl.u32 s11, $0x1  }
0xc: {  	s30 =	sshrl.u32 s13, $0x2;
	s9 =	sadd.s32 s7, s9;
	s7 =	sadd.s32 $0xD600, s8  }
0xd: {  	s12 =	ssub.s32 s11, s12;
	s13 =	sadd.s32 s30, s3;
	s14 =	sadd.s32 s9, s8  }
0xe: {  	s8 =	smul.u32 $0xC350, s2;
	s9 =	sor.u32 $0x1C03, s31;
	s12 =	smax.u32 s12, $0x1  }
0xf: {  	s13 =	sshrl.u32 s13, $0x3;
	s11 =	sadd.s32 $0x305000, s14;
	s14 =	simm.s32 $0x3  }
.LBB2_1:
0x10: {  	[spmem:s13], [sflag:s9] =	dma.local [hbm:s7], $0x3100  }
0x11: {  	_ =	swait.ge [sflag:s14], $0x3100  }
0x12: {  	[sflag:s14] =	ssyncset.done $0x0  }
0x13: {  	[sflag:s14] =	ssyncadd.s32 $0xFFFFCF00  }
0x14: {  	s23 =	simm.s32 $0x0;
	[bflag:$0x0] =	sbarrier.arrive $0xFFFF  }
.LBB2_2:
0x15: {  	s24 =	smul.u32 $0x7D0, s23;
	_ =	sdelay $0x1  }
0x16: {  	s24 =	sadd.s32 s8, s24  }
0x17: {  	s25 =	sshrl.u32 s24, $0x3  }
0x18: {  	s26 =	simm.s32 $0x0;
	s25 =	sadd.s32 s1, s25  }
0x19: {  	[tilespmem:s26], [sflag:$0x3] =	stream.linear.gather [hbm4b:s25+s26], $0x7D0, $0x38;
	[tilespmem:$0x1C040] =	vst v63  }
0x1a: {  	s24 =	sadd.s32 s10, s24;
	_ =	swait.ge [sflag:s14], $0x7D0  }
0x1b: {  	s24 =	sshrl.u32 s24, $0x3;
	[sflag:s14] =	ssyncset.done $0x0  }
0x1c: {  	s24 =	sadd.s32 s6, s24;
	[sflag:s14] =	ssyncadd.s32 $0xFFFFF830  }
0x1d: {  	[tilespmem:s15], [sflag:$0x3] =	stream.linear.gather [hbm4b:s24+s26], $0x7D0, $0x38;
	[tilespmem:$0x1C040] =	vst v63  }
0x1e: {  	_ =	swait.ge [sflag:s14], $0x7D0  }
0x1f: {  	[sflag:s14] =	ssyncset.done $0x0  }
0x20: {  	[sflag:s14] =	ssyncadd.s32 $0xFFFFF830  }
0x21: {  	[tilespmem:s17], [sflag:$0x1] =	stream.indirect.gather [hbm4b:s5+s16], $0x40, s26, s16, $0xb8;
	[tilespmem:$0x1C040] =	vst v63  }
0x22: {  	s29 =	simm.s32 $0x50  }
0x23: {  	[tilespmem:s18], [sflag:$0x2] =	stream.indirect.gather [hbm4b:s5+s16], $0x40, s29, s16, $0xb8;
	[tilespmem:$0x1C040] =	vst v63  }
0x24: {  	_ =	swait.ge [sflag:s19], $0x1400  }
0x25: {  	[sflag:s19] =	ssyncset.done $0x0  }
0x26: {  	s30 =	simm.s32 $0x0;
	[sflag:s19] =	ssyncadd.s32 $0xFFFFEC00  }
0x27: {  	v0 =	vld [tilespmem:s30+$0x7D0];
	_ =	sdelay $0x4  }
0x28: {  	[tilespmem:$0xFA0] =	vst v0  }
0x29: {  	v0 =	vld [tilespmem:s30+$0x7E0];
	_ =	sdelay $0x4  }
0x2a: {  	[tilespmem:$0xFB0] =	vst v0  }
0x2b: {  	v0 =	vld [tilespmem:s30+$0x7F0];
	_ =	sdelay $0x4  }
0x2c: {  	[tilespmem:$0xFC0] =	vst v0  }
0x2d: {  	v0 =	vld [tilespmem:s30+$0x800];
	_ =	sdelay $0x4  }
0x2e: {  	[tilespmem:$0xFD0] =	vst v0  }
0x2f: {  	v0 =	vld [tilespmem:s30+$0x810];
	_ =	sdelay $0x4  }
0x30: {  	[tilespmem:$0xFE0] =	vst v0  }
0x31: {  	[spmem:s3] =	stream.indirect.scatter.add.f32 [tilespmem:s17], [sflag:$0x3], $0x40, s20, s16, $0xb8;
	[tilespmem:$0x1C040] =	vst v63  }
0x32: {  	_ =	swait.ge [sflag:s14], $0x1400  }
0x33: {  	[sflag:s14] =	ssyncset.done $0x0  }
0x34: {  	s31 =	simm.s32 $0xA0;
	[sflag:s14] =	ssyncadd.s32 $0xFFFFEC00  }
0x35: {  	[tilespmem:s17], [sflag:$0x1] =	stream.indirect.gather [hbm4b:s5+s16], $0x40, s31, s16, $0xb8;
	[tilespmem:$0x1C040] =	vst v63  }
0x36: {  	_ =	swait.ge [sflag:s21], $0x1400  }
0x37: {  	[sflag:s21] =	ssyncset.done $0x0  }
0x38: {  	[sflag:s21] =	ssyncadd.s32 $0xFFFFEC00  }
0x39: {  	v63 =	vld [tilespmem:s30+$0x820];
	_ =	sdelay $0x4  }
0x3a: {  	[tilespmem:$0xFF0] =	vst v63  }
0x3b: {  	v0 =	vld [tilespmem:s30+$0x830];
	_ =	sdelay $0x4  }
0x3c: {  	[tilespmem:$0x1000] =	vst v0  }
0x3d: {  	v0 =	vld [tilespmem:s30+$0x840];
	_ =	sdelay $0x4  }
0x3e: {  	[tilespmem:$0x1010] =	vst v0  }
0x3f: {  	v0 =	vld [tilespmem:s30+$0x850];
	_ =	sdelay $0x4  }
0x40: {  	[tilespmem:$0x1020] =	vst v0  }
0x41: {  	v0 =	vld [tilespmem:s30+$0x860];
	_ =	sdelay $0x4  }
0x42: {  	[tilespmem:$0x1030] =	vst v0  }
0x43: {  	[spmem:s3] =	stream.indirect.scatter.add.f32 [tilespmem:s18], [sflag:$0x3], $0x40, s22, s16, $0xb8;
	[tilespmem:$0x1C040] =	vst v63  }
0x44: {  	_ =	swait.ge [sflag:s14], $0x1400  }
0x45: {  	s28 =	simm.s32 $0x500;
	s24 =	simm.s32 $0xA0;
	[sflag:s14] =	ssyncset.done $0x0  }
.LBB2_3:
0x46: {  	s29 =	sadd.s32 $0x50, s24  }
0x47: {  	[sflag:s14] =	ssyncadd.s32 $0xFFFFEC00;
	s26 =	smov.u32 s28;
	s25 =	sadd.s32 $0x280, s28  }
0x48: {  	[tilespmem:s18], [sflag:$0x2] =	stream.indirect.gather [hbm4b:s5+s16], $0x40, s29, s16, $0xb8;
	[tilespmem:$0x1C040] =	vst v63  }
0x49: {  	p0 =	sne.s32 s28, $0x1B80;
	_ =	swait.ge [sflag:s19], $0x1400  }
0x4a: {  	[sflag:s19] =	ssyncset.done $0x0  }
0x4b: {  	[sflag:s19] =	ssyncadd.s32 $0xFFFFEC00  }
0x4c: {  	v0 =	vld [tilespmem:s24+$0x7D0];
	_ =	sdelay $0x4  }
0x4d: {  	[tilespmem:$0xFA0] =	vst v0  }
0x4e: {  	v0 =	vld [tilespmem:s24+$0x7E0];
	_ =	sdelay $0x4  }
0x4f: {  	[tilespmem:$0xFB0] =	vst v0  }
0x50: {  	v0 =	vld [tilespmem:s24+$0x7F0];
	_ =	sdelay $0x4  }
0x51: {  	[tilespmem:$0xFC0] =	vst v0  }
0x52: {  	v0 =	vld [tilespmem:s24+$0x800];
	_ =	sdelay $0x4  }
0x53: {  	[tilespmem:$0xFD0] =	vst v0  }
0x54: {  	v0 =	vld [tilespmem:s24+$0x810];
	_ =	sdelay $0x4  }
0x55: {  	[tilespmem:$0xFE0] =	vst v0  }
0x56: {  	[spmem:s3] =	stream.indirect.scatter.add.f32 [tilespmem:s17], [sflag:$0x3], $0x40, s20, s16, $0xb8;
	[tilespmem:$0x1C040] =	vst v63  }
0x57: {  	_ =	swait.ge [sflag:s14], $0x1400  }
0x58: {  	[sflag:s14] =	ssyncset.done $0x0  }
0x59: {  	s28 =	sadd.s32 $0xA0, s24;
	[sflag:s14] =	ssyncadd.s32 $0xFFFFEC00  }
0x5a: {  	[tilespmem:s17], [sflag:$0x1] =	stream.indirect.gather [hbm4b:s5+s16], $0x40, s28, s16, $0xb8;
	[tilespmem:$0x1C040] =	vst v63  }
0x5b: {  	_ =	swait.ge [sflag:s21], $0x1400  }
0x5c: {  	[sflag:s21] =	ssyncset.done $0x0  }
0x5d: {  	[sflag:s21] =	ssyncadd.s32 $0xFFFFEC00  }
0x5e: {  	v0 =	vld [tilespmem:s24+$0x820];
	_ =	sdelay $0x4  }
0x5f: {  	[tilespmem:$0xFF0] =	vst v0  }
0x60: {  	v0 =	vld [tilespmem:s24+$0x830];
	_ =	sdelay $0x4  }
0x61: {  	[tilespmem:$0x1000] =	vst v0  }
0x62: {  	v0 =	vld [tilespmem:s24+$0x840];
	_ =	sdelay $0x4  }
0x63: {  	[tilespmem:$0x1010] =	vst v0  }
0x64: {  	v0 =	vld [tilespmem:s24+$0x850];
	_ =	sdelay $0x4  }
0x65: {  	[tilespmem:$0x1020] =	vst v0  }
0x66: {  	v0 =	vld [tilespmem:s24+$0x860];
	_ =	sdelay $0x3  }
.Ltmp0:
0x67: {  	(pc) =	sbr.rel @p0 .LBB2_3-.Ltmp0, $4  }
0x68: {  	[tilespmem:$0x1030] =	vst v0  }
0x69: {  	[spmem:s3] =	stream.indirect.scatter.add.f32 [tilespmem:s18], [sflag:$0x3], $0x40, s22, s16, $0xb8;
	[tilespmem:$0x1C040] =	vst v63  }
0x6a: {  	_ =	swait.ge [sflag:s14], $0x1400  }
0x6b: {  	s28 =	smov.u32 s25;
	s24 =	sshra.s32 s26, $0x2;
	[sflag:s14] =	ssyncset.done $0x0  }
0x6c: {  	s25 =	sadd.s32 $0x50, s24;
	[sflag:s14] =	ssyncadd.s32 $0xFFFFEC00  }
0x6d: {  	[tilespmem:s18], [sflag:$0x2] =	stream.indirect.gather [hbm4b:s5+s16], $0x40, s25, s16, $0xb8;
	[tilespmem:$0x1C040] =	vst v63  }
0x6e: {  	_ =	swait.ge [sflag:s19], $0x1400  }
0x6f: {  	[sflag:s19] =	ssyncset.done $0x0  }
0x70: {  	[sflag:s19] =	ssyncadd.s32 $0xFFFFEC00  }
0x71: {  	v0 =	vld [tilespmem:s24+$0x7D0];
	_ =	sdelay $0x4  }
0x72: {  	[tilespmem:$0xFA0] =	vst v0  }
0x73: {  	v0 =	vld [tilespmem:s24+$0x7E0];
	_ =	sdelay $0x4  }
0x74: {  	[tilespmem:$0xFB0] =	vst v0  }
0x75: {  	v0 =	vld [tilespmem:s24+$0x7F0];
	_ =	sdelay $0x4  }
0x76: {  	[tilespmem:$0xFC0] =	vst v0  }
0x77: {  	v0 =	vld [tilespmem:s24+$0x800];
	_ =	sdelay $0x4  }
0x78: {  	[tilespmem:$0xFD0] =	vst v0  }
0x79: {  	v0 =	vld [tilespmem:s24+$0x810];
	_ =	sdelay $0x4  }
0x7a: {  	[tilespmem:$0xFE0] =	vst v0  }
0x7b: {  	[spmem:s3] =	stream.indirect.scatter.add.f32 [tilespmem:s17], [sflag:$0x3], $0x40, s20, s16, $0xb8;
	[tilespmem:$0x1C040] =	vst v63  }
0x7c: {  	_ =	swait.ge [sflag:s14], $0x1400  }
0x7d: {  	[sflag:s14] =	ssyncset.done $0x0  }
0x7e: {  	s31 =	sadd.s32 $0xA0, s24;
	[sflag:s14] =	ssyncadd.s32 $0xFFFFEC00  }
0x7f: {  	[tilespmem:s17], [sflag:$0x1] =	stream.indirect.gather [hbm4b:s5+s16], $0x40, s31, s16, $0xb8;
	[tilespmem:$0x1C040] =	vst v63  }
0x80: {  	_ =	swait.ge [sflag:s21], $0x1400  }
0x81: {  	[sflag:s21] =	ssyncset.done $0x0  }
0x82: {  	[sflag:s21] =	ssyncadd.s32 $0xFFFFEC00  }
0x83: {  	v62 =	vld [tilespmem:s24+$0x820];
	_ =	sdelay $0x4  }
0x84: {  	[tilespmem:$0xFF0] =	vst v62  }
0x85: {  	v0 =	vld [tilespmem:s24+$0x830];
	_ =	sdelay $0x4  }
0x86: {  	[tilespmem:$0x1000] =	vst v0  }
0x87: {  	v0 =	vld [tilespmem:s24+$0x840];
	_ =	sdelay $0x4  }
0x88: {  	[tilespmem:$0x1010] =	vst v0  }
0x89: {  	v0 =	vld [tilespmem:s24+$0x850];
	_ =	sdelay $0x4  }
0x8a: {  	[tilespmem:$0x1020] =	vst v0  }
0x8b: {  	v0 =	vld [tilespmem:s24+$0x860];
	_ =	sdelay $0x4  }
0x8c: {  	[tilespmem:$0x1030] =	vst v0  }
0x8d: {  	[spmem:s3] =	stream.indirect.scatter.add.f32 [tilespmem:s18], [sflag:$0x3], $0x40, s22, s16, $0xb8;
	[tilespmem:$0x1C040] =	vst v63  }
0x8e: {  	_ =	swait.ge [sflag:s14], $0x1400  }
0x8f: {  	[sflag:s14] =	ssyncset.done $0x0  }
0x90: {  	[sflag:s14] =	ssyncadd.s32 $0xFFFFEC00  }
0x91: {  	_ =	swait.ge [sflag:s19], $0x1400  }
0x92: {  	[sflag:s19] =	ssyncset.done $0x0  }
0x93: {  	[sflag:s19] =	ssyncadd.s32 $0xFFFFEC00  }
0x94: {  	v63 =	vld [tilespmem:$0xF50]  }
0x95: {  	v1 =	vld [tilespmem:$0xF60]  }
0x96: {  	v2 =	vld [tilespmem:$0xF70]  }
0x97: {  	v3 =	vld [tilespmem:$0xF80]  }
0x98: {  	v4 =	vld [tilespmem:$0xF90]  }
0x99: {  	[tilespmem:$0xFA0] =	vst v63  }
0x9a: {  	[tilespmem:$0xFB0] =	vst v1  }
0x9b: {  	s23 =	sadd.s32 $0x1, s23;
	[tilespmem:$0xFC0] =	vst v2  }
0x9c: {  	p0 =	sne.s32 s23, $0x19;
	[tilespmem:$0xFD0] =	vst v3  }
.Ltmp1:
0x9d: {  	[tilespmem:$0xFE0] =	vst v4;
	(pc) =	sbr.rel @p0 .LBB2_2-.Ltmp1, $4  }
0x9e: {  	[spmem:s3] =	stream.indirect.scatter.add.f32 [tilespmem:s17], [sflag:$0x3], $0x40, s20, s16, $0xb8;
	[tilespmem:$0x1C040] =	vst v63  }
0x9f: {  	_ =	swait.ge [sflag:s14], $0x1400  }
0xa0: {  	[sflag:s14] =	ssyncset.done $0x0  }
0xa1: {  	[sflag:s14] =	ssyncadd.s32 $0xFFFFEC00  }
0xa2: {  	s4 =	sadd.s32 $0x1, s4  }
0xa3: {  	p0 =	sne.s32 s4, s12  }
.Ltmp2:
0xa4: {  	[bflag:$0x0] =	sbarrier.arrive $0xFFFF;
	(pc) =	sbr.rel @p0 .LBB2_1-.Ltmp2, $4  }
0xa5: {  	[hbm:s11], [sflag:s9] =	dma.local [spmem:s13], $0x3100  }
0xa6: {  	_ =	swait.ge [sflag:s14], $0x3100  }
0xa7: {  	[sflag:s14] =	ssyncset.done $0x0  }
0xa8: {  	[sflag:s14] =	ssyncadd.s32 $0xFFFFCF00  }
0xa9: {  	_ =	sfence.sel $0x180000  }
0xaa: {  	[bflag:$0x0] =	sbarrier.arrive $0xFFFF  }
0xab: {  	p0 =	sne.s32 s2, $0x0;
	_ =	strace $0x90000053  }
0xac: {  	s0 =	sadd.s32 @!p0 $0x100000, s0;
	[bflag:$0x2] =	sbarrier.arrive $0xFFFF  }
0xad: {  	[sflag:s0] =	ssyncadd.tile.s32 @!p0 $0x1;
	_ =	shalt  }
.Lfunc_end2:
_tile_overlayer_lowered:
.L_overlay_start_2:
0xae: {  	(tag) =	ssettag $0x2  }
0xaf: {  	s0 =	rddreg [dreg:$0x0];
	s2 =	stileid.u32  }
0xb0: {  	s1 =	rddreg [dreg:$0x1];
	p0 =	sne.s32 s2, $0x0  }
0xb1: {  	s3 =	rddreg [dreg:$0x2];
	[bflag:$0x3] =	sbarrier.arrive $0xFFFF;
	s2 =	simm.s32 @!p0 $0x1C03  }
0xb2: {  	[timem:s3], [sflag:s2] =	dma.local @!p0 [hbm:s0], s1  }
0xb3: {  	s0 =	simm.s32 @!p0 $0x3  }
0xb4: {  	_ =	swait.ge @!p0 [sflag:s0], s1  }
0xb5: {  	s1 =	ssub.s32 @!p0 $0x0, s1;
	[sflag:s0] =	ssyncset.done @!p0 $0x0  }
0xb6: {  	[sflag:s0] =	ssyncadd.s32 @!p0 s1  }
0xb7: {  	[bflag:$0x3] =	sbarrier.arrive $0xFFFF  }
0xb8: {  	_ =	shalt  }

// kernel: scatter_offload_async_start.1
scs
__scs_entry_jumppad:
0x0: {  	(pc) =	sbr.rel $0x88, $3  }
0x1: {  	(tag) =	ssettag $0x0;
	lr =	simm.s32 $0x1  }
0x2: {  	[smem:$0x3F9A] =	sst lr;
	_ =	strace $0xD0000000  }
0x3: {  	_ = 	snop  }
0x4: {  	_ = 	snop  }
0x5: {  	_ = 	snop  }
0x6: {  	_ = 	snop  }
0x7: {  	_ = 	snop  }
__scs_overlays_trampoline_lowered:
0x8: {  	[smem:$0x3FA9] =	sst s0  }
0x9: {  	[smem:$0x3FAA] =	sst s1  }
0xa: {  	[smem:$0x3FAB] =	sst s2  }
0xb: {  	[smem:$0x3FAC] =	sst s3  }
0xc: {  	[smem:$0x3FAD] =	sst s4  }
0xd: {  	[smem:$0x3FAE] =	sst s5  }
0xe: {  	[smem:$0x3FAF] =	sst s6  }
0xf: {  	[smem:$0x3FB0] =	sst s7  }
0x10: {  	[smem:$0x3FB1] =	sst s8  }
0x11: {  	[smem:$0x3FB2] =	sst s9;
	s0 =	simm.s32 @!p0 $0x0  }
0x12: {  	s1 =	sld [smem:$0x3F98];
	s0 =	simm.s32 @p0 $0x1  }
0x13: {  	[smem:$0x3FB3] =	sst s0;
	s0 =	simm.s32 @!p1 $0x0  }
0x14: {  	s2 =	sld [smem:$0x3F97];
	s0 =	simm.s32 @p1 $0x1  }
0x15: {  	[smem:$0x3FB4] =	sst s0;
	s0 =	simm.s32 @!p2 $0x0  }
0x16: {  	s3 =	sld [smem:$0x3FDB];
	s0 =	simm.s32 @p2 $0x1  }
0x17: {  	s4 =	simm.s32 $0x1BF5;
	[smem:$0x3FB6] =	sst s0  }
0x18: {  	s0 =	sld [smem:$0x3F99];
	_ =	swait.ge [sflag:s4], $0x0  }
0x19: {  	s7 =	sld [smem:$0x3F9A]  }
0x1a: {  	s8 =	sadd.s32 $0xFFFFE003, lr  }
0x1b: {  	s9 =	sadd.s32 $0xFFFFFEF7, lr;
	s5 =	simm.s32 $0xFFFFFFFF;
	p2 =	slt.u32 s8, $0xFFFFF086  }
0x1c: {  	p1 =	slt.u32 s9, $0xF7A;
	s5 =	simm.s32 @!p2 $0x0  }
0x1d: {  	s5 =	simm.s32 @p1 $0x1;
	p0 =	seq.s32 s7, s2  }
0x1e: {  	s7 =	smul.u32 @!p0 $0xF7A, s2;
	p2 =	seq.s32 @!p0 s5, $0x0  }
0x1f: {  	s9 =	smul.u32 $0xF7A, s1;
	s8 =	simm.s32 @!p0 $0x1BF5;
	p2 =	por !p2, p0  }
0x20: {  	[sflag:s8] =	ssyncset.s32 @!p0 $0xFFFFF086;
	s6 =	sadd.s32 @!p0 s3, s7;
	s7 =	simm.s32 @!p0 $0x108  }
0x21: {  	s3 =	sadd.s32 s3, s9;
	s6 =	sadd.s32 @!p0 $0x88, s6;
	s7 =	simm.s32 @p2 $0x1082  }
0x22: {  	[simem:s7], [sflag:s8] =	dma.local @!p0 [hbm:s6], $0xF7A  }
0x23: {  	s9 =	sor.u32 $0xD0000000, s2;
	s6 =	simm.s32 $0x108;
	_ =	swait.ge @!p0 [sflag:s8], $0x0  }
0x24: {  	s3 =	sadd.s32 $0x88, s3;
	s6 =	simm.s32 @!p1 $0x1082;
	[sflag:s4] =	ssyncset.s32 $0xFFFFF086  }
0x25: {  	[simem:s6], [sflag:s4] =	dma.local [hbm:s3], $0xF7A  }
0x26: {  	[smem:$0x3F9A] =	sst s1;
	(tag) =	ssettag s2;
	_ =	strace s9  }
0x27: {  	s1 =	sld [smem:$0x3FAA]  }
0x28: {  	s2 =	sld [smem:$0x3FAB]  }
0x29: {  	s4 =	sld [smem:$0x3FAD]  }
0x2a: {  	p0 =	seq.s32 s5, $0x0;
	s5 =	sld [smem:$0x3FAE]  }
0x2b: {  	s6 =	sld [smem:$0x3FAF]  }
0x2c: {  	s7 =	sld [smem:$0x3FB0]  }
0x2d: {  	s3 =	simm.s32 $0x108;
	s8 =	sld [smem:$0x3FB1]  }
0x2e: {  	s3 =	simm.s32 @!p0 $0x1082;
	s9 =	sld [smem:$0x3FB2]  }
0x2f: {  	lr =	sadd.s32 s0, s3;
	s0 =	sld [smem:$0x3FA9]  }
0x30: {  	s3 =	sld [smem:$0x3FAC]  }
0x31: {  	[smem:$0x3FB5] =	sst s10  }
0x32: {  	s10 =	sld [smem:$0x3FB3];
	_ =	sdelay $0x3  }
0x33: {  	p0 =	seq.s32 s10, $0x1;
	s10 =	sld [smem:$0x3FB5];
	_ =	sdelay $0x3  }
0x34: {  	[smem:$0x3FB5] =	sst s10  }
0x35: {  	s10 =	sld [smem:$0x3FB4];
	_ =	sdelay $0x3  }
0x36: {  	p1 =	seq.s32 s10, $0x1;
	s10 =	sld [smem:$0x3FB5];
	_ =	sdelay $0x3  }
0x37: {  	[smem:$0x3FB5] =	sst s10  }
0x38: {  	s10 =	sld [smem:$0x3FB6]  }
0x39: {  	_ = 	snop;
	(pc) =	sbr.ind lr, $3  }
0x3a: {  	_ = 	snop  }
0x3b: {  	_ = 	snop  }
0x3c: {  	p2 =	seq.s32 s10, $0x1;
	s10 =	sld [smem:$0x3FB5]  }
0x3d: {  	_ =	shalt  }
0x3e: {  	_ =	shalt  }
0x3f: {  	_ =	shalt  }
0x40: {  	_ =	shalt  }
0x41: {  	_ =	shalt  }
0x42: {  	_ =	shalt  }
0x43: {  	_ =	shalt  }
0x44: {  	_ =	shalt  }
0x45: {  	_ =	shalt  }
0x46: {  	_ =	shalt  }
0x47: {  	_ =	shalt  }
0x48: {  	_ =	shalt  }
0x49: {  	_ =	shalt  }
0x4a: {  	_ =	shalt  }
0x4b: {  	_ =	shalt  }
0x4c: {  	_ =	shalt  }
0x4d: {  	_ =	shalt  }
0x4e: {  	_ =	shalt  }
0x4f: {  	_ =	shalt  }
0x50: {  	_ =	shalt  }
0x51: {  	_ =	shalt  }
0x52: {  	_ =	shalt  }
0x53: {  	_ =	shalt  }
0x54: {  	_ =	shalt  }
0x55: {  	_ =	shalt  }
0x56: {  	_ =	shalt  }
0x57: {  	_ =	shalt  }
0x58: {  	_ =	shalt  }
0x59: {  	_ =	shalt  }
0x5a: {  	_ =	shalt  }
0x5b: {  	_ =	shalt  }
0x5c: {  	_ =	shalt  }
0x5d: {  	_ =	shalt  }
0x5e: {  	_ =	shalt  }
0x5f: {  	_ =	shalt  }
0x60: {  	_ =	shalt  }
0x61: {  	_ =	shalt  }
0x62: {  	_ =	shalt  }
0x63: {  	_ =	shalt  }
0x64: {  	_ =	shalt  }
0x65: {  	_ =	shalt  }
0x66: {  	_ =	shalt  }
0x67: {  	_ =	shalt  }
0x68: {  	_ =	shalt  }
0x69: {  	_ =	shalt  }
0x6a: {  	_ =	shalt  }
0x6b: {  	_ =	shalt  }
0x6c: {  	_ =	shalt  }
0x6d: {  	_ =	shalt  }
0x6e: {  	_ =	shalt  }
0x6f: {  	_ =	shalt  }
0x70: {  	_ =	shalt  }
0x71: {  	_ =	shalt  }
0x72: {  	_ =	shalt  }
0x73: {  	_ =	shalt  }
0x74: {  	_ =	shalt  }
0x75: {  	_ =	shalt  }
0x76: {  	_ =	shalt  }
0x77: {  	_ =	shalt  }
0x78: {  	_ =	shalt  }
0x79: {  	_ =	shalt  }
0x7a: {  	_ =	shalt  }
0x7b: {  	_ =	shalt  }
0x7c: {  	_ =	shalt  }
0x7d: {  	_ =	shalt  }
0x7e: {  	_ =	shalt  }
0x7f: {  	_ =	shalt  }
0x80: {  	_ =	shalt  }
0x81: {  	_ =	shalt  }
0x82: {  	_ =	shalt  }
0x83: {  	_ =	shalt  }
0x84: {  	_ =	shalt  }
0x85: {  	_ =	shalt  }
0x86: {  	_ =	shalt  }
0x87: {  	_ =	shalt  }
.Lfunc_end0:
.L_simem_size_0:
called_computation.1_lowered:
.L_overlay_start_0:
0x88: {  	s0 =	sld [smem:$0x3FD9]  }
0x89: {  	s1 =	sld [smem:$0x3FFE];
	_ =	sdelay $0x3  }
0x8a: {  	s0 =	sadd.s32 s1, s0  }
0x8b: {  	[smem:$0x3FC1] =	sst s0  }
0x8c: {  	_ = 	snop  }
0x8d: {  	(tm) =	ssettm $0x1  }
0x8e: {  	s15 =	sld [smem:$0x3FFB];
	_ =	sdelay $0x3  }
0x8f: {  	_ =	strace s15  }
0x90: {  	s0 =	sld [smem:$0x3FFC];
	_ =	sdelay $0x3  }
0x91: {  	_ =	strace s0  }
0x92: {  	s0 =	sld [smem:$0x3FFD];
	_ =	sdelay $0x3  }
0x93: {  	_ =	strace s0  }
0x94: {  	_ =	strace $0x8FFFFFFF  }
0x95: {  	s16 =	sld [smem:$0x3FDB];
	_ =	sdelay $0x1  }
0x96: {  	s17 =	simm.s32 $_scs_section_size  }
0x97: {  	s2 =	simm.s32 $_size__tile_overlayer_lowered;
	s3 =	simm.s32 $_tile_overlayer_lowered  }
0x98: {  	s20 =	simm.s32 $0x1BFF;
	s19 =	sshll.u32 s3, $0x1;
	s0 =	sadd.s32 s17, s16  }
0x99: {  	s4 =	simm.s32 $0x0;
	s18 =	sshll.u32 s2, $0x1;
	s2 =	sadd.s32 s19, s0  }
0x9a: {  	[timem:s4], [sflag:s20] =	dma.local [hbm:s2], s18  }
0x9b: {  	_ =	swait.ge [sflag:s20], s18  }
0x9c: {  	s1 =	ssub.s32 $0x0, s18;
	[sflag:s20] =	ssyncset.done $0x0  }
0x9d: {  	[sflag:s20] =	ssyncadd.s32 s1;
	_ =	sdelay $0x1  }
0x9e: {  	s21 =	simm.s32 $0x1B8B  }
0x9f: {  	_ =	swait.ge [sflag:s21], $0x1  }
0xa0: {  	[sflag:s21] =	ssyncset.done $0x0  }
0xa1: {  	s23 =	simm.s32 $0x1B8E;
	s22 =	sld [smem:$0x3FFE];
	[sflag:s21] =	ssyncadd.s32 $0xFFFFFFFF  }
0xa2: {  	s24 =	simm.s32 $execute0_lowered;
	[smem:$0x3FD2] =	sst s23  }
0xa3: {  	s2 =	sshll.u32 s24, $0x1;
	_ =	strace $0x8000004C;
	[dreg:$0x1] =	wrdreg $0xFFFFFFFF  }
0xa4: {  	s25 =	simm.s32 $_size_execute0_lowered;
	s0 =	sadd.s32 s0, s2;
	[dreg:$0x0] =	wrdreg $0x0  }
0xa5: {  	s2 =	sshll.u32 s25, $0x1;
	[dreg:$0x2] =	wrdreg s0  }
0xa6: {  	[dreg:$0x3] =	wrdreg s2  }
0xa7: {  	[dreg:$0x4] =	wrdreg $0xC0  }
0xa8: {  	_ =	task [dreg:s4], $0x5FFFF  }
0xa9: {  	[dreg:$0x1] =	wrdreg $0xFFFFFFFF  }
0xaa: {  	[dreg:$0x0] =	wrdreg $0x60  }
0xab: {  	[dreg:$0x2] =	wrdreg s22  }
0xac: {  	[dreg:$0x3] =	wrdreg $0x9  }
0xad: {  	_ =	task.clear_ibuf [dreg:s4], $0x4FFFF;
	_ =	strace $0x9000004C  }
0xae: {  	s26 =	simm.s32 $0x9;
	_ =	strace $0x8000004E  }
0xaf: {  	_ =	swait.ge [sflag:s26], $0x1  }
0xb0: {  	[sflag:s26] =	ssyncadd.s32 $0xFFFFFFFF  }
0xb1: {  	_ =	strace $0x9000004E  }
0xb2: {  	_ =	sfence  }
0xb3: {  	s28 =	sld [smem:$0x0];
	_ =	sdelay $0x1  }
0xb4: {  	s29 =	srdreg.scid  }
0xb5: {  	s30 =	sshll.u32 s29, $0xD;
	s31 =	sshrl.u32 s29, $0x2  }
0xb6: {  	s1 =	sand.u32 $0x1, s29;
	s2 =	sand.u32 $0x4000, s30;
	s0 =	sadd.s32 s31, s28  }
0xb7: {  	s1 =	sor.u32 s2, s1;
	s0 =	sshll.u32 s0, $0x11  }
0xb8: {  	s0 =	sor.u32 s0, s1  }
0xb9: {  	s0 =	sadd.s32 $0x8F2B, s0  }
0xba: {  	[sflag:s0] =	ssyncadd.remote.s32 $0x1  }
0xbb: {  	_ =	sfence.sel $0xFFFF  }
0xbc: {  	[dreg:$0x0] =	wrdreg $0xFFFFFFFF;
	(pc) =	sbr.abs _section_cstart, $3  }
0xbd: {  	[dreg:$0x1] =	wrdreg $0xFFFFFFFF  }
0xbe: {  	_ =	task.clear_ibuf [dreg:s4], $0x2FFFF;
	_ =	strace $0x9FFFFFFF  }
0xbf: {  	(tm) =	ssettm $0x7FFFFFFF  }
tec
execute0_lowered:
.L_overlay_start_1:
0x0: {  	(tag) =	ssettag $0x1  }
0x1: {  	s7 =	rddreg [dreg:$0x0]  }
0x2: {  	s0 =	rddreg [dreg:$0x1];
	_ =	strace $0x8000004D  }
0x3: {  	s3 =	stileid.u32;
	s4 =	simm.s32 $0x3E;
	s1 =	sadd.s32 $0x9EC00, s7  }
0x4: {  	p0 =	sne.s32 s3, $0x0;
	[sflag:s4] =	ssyncpa.u1 $0x0;
	s29 =	smul.u32 $0x6, s3  }
0x5: {  	s30 =	smin.u32 s3, $0x4;
	s2 =	simm.s32 @!p0 $0x1C3E;
	s5 =	simm.s32 @!p0 $0x0  }
0x6: {  	[spmem:s5], [sflag:s2] =	dma.local @!p0 [hbm:s1], $0x1880  }
0x7: {  	s2 =	sadd.s32 s30, s29  }
0x8: {  	p1 =	slt.u32 s3, $0x4;
	s3 =	simm.s32 $0xDAC0;
	s2 =	smul.u32 $0x1F40, s2  }
0x9: {  	s3 =	simm.s32 @!p1 $0xBB80  }
0xa: {  	s3 =	sadd.s32 s3, s2  }
0xb: {  	s3 =	smin.u32 s3, $0xC3500  }
0xc: {  	s8 =	ssub.s32 s3, s2  }
0xd: {  	p1 =	sgt.s32 s8, $0x0  }
0xe: {  	s8 =	simm.s32 @!p1 $0x0  }
0xf: {  	s5 =	simm.s32 @!p0 $0x3E;
	s31 =	smulhi.u32 $0x10624DD3, s8  }
0x10: {  	_ =	swait.ge @!p0 [sflag:s5], $0x1880  }
0x11: {  	s6 =	simm.s32 $0x2;
	[sflag:s5] =	ssyncset.done @!p0 $0x0;
	s9 =	sshrl.u32 s31, $0x9  }
0x12: {  	s11 =	simm.s32 $0x0;
	[sflag:s5] =	ssyncadd.s32 @!p0 $0xFFFFE780;
	s10 =	smul.u32 $0x1F40, s9  }
.Ltmp0:
0x13: {  	s5 =	sadd.s32 $0x86400, s7;
	[bflag:$0x0] =	sbarrier.arrive $0xFFFF;
	(pc) =	sbr.rel .LBB2_1-.Ltmp0, $4  }
0x14: {  	s7 =	sadd.s32 $0xA0600, s7;
	[sflag:s4] =	ssyncpa.u1 $0x1;
	s4 =	simm.s32 $0x1  }
0x15: {  	[sflag:s4] =	ssyncpa.u1 $0x0;
	p1 =	sne.s32 s8, s10;
	s8 =	simm.s32 $0x1  }
0x16: {  	(ifvalue) =	ssetifvalue $0xC400;
	[sflag:s6] =	ssyncpa.u1 $0x0;
	s8 =	simm.s32 @!p1 $0x0  }
0x17: {  	vm0 =	vmmov $0xffff;
	s10 =	smov.u32 s2;
	s8 =	sadd.s32 s8, s9;
	s9 =	simm.s32 $0x0  }
.LBB2_5:
0x18: {  	p2 =	sne.s32 s11, s8  }
.Ltmp1:
0x19: {  	_ = 	snop;
	(pc) =	sbr.rel @!p2 .LBB2_6-.Ltmp1, $4  }
0x1a: {  	_ = 	snop  }
0x1b: {  	s12 =	sadd.s32 $0x1F40, s10  }
0x1c: {  	s10 =	smov.u32 s2;
	s13 =	sadd.s32 $0x1, s11;
	p1 =	slt.s32 s12, s3  }
0x1d: {  	s11 =	smov.u32 s13;
	s10 =	smov.u32 @p1 s12  }
.LBB2_1:
0x1e: {  	p1 =	sge.u32 s11, s8  }
0x1f: {  	s12 =	sxor.u32 @!p1 $0xFFFFFFFF, s11  }
0x20: {  	s12 =	sand.u32 @!p1 $0x1, s12  }
0x21: {  	s12 =	smul.u32 @!p1 $0x1F40, s12  }
0x22: {  	s13 =	sshrl.u32 @!p1 s10, $0x3  }
0x23: {  	s16 =	sand.u32 @!p1 $0x7, s10;
	s14 =	sadd.s32 @!p1 s5, s13;
	s15 =	sadd.s32 @!p1 $0xC40, s12  }
0x24: {  	[tilespmem:s15], [sflag:$0x2] =	stream.linear.gather @!p1 [hbm4b:s14+s16], $0x1F40, $0x38;
	[tilespmem:$0x8940] =	vst v63  }
0x25: {  	s13 =	sadd.s32 @!p1 s7, s13;
	s12 =	sadd.s32 @!p1 $0x4AC0, s12  }
0x26: {  	[tilespmem:s12], [sflag:$0x2] =	stream.linear.gather @!p1 [hbm4b:s13+s16], $0x1F40, $0x38;
	[tilespmem:$0x8940] =	vst v63  }
0x27: {  	p1 =	seq.s32 s11, $0x0  }
.Ltmp2:
0x28: {  	_ = 	snop;
	(pc) =	sbr.rel @p1 .LBB2_5-.Ltmp2, $1  }
0x29: {  	_ =	sdelay $0x3  }
0x2a: {  	s12 =	sand.u32 $0x1, s11  }
0x2b: {  	_ =	swait.ge [sflag:s6], $0x3E80;
	p1 =	seq.s32 s12, $0x1;
	s12 =	simm.s32 $0x1F40  }
0x2c: {  	[sflag:s6] =	ssyncset.done $0x0;
	s12 =	simm.s32 @!p1 $0x0  }
0x2d: {  	[sflag:s6] =	ssyncadd.s32 $0xFFFFC180;
	s14 =	sadd.s32 $0xC40, s12  }
0x2e: {  	v0 =	vld.msk [tilespmem:s14+$0x0 ss:$0x1], $0xffff;
	_ =	sdelay $0x4  }
0x2f: {  	v0 =	vmin.u32 v0, $0xC400;
	_ =	sdelay $0x3  }
0x30: {  	s13 =	simm.s32 $0x0;
	s12 =	sadd.s32 $0x4AC0, s12;
	s14 =	sadd.s32 $0x10, s14  }
0x31: {  	[spmem:s9] =	stream.indirect_vreg.scatter.add.s32 [tilespmem:s12], [sflag:$0x1], $0x1, v0, vm0, $0x4038;
	[tilespmem:$0x8940] =	vst v63  }
.LBB2_3:
0x32: {  	v0 =	vld.msk [tilespmem:s14+$0x0 ss:$0x1], $0xffff;
	s13 =	sadd.s32 $0x10, s13  }
0x33: {  	p1 =	slt.u32 s13, $0x1F30;
	_ =	sdelay $0x4  }
0x34: {  	v0 =	vmin.u32 v0, $0xC400  }
.Ltmp3:
0x35: {  	(pc) =	sbr.rel @p1 .LBB2_3-.Ltmp3, $3  }
0x36: {  	_ =	sdelay $0x1  }
0x37: {  	s14 =	sadd.s32 $0x10, s14;
	s12 =	sadd.s32 $0x10, s12  }
0x38: {  	[spmem:s9] =	stream.indirect_vreg.scatter.add.s32 [tilespmem:s12], [sflag:$0x1], $0x1, v0, vm0, $0x4038;
	[tilespmem:$0x8940] =	vst v63  }
.Ltmp4:
0x39: {  	(pc) =	sbr.rel .LBB2_5-.Ltmp4, $4  }
0x3a: {  	_ = 	snop  }
0x3b: {  	_ =	swait.ge [sflag:s4], $0x1F40  }
0x3c: {  	[sflag:s4] =	ssyncset.done $0x0  }
0x3d: {  	[sflag:s4] =	ssyncadd.s32 $0xFFFFE0C0  }
.LBB2_6:
0x3e: {  	_ =	sfence.sel $0x180000  }
0x3f: {  	s2 =	simm.s32 $0x2;
	[bflag:$0x0] =	sbarrier.arrive $0xFFFF  }
0x40: {  	s30 =	simm.s32 $0x1;
	[sflag:s2] =	ssyncpa.u1 $0x1  }
0x41: {  	[sflag:s30] =	ssyncpa.u1 $0x1  }
0x42: {  	_ =	sfence.stream.spmem  }
0x43: {  	s31 =	simm.s32 $0x3D;
	[bflag:$0x0] =	sbarrier.arrive $0xFFFF  }
0x44: {  	s2 =	simm.s32 @p0 $0x3D;
	[sflag:s31] =	ssyncpa.u1 $0x0  }
0x45: {  	[sflag:s2] =	ssyncpa.u1 @p0 $0x1  }
0x46: {  	[bflag:$0x0] =	sbarrier.arrive @p0 $0xFFFF  }
0x47: {  	_ =	strace @p0 $0x9000004D  }
0x48: {  	s3 =	simm.s32 @!p0 $0x1C3D;
	s2 =	simm.s32 @!p0 $0x0;
	[bflag:$0x2] =	sbarrier.arrive @p0 $0xFFFF  }
0x49: {  	[hbm:s1], [sflag:s3] =	dma.local @!p0 [spmem:s2], $0x1880  }
0x4a: {  	s1 =	simm.s32 @!p0 $0x3D  }
0x4b: {  	_ =	swait.ge @!p0 [sflag:s1], $0x1880  }
0x4c: {  	[sflag:s1] =	ssyncset.done @!p0 $0x0  }
0x4d: {  	[sflag:s1] =	ssyncadd.s32 @!p0 $0xFFFFE780  }
0x4e: {  	[sflag:s1] =	ssyncpa.u1 @!p0 $0x1  }
0x4f: {  	[bflag:$0x0] =	sbarrier.arrive @!p0 $0xFFFF  }
0x50: {  	_ =	strace @!p0 $0x9000004D  }
0x51: {  	s0 =	sadd.s32 @!p0 $0x100000, s0;
	[bflag:$0x2] =	sbarrier.arrive @!p0 $0xFFFF  }
0x52: {  	[sflag:s0] =	ssyncadd.tile.s32 @!p0 $0x1;
	_ =	shalt  }
.Lfunc_end2:
_tile_overlayer_lowered:
.L_overlay_start_2:
0x53: {  	(tag) =	ssettag $0x2  }
0x54: {  	s0 =	rddreg [dreg:$0x0];
	s2 =	stileid.u32  }
0x55: {  	s1 =	rddreg [dreg:$0x1];
	p0 =	sne.s32 s2, $0x0  }
0x56: {  	s3 =	rddreg [dreg:$0x2];
	[bflag:$0x3] =	sbarrier.arrive $0xFFFF;
	s2 =	simm.s32 @!p0 $0x1C01  }
0x57: {  	[timem:s3], [sflag:s2] =	dma.local @!p0 [hbm:s0], s1  }
0x58: {  	s0 =	simm.s32 @!p0 $0x1  }
0x59: {  	_ =	swait.ge @!p0 [sflag:s0], s1  }
0x5a: {  	s1 =	ssub.s32 @!p0 $0x0, s1;
	[sflag:s0] =	ssyncset.done @!p0 $0x0  }
0x5b: {  	[sflag:s0] =	ssyncadd.s32 @!p0 s1  }
0x5c: {  	[bflag:$0x3] =	sbarrier.arrive $0xFFFF  }
0x5d: {  	_ =	shalt  }

// kernel: scatter_offload_async_start
scs
__scs_entry_jumppad:
0x0: {  	(pc) =	sbr.rel $0x88, $3  }
0x1: {  	(tag) =	ssettag $0x0;
	lr =	simm.s32 $0x1  }
0x2: {  	[smem:$0x3F9A] =	sst lr;
	_ =	strace $0xD0000000  }
0x3: {  	_ = 	snop  }
0x4: {  	_ = 	snop  }
0x5: {  	_ = 	snop  }
0x6: {  	_ = 	snop  }
0x7: {  	_ = 	snop  }
__scs_overlays_trampoline_lowered:
0x8: {  	[smem:$0x3FA9] =	sst s0  }
0x9: {  	[smem:$0x3FAA] =	sst s1  }
0xa: {  	[smem:$0x3FAB] =	sst s2  }
0xb: {  	[smem:$0x3FAC] =	sst s3  }
0xc: {  	[smem:$0x3FAD] =	sst s4  }
0xd: {  	[smem:$0x3FAE] =	sst s5  }
0xe: {  	[smem:$0x3FAF] =	sst s6  }
0xf: {  	[smem:$0x3FB0] =	sst s7  }
0x10: {  	[smem:$0x3FB1] =	sst s8  }
0x11: {  	[smem:$0x3FB2] =	sst s9;
	s0 =	simm.s32 @!p0 $0x0  }
0x12: {  	s1 =	sld [smem:$0x3F98];
	s0 =	simm.s32 @p0 $0x1  }
0x13: {  	[smem:$0x3FB3] =	sst s0;
	s0 =	simm.s32 @!p1 $0x0  }
0x14: {  	s2 =	sld [smem:$0x3F97];
	s0 =	simm.s32 @p1 $0x1  }
0x15: {  	[smem:$0x3FB4] =	sst s0;
	s0 =	simm.s32 @!p2 $0x0  }
0x16: {  	s3 =	sld [smem:$0x3FDB];
	s0 =	simm.s32 @p2 $0x1  }
0x17: {  	s4 =	simm.s32 $0x1BF5;
	[smem:$0x3FB6] =	sst s0  }
0x18: {  	s0 =	sld [smem:$0x3F99];
	_ =	swait.ge [sflag:s4], $0x0  }
0x19: {  	s7 =	sld [smem:$0x3F9A]  }
0x1a: {  	s8 =	sadd.s32 $0xFFFFE003, lr  }
0x1b: {  	s9 =	sadd.s32 $0xFFFFFEF7, lr;
	s5 =	simm.s32 $0xFFFFFFFF;
	p2 =	slt.u32 s8, $0xFFFFF086  }
0x1c: {  	p1 =	slt.u32 s9, $0xF7A;
	s5 =	simm.s32 @!p2 $0x0  }
0x1d: {  	s5 =	simm.s32 @p1 $0x1;
	p0 =	seq.s32 s7, s2  }
0x1e: {  	s7 =	smul.u32 @!p0 $0xF7A, s2;
	p2 =	seq.s32 @!p0 s5, $0x0  }
0x1f: {  	s9 =	smul.u32 $0xF7A, s1;
	s8 =	simm.s32 @!p0 $0x1BF5;
	p2 =	por !p2, p0  }
0x20: {  	[sflag:s8] =	ssyncset.s32 @!p0 $0xFFFFF086;
	s6 =	sadd.s32 @!p0 s3, s7;
	s7 =	simm.s32 @!p0 $0x108  }
0x21: {  	s3 =	sadd.s32 s3, s9;
	s6 =	sadd.s32 @!p0 $0x88, s6;
	s7 =	simm.s32 @p2 $0x1082  }
0x22: {  	[simem:s7], [sflag:s8] =	dma.local @!p0 [hbm:s6], $0xF7A  }
0x23: {  	s9 =	sor.u32 $0xD0000000, s2;
	s6 =	simm.s32 $0x108;
	_ =	swait.ge @!p0 [sflag:s8], $0x0  }
0x24: {  	s3 =	sadd.s32 $0x88, s3;
	s6 =	simm.s32 @!p1 $0x1082;
	[sflag:s4] =	ssyncset.s32 $0xFFFFF086  }
0x25: {  	[simem:s6], [sflag:s4] =	dma.local [hbm:s3], $0xF7A  }
0x26: {  	[smem:$0x3F9A] =	sst s1;
	(tag) =	ssettag s2;
	_ =	strace s9  }
0x27: {  	s1 =	sld [smem:$0x3FAA]  }
0x28: {  	s2 =	sld [smem:$0x3FAB]  }
0x29: {  	s4 =	sld [smem:$0x3FAD]  }
0x2a: {  	p0 =	seq.s32 s5, $0x0;
	s5 =	sld [smem:$0x3FAE]  }
0x2b: {  	s6 =	sld [smem:$0x3FAF]  }
0x2c: {  	s7 =	sld [smem:$0x3FB0]  }
0x2d: {  	s3 =	simm.s32 $0x108;
	s8 =	sld [smem:$0x3FB1]  }
0x2e: {  	s3 =	simm.s32 @!p0 $0x1082;
	s9 =	sld [smem:$0x3FB2]  }
0x2f: {  	lr =	sadd.s32 s0, s3;
	s0 =	sld [smem:$0x3FA9]  }
0x30: {  	s3 =	sld [smem:$0x3FAC]  }
0x31: {  	[smem:$0x3FB5] =	sst s10  }
0x32: {  	s10 =	sld [smem:$0x3FB3];
	_ =	sdelay $0x3  }
0x33: {  	p0 =	seq.s32 s10, $0x1;
	s10 =	sld [smem:$0x3FB5];
	_ =	sdelay $0x3  }
0x34: {  	[smem:$0x3FB5] =	sst s10  }
0x35: {  	s10 =	sld [smem:$0x3FB4];
	_ =	sdelay $0x3  }
0x36: {  	p1 =	seq.s32 s10, $0x1;
	s10 =	sld [smem:$0x3FB5];
	_ =	sdelay $0x3  }
0x37: {  	[smem:$0x3FB5] =	sst s10  }
0x38: {  	s10 =	sld [smem:$0x3FB6]  }
0x39: {  	_ = 	snop;
	(pc) =	sbr.ind lr, $3  }
0x3a: {  	_ = 	snop  }
0x3b: {  	_ = 	snop  }
0x3c: {  	p2 =	seq.s32 s10, $0x1;
	s10 =	sld [smem:$0x3FB5]  }
0x3d: {  	_ =	shalt  }
0x3e: {  	_ =	shalt  }
0x3f: {  	_ =	shalt  }
0x40: {  	_ =	shalt  }
0x41: {  	_ =	shalt  }
0x42: {  	_ =	shalt  }
0x43: {  	_ =	shalt  }
0x44: {  	_ =	shalt  }
0x45: {  	_ =	shalt  }
0x46: {  	_ =	shalt  }
0x47: {  	_ =	shalt  }
0x48: {  	_ =	shalt  }
0x49: {  	_ =	shalt  }
0x4a: {  	_ =	shalt  }
0x4b: {  	_ =	shalt  }
0x4c: {  	_ =	shalt  }
0x4d: {  	_ =	shalt  }
0x4e: {  	_ =	shalt  }
0x4f: {  	_ =	shalt  }
0x50: {  	_ =	shalt  }
0x51: {  	_ =	shalt  }
0x52: {  	_ =	shalt  }
0x53: {  	_ =	shalt  }
0x54: {  	_ =	shalt  }
0x55: {  	_ =	shalt  }
0x56: {  	_ =	shalt  }
0x57: {  	_ =	shalt  }
0x58: {  	_ =	shalt  }
0x59: {  	_ =	shalt  }
0x5a: {  	_ =	shalt  }
0x5b: {  	_ =	shalt  }
0x5c: {  	_ =	shalt  }
0x5d: {  	_ =	shalt  }
0x5e: {  	_ =	shalt  }
0x5f: {  	_ =	shalt  }
0x60: {  	_ =	shalt  }
0x61: {  	_ =	shalt  }
0x62: {  	_ =	shalt  }
0x63: {  	_ =	shalt  }
0x64: {  	_ =	shalt  }
0x65: {  	_ =	shalt  }
0x66: {  	_ =	shalt  }
0x67: {  	_ =	shalt  }
0x68: {  	_ =	shalt  }
0x69: {  	_ =	shalt  }
0x6a: {  	_ =	shalt  }
0x6b: {  	_ =	shalt  }
0x6c: {  	_ =	shalt  }
0x6d: {  	_ =	shalt  }
0x6e: {  	_ =	shalt  }
0x6f: {  	_ =	shalt  }
0x70: {  	_ =	shalt  }
0x71: {  	_ =	shalt  }
0x72: {  	_ =	shalt  }
0x73: {  	_ =	shalt  }
0x74: {  	_ =	shalt  }
0x75: {  	_ =	shalt  }
0x76: {  	_ =	shalt  }
0x77: {  	_ =	shalt  }
0x78: {  	_ =	shalt  }
0x79: {  	_ =	shalt  }
0x7a: {  	_ =	shalt  }
0x7b: {  	_ =	shalt  }
0x7c: {  	_ =	shalt  }
0x7d: {  	_ =	shalt  }
0x7e: {  	_ =	shalt  }
0x7f: {  	_ =	shalt  }
0x80: {  	_ =	shalt  }
0x81: {  	_ =	shalt  }
0x82: {  	_ =	shalt  }
0x83: {  	_ =	shalt  }
0x84: {  	_ =	shalt  }
0x85: {  	_ =	shalt  }
0x86: {  	_ =	shalt  }
0x87: {  	_ =	shalt  }
.Lfunc_end0:
.L_simem_size_0:
called_computation_lowered:
.L_overlay_start_0:
0x88: {  	s0 =	sld [smem:$0x3FD9]  }
0x89: {  	s1 =	sld [smem:$0x3FFE];
	_ =	sdelay $0x3  }
0x8a: {  	s0 =	sadd.s32 s1, s0  }
0x8b: {  	[smem:$0x3FC1] =	sst s0  }
0x8c: {  	_ = 	snop  }
0x8d: {  	(tm) =	ssettm $0x1  }
0x8e: {  	s14 =	sld [smem:$0x3FFB];
	_ =	sdelay $0x3  }
0x8f: {  	_ =	strace s14  }
0x90: {  	s0 =	sld [smem:$0x3FFC];
	_ =	sdelay $0x3  }
0x91: {  	_ =	strace s0  }
0x92: {  	s0 =	sld [smem:$0x3FFD];
	_ =	sdelay $0x3  }
0x93: {  	_ =	strace s0  }
0x94: {  	_ =	strace $0x8FFFFFFF  }
0x95: {  	s15 =	sld [smem:$0x3FDB];
	_ =	sdelay $0x1  }
0x96: {  	s16 =	simm.s32 $_scs_section_size  }
0x97: {  	s2 =	simm.s32 $_size__tile_overlayer_lowered;
	s3 =	simm.s32 $_tile_overlayer_lowered  }
0x98: {  	s4 =	simm.s32 $0x1BFF;
	s17 =	sshll.u32 s3, $0x1;
	s1 =	sadd.s32 s16, s15  }
0x99: {  	s18 =	simm.s32 $0x0;
	s2 =	sshll.u32 s2, $0x1;
	s3 =	sadd.s32 s17, s1  }
0x9a: {  	[timem:s18], [sflag:s4] =	dma.local [hbm:s3], s2  }
0x9b: {  	_ =	swait.ge [sflag:s4], s2  }
0x9c: {  	s2 =	ssub.s32 $0x0, s2;
	[sflag:s4] =	ssyncset.done $0x0  }
0x9d: {  	[sflag:s4] =	ssyncadd.s32 s2;
	_ =	sdelay $0x1  }
0x9e: {  	s19 =	simm.s32 $0x1B8B  }
0x9f: {  	_ =	swait.ge [sflag:s19], $0x1  }
0xa0: {  	[sflag:s19] =	ssyncset.done $0x0  }
0xa1: {  	s21 =	simm.s32 $0x1B8E;
	s20 =	sld [smem:$0x3FFE];
	[sflag:s19] =	ssyncadd.s32 $0xFFFFFFFF  }
0xa2: {  	s22 =	simm.s32 $execute0_lowered;
	[smem:$0x3FD2] =	sst s21  }
0xa3: {  	s3 =	sshll.u32 s22, $0x1;
	_ =	strace $0x80000046;
	[dreg:$0x1] =	wrdreg $0xFFFFFFFF  }
0xa4: {  	s23 =	simm.s32 $_size_execute0_lowered;
	s3 =	sadd.s32 s1, s3;
	[dreg:$0x0] =	wrdreg $0x0  }
0xa5: {  	s4 =	sshll.u32 s23, $0x1;
	[dreg:$0x2] =	wrdreg s3  }
0xa6: {  	[dreg:$0x3] =	wrdreg s4  }
0xa7: {  	[dreg:$0x4] =	wrdreg $0xC0  }
0xa8: {  	s24 =	simm.s32 $execute1_lowered;
	_ =	task [dreg:s18], $0x5FFFF  }
0xa9: {  	s3 =	sshll.u32 s24, $0x1;
	[dreg:$0x1] =	wrdreg $0xFFFFFFFF  }
0xaa: {  	s1 =	sadd.s32 s1, s3;
	[dreg:$0x0] =	wrdreg $0x60  }
0xab: {  	[dreg:$0x2] =	wrdreg s1  }
0xac: {  	[dreg:$0x3] =	wrdreg s20  }
0xad: {  	[dreg:$0x4] =	wrdreg $0x9  }
0xae: {  	_ =	task.clear_ibuf [dreg:s18], $0x5FFFF;
	_ =	strace $0x90000046  }
0xaf: {  	s25 =	simm.s32 $0x9;
	_ =	strace $0x80000048  }
0xb0: {  	_ =	swait.ge [sflag:s25], $0x1  }
0xb1: {  	[sflag:s25] =	ssyncadd.s32 $0xFFFFFFFF  }
0xb2: {  	_ =	strace $0x90000048  }
0xb3: {  	_ =	strace $0x80000049;
	[dreg:$0x1] =	wrdreg $0xFFFFFFFF  }
0xb4: {  	[dreg:$0x0] =	wrdreg $0x2030  }
0xb5: {  	[dreg:$0x2] =	wrdreg s20  }
0xb6: {  	[dreg:$0x3] =	wrdreg $0xA  }
0xb7: {  	_ =	task.clear_ibuf [dreg:s18], $0x4FFFF;
	_ =	strace $0x90000049  }
0xb8: {  	s26 =	simm.s32 $0xA;
	_ =	strace $0x8000004B  }
0xb9: {  	_ =	swait.ge [sflag:s26], $0x1  }
0xba: {  	[sflag:s26] =	ssyncadd.s32 $0xFFFFFFFF  }
0xbb: {  	_ =	strace $0x9000004B  }
0xbc: {  	_ =	sfence  }
0xbd: {  	s28 =	sld [smem:$0x0];
	_ =	sdelay $0x1  }
0xbe: {  	s29 =	srdreg.scid  }
0xbf: {  	s30 =	sshll.u32 s29, $0xD;
	s31 =	sshrl.u32 s29, $0x2  }
0xc0: {  	s2 =	sand.u32 $0x1, s29;
	s3 =	sand.u32 $0x4000, s30;
	s1 =	sadd.s32 s31, s28  }
0xc1: {  	s2 =	sor.u32 s3, s2;
	s1 =	sshll.u32 s1, $0x11  }
0xc2: {  	s1 =	sor.u32 s1, s2  }
0xc3: {  	s1 =	sadd.s32 $0x8F2B, s1  }
0xc4: {  	[sflag:s1] =	ssyncadd.remote.s32 $0x1  }
0xc5: {  	_ =	sfence.sel $0xFFFF  }
0xc6: {  	[dreg:$0x0] =	wrdreg $0xFFFFFFFF;
	(pc) =	sbr.abs _section_cstart, $3  }
0xc7: {  	[dreg:$0x1] =	wrdreg $0xFFFFFFFF  }
0xc8: {  	_ =	task.clear_ibuf [dreg:s18], $0x2FFFF;
	_ =	strace $0x9FFFFFFF  }
0xc9: {  	(tm) =	ssettm $0x7FFFFFFF  }
tec
execute0_lowered:
.L_overlay_start_1:
0x0: {  	(tag) =	ssettag $0x1  }
0x1: {  	s2 =	rddreg [dreg:$0x0]  }
0x2: {  	s4 =	rddreg [dreg:$0x1]  }
0x3: {  	s0 =	rddreg [dreg:$0x2];
	s3 =	stileid.u32  }
0x4: {  	[bflag:$0x3] =	sbarrier.arrive $0xFFFF;
	s1 =	simm.s32 $_size_execute1_lowered;
	p0 =	sne.s32 s3, $0x0  }
0x5: {  	s1 =	sshll.u32 s1, $0x1;
	s5 =	simm.s32 @!p0 $0x1C3F;
	s6 =	simm.s32 @!p0 $0x4060  }
0x6: {  	[timem:s6], [sflag:s5] =	dma.local @!p0 [hbm:s2], s1  }
0x7: {  	s2 =	smul.u32 $0xC40, s3  }
.Ltmp0:
0x8: {  	s31 =	simm.s32 $0x2;
	s7 =	simm.s32 $0xC40;
	(pc) =	sbr.rel .LBB2_1-.Ltmp0, $4  }
0x9: {  	s8 =	simm.s32 $0x24C0;
	s10 =	simm.s32 $0x0;
	s9 =	simm.s32 $0x0  }
0xa: {  	s3 =	simm.s32 $0x1;
	_ =	strace $0x80000047;
	s30 =	sshrl.u32 s2, $0x3  }
0xb: {  	s6 =	simm.s32 $0x0;
	[sflag:s3] =	ssyncpa.u1 $0x0;
	s5 =	sadd.s32 s30, s4  }
0xc: {  	s4 =	sadd.s32 $0xB8E00, s4;
	[sflag:s31] =	ssyncpa.u1 $0x0;
	s5 =	sadd.s32 $0x9EC00, s5  }
.LBB2_9:
0xd: {  	p1 =	seq.s32 s9, $0x2  }
.Ltmp1:
0xe: {  	_ = 	snop;
	(pc) =	sbr.rel @p1 .LBB2_11-.Ltmp1, $1  }
0xf: {  	_ =	sdelay $0x3  }
.LBB2_10:
0x10: {  	s9 =	sadd.s32 $0x1, s9;
	s10 =	smov.u32 s2  }
.LBB2_1:
0x11: {  	p1 =	sne.s32 s9, $0x0  }
.Ltmp2:
0x12: {  	_ = 	snop;
	(pc) =	sbr.rel @!p1 .LBB2_2-.Ltmp2, $1  }
0x13: {  	_ =	sdelay $0x3  }
0x14: {  	s11 =	sand.u32 $0x1, s9  }
0x15: {  	p1 =	seq.s32 s11, $0x0  }
.Ltmp3:
0x16: {  	_ = 	snop;
	(pc) =	sbr.rel @p1 .LBB2_9-.Ltmp3, $1  }
0x17: {  	_ =	sdelay $0x3  }
0x18: {  	_ =	swait.ge [sflag:s3], $0xC40  }
0x19: {  	[sflag:s3] =	ssyncset.done $0x0  }
0x1a: {  	s16 =	simm.s32 $0xD30;
	[sflag:s3] =	ssyncadd.s32 $0xFFFFF3C0  }
0x1b: {  	v0 =	vld [tilespmem:s16+$0x0]  }
0x1c: {  	v1 =	vld [tilespmem:s16+$0xFFFFFF20]  }
0x1d: {  	v2 =	vld [tilespmem:s16+$0xFFFFFF30]  }
0x1e: {  	v3 =	vld [tilespmem:s16+$0xFFFFFF40]  }
0x1f: {  	s11 =	simm.s32 $0x25B0;
	v4 =	vld [tilespmem:s16+$0xFFFFFF50]  }
0x20: {  	v5 =	vld [tilespmem:s16+$0xFFFFFF60];
	[tilespmem:s11+$0x0] =	vst v0  }
0x21: {  	[tilespmem:s11+$0xFFFFFF20] =	vst v1;
	v0 =	vld [tilespmem:s16+$0xFFFFFF70]  }
0x22: {  	[tilespmem:s11+$0xFFFFFF30] =	vst v2;
	v1 =	vld [tilespmem:s16+$0xFFFFFF80]  }
0x23: {  	[tilespmem:s11+$0xFFFFFF40] =	vst v3;
	v2 =	vld [tilespmem:s16+$0xFFFFFF90]  }
0x24: {  	[tilespmem:s11+$0xFFFFFF50] =	vst v4;
	v3 =	vld [tilespmem:s16+$0xFFFFFFA0]  }
0x25: {  	[tilespmem:s11+$0xFFFFFF60] =	vst v5;
	v5 =	vld [tilespmem:s16+$0xFFFFFFB0]  }
0x26: {  	[tilespmem:s11+$0xFFFFFF70] =	vst v0;
	v0 =	vld [tilespmem:s16+$0xFFFFFFC0]  }
0x27: {  	[tilespmem:s11+$0xFFFFFF80] =	vst v1;
	v1 =	vld [tilespmem:s16+$0xFFFFFFD0]  }
0x28: {  	[tilespmem:s11+$0xFFFFFF90] =	vst v2;
	v2 =	vld [tilespmem:s16+$0xFFFFFFE0]  }
0x29: {  	s15 =	simm.s32 $0x0;
	s12 =	simm.s32 $0xBF0;
	[tilespmem:s11+$0xFFFFFFA0] =	vst v3;
	v3 =	vld [tilespmem:s16+$0xFFFFFFF0]  }
0x2a: {  	s13 =	simm.s32 $0x30C0;
	s14 =	simm.s32 $0x1840;
	v4 =	vld [tilespmem:s16+$0xFFFFFF10];
	[tilespmem:s11+$0xFFFFFFB0] =	vst v5;
	s16 =	simm.s32 $0xE30  }
.LBB2_5:
0x2b: {  	v5 =	vld [tilespmem:s16+$0x0];
	s15 =	sadd.s32 $0x100, s15;
	[tilespmem:s11+$0xFFFFFFC0] =	vst v0  }
0x2c: {  	v0 =	vld [tilespmem:s16+$0xFFFFFF20];
	p1 =	slt.u32 s15, $0xB00;
	[tilespmem:s11+$0xFFFFFFD0] =	vst v1  }
0x2d: {  	v1 =	vld [tilespmem:s16+$0xFFFFFF30];
	[tilespmem:s11+$0xFFFFFFE0] =	vst v2  }
0x2e: {  	v2 =	vld [tilespmem:s16+$0xFFFFFF40];
	[tilespmem:s11+$0xFFFFFFF0] =	vst v3  }
0x2f: {  	v3 =	vld [tilespmem:s16+$0xFFFFFF50];
	[tilespmem:s11+$0xFFFFFF10] =	vst v4;
	s11 =	sadd.s32 $0x100, s11  }
0x30: {  	v4 =	vld [tilespmem:s16+$0xFFFFFF60];
	[tilespmem:s11+$0x0] =	vst v5  }
0x31: {  	[tilespmem:s11+$0xFFFFFF20] =	vst v0;
	v0 =	vld [tilespmem:s16+$0xFFFFFF70]  }
0x32: {  	[tilespmem:s11+$0xFFFFFF30] =	vst v1;
	v1 =	vld [tilespmem:s16+$0xFFFFFF80]  }
0x33: {  	[tilespmem:s11+$0xFFFFFF40] =	vst v2;
	v2 =	vld [tilespmem:s16+$0xFFFFFF90]  }
0x34: {  	[tilespmem:s11+$0xFFFFFF50] =	vst v3;
	v3 =	vld [tilespmem:s16+$0xFFFFFFA0]  }
0x35: {  	[tilespmem:s11+$0xFFFFFF60] =	vst v4;
	v5 =	vld [tilespmem:s16+$0xFFFFFFB0]  }
.Ltmp4:
0x36: {  	[tilespmem:s11+$0xFFFFFF70] =	vst v0;
	v0 =	vld [tilespmem:s16+$0xFFFFFFC0];
	(pc) =	sbr.rel @p1 .LBB2_5-.Ltmp4, $4  }
0x37: {  	[tilespmem:s11+$0xFFFFFF80] =	vst v1;
	v1 =	vld [tilespmem:s16+$0xFFFFFFD0]  }
0x38: {  	[tilespmem:s11+$0xFFFFFF90] =	vst v2;
	v2 =	vld [tilespmem:s16+$0xFFFFFFE0]  }
0x39: {  	[tilespmem:s11+$0xFFFFFFA0] =	vst v3;
	v3 =	vld [tilespmem:s16+$0xFFFFFFF0]  }
0x3a: {  	v4 =	vld [tilespmem:s16+$0xFFFFFF10];
	[tilespmem:s11+$0xFFFFFFB0] =	vst v5;
	s16 =	sadd.s32 $0x100, s16  }
0x3b: {  	[tilespmem:s11+$0xFFFFFFC0] =	vst v0  }
0x3c: {  	[tilespmem:s11+$0xFFFFFFD0] =	vst v1  }
0x3d: {  	[tilespmem:s11+$0xFFFFFFE0] =	vst v2  }
0x3e: {  	[tilespmem:s11+$0xFFFFFFF0] =	vst v3  }
0x3f: {  	[tilespmem:s11+$0xFFFFFF10] =	vst v4  }
.LBB2_7:
0x40: {  	s12 =	sadd.s32 $0x10, s12  }
0x41: {  	v0 =	vld [tilespmem:s14+$0x0];
	p1 =	slt.u32 s12, $0xC30  }
.Ltmp5:
0x42: {  	_ = 	snop;
	(pc) =	sbr.rel @p1 .LBB2_7-.Ltmp5, $2  }
0x43: {  	_ =	sdelay $0x2  }
0x44: {  	s14 =	sadd.s32 $0x10, s14;
	[tilespmem:s13+$0x0] =	vst v0;
	s13 =	sadd.s32 $0x10, s13  }
.Ltmp6:
0x45: {  	(pc) =	sbr.rel .LBB2_9-.Ltmp6, $4  }
0x46: {  	_ = 	snop  }
0x47: {  	s10 =	sshrl.u32 s10, $0x3  }
0x48: {  	s10 =	sadd.s32 s4, s10  }
0x49: {  	[hbm4b:s10+s6] =	stream.linear.scatter [tilespmem:s8], [sflag:$0x2], $0xC40, $0x38;
	[tilespmem:$0x3100] =	vst v63  }
.LBB2_2:
.Ltmp7:
0x4a: {  	(pc) =	sbr.rel .LBB2_10-.Ltmp7, $2  }
0x4b: {  	_ =	sdelay $0x2  }
0x4c: {  	[tilespmem:s7], [sflag:$0x1] =	stream.linear.gather [hbm4b:s5+s6], $0xC40, $0x38;
	[tilespmem:$0x3100] =	vst v63  }
.LBB2_11:
0x4d: {  	s2 =	simm.s32 $0x2  }
0x4e: {  	_ =	swait.ge [sflag:s2], $0xC40  }
0x4f: {  	[sflag:s2] =	ssyncset.done $0x0  }
0x50: {  	[sflag:s2] =	ssyncadd.s32 $0xFFFFF3C0  }
0x51: {  	_ =	sfence.sel $0x180000  }
0x52: {  	s3 =	simm.s32 $0x1;
	[bflag:$0x0] =	sbarrier.arrive $0xFFFF  }
0x53: {  	[sflag:s3] =	ssyncpa.u1 $0x1  }
0x54: {  	[sflag:s2] =	ssyncpa.u1 $0x1  }
0x55: {  	_ =	strace $0x90000047  }
0x56: {  	s0 =	sadd.s32 @!p0 $0x100000, s0;
	[bflag:$0x2] =	sbarrier.arrive $0xFFFF  }
0x57: {  	[sflag:s0] =	ssyncadd.tile.s32 @!p0 $0x1;
	s0 =	simm.s32 @!p0 $0x3F  }
0x58: {  	_ =	swait.ge @!p0 [sflag:s0], s1  }
0x59: {  	s1 =	ssub.s32 @!p0 $0x0, s1;
	[sflag:s0] =	ssyncset.done @!p0 $0x0  }
0x5a: {  	[sflag:s0] =	ssyncadd.s32 @!p0 s1  }
0x5b: {  	[bflag:$0x3] =	sbarrier.arrive $0xFFFF  }
0x5c: {  	_ =	shalt  }
.Lfunc_end2:
execute1_lowered:
.L_overlay_start_2:
0x5d: {  	(tag) =	ssettag $0x2  }
0x5e: {  	s7 =	rddreg [dreg:$0x0]  }
0x5f: {  	s0 =	rddreg [dreg:$0x1];
	_ =	strace $0x8000004A  }
0x60: {  	s3 =	stileid.u32;
	s4 =	simm.s32 $0x3E;
	s1 =	sadd.s32 $0xB8E00, s7  }
0x61: {  	p0 =	sne.s32 s3, $0x0;
	[sflag:s4] =	ssyncpa.u1 $0x0;
	s29 =	smul.u32 $0x6, s3  }
0x62: {  	s30 =	smin.u32 s3, $0x4;
	s2 =	simm.s32 @!p0 $0x1C3E;
	s5 =	simm.s32 @!p0 $0x0  }
0x63: {  	[spmem:s5], [sflag:s2] =	dma.local @!p0 [hbm:s1], $0x1880  }
0x64: {  	s2 =	sadd.s32 s30, s29  }
0x65: {  	p1 =	slt.u32 s3, $0x4;
	s3 =	simm.s32 $0xDAC0;
	s2 =	smul.u32 $0x1F40, s2  }
0x66: {  	s3 =	simm.s32 @!p1 $0xBB80  }
0x67: {  	s3 =	sadd.s32 s3, s2  }
0x68: {  	s3 =	smin.u32 s3, $0xC3500  }
0x69: {  	s8 =	ssub.s32 s3, s2  }
0x6a: {  	p1 =	sgt.s32 s8, $0x0  }
0x6b: {  	s8 =	simm.s32 @!p1 $0x0  }
0x6c: {  	s5 =	simm.s32 @!p0 $0x3E;
	s31 =	smulhi.u32 $0x10624DD3, s8  }
0x6d: {  	_ =	swait.ge @!p0 [sflag:s5], $0x1880  }
0x6e: {  	s6 =	simm.s32 $0x2;
	[sflag:s5] =	ssyncset.done @!p0 $0x0;
	s9 =	sshrl.u32 s31, $0x9  }
0x6f: {  	s11 =	simm.s32 $0x0;
	[sflag:s5] =	ssyncadd.s32 @!p0 $0xFFFFE780;
	s10 =	smul.u32 $0x1F40, s9  }
.Ltmp8:
0x70: {  	s5 =	sadd.s32 $0xBC00, s7;
	[bflag:$0x0] =	sbarrier.arrive $0xFFFF;
	(pc) =	sbr.rel .LBB3_1-.Ltmp8, $4  }
0x71: {  	s7 =	sadd.s32 $0xA0600, s7;
	[sflag:s4] =	ssyncpa.u1 $0x1;
	s4 =	simm.s32 $0x1  }
0x72: {  	[sflag:s4] =	ssyncpa.u1 $0x0;
	p1 =	sne.s32 s8, s10;
	s8 =	simm.s32 $0x1  }
0x73: {  	(ifvalue) =	ssetifvalue $0xC400;
	[sflag:s6] =	ssyncpa.u1 $0x0;
	s8 =	simm.s32 @!p1 $0x0  }
0x74: {  	vm0 =	vmmov $0xffff;
	s10 =	smov.u32 s2;
	s8 =	sadd.s32 s8, s9;
	s9 =	simm.s32 $0x0  }
.LBB3_5:
0x75: {  	p2 =	sne.s32 s11, s8  }
.Ltmp9:
0x76: {  	_ = 	snop;
	(pc) =	sbr.rel @!p2 .LBB3_6-.Ltmp9, $4  }
0x77: {  	_ = 	snop  }
0x78: {  	s12 =	sadd.s32 $0x1F40, s10  }
0x79: {  	s10 =	smov.u32 s2;
	s13 =	sadd.s32 $0x1, s11;
	p1 =	slt.s32 s12, s3  }
0x7a: {  	s11 =	smov.u32 s13;
	s10 =	smov.u32 @p1 s12  }
.LBB3_1:
0x7b: {  	p1 =	sge.u32 s11, s8  }
0x7c: {  	s12 =	sxor.u32 @!p1 $0xFFFFFFFF, s11  }
0x7d: {  	s12 =	sand.u32 @!p1 $0x1, s12  }
0x7e: {  	s12 =	smul.u32 @!p1 $0x1F40, s12  }
0x7f: {  	s13 =	sshrl.u32 @!p1 s10, $0x3  }
0x80: {  	s16 =	sand.u32 @!p1 $0x7, s10;
	s14 =	sadd.s32 @!p1 s5, s13;
	s15 =	sadd.s32 @!p1 $0xC40, s12  }
0x81: {  	[tilespmem:s15], [sflag:$0x2] =	stream.linear.gather @!p1 [hbm4b:s14+s16], $0x1F40, $0x38;
	[tilespmem:$0x8940] =	vst v63  }
0x82: {  	s13 =	sadd.s32 @!p1 s7, s13;
	s12 =	sadd.s32 @!p1 $0x4AC0, s12  }
0x83: {  	[tilespmem:s12], [sflag:$0x2] =	stream.linear.gather @!p1 [hbm4b:s13+s16], $0x1F40, $0x38;
	[tilespmem:$0x8940] =	vst v63  }
0x84: {  	p1 =	seq.s32 s11, $0x0  }
.Ltmp10:
0x85: {  	_ = 	snop;
	(pc) =	sbr.rel @p1 .LBB3_5-.Ltmp10, $1  }
0x86: {  	_ =	sdelay $0x3  }
0x87: {  	s12 =	sand.u32 $0x1, s11  }
0x88: {  	_ =	swait.ge [sflag:s6], $0x3E80;
	p1 =	seq.s32 s12, $0x1;
	s12 =	simm.s32 $0x1F40  }
0x89: {  	[sflag:s6] =	ssyncset.done $0x0;
	s12 =	simm.s32 @!p1 $0x0  }
0x8a: {  	[sflag:s6] =	ssyncadd.s32 $0xFFFFC180;
	s14 =	sadd.s32 $0xC40, s12  }
0x8b: {  	v0 =	vld.msk [tilespmem:s14+$0x0 ss:$0x1], $0xffff;
	_ =	sdelay $0x4  }
0x8c: {  	v0 =	vmin.u32 v0, $0xC400;
	_ =	sdelay $0x3  }
0x8d: {  	s13 =	simm.s32 $0x0;
	s12 =	sadd.s32 $0x4AC0, s12;
	s14 =	sadd.s32 $0x10, s14  }
0x8e: {  	[spmem:s9] =	stream.indirect_vreg.scatter.add.s32 [tilespmem:s12], [sflag:$0x1], $0x1, v0, vm0, $0x4038;
	[tilespmem:$0x8940] =	vst v63  }
.LBB3_3:
0x8f: {  	v0 =	vld.msk [tilespmem:s14+$0x0 ss:$0x1], $0xffff;
	s13 =	sadd.s32 $0x10, s13  }
0x90: {  	p1 =	slt.u32 s13, $0x1F30;
	_ =	sdelay $0x4  }
0x91: {  	v0 =	vmin.u32 v0, $0xC400  }
.Ltmp11:
0x92: {  	(pc) =	sbr.rel @p1 .LBB3_3-.Ltmp11, $3  }
0x93: {  	_ =	sdelay $0x1  }
0x94: {  	s14 =	sadd.s32 $0x10, s14;
	s12 =	sadd.s32 $0x10, s12  }
0x95: {  	[spmem:s9] =	stream.indirect_vreg.scatter.add.s32 [tilespmem:s12], [sflag:$0x1], $0x1, v0, vm0, $0x4038;
	[tilespmem:$0x8940] =	vst v63  }
.Ltmp12:
0x96: {  	(pc) =	sbr.rel .LBB3_5-.Ltmp12, $4  }
0x97: {  	_ = 	snop  }
0x98: {  	_ =	swait.ge [sflag:s4], $0x1F40  }
0x99: {  	[sflag:s4] =	ssyncset.done $0x0  }
0x9a: {  	[sflag:s4] =	ssyncadd.s32 $0xFFFFE0C0  }
.LBB3_6:
0x9b: {  	_ =	sfence.sel $0x180000  }
0x9c: {  	s2 =	simm.s32 $0x2;
	[bflag:$0x0] =	sbarrier.arrive $0xFFFF  }
0x9d: {  	s30 =	simm.s32 $0x1;
	[sflag:s2] =	ssyncpa.u1 $0x1  }
0x9e: {  	[sflag:s30] =	ssyncpa.u1 $0x1  }
0x9f: {  	_ =	sfence.stream.spmem  }
0xa0: {  	s31 =	simm.s32 $0x3D;
	[bflag:$0x0] =	sbarrier.arrive $0xFFFF  }
0xa1: {  	s2 =	simm.s32 @p0 $0x3D;
	[sflag:s31] =	ssyncpa.u1 $0x0  }
0xa2: {  	[sflag:s2] =	ssyncpa.u1 @p0 $0x1  }
0xa3: {  	[bflag:$0x0] =	sbarrier.arrive @p0 $0xFFFF  }
0xa4: {  	_ =	strace @p0 $0x9000004A  }
0xa5: {  	s3 =	simm.s32 @!p0 $0x1C3D;
	s2 =	simm.s32 @!p0 $0x0;
	[bflag:$0x2] =	sbarrier.arrive @p0 $0xFFFF  }
0xa6: {  	[hbm:s1], [sflag:s3] =	dma.local @!p0 [spmem:s2], $0x1880  }
0xa7: {  	s1 =	simm.s32 @!p0 $0x3D  }
0xa8: {  	_ =	swait.ge @!p0 [sflag:s1], $0x1880  }
0xa9: {  	[sflag:s1] =	ssyncset.done @!p0 $0x0  }
0xaa: {  	[sflag:s1] =	ssyncadd.s32 @!p0 $0xFFFFE780  }
0xab: {  	[sflag:s1] =	ssyncpa.u1 @!p0 $0x1  }
0xac: {  	[bflag:$0x0] =	sbarrier.arrive @!p0 $0xFFFF  }
0xad: {  	_ =	strace @!p0 $0x9000004A  }
0xae: {  	s0 =	sadd.s32 @!p0 $0x100000, s0;
	[bflag:$0x2] =	sbarrier.arrive @!p0 $0xFFFF  }
0xaf: {  	[sflag:s0] =	ssyncadd.tile.s32 @!p0 $0x1;
	_ =	shalt  }
.Lfunc_end3:
_tile_overlayer_lowered:
.L_overlay_start_3:
0xb0: {  	(tag) =	ssettag $0x3  }
0xb1: {  	s0 =	rddreg [dreg:$0x0];
	s2 =	stileid.u32  }
0xb2: {  	s1 =	rddreg [dreg:$0x1];
	p0 =	sne.s32 s2, $0x0  }
0xb3: {  	s3 =	rddreg [dreg:$0x2];
	[bflag:$0x3] =	sbarrier.arrive $0xFFFF;
	s2 =	simm.s32 @!p0 $0x1C01  }
0xb4: {  	[timem:s3], [sflag:s2] =	dma.local @!p0 [hbm:s0], s1  }
0xb5: {  	s0 =	simm.s32 @!p0 $0x1  }
0xb6: {  	_ =	swait.ge @!p0 [sflag:s0], s1  }
0xb7: {  	s1 =	ssub.s32 @!p0 $0x0, s1;
	[sflag:s0] =	ssyncset.done @!p0 $0x0  }
0xb8: {  	[sflag:s0] =	ssyncadd.s32 @!p0 s1  }
0xb9: {  	[bflag:$0x3] =	sbarrier.arrive $0xFFFF  }
0xba: {  	_ =	shalt  }

</sc_bundles>
